<compile_context>
chip_gen: v7x
topology: tpu7x:2x2x1
jax: 0.10.2.dev20260603
libtpu: 0.0.44.dev20260713+nightly
codegen_flags: <defaults>
</compile_context>

<pallas_src>
import jax
import jax.numpy as jnp
from jax import lax
from jax.experimental import pallas as pl
from jax.experimental.pallas import tpu as pltpu
from jax.experimental.pallas import tpu_sc as plsc

R = 128
C = 32768
K = 3
L = 16
NC = 2
NS = 16
NW = NC * NS
RPW = R // NW
SEGC = 16
SEGW = SEGC * L
NSEG = C // SEGW

NEG_INF = float("-inf")

_GATHER_DNUMS = lax.GatherDimensionNumbers(
    offset_dims=(), collapsed_slice_dims=(0,), start_index_map=(0,))


def _dyn_gather(x, idx):
    return lax.gather(
        x, idx.reshape(L, 1), dimension_numbers=_GATHER_DNUMS,
        slice_sizes=(1,), mode=lax.GatherScatterMode.PROMISE_IN_BOUNDS)


def _insert3_lex(v, iv, m1, m2, m3, i1, i2, i3):
    gt1 = (v > m1) | ((v == m1) & (iv < i1))
    gt2 = (v > m2) | ((v == m2) & (iv < i2))
    gt3 = (v > m3) | ((v == m3) & (iv < i3))
    nm1 = jnp.where(gt1, v, m1)
    nm2 = jnp.where(gt1, m1, jnp.where(gt2, v, m2))
    nm3 = jnp.where(gt2, m2, jnp.where(gt3, v, m3))
    ni1 = jnp.where(gt1, iv, i1)
    ni2 = jnp.where(gt1, i1, jnp.where(gt2, iv, i2))
    ni3 = jnp.where(gt2, i2, jnp.where(gt3, iv, i3))
    return nm1, nm2, nm3, ni1, ni2, ni3


def _topk_body(x_hbm, vals_hbm, idx_hbm, xbuf, smax, cbuf, vout, iout,
               sem0, sem1, ssa, ssb, ssc, ssd):
    cid = lax.axis_index("c")
    sid = lax.axis_index("s")
    wid = sid * NC + cid
    base_row = wid * RPW

    lane = lax.iota(jnp.int32, L)
    neg = jnp.full((L,), NEG_INF, jnp.float32)
    zero_i = jnp.zeros((L,), jnp.int32)
    lane_base = lane * NSEG

    def phase_a(off, lo, hi, gm0):
        @plsc.parallel_loop(lo, hi, unroll=2, carry=gm0)
        def ares(sgi, gm):
            base = off + sgi * SEGW
            vs = [xbuf[pl.ds(base + q * L, L)] for q in range(SEGC)]
            while len(vs) > 1:
                vs = [jnp.maximum(vs[2 * i], vs[2 * i + 1])
                      for i in range(len(vs) // 2)]
            smax[pl.ds(sgi * L, L)] = vs[0]
            return jnp.maximum(gm, vs[0])

        return ares

    def process_row(buf, local_r, m):
        off = buf * C

        for k in range(3):
            t = m
            for s in (8, 4, 2, 1):
                t = jnp.maximum(t, _dyn_gather(t, lane ^ s))
            if k < 2:
                m = jnp.where(m == t, NEG_INF, m)
        tv = t

        @plsc.parallel_loop(0, NSEG, unroll=4, carry=zero_i)
        def bres(sgi, pv):
            sm = smax[pl.ds(sgi * L, L)]
            sel = sm >= tv
            pair_id = lane + sgi * L
            plsc.store_scatter(cbuf, [lane_base + pv], pair_id, mask=sel)
            return pv + jnp.where(sel, 1, 0)

        pv = bres

        pmax = pv
        for s in (8, 4, 2, 1):
            pmax = jnp.maximum(pmax, _dyn_gather(pmax, lane ^ s))

        def cbody(j, carry):
            m1, m2, m3, i1, i2, i3 = carry
            valid = j < pv
            pid = plsc.load_gather(
                cbuf, [lane_base + jnp.where(valid, j, 0)])
            pid = jnp.where(valid, pid, 0)
            sgi = pid >> 4
            ln = pid & (L - 1)
            ebase = sgi * SEGW + ln
            for q in range(SEGC):
                col = ebase + q * L
                v = plsc.load_gather(xbuf, [col + off])
                v = jnp.where(valid, v, NEG_INF)
                m1, m2, m3, i1, i2, i3 = _insert3_lex(
                    v, col, m1, m2, m3, i1, i2, i3)
            return (m1, m2, m3, i1, i2, i3)

        m1, m2, m3, i1, i2, i3 = lax.fori_loop(
            0, pmax[0], cbody, (neg, neg, neg, zero_i, zero_i, zero_i))

        rv = jnp.zeros((L,), jnp.float32)
        ri = jnp.zeros((L,), jnp.int32)
        for k in range(3):
            vmax, imin = m1, i1
            for s in (8, 4, 2, 1):
                perm = lane ^ s
                ov = _dyn_gather(vmax, perm)
                oi = _dyn_gather(imin, perm)
                take = (ov > vmax) | ((ov == vmax) & (oi < imin))
                vmax = jnp.where(take, ov, vmax)
                imin = jnp.where(take, oi, imin)
            win = (m1 == vmax) & (i1 == imin)
            rv = jnp.where(lane == k, vmax, rv)
            ri = jnp.where(lane == k, imin, ri)
            m1 = jnp.where(win, m2, m1)
            m2 = jnp.where(win, m3, m2)
            m3 = jnp.where(win, NEG_INF, m3)
            i1 = jnp.where(win, i2, i1)
            i2 = jnp.where(win, i3, i2)

        vout[local_r, :] = rv
        iout[local_r, :] = ri

    CSUB = C // 4
    subsems = (ssa, ssb, ssc, ssd)
    for p in range(4):
        pltpu.async_copy(x_hbm.at[base_row, pl.ds(p * CSUB, CSUB)],
                         xbuf.at[pl.ds(p * CSUB, CSUB)], subsems[p])

    def pair_body(j, carry):
        row0 = base_row + 2 * j
        pltpu.async_copy(x_hbm.at[row0 + 1], xbuf.at[pl.ds(C, C)], sem1)

        def row0_first(_):
            gm = neg
            for p in range(4):
                pltpu.make_async_copy(
                    x_hbm.at[base_row, pl.ds(p * CSUB, CSUB)],
                    xbuf.at[pl.ds(p * CSUB, CSUB)], subsems[p]).wait()
                gm = phase_a(0, p * (NSEG // 4), (p + 1) * (NSEG // 4), gm)
            return gm

        def row0_later(_):
            pltpu.make_async_copy(
                x_hbm.at[row0], xbuf.at[pl.ds(0, C)], sem0).wait()
            return phase_a(0, 0, NSEG, neg)

        m0 = lax.cond(j == 0, row0_first, row0_later, 0)
        process_row(0, 2 * j, m0)

        @pl.when(j + 1 < RPW // 2)
        def _():
            pltpu.async_copy(
                x_hbm.at[row0 + 2], xbuf.at[pl.ds(0, C)], sem0)

        pltpu.make_async_copy(
            x_hbm.at[row0 + 1], xbuf.at[pl.ds(C, C)], sem1).wait()
        m1 = phase_a(C, 0, NSEG, neg)
        process_row(1, 2 * j + 1, m1)
        return carry

    lax.fori_loop(0, RPW // 2, pair_body, 0)

    pltpu.sync_copy(vout, vals_hbm.at[pl.ds(base_row, RPW)])
    pltpu.sync_copy(iout, idx_hbm.at[pl.ds(base_row, RPW)])


@jax.jit
def kernel(x):
    mesh = plsc.VectorSubcoreMesh(core_axis_name="c", subcore_axis_name="s")
    f = pl.kernel(
        _topk_body,
        out_type=[jax.ShapeDtypeStruct((R, L), jnp.float32),
                  jax.ShapeDtypeStruct((R, L), jnp.int32)],
        mesh=mesh,
        compiler_params=pltpu.CompilerParams(needs_layout_passes=False),
        scratch_types=[
            pltpu.VMEM((2 * C,), jnp.float32),
            pltpu.VMEM((NSEG * L,), jnp.float32),
            pltpu.VMEM((L * NSEG,), jnp.int32),
            pltpu.VMEM((RPW, L), jnp.float32),
            pltpu.VMEM((RPW, L), jnp.int32),
            pltpu.SemaphoreType.DMA,
            pltpu.SemaphoreType.DMA,
            pltpu.SemaphoreType.DMA,
            pltpu.SemaphoreType.DMA,
            pltpu.SemaphoreType.DMA,
            pltpu.SemaphoreType.DMA,
        ],
    )
    vals, idx = f(x)
    return vals[:, :K], idx[:, :K]

# --- scband reference (transcript-rebuilt; emitter-appended) ---
"""Pipeline reference for scband-top-kboth-10797547782633 (READ-ONLY COPY).

The authoritative reference and input builder live on the scoring server;
editing this copy changes nothing except your own understanding.
"""

import jax, jax.numpy as jnp
import numpy as np


def setup_inputs(seed: int = 0) -> dict:
    key = jax.random.key(seed)
    x = jax.random.normal(key, (128, 32768), dtype=jnp.float32)
    return {"x": x}


def reference(x):
    v, i = jax.lax.top_k(x, 3)
    return (v, i)

if __name__ == "__main__":
    import jax
    _d = setup_inputs()
    print(jax.jit(kernel)(*tuple(_d.values())))

</pallas_src>

<mosaic_0001>
#map = affine_map<(d0, d1) -> (0, 0)>
module attributes {stable_mosaic.version = 14 : i64} {
  func.func @_topk_body(%arg0: i32, %arg1: i32, %arg2: memref<128x32768xf32, #tpu.memory_space<hbm>>, %arg3: memref<128x16xf32, #tpu.memory_space<hbm>>, %arg4: memref<128x16xi32, #tpu.memory_space<hbm>>, %arg5: memref<65536xf32, #tpu.memory_space<vmem>>, %arg6: memref<2048xf32, #tpu.memory_space<vmem>>, %arg7: memref<2048xi32, #tpu.memory_space<vmem>>, %arg8: memref<4x16xf32, #tpu.memory_space<vmem>>, %arg9: memref<4x16xi32, #tpu.memory_space<vmem>>, %arg10: memref<!tpu.dma_semaphore, #tpu.memory_space<semaphore_mem>>, %arg11: memref<!tpu.dma_semaphore, #tpu.memory_space<semaphore_mem>>, %arg12: memref<!tpu.dma_semaphore, #tpu.memory_space<semaphore_mem>>, %arg13: memref<!tpu.dma_semaphore, #tpu.memory_space<semaphore_mem>>, %arg14: memref<!tpu.dma_semaphore, #tpu.memory_space<semaphore_mem>>, %arg15: memref<!tpu.dma_semaphore, #tpu.memory_space<semaphore_mem>>) attributes {dimension_semantics = [#tpu.dimension_semantics<core_parallel>, #tpu.dimension_semantics<subcore_parallel>], iteration_bounds = array<i64: 2, 16>, scalar_prefetch = 0 : i64, scratch_operands = 11 : i64, tpu.core_type = #tpu.core_type<sc_vector_subcore>, window_params = [{transform_indices = #map}, {transform_indices = #map}, {transform_indices = #map}]} {
    %mul3A = arith.constant 2 : i32
    %mul3A_0 = arith.muli %arg1, %mul3A : i32
    %add3A = arith.addi %mul3A_0, %arg0 : i32
    %mul3A_1 = arith.constant 4 : i32
    %mul3A_2 = arith.muli %add3A, %mul3A_1 : i32
    %iota3A = tpu.iota {dimensions = array<i32: 0>} : vector<16xi32>
    %broadcast_in_dim3A = arith.constant 0xFF800000 : f32
    %broadcast_in_dim3A_3 = vector.broadcast %broadcast_in_dim3A : f32 to vector<16xf32>
    %broadcast_in_dim3A_4 = arith.constant 0 : i32
    %broadcast_in_dim3A_5 = vector.broadcast %broadcast_in_dim3A_4 : i32 to vector<16xi32>
    %mul3A_6 = arith.constant 128 : i32
    %mul3A_7 = vector.broadcast %mul3A_6 : i32 to vector<16xi32>
    %mul3A_8 = arith.muli %iota3A, %mul3A_7 : vector<16xi32>
    %dma_start3A = arith.constant 0 : i32
    %dma_start3A_9 = tpu.memref_slice %arg5[%dma_start3A] : memref<65536xf32, #tpu.memory_space<vmem>> -> memref<8192xf32, #tpu.memory_space<vmem>>
    %dma_start3A_10 = arith.constant 0 : i32
    %dma_start3A_11 = tpu.memref_slice %arg2[%mul3A_2, %dma_start3A_10] : memref<128x32768xf32, #tpu.memory_space<hbm>> -> memref<1x8192xf32, #tpu.memory_space<hbm>>
    %dma_start3A_12 = tpu.memref_squeeze %dma_start3A_11 : memref<1x8192xf32, #tpu.memory_space<hbm>> -> memref<8192xf32, #tpu.memory_space<hbm>>
    %dma_start3A_13 = arith.constant 0 : i32
    %dma_start3A_14 = tpu.memref_slice %arg5[%dma_start3A_13] : memref<65536xf32, #tpu.memory_space<vmem>> -> memref<8192xf32, #tpu.memory_space<vmem>>
    %dma_start3A_15 = arith.constant 0 : i32
    %dma_start3A_16 = tpu.memref_slice %arg2[%mul3A_2, %dma_start3A_15] : memref<128x32768xf32, #tpu.memory_space<hbm>> -> memref<1x8192xf32, #tpu.memory_space<hbm>>
    %dma_start3A_17 = tpu.memref_squeeze %dma_start3A_16 : memref<1x8192xf32, #tpu.memory_space<hbm>> -> memref<8192xf32, #tpu.memory_space<hbm>>
    tpu.enqueue_dma source(%dma_start3A_17 : memref<8192xf32, #tpu.memory_space<hbm>>) target(%dma_start3A_14 : memref<8192xf32, #tpu.memory_space<vmem>>) target_semaphore(%arg12 : memref<!tpu.dma_semaphore, #tpu.memory_space<semaphore_mem>>)
    %dma_start3A_18 = arith.constant 8192 : i32
    %dma_start3A_19 = tpu.memref_slice %arg5[%dma_start3A_18] : memref<65536xf32, #tpu.memory_space<vmem>> -> memref<8192xf32, #tpu.memory_space<vmem>>
    %dma_start3A_20 = arith.constant 8192 : i32
    %dma_start3A_21 = tpu.memref_slice %arg2[%mul3A_2, %dma_start3A_20] : memref<128x32768xf32, #tpu.memory_space<hbm>> -> memref<1x8192xf32, #tpu.memory_space<hbm>>
    %dma_start3A_22 = tpu.memref_squeeze %dma_start3A_21 : memref<1x8192xf32, #tpu.memory_space<hbm>> -> memref<8192xf32, #tpu.memory_space<hbm>>
    %dma_start3A_23 = arith.constant 8192 : i32
    %dma_start3A_24 = tpu.memref_slice %arg5[%dma_start3A_23] : memref<65536xf32, #tpu.memory_space<vmem>> -> memref<8192xf32, #tpu.memory_space<vmem>>
    %dma_start3A_25 = arith.constant 8192 : i32
    %dma_start3A_26 = tpu.memref_slice %arg2[%mul3A_2, %dma_start3A_25] : memref<128x32768xf32, #tpu.memory_space<hbm>> -> memref<1x8192xf32, #tpu.memory_space<hbm>>
    %dma_start3A_27 = tpu.memref_squeeze %dma_start3A_26 : memref<1x8192xf32, #tpu.memory_space<hbm>> -> memref<8192xf32, #tpu.memory_space<hbm>>
    tpu.enqueue_dma source(%dma_start3A_27 : memref<8192xf32, #tpu.memory_space<hbm>>) target(%dma_start3A_24 : memref<8192xf32, #tpu.memory_space<vmem>>) target_semaphore(%arg13 : memref<!tpu.dma_semaphore, #tpu.memory_space<semaphore_mem>>)
    %dma_start3A_28 = arith.constant 16384 : i32
    %dma_start3A_29 = tpu.memref_slice %arg5[%dma_start3A_28] : memref<65536xf32, #tpu.memory_space<vmem>> -> memref<8192xf32, #tpu.memory_space<vmem>>
    %dma_start3A_30 = arith.constant 16384 : i32
    %dma_start3A_31 = tpu.memref_slice %arg2[%mul3A_2, %dma_start3A_30] : memref<128x32768xf32, #tpu.memory_space<hbm>> -> memref<1x8192xf32, #tpu.memory_space<hbm>>
    %dma_start3A_32 = tpu.memref_squeeze %dma_start3A_31 : memref<1x8192xf32, #tpu.memory_space<hbm>> -> memref<8192xf32, #tpu.memory_space<hbm>>
    %dma_start3A_33 = arith.constant 16384 : i32
    %dma_start3A_34 = tpu.memref_slice %arg5[%dma_start3A_33] : memref<65536xf32, #tpu.memory_space<vmem>> -> memref<8192xf32, #tpu.memory_space<vmem>>
    %dma_start3A_35 = arith.constant 16384 : i32
    %dma_start3A_36 = tpu.memref_slice %arg2[%mul3A_2, %dma_start3A_35] : memref<128x32768xf32, #tpu.memory_space<hbm>> -> memref<1x8192xf32, #tpu.memory_space<hbm>>
    %dma_start3A_37 = tpu.memref_squeeze %dma_start3A_36 : memref<1x8192xf32, #tpu.memory_space<hbm>> -> memref<8192xf32, #tpu.memory_space<hbm>>
    tpu.enqueue_dma source(%dma_start3A_37 : memref<8192xf32, #tpu.memory_space<hbm>>) target(%dma_start3A_34 : memref<8192xf32, #tpu.memory_space<vmem>>) target_semaphore(%arg14 : memref<!tpu.dma_semaphore, #tpu.memory_space<semaphore_mem>>)
    %dma_start3A_38 = arith.constant 24576 : i32
    %dma_start3A_39 = tpu.memref_slice %arg5[%dma_start3A_38] : memref<65536xf32, #tpu.memory_space<vmem>> -> memref<8192xf32, #tpu.memory_space<vmem>>
    %dma_start3A_40 = arith.constant 24576 : i32
    %dma_start3A_41 = tpu.memref_slice %arg2[%mul3A_2, %dma_start3A_40] : memref<128x32768xf32, #tpu.memory_space<hbm>> -> memref<1x8192xf32, #tpu.memory_space<hbm>>
    %dma_start3A_42 = tpu.memref_squeeze %dma_start3A_41 : memref<1x8192xf32, #tpu.memory_space<hbm>> -> memref<8192xf32, #tpu.memory_space<hbm>>
    %dma_start3A_43 = arith.constant 24576 : i32
    %dma_start3A_44 = tpu.memref_slice %arg5[%dma_start3A_43] : memref<65536xf32, #tpu.memory_space<vmem>> -> memref<8192xf32, #tpu.memory_space<vmem>>
    %dma_start3A_45 = arith.constant 24576 : i32
    %dma_start3A_46 = tpu.memref_slice %arg2[%mul3A_2, %dma_start3A_45] : memref<128x32768xf32, #tpu.memory_space<hbm>> -> memref<1x8192xf32, #tpu.memory_space<hbm>>
    %dma_start3A_47 = tpu.memref_squeeze %dma_start3A_46 : memref<1x8192xf32, #tpu.memory_space<hbm>> -> memref<8192xf32, #tpu.memory_space<hbm>>
    tpu.enqueue_dma source(%dma_start3A_47 : memref<8192xf32, #tpu.memory_space<hbm>>) target(%dma_start3A_44 : memref<8192xf32, #tpu.memory_space<vmem>>) target_semaphore(%arg15 : memref<!tpu.dma_semaphore, #tpu.memory_space<semaphore_mem>>)
    %scan3A = arith.constant 0 : i32
    %scan3A_48 = arith.constant 0 : i32
    %scan3A_49 = arith.constant 2 : i32
    %scan3A_50 = arith.addi %scan3A_48, %scan3A_49 : i32
    %scan3A_51 = arith.constant 1 : i32
    scf.for %scan3A_53 = %scan3A_48 to %scan3A_50 step %scan3A_51  : i32 {
      %mul3A_54 = arith.constant 2 : i32
      %mul3A_55 = arith.muli %mul3A_54, %scan3A_53 : i32
      %add3A_56 = arith.addi %mul3A_2, %mul3A_55 : i32
      %add3A_57 = arith.constant 1 : i32
      %add3A_58 = arith.addi %add3A_56, %add3A_57 : i32
      %dma_start3A_59 = arith.constant 32768 : i32
      %dma_start3A_60 = tpu.memref_slice %arg5[%dma_start3A_59] : memref<65536xf32, #tpu.memory_space<vmem>> -> memref<32768xf32, #tpu.memory_space<vmem>>
      %dma_start3A_61 = arith.constant 0 : i32
      %dma_start3A_62 = tpu.memref_slice %arg2[%add3A_58, %dma_start3A_61] : memref<128x32768xf32, #tpu.memory_space<hbm>> -> memref<1x32768xf32, #tpu.memory_space<hbm>>
      %dma_start3A_63 = tpu.memref_squeeze %dma_start3A_62 : memref<1x32768xf32, #tpu.memory_space<hbm>> -> memref<32768xf32, #tpu.memory_space<hbm>>
      %dma_start3A_64 = arith.constant 32768 : i32
      %dma_start3A_65 = tpu.memref_slice %arg5[%dma_start3A_64] : memref<65536xf32, #tpu.memory_space<vmem>> -> memref<32768xf32, #tpu.memory_space<vmem>>
      %dma_start3A_66 = arith.constant 0 : i32
      %dma_start3A_67 = tpu.memref_slice %arg2[%add3A_58, %dma_start3A_66] : memref<128x32768xf32, #tpu.memory_space<hbm>> -> memref<1x32768xf32, #tpu.memory_space<hbm>>
      %dma_start3A_68 = tpu.memref_squeeze %dma_start3A_67 : memref<1x32768xf32, #tpu.memory_space<hbm>> -> memref<32768xf32, #tpu.memory_space<hbm>>
      tpu.enqueue_dma source(%dma_start3A_68 : memref<32768xf32, #tpu.memory_space<hbm>>) target(%dma_start3A_65 : memref<32768xf32, #tpu.memory_space<vmem>>) target_semaphore(%arg11 : memref<!tpu.dma_semaphore, #tpu.memory_space<semaphore_mem>>)
      %eq3A = arith.constant 0 : i32
      %eq3A_69 = arith.cmpi eq, %scan3A_53, %eq3A : i32
      %convert_element_type3A = arith.extui %eq3A_69 : i1 to i32
      %cond3A = arith.constant 0 : i32
      %cond3A_70 = arith.constant 0 : i32
      %cond3A_71 = arith.cmpi ne, %convert_element_type3A, %cond3A_70 : i32
      %cond3A_72 = scf.if %cond3A_71 -> (vector<16xf32>) {
        %dma_wait3A_872 = arith.constant 0 : i32
        %dma_wait3A_873 = tpu.memref_slice %arg5[%dma_wait3A_872] : memref<65536xf32, #tpu.memory_space<vmem>> -> memref<8192xf32, #tpu.memory_space<vmem>>
        %dma_wait3A_874 = arith.constant 0 : i32
        %dma_wait3A_875 = tpu.memref_slice %arg2[%mul3A_2, %dma_wait3A_874] : memref<128x32768xf32, #tpu.memory_space<hbm>> -> memref<1x8192xf32, #tpu.memory_space<hbm>>
        %dma_wait3A_876 = tpu.memref_squeeze %dma_wait3A_875 : memref<1x8192xf32, #tpu.memory_space<hbm>> -> memref<8192xf32, #tpu.memory_space<hbm>>
        %dma_wait3A_877 = arith.constant 0 : i32
        %dma_wait3A_878 = tpu.memref_slice %arg5[%dma_wait3A_877] : memref<65536xf32, #tpu.memory_space<vmem>> -> memref<8192xf32, #tpu.memory_space<vmem>>
        %dma_wait3A_879 = arith.constant 0 : i32
        %dma_wait3A_880 = tpu.memref_slice %arg2[%mul3A_2, %dma_wait3A_879] : memref<128x32768xf32, #tpu.memory_space<hbm>> -> memref<1x8192xf32, #tpu.memory_space<hbm>>
        %dma_wait3A_881 = tpu.memref_squeeze %dma_wait3A_880 : memref<1x8192xf32, #tpu.memory_space<hbm>> -> memref<8192xf32, #tpu.memory_space<hbm>>
        tpu.wait_dma2 semaphore(%arg12 : memref<!tpu.dma_semaphore, #tpu.memory_space<semaphore_mem>>) src(%dma_wait3A_881 : memref<8192xf32, #tpu.memory_space<hbm>>) dst(%dma_wait3A_878 : memref<8192xf32, #tpu.memory_space<vmem>>)
        %parallel_loop3A_882 = arith.constant 0 : i32
        %parallel_loop3A_883 = arith.constant 32 : i32
        %parallel_loop3A_884 = arith.constant 1 : i32
        %parallel_loop3A_885 = scf.for %parallel_loop3A_928 = %parallel_loop3A_882 to %parallel_loop3A_883 step %parallel_loop3A_884 iter_args(%parallel_loop3A_929 = %broadcast_in_dim3A_3) -> (vector<16xf32>)  : i32 {
          %parallel_loop3A_930 = arith.constant 256 : i32
          %parallel_loop3A_931 = arith.muli %parallel_loop3A_928, %parallel_loop3A_930 : i32
          %parallel_loop3A_932 = arith.constant 0 : i32
          %parallel_loop3A_933 = arith.addi %parallel_loop3A_932, %parallel_loop3A_931 : i32
          %parallel_loop3A_934 = arith.constant 0 : i32
          %parallel_loop3A_935 = arith.addi %parallel_loop3A_933, %parallel_loop3A_934 : i32
          %parallel_loop3A_936 = arith.index_cast %parallel_loop3A_935 : i32 to index
          %parallel_loop3A_937 = tpu.vector_load %arg5[%parallel_loop3A_936] {strides = array<i32>} : memref<65536xf32, #tpu.memory_space<vmem>>, vector<16xf32>,
          %parallel_loop3A_938 = arith.constant 16 : i32
          %parallel_loop3A_939 = arith.addi %parallel_loop3A_933, %parallel_loop3A_938 : i32
          %parallel_loop3A_940 = arith.index_cast %parallel_loop3A_939 : i32 to index
          %parallel_loop3A_941 = tpu.vector_load %arg5[%parallel_loop3A_940] {strides = array<i32>} : memref<65536xf32, #tpu.memory_space<vmem>>, vector<16xf32>,
          %parallel_loop3A_942 = arith.constant 32 : i32
          %parallel_loop3A_943 = arith.addi %parallel_loop3A_933, %parallel_loop3A_942 : i32
          %parallel_loop3A_944 = arith.index_cast %parallel_loop3A_943 : i32 to index
          %parallel_loop3A_945 = tpu.vector_load %arg5[%parallel_loop3A_944] {strides = array<i32>} : memref<65536xf32, #tpu.memory_space<vmem>>, vector<16xf32>,
          %parallel_loop3A_946 = arith.constant 48 : i32
          %parallel_loop3A_947 = arith.addi %parallel_loop3A_933, %parallel_loop3A_946 : i32
          %parallel_loop3A_948 = arith.index_cast %parallel_loop3A_947 : i32 to index
          %parallel_loop3A_949 = tpu.vector_load %arg5[%parallel_loop3A_948] {strides = array<i32>} : memref<65536xf32, #tpu.memory_space<vmem>>, vector<16xf32>,
          %parallel_loop3A_950 = arith.constant 64 : i32
          %parallel_loop3A_951 = arith.addi %parallel_loop3A_933, %parallel_loop3A_950 : i32
          %parallel_loop3A_952 = arith.index_cast %parallel_loop3A_951 : i32 to index
          %parallel_loop3A_953 = tpu.vector_load %arg5[%parallel_loop3A_952] {strides = array<i32>} : memref<65536xf32, #tpu.memory_space<vmem>>, vector<16xf32>,
          %parallel_loop3A_954 = arith.constant 80 : i32
          %parallel_loop3A_955 = arith.addi %parallel_loop3A_933, %parallel_loop3A_954 : i32
          %parallel_loop3A_956 = arith.index_cast %parallel_loop3A_955 : i32 to index
          %parallel_loop3A_957 = tpu.vector_load %arg5[%parallel_loop3A_956] {strides = array<i32>} : memref<65536xf32, #tpu.memory_space<vmem>>, vector<16xf32>,
          %parallel_loop3A_958 = arith.constant 96 : i32
          %parallel_loop3A_959 = arith.addi %parallel_loop3A_933, %parallel_loop3A_958 : i32
          %parallel_loop3A_960 = arith.index_cast %parallel_loop3A_959 : i32 to index
          %parallel_loop3A_961 = tpu.vector_load %arg5[%parallel_loop3A_960] {strides = array<i32>} : memref<65536xf32, #tpu.memory_space<vmem>>, vector<16xf32>,
          %parallel_loop3A_962 = arith.constant 112 : i32
          %parallel_loop3A_963 = arith.addi %parallel_loop3A_933, %parallel_loop3A_962 : i32
          %parallel_loop3A_964 = arith.index_cast %parallel_loop3A_963 : i32 to index
          %parallel_loop3A_965 = tpu.vector_load %arg5[%parallel_loop3A_964] {strides = array<i32>} : memref<65536xf32, #tpu.memory_space<vmem>>, vector<16xf32>,
          %parallel_loop3A_966 = arith.constant 128 : i32
          %parallel_loop3A_967 = arith.addi %parallel_loop3A_933, %parallel_loop3A_966 : i32
          %parallel_loop3A_968 = arith.index_cast %parallel_loop3A_967 : i32 to index
          %parallel_loop3A_969 = tpu.vector_load %arg5[%parallel_loop3A_968] {strides = array<i32>} : memref<65536xf32, #tpu.memory_space<vmem>>, vector<16xf32>,
          %parallel_loop3A_970 = arith.constant 144 : i32
          %parallel_loop3A_971 = arith.addi %parallel_loop3A_933, %parallel_loop3A_970 : i32
          %parallel_loop3A_972 = arith.index_cast %parallel_loop3A_971 : i32 to index
          %parallel_loop3A_973 = tpu.vector_load %arg5[%parallel_loop3A_972] {strides = array<i32>} : memref<65536xf32, #tpu.memory_space<vmem>>, vector<16xf32>,
          %parallel_loop3A_974 = arith.constant 160 : i32
          %parallel_loop3A_975 = arith.addi %parallel_loop3A_933, %parallel_loop3A_974 : i32
          %parallel_loop3A_976 = arith.index_cast %parallel_loop3A_975 : i32 to index
          %parallel_loop3A_977 = tpu.vector_load %arg5[%parallel_loop3A_976] {strides = array<i32>} : memref<65536xf32, #tpu.memory_space<vmem>>, vector<16xf32>,
          %parallel_loop3A_978 = arith.constant 176 : i32
          %parallel_loop3A_979 = arith.addi %parallel_loop3A_933, %parallel_loop3A_978 : i32
          %parallel_loop3A_980 = arith.index_cast %parallel_loop3A_979 : i32 to index
          %parallel_loop3A_981 = tpu.vector_load %arg5[%parallel_loop3A_980] {strides = array<i32>} : memref<65536xf32, #tpu.memory_space<vmem>>, vector<16xf32>,
          %parallel_loop3A_982 = arith.constant 192 : i32
          %parallel_loop3A_983 = arith.addi %parallel_loop3A_933, %parallel_loop3A_982 : i32
          %parallel_loop3A_984 = arith.index_cast %parallel_loop3A_983 : i32 to index
          %parallel_loop3A_985 = tpu.vector_load %arg5[%parallel_loop3A_984] {strides = array<i32>} : memref<65536xf32, #tpu.memory_space<vmem>>, vector<16xf32>,
          %parallel_loop3A_986 = arith.constant 208 : i32
          %parallel_loop3A_987 = arith.addi %parallel_loop3A_933, %parallel_loop3A_986 : i32
          %parallel_loop3A_988 = arith.index_cast %parallel_loop3A_987 : i32 to index
          %parallel_loop3A_989 = tpu.vector_load %arg5[%parallel_loop3A_988] {strides = array<i32>} : memref<65536xf32, #tpu.memory_space<vmem>>, vector<16xf32>,
          %parallel_loop3A_990 = arith.constant 224 : i32
          %parallel_loop3A_991 = arith.addi %parallel_loop3A_933, %parallel_loop3A_990 : i32
          %parallel_loop3A_992 = arith.index_cast %parallel_loop3A_991 : i32 to index
          %parallel_loop3A_993 = tpu.vector_load %arg5[%parallel_loop3A_992] {strides = array<i32>} : memref<65536xf32, #tpu.memory_space<vmem>>, vector<16xf32>,
          %parallel_loop3A_994 = arith.constant 240 : i32
          %parallel_loop3A_995 = arith.addi %parallel_loop3A_933, %parallel_loop3A_994 : i32
          %parallel_loop3A_996 = arith.index_cast %parallel_loop3A_995 : i32 to index
          %parallel_loop3A_997 = tpu.vector_load %arg5[%parallel_loop3A_996] {strides = array<i32>} : memref<65536xf32, #tpu.memory_space<vmem>>, vector<16xf32>,
          %parallel_loop3A_998 = arith.maximumf %parallel_loop3A_937, %parallel_loop3A_941 : vector<16xf32>
          %parallel_loop3A_999 = arith.maximumf %parallel_loop3A_945, %parallel_loop3A_949 : vector<16xf32>
          %parallel_loop3A_1000 = arith.maximumf %parallel_loop3A_953, %parallel_loop3A_957 : vector<16xf32>
          %parallel_loop3A_1001 = arith.maximumf %parallel_loop3A_961, %parallel_loop3A_965 : vector<16xf32>
          %parallel_loop3A_1002 = arith.maximumf %parallel_loop3A_969, %parallel_loop3A_973 : vector<16xf32>
          %parallel_loop3A_1003 = arith.maximumf %parallel_loop3A_977, %parallel_loop3A_981 : vector<16xf32>
          %parallel_loop3A_1004 = arith.maximumf %parallel_loop3A_985, %parallel_loop3A_989 : vector<16xf32>
          %parallel_loop3A_1005 = arith.maximumf %parallel_loop3A_993, %parallel_loop3A_997 : vector<16xf32>
          %parallel_loop3A_1006 = arith.maximumf %parallel_loop3A_998, %parallel_loop3A_999 : vector<16xf32>
          %parallel_loop3A_1007 = arith.maximumf %parallel_loop3A_1000, %parallel_loop3A_1001 : vector<16xf32>
          %parallel_loop3A_1008 = arith.maximumf %parallel_loop3A_1002, %parallel_loop3A_1003 : vector<16xf32>
          %parallel_loop3A_1009 = arith.maximumf %parallel_loop3A_1004, %parallel_loop3A_1005 : vector<16xf32>
          %parallel_loop3A_1010 = arith.maximumf %parallel_loop3A_1006, %parallel_loop3A_1007 : vector<16xf32>
          %parallel_loop3A_1011 = arith.maximumf %parallel_loop3A_1008, %parallel_loop3A_1009 : vector<16xf32>
          %parallel_loop3A_1012 = arith.maximumf %parallel_loop3A_1010, %parallel_loop3A_1011 : vector<16xf32>
          %parallel_loop3A_1013 = arith.constant 16 : i32
          %parallel_loop3A_1014 = arith.muli %parallel_loop3A_928, %parallel_loop3A_1013 : i32
          %parallel_loop3A_1015 = arith.index_cast %parallel_loop3A_1014 : i32 to index
          %parallel_loop3A_1016 = tpu.vector_load %arg6[%parallel_loop3A_1015] {strides = array<i32>} : memref<2048xf32, #tpu.memory_space<vmem>>, vector<16xf32>,
          tpu.vector_store %arg6[%parallel_loop3A_1015], %parallel_loop3A_1012 {strides = array<i32>} : memref<2048xf32, #tpu.memory_space<vmem>>, vector<16xf32>,
          %parallel_loop3A_1017 = arith.maximumf %parallel_loop3A_929, %parallel_loop3A_1012 : vector<16xf32>
          scf.yield %parallel_loop3A_1017 : vector<16xf32>
        } {sc.loop_unroll_factor = 2 : i64, sc.parallel_access}
        %dma_wait3A_886 = arith.constant 8192 : i32
        %dma_wait3A_887 = tpu.memref_slice %arg5[%dma_wait3A_886] : memref<65536xf32, #tpu.memory_space<vmem>> -> memref<8192xf32, #tpu.memory_space<vmem>>
        %dma_wait3A_888 = arith.constant 8192 : i32
        %dma_wait3A_889 = tpu.memref_slice %arg2[%mul3A_2, %dma_wait3A_888] : memref<128x32768xf32, #tpu.memory_space<hbm>> -> memref<1x8192xf32, #tpu.memory_space<hbm>>
        %dma_wait3A_890 = tpu.memref_squeeze %dma_wait3A_889 : memref<1x8192xf32, #tpu.memory_space<hbm>> -> memref<8192xf32, #tpu.memory_space<hbm>>
        %dma_wait3A_891 = arith.constant 8192 : i32
        %dma_wait3A_892 = tpu.memref_slice %arg5[%dma_wait3A_891] : memref<65536xf32, #tpu.memory_space<vmem>> -> memref<8192xf32, #tpu.memory_space<vmem>>
        %dma_wait3A_893 = arith.constant 8192 : i32
        %dma_wait3A_894 = tpu.memref_slice %arg2[%mul3A_2, %dma_wait3A_893] : memref<128x32768xf32, #tpu.memory_space<hbm>> -> memref<1x8192xf32, #tpu.memory_space<hbm>>
        %dma_wait3A_895 = tpu.memref_squeeze %dma_wait3A_894 : memref<1x8192xf32, #tpu.memory_space<hbm>> -> memref<8192xf32, #tpu.memory_space<hbm>>
        tpu.wait_dma2 semaphore(%arg13 : memref<!tpu.dma_semaphore, #tpu.memory_space<semaphore_mem>>) src(%dma_wait3A_895 : memref<8192xf32, #tpu.memory_space<hbm>>) dst(%dma_wait3A_892 : memref<8192xf32, #tpu.memory_space<vmem>>)
        %parallel_loop3A_896 = arith.constant 32 : i32
        %parallel_loop3A_897 = arith.constant 64 : i32
        %parallel_loop3A_898 = arith.constant 1 : i32
        %parallel_loop3A_899 = scf.for %parallel_loop3A_928 = %parallel_loop3A_896 to %parallel_loop3A_897 step %parallel_loop3A_898 iter_args(%parallel_loop3A_929 = %parallel_loop3A_885) -> (vector<16xf32>)  : i32 {
          %parallel_loop3A_930 = arith.constant 256 : i32
          %parallel_loop3A_931 = arith.muli %parallel_loop3A_928, %parallel_loop3A_930 : i32
          %parallel_loop3A_932 = arith.constant 0 : i32
          %parallel_loop3A_933 = arith.addi %parallel_loop3A_932, %parallel_loop3A_931 : i32
          %parallel_loop3A_934 = arith.constant 0 : i32
          %parallel_loop3A_935 = arith.addi %parallel_loop3A_933, %parallel_loop3A_934 : i32
          %parallel_loop3A_936 = arith.index_cast %parallel_loop3A_935 : i32 to index
          %parallel_loop3A_937 = tpu.vector_load %arg5[%parallel_loop3A_936] {strides = array<i32>} : memref<65536xf32, #tpu.memory_space<vmem>>, vector<16xf32>,
          %parallel_loop3A_938 = arith.constant 16 : i32
          %parallel_loop3A_939 = arith.addi %parallel_loop3A_933, %parallel_loop3A_938 : i32
          %parallel_loop3A_940 = arith.index_cast %parallel_loop3A_939 : i32 to index
          %parallel_loop3A_941 = tpu.vector_load %arg5[%parallel_loop3A_940] {strides = array<i32>} : memref<65536xf32, #tpu.memory_space<vmem>>, vector<16xf32>,
          %parallel_loop3A_942 = arith.constant 32 : i32
          %parallel_loop3A_943 = arith.addi %parallel_loop3A_933, %parallel_loop3A_942 : i32
          %parallel_loop3A_944 = arith.index_cast %parallel_loop3A_943 : i32 to index
          %parallel_loop3A_945 = tpu.vector_load %arg5[%parallel_loop3A_944] {strides = array<i32>} : memref<65536xf32, #tpu.memory_space<vmem>>, vector<16xf32>,
          %parallel_loop3A_946 = arith.constant 48 : i32
          %parallel_loop3A_947 = arith.addi %parallel_loop3A_933, %parallel_loop3A_946 : i32
          %parallel_loop3A_948 = arith.index_cast %parallel_loop3A_947 : i32 to index
          %parallel_loop3A_949 = tpu.vector_load %arg5[%parallel_loop3A_948] {strides = array<i32>} : memref<65536xf32, #tpu.memory_space<vmem>>, vector<16xf32>,
          %parallel_loop3A_950 = arith.constant 64 : i32
          %parallel_loop3A_951 = arith.addi %parallel_loop3A_933, %parallel_loop3A_950 : i32
          %parallel_loop3A_952 = arith.index_cast %parallel_loop3A_951 : i32 to index
          %parallel_loop3A_953 = tpu.vector_load %arg5[%parallel_loop3A_952] {strides = array<i32>} : memref<65536xf32, #tpu.memory_space<vmem>>, vector<16xf32>,
          %parallel_loop3A_954 = arith.constant 80 : i32
          %parallel_loop3A_955 = arith.addi %parallel_loop3A_933, %parallel_loop3A_954 : i32
          %parallel_loop3A_956 = arith.index_cast %parallel_loop3A_955 : i32 to index
          %parallel_loop3A_957 = tpu.vector_load %arg5[%parallel_loop3A_956] {strides = array<i32>} : memref<65536xf32, #tpu.memory_space<vmem>>, vector<16xf32>,
          %parallel_loop3A_958 = arith.constant 96 : i32
          %parallel_loop3A_959 = arith.addi %parallel_loop3A_933, %parallel_loop3A_958 : i32
          %parallel_loop3A_960 = arith.index_cast %parallel_loop3A_959 : i32 to index
          %parallel_loop3A_961 = tpu.vector_load %arg5[%parallel_loop3A_960] {strides = array<i32>} : memref<65536xf32, #tpu.memory_space<vmem>>, vector<16xf32>,
          %parallel_loop3A_962 = arith.constant 112 : i32
          %parallel_loop3A_963 = arith.addi %parallel_loop3A_933, %parallel_loop3A_962 : i32
          %parallel_loop3A_964 = arith.index_cast %parallel_loop3A_963 : i32 to index
          %parallel_loop3A_965 = tpu.vector_load %arg5[%parallel_loop3A_964] {strides = array<i32>} : memref<65536xf32, #tpu.memory_space<vmem>>, vector<16xf32>,
          %parallel_loop3A_966 = arith.constant 128 : i32
          %parallel_loop3A_967 = arith.addi %parallel_loop3A_933, %parallel_loop3A_966 : i32
          %parallel_loop3A_968 = arith.index_cast %parallel_loop3A_967 : i32 to index
          %parallel_loop3A_969 = tpu.vector_load %arg5[%parallel_loop3A_968] {strides = array<i32>} : memref<65536xf32, #tpu.memory_space<vmem>>, vector<16xf32>,
          %parallel_loop3A_970 = arith.constant 144 : i32
          %parallel_loop3A_971 = arith.addi %parallel_loop3A_933, %parallel_loop3A_970 : i32
          %parallel_loop3A_972 = arith.index_cast %parallel_loop3A_971 : i32 to index
          %parallel_loop3A_973 = tpu.vector_load %arg5[%parallel_loop3A_972] {strides = array<i32>} : memref<65536xf32, #tpu.memory_space<vmem>>, vector<16xf32>,
          %parallel_loop3A_974 = arith.constant 160 : i32
          %parallel_loop3A_975 = arith.addi %parallel_loop3A_933, %parallel_loop3A_974 : i32
          %parallel_loop3A_976 = arith.index_cast %parallel_loop3A_975 : i32 to index
          %parallel_loop3A_977 = tpu.vector_load %arg5[%parallel_loop3A_976] {strides = array<i32>} : memref<65536xf32, #tpu.memory_space<vmem>>, vector<16xf32>,
          %parallel_loop3A_978 = arith.constant 176 : i32
          %parallel_loop3A_979 = arith.addi %parallel_loop3A_933, %parallel_loop3A_978 : i32
          %parallel_loop3A_980 = arith.index_cast %parallel_loop3A_979 : i32 to index
          %parallel_loop3A_981 = tpu.vector_load %arg5[%parallel_loop3A_980] {strides = array<i32>} : memref<65536xf32, #tpu.memory_space<vmem>>, vector<16xf32>,
          %parallel_loop3A_982 = arith.constant 192 : i32
          %parallel_loop3A_983 = arith.addi %parallel_loop3A_933, %parallel_loop3A_982 : i32
          %parallel_loop3A_984 = arith.index_cast %parallel_loop3A_983 : i32 to index
          %parallel_loop3A_985 = tpu.vector_load %arg5[%parallel_loop3A_984] {strides = array<i32>} : memref<65536xf32, #tpu.memory_space<vmem>>, vector<16xf32>,
          %parallel_loop3A_986 = arith.constant 208 : i32
          %parallel_loop3A_987 = arith.addi %parallel_loop3A_933, %parallel_loop3A_986 : i32
          %parallel_loop3A_988 = arith.index_cast %parallel_loop3A_987 : i32 to index
          %parallel_loop3A_989 = tpu.vector_load %arg5[%parallel_loop3A_988] {strides = array<i32>} : memref<65536xf32, #tpu.memory_space<vmem>>, vector<16xf32>,
          %parallel_loop3A_990 = arith.constant 224 : i32
          %parallel_loop3A_991 = arith.addi %parallel_loop3A_933, %parallel_loop3A_990 : i32
          %parallel_loop3A_992 = arith.index_cast %parallel_loop3A_991 : i32 to index
          %parallel_loop3A_993 = tpu.vector_load %arg5[%parallel_loop3A_992] {strides = array<i32>} : memref<65536xf32, #tpu.memory_space<vmem>>, vector<16xf32>,
          %parallel_loop3A_994 = arith.constant 240 : i32
          %parallel_loop3A_995 = arith.addi %parallel_loop3A_933, %parallel_loop3A_994 : i32
          %parallel_loop3A_996 = arith.index_cast %parallel_loop3A_995 : i32 to index
          %parallel_loop3A_997 = tpu.vector_load %arg5[%parallel_loop3A_996] {strides = array<i32>} : memref<65536xf32, #tpu.memory_space<vmem>>, vector<16xf32>,
          %parallel_loop3A_998 = arith.maximumf %parallel_loop3A_937, %parallel_loop3A_941 : vector<16xf32>
          %parallel_loop3A_999 = arith.maximumf %parallel_loop3A_945, %parallel_loop3A_949 : vector<16xf32>
          %parallel_loop3A_1000 = arith.maximumf %parallel_loop3A_953, %parallel_loop3A_957 : vector<16xf32>
          %parallel_loop3A_1001 = arith.maximumf %parallel_loop3A_961, %parallel_loop3A_965 : vector<16xf32>
          %parallel_loop3A_1002 = arith.maximumf %parallel_loop3A_969, %parallel_loop3A_973 : vector<16xf32>
          %parallel_loop3A_1003 = arith.maximumf %parallel_loop3A_977, %parallel_loop3A_981 : vector<16xf32>
          %parallel_loop3A_1004 = arith.maximumf %parallel_loop3A_985, %parallel_loop3A_989 : vector<16xf32>
          %parallel_loop3A_1005 = arith.maximumf %parallel_loop3A_993, %parallel_loop3A_997 : vector<16xf32>
          %parallel_loop3A_1006 = arith.maximumf %parallel_loop3A_998, %parallel_loop3A_999 : vector<16xf32>
          %parallel_loop3A_1007 = arith.maximumf %parallel_loop3A_1000, %parallel_loop3A_1001 : vector<16xf32>
          %parallel_loop3A_1008 = arith.maximumf %parallel_loop3A_1002, %parallel_loop3A_1003 : vector<16xf32>
          %parallel_loop3A_1009 = arith.maximumf %parallel_loop3A_1004, %parallel_loop3A_1005 : vector<16xf32>
          %parallel_loop3A_1010 = arith.maximumf %parallel_loop3A_1006, %parallel_loop3A_1007 : vector<16xf32>
          %parallel_loop3A_1011 = arith.maximumf %parallel_loop3A_1008, %parallel_loop3A_1009 : vector<16xf32>
          %parallel_loop3A_1012 = arith.maximumf %parallel_loop3A_1010, %parallel_loop3A_1011 : vector<16xf32>
          %parallel_loop3A_1013 = arith.constant 16 : i32
          %parallel_loop3A_1014 = arith.muli %parallel_loop3A_928, %parallel_loop3A_1013 : i32
          %parallel_loop3A_1015 = arith.index_cast %parallel_loop3A_1014 : i32 to index
          %parallel_loop3A_1016 = tpu.vector_load %arg6[%parallel_loop3A_1015] {strides = array<i32>} : memref<2048xf32, #tpu.memory_space<vmem>>, vector<16xf32>,
          tpu.vector_store %arg6[%parallel_loop3A_1015], %parallel_loop3A_1012 {strides = array<i32>} : memref<2048xf32, #tpu.memory_space<vmem>>, vector<16xf32>,
          %parallel_loop3A_1017 = arith.maximumf %parallel_loop3A_929, %parallel_loop3A_1012 : vector<16xf32>
          scf.yield %parallel_loop3A_1017 : vector<16xf32>
        } {sc.loop_unroll_factor = 2 : i64, sc.parallel_access}
        %dma_wait3A_900 = arith.constant 16384 : i32
        %dma_wait3A_901 = tpu.memref_slice %arg5[%dma_wait3A_900] : memref<65536xf32, #tpu.memory_space<vmem>> -> memref<8192xf32, #tpu.memory_space<vmem>>
        %dma_wait3A_902 = arith.constant 16384 : i32
        %dma_wait3A_903 = tpu.memref_slice %arg2[%mul3A_2, %dma_wait3A_902] : memref<128x32768xf32, #tpu.memory_space<hbm>> -> memref<1x8192xf32, #tpu.memory_space<hbm>>
        %dma_wait3A_904 = tpu.memref_squeeze %dma_wait3A_903 : memref<1x8192xf32, #tpu.memory_space<hbm>> -> memref<8192xf32, #tpu.memory_space<hbm>>
        %dma_wait3A_905 = arith.constant 16384 : i32
        %dma_wait3A_906 = tpu.memref_slice %arg5[%dma_wait3A_905] : memref<65536xf32, #tpu.memory_space<vmem>> -> memref<8192xf32, #tpu.memory_space<vmem>>
        %dma_wait3A_907 = arith.constant 16384 : i32
        %dma_wait3A_908 = tpu.memref_slice %arg2[%mul3A_2, %dma_wait3A_907] : memref<128x32768xf32, #tpu.memory_space<hbm>> -> memref<1x8192xf32, #tpu.memory_space<hbm>>
        %dma_wait3A_909 = tpu.memref_squeeze %dma_wait3A_908 : memref<1x8192xf32, #tpu.memory_space<hbm>> -> memref<8192xf32, #tpu.memory_space<hbm>>
        tpu.wait_dma2 semaphore(%arg14 : memref<!tpu.dma_semaphore, #tpu.memory_space<semaphore_mem>>) src(%dma_wait3A_909 : memref<8192xf32, #tpu.memory_space<hbm>>) dst(%dma_wait3A_906 : memref<8192xf32, #tpu.memory_space<vmem>>)
        %parallel_loop3A_910 = arith.constant 64 : i32
        %parallel_loop3A_911 = arith.constant 96 : i32
        %parallel_loop3A_912 = arith.constant 1 : i32
        %parallel_loop3A_913 = scf.for %parallel_loop3A_928 = %parallel_loop3A_910 to %parallel_loop3A_911 step %parallel_loop3A_912 iter_args(%parallel_loop3A_929 = %parallel_loop3A_899) -> (vector<16xf32>)  : i32 {
          %parallel_loop3A_930 = arith.constant 256 : i32
          %parallel_loop3A_931 = arith.muli %parallel_loop3A_928, %parallel_loop3A_930 : i32
          %parallel_loop3A_932 = arith.constant 0 : i32
          %parallel_loop3A_933 = arith.addi %parallel_loop3A_932, %parallel_loop3A_931 : i32
          %parallel_loop3A_934 = arith.constant 0 : i32
          %parallel_loop3A_935 = arith.addi %parallel_loop3A_933, %parallel_loop3A_934 : i32
          %parallel_loop3A_936 = arith.index_cast %parallel_loop3A_935 : i32 to index
          %parallel_loop3A_937 = tpu.vector_load %arg5[%parallel_loop3A_936] {strides = array<i32>} : memref<65536xf32, #tpu.memory_space<vmem>>, vector<16xf32>,
          %parallel_loop3A_938 = arith.constant 16 : i32
          %parallel_loop3A_939 = arith.addi %parallel_loop3A_933, %parallel_loop3A_938 : i32
          %parallel_loop3A_940 = arith.index_cast %parallel_loop3A_939 : i32 to index
          %parallel_loop3A_941 = tpu.vector_load %arg5[%parallel_loop3A_940] {strides = array<i32>} : memref<65536xf32, #tpu.memory_space<vmem>>, vector<16xf32>,
          %parallel_loop3A_942 = arith.constant 32 : i32
          %parallel_loop3A_943 = arith.addi %parallel_loop3A_933, %parallel_loop3A_942 : i32
          %parallel_loop3A_944 = arith.index_cast %parallel_loop3A_943 : i32 to index
          %parallel_loop3A_945 = tpu.vector_load %arg5[%parallel_loop3A_944] {strides = array<i32>} : memref<65536xf32, #tpu.memory_space<vmem>>, vector<16xf32>,
          %parallel_loop3A_946 = arith.constant 48 : i32
          %parallel_loop3A_947 = arith.addi %parallel_loop3A_933, %parallel_loop3A_946 : i32
          %parallel_loop3A_948 = arith.index_cast %parallel_loop3A_947 : i32 to index
          %parallel_loop3A_949 = tpu.vector_load %arg5[%parallel_loop3A_948] {strides = array<i32>} : memref<65536xf32, #tpu.memory_space<vmem>>, vector<16xf32>,
          %parallel_loop3A_950 = arith.constant 64 : i32
          %parallel_loop3A_951 = arith.addi %parallel_loop3A_933, %parallel_loop3A_950 : i32
          %parallel_loop3A_952 = arith.index_cast %parallel_loop3A_951 : i32 to index
          %parallel_loop3A_953 = tpu.vector_load %arg5[%parallel_loop3A_952] {strides = array<i32>} : memref<65536xf32, #tpu.memory_space<vmem>>, vector<16xf32>,
          %parallel_loop3A_954 = arith.constant 80 : i32
          %parallel_loop3A_955 = arith.addi %parallel_loop3A_933, %parallel_loop3A_954 : i32
          %parallel_loop3A_956 = arith.index_cast %parallel_loop3A_955 : i32 to index
          %parallel_loop3A_957 = tpu.vector_load %arg5[%parallel_loop3A_956] {strides = array<i32>} : memref<65536xf32, #tpu.memory_space<vmem>>, vector<16xf32>,
          %parallel_loop3A_958 = arith.constant 96 : i32
          %parallel_loop3A_959 = arith.addi %parallel_loop3A_933, %parallel_loop3A_958 : i32
          %parallel_loop3A_960 = arith.index_cast %parallel_loop3A_959 : i32 to index
          %parallel_loop3A_961 = tpu.vector_load %arg5[%parallel_loop3A_960] {strides = array<i32>} : memref<65536xf32, #tpu.memory_space<vmem>>, vector<16xf32>,
          %parallel_loop3A_962 = arith.constant 112 : i32
          %parallel_loop3A_963 = arith.addi %parallel_loop3A_933, %parallel_loop3A_962 : i32
          %parallel_loop3A_964 = arith.index_cast %parallel_loop3A_963 : i32 to index
          %parallel_loop3A_965 = tpu.vector_load %arg5[%parallel_loop3A_964] {strides = array<i32>} : memref<65536xf32, #tpu.memory_space<vmem>>, vector<16xf32>,
          %parallel_loop3A_966 = arith.constant 128 : i32
          %parallel_loop3A_967 = arith.addi %parallel_loop3A_933, %parallel_loop3A_966 : i32
          %parallel_loop3A_968 = arith.index_cast %parallel_loop3A_967 : i32 to index
          %parallel_loop3A_969 = tpu.vector_load %arg5[%parallel_loop3A_968] {strides = array<i32>} : memref<65536xf32, #tpu.memory_space<vmem>>, vector<16xf32>,
          %parallel_loop3A_970 = arith.constant 144 : i32
          %parallel_loop3A_971 = arith.addi %parallel_loop3A_933, %parallel_loop3A_970 : i32
          %parallel_loop3A_972 = arith.index_cast %parallel_loop3A_971 : i32 to index
          %parallel_loop3A_973 = tpu.vector_load %arg5[%parallel_loop3A_972] {strides = array<i32>} : memref<65536xf32, #tpu.memory_space<vmem>>, vector<16xf32>,
          %parallel_loop3A_974 = arith.constant 160 : i32
          %parallel_loop3A_975 = arith.addi %parallel_loop3A_933, %parallel_loop3A_974 : i32
          %parallel_loop3A_976 = arith.index_cast %parallel_loop3A_975 : i32 to index
          %parallel_loop3A_977 = tpu.vector_load %arg5[%parallel_loop3A_976] {strides = array<i32>} : memref<65536xf32, #tpu.memory_space<vmem>>, vector<16xf32>,
          %parallel_loop3A_978 = arith.constant 176 : i32
          %parallel_loop3A_979 = arith.addi %parallel_loop3A_933, %parallel_loop3A_978 : i32
          %parallel_loop3A_980 = arith.index_cast %parallel_loop3A_979 : i32 to index
          %parallel_loop3A_981 = tpu.vector_load %arg5[%parallel_loop3A_980] {strides = array<i32>} : memref<65536xf32, #tpu.memory_space<vmem>>, vector<16xf32>,
          %parallel_loop3A_982 = arith.constant 192 : i32
          %parallel_loop3A_983 = arith.addi %parallel_loop3A_933, %parallel_loop3A_982 : i32
          %parallel_loop3A_984 = arith.index_cast %parallel_loop3A_983 : i32 to index
          %parallel_loop3A_985 = tpu.vector_load %arg5[%parallel_loop3A_984] {strides = array<i32>} : memref<65536xf32, #tpu.memory_space<vmem>>, vector<16xf32>,
          %parallel_loop3A_986 = arith.constant 208 : i32
          %parallel_loop3A_987 = arith.addi %parallel_loop3A_933, %parallel_loop3A_986 : i32
          %parallel_loop3A_988 = arith.index_cast %parallel_loop3A_987 : i32 to index
          %parallel_loop3A_989 = tpu.vector_load %arg5[%parallel_loop3A_988] {strides = array<i32>} : memref<65536xf32, #tpu.memory_space<vmem>>, vector<16xf32>,
          %parallel_loop3A_990 = arith.constant 224 : i32
          %parallel_loop3A_991 = arith.addi %parallel_loop3A_933, %parallel_loop3A_990 : i32
          %parallel_loop3A_992 = arith.index_cast %parallel_loop3A_991 : i32 to index
          %parallel_loop3A_993 = tpu.vector_load %arg5[%parallel_loop3A_992] {strides = array<i32>} : memref<65536xf32, #tpu.memory_space<vmem>>, vector<16xf32>,
          %parallel_loop3A_994 = arith.constant 240 : i32
          %parallel_loop3A_995 = arith.addi %parallel_loop3A_933, %parallel_loop3A_994 : i32
          %parallel_loop3A_996 = arith.index_cast %parallel_loop3A_995 : i32 to index
          %parallel_loop3A_997 = tpu.vector_load %arg5[%parallel_loop3A_996] {strides = array<i32>} : memref<65536xf32, #tpu.memory_space<vmem>>, vector<16xf32>,
          %parallel_loop3A_998 = arith.maximumf %parallel_loop3A_937, %parallel_loop3A_941 : vector<16xf32>
          %parallel_loop3A_999 = arith.maximumf %parallel_loop3A_945, %parallel_loop3A_949 : vector<16xf32>
          %parallel_loop3A_1000 = arith.maximumf %parallel_loop3A_953, %parallel_loop3A_957 : vector<16xf32>
          %parallel_loop3A_1001 = arith.maximumf %parallel_loop3A_961, %parallel_loop3A_965 : vector<16xf32>
          %parallel_loop3A_1002 = arith.maximumf %parallel_loop3A_969, %parallel_loop3A_973 : vector<16xf32>
          %parallel_loop3A_1003 = arith.maximumf %parallel_loop3A_977, %parallel_loop3A_981 : vector<16xf32>
          %parallel_loop3A_1004 = arith.maximumf %parallel_loop3A_985, %parallel_loop3A_989 : vector<16xf32>
          %parallel_loop3A_1005 = arith.maximumf %parallel_loop3A_993, %parallel_loop3A_997 : vector<16xf32>
          %parallel_loop3A_1006 = arith.maximumf %parallel_loop3A_998, %parallel_loop3A_999 : vector<16xf32>
          %parallel_loop3A_1007 = arith.maximumf %parallel_loop3A_1000, %parallel_loop3A_1001 : vector<16xf32>
          %parallel_loop3A_1008 = arith.maximumf %parallel_loop3A_1002, %parallel_loop3A_1003 : vector<16xf32>
          %parallel_loop3A_1009 = arith.maximumf %parallel_loop3A_1004, %parallel_loop3A_1005 : vector<16xf32>
          %parallel_loop3A_1010 = arith.maximumf %parallel_loop3A_1006, %parallel_loop3A_1007 : vector<16xf32>
          %parallel_loop3A_1011 = arith.maximumf %parallel_loop3A_1008, %parallel_loop3A_1009 : vector<16xf32>
          %parallel_loop3A_1012 = arith.maximumf %parallel_loop3A_1010, %parallel_loop3A_1011 : vector<16xf32>
          %parallel_loop3A_1013 = arith.constant 16 : i32
          %parallel_loop3A_1014 = arith.muli %parallel_loop3A_928, %parallel_loop3A_1013 : i32
          %parallel_loop3A_1015 = arith.index_cast %parallel_loop3A_1014 : i32 to index
          %parallel_loop3A_1016 = tpu.vector_load %arg6[%parallel_loop3A_1015] {strides = array<i32>} : memref<2048xf32, #tpu.memory_space<vmem>>, vector<16xf32>,
          tpu.vector_store %arg6[%parallel_loop3A_1015], %parallel_loop3A_1012 {strides = array<i32>} : memref<2048xf32, #tpu.memory_space<vmem>>, vector<16xf32>,
          %parallel_loop3A_1017 = arith.maximumf %parallel_loop3A_929, %parallel_loop3A_1012 : vector<16xf32>
          scf.yield %parallel_loop3A_1017 : vector<16xf32>
        } {sc.loop_unroll_factor = 2 : i64, sc.parallel_access}
        %dma_wait3A_914 = arith.constant 24576 : i32
        %dma_wait3A_915 = tpu.memref_slice %arg5[%dma_wait3A_914] : memref<65536xf32, #tpu.memory_space<vmem>> -> memref<8192xf32, #tpu.memory_space<vmem>>
        %dma_wait3A_916 = arith.constant 24576 : i32
        %dma_wait3A_917 = tpu.memref_slice %arg2[%mul3A_2, %dma_wait3A_916] : memref<128x32768xf32, #tpu.memory_space<hbm>> -> memref<1x8192xf32, #tpu.memory_space<hbm>>
        %dma_wait3A_918 = tpu.memref_squeeze %dma_wait3A_917 : memref<1x8192xf32, #tpu.memory_space<hbm>> -> memref<8192xf32, #tpu.memory_space<hbm>>
        %dma_wait3A_919 = arith.constant 24576 : i32
        %dma_wait3A_920 = tpu.memref_slice %arg5[%dma_wait3A_919] : memref<65536xf32, #tpu.memory_space<vmem>> -> memref<8192xf32, #tpu.memory_space<vmem>>
        %dma_wait3A_921 = arith.constant 24576 : i32
        %dma_wait3A_922 = tpu.memref_slice %arg2[%mul3A_2, %dma_wait3A_921] : memref<128x32768xf32, #tpu.memory_space<hbm>> -> memref<1x8192xf32, #tpu.memory_space<hbm>>
        %dma_wait3A_923 = tpu.memref_squeeze %dma_wait3A_922 : memref<1x8192xf32, #tpu.memory_space<hbm>> -> memref<8192xf32, #tpu.memory_space<hbm>>
        tpu.wait_dma2 semaphore(%arg15 : memref<!tpu.dma_semaphore, #tpu.memory_space<semaphore_mem>>) src(%dma_wait3A_923 : memref<8192xf32, #tpu.memory_space<hbm>>) dst(%dma_wait3A_920 : memref<8192xf32, #tpu.memory_space<vmem>>)
        %parallel_loop3A_924 = arith.constant 96 : i32
        %parallel_loop3A_925 = arith.constant 128 : i32
        %parallel_loop3A_926 = arith.constant 1 : i32
        %parallel_loop3A_927 = scf.for %parallel_loop3A_928 = %parallel_loop3A_924 to %parallel_loop3A_925 step %parallel_loop3A_926 iter_args(%parallel_loop3A_929 = %parallel_loop3A_913) -> (vector<16xf32>)  : i32 {
          %parallel_loop3A_930 = arith.constant 256 : i32
          %parallel_loop3A_931 = arith.muli %parallel_loop3A_928, %parallel_loop3A_930 : i32
          %parallel_loop3A_932 = arith.constant 0 : i32
          %parallel_loop3A_933 = arith.addi %parallel_loop3A_932, %parallel_loop3A_931 : i32
          %parallel_loop3A_934 = arith.constant 0 : i32
          %parallel_loop3A_935 = arith.addi %parallel_loop3A_933, %parallel_loop3A_934 : i32
          %parallel_loop3A_936 = arith.index_cast %parallel_loop3A_935 : i32 to index
          %parallel_loop3A_937 = tpu.vector_load %arg5[%parallel_loop3A_936] {strides = array<i32>} : memref<65536xf32, #tpu.memory_space<vmem>>, vector<16xf32>,
          %parallel_loop3A_938 = arith.constant 16 : i32
          %parallel_loop3A_939 = arith.addi %parallel_loop3A_933, %parallel_loop3A_938 : i32
          %parallel_loop3A_940 = arith.index_cast %parallel_loop3A_939 : i32 to index
          %parallel_loop3A_941 = tpu.vector_load %arg5[%parallel_loop3A_940] {strides = array<i32>} : memref<65536xf32, #tpu.memory_space<vmem>>, vector<16xf32>,
          %parallel_loop3A_942 = arith.constant 32 : i32
          %parallel_loop3A_943 = arith.addi %parallel_loop3A_933, %parallel_loop3A_942 : i32
          %parallel_loop3A_944 = arith.index_cast %parallel_loop3A_943 : i32 to index
          %parallel_loop3A_945 = tpu.vector_load %arg5[%parallel_loop3A_944] {strides = array<i32>} : memref<65536xf32, #tpu.memory_space<vmem>>, vector<16xf32>,
          %parallel_loop3A_946 = arith.constant 48 : i32
          %parallel_loop3A_947 = arith.addi %parallel_loop3A_933, %parallel_loop3A_946 : i32
          %parallel_loop3A_948 = arith.index_cast %parallel_loop3A_947 : i32 to index
          %parallel_loop3A_949 = tpu.vector_load %arg5[%parallel_loop3A_948] {strides = array<i32>} : memref<65536xf32, #tpu.memory_space<vmem>>, vector<16xf32>,
          %parallel_loop3A_950 = arith.constant 64 : i32
          %parallel_loop3A_951 = arith.addi %parallel_loop3A_933, %parallel_loop3A_950 : i32
          %parallel_loop3A_952 = arith.index_cast %parallel_loop3A_951 : i32 to index
          %parallel_loop3A_953 = tpu.vector_load %arg5[%parallel_loop3A_952] {strides = array<i32>} : memref<65536xf32, #tpu.memory_space<vmem>>, vector<16xf32>,
          %parallel_loop3A_954 = arith.constant 80 : i32
          %parallel_loop3A_955 = arith.addi %parallel_loop3A_933, %parallel_loop3A_954 : i32
          %parallel_loop3A_956 = arith.index_cast %parallel_loop3A_955 : i32 to index
          %parallel_loop3A_957 = tpu.vector_load %arg5[%parallel_loop3A_956] {strides = array<i32>} : memref<65536xf32, #tpu.memory_space<vmem>>, vector<16xf32>,
          %parallel_loop3A_958 = arith.constant 96 : i32
          %parallel_loop3A_959 = arith.addi %parallel_loop3A_933, %parallel_loop3A_958 : i32
          %parallel_loop3A_960 = arith.index_cast %parallel_loop3A_959 : i32 to index
          %parallel_loop3A_961 = tpu.vector_load %arg5[%parallel_loop3A_960] {strides = array<i32>} : memref<65536xf32, #tpu.memory_space<vmem>>, vector<16xf32>,
          %parallel_loop3A_962 = arith.constant 112 : i32
          %parallel_loop3A_963 = arith.addi %parallel_loop3A_933, %parallel_loop3A_962 : i32
          %parallel_loop3A_964 = arith.index_cast %parallel_loop3A_963 : i32 to index
          %parallel_loop3A_965 = tpu.vector_load %arg5[%parallel_loop3A_964] {strides = array<i32>} : memref<65536xf32, #tpu.memory_space<vmem>>, vector<16xf32>,
          %parallel_loop3A_966 = arith.constant 128 : i32
          %parallel_loop3A_967 = arith.addi %parallel_loop3A_933, %parallel_loop3A_966 : i32
          %parallel_loop3A_968 = arith.index_cast %parallel_loop3A_967 : i32 to index
          %parallel_loop3A_969 = tpu.vector_load %arg5[%parallel_loop3A_968] {strides = array<i32>} : memref<65536xf32, #tpu.memory_space<vmem>>, vector<16xf32>,
          %parallel_loop3A_970 = arith.constant 144 : i32
          %parallel_loop3A_971 = arith.addi %parallel_loop3A_933, %parallel_loop3A_970 : i32
          %parallel_loop3A_972 = arith.index_cast %parallel_loop3A_971 : i32 to index
          %parallel_loop3A_973 = tpu.vector_load %arg5[%parallel_loop3A_972] {strides = array<i32>} : memref<65536xf32, #tpu.memory_space<vmem>>, vector<16xf32>,
          %parallel_loop3A_974 = arith.constant 160 : i32
          %parallel_loop3A_975 = arith.addi %parallel_loop3A_933, %parallel_loop3A_974 : i32
          %parallel_loop3A_976 = arith.index_cast %parallel_loop3A_975 : i32 to index
          %parallel_loop3A_977 = tpu.vector_load %arg5[%parallel_loop3A_976] {strides = array<i32>} : memref<65536xf32, #tpu.memory_space<vmem>>, vector<16xf32>,
          %parallel_loop3A_978 = arith.constant 176 : i32
          %parallel_loop3A_979 = arith.addi %parallel_loop3A_933, %parallel_loop3A_978 : i32
          %parallel_loop3A_980 = arith.index_cast %parallel_loop3A_979 : i32 to index
          %parallel_loop3A_981 = tpu.vector_load %arg5[%parallel_loop3A_980] {strides = array<i32>} : memref<65536xf32, #tpu.memory_space<vmem>>, vector<16xf32>,
          %parallel_loop3A_982 = arith.constant 192 : i32
          %parallel_loop3A_983 = arith.addi %parallel_loop3A_933, %parallel_loop3A_982 : i32
          %parallel_loop3A_984 = arith.index_cast %parallel_loop3A_983 : i32 to index
          %parallel_loop3A_985 = tpu.vector_load %arg5[%parallel_loop3A_984] {strides = array<i32>} : memref<65536xf32, #tpu.memory_space<vmem>>, vector<16xf32>,
          %parallel_loop3A_986 = arith.constant 208 : i32
          %parallel_loop3A_987 = arith.addi %parallel_loop3A_933, %parallel_loop3A_986 : i32
          %parallel_loop3A_988 = arith.index_cast %parallel_loop3A_987 : i32 to index
          %parallel_loop3A_989 = tpu.vector_load %arg5[%parallel_loop3A_988] {strides = array<i32>} : memref<65536xf32, #tpu.memory_space<vmem>>, vector<16xf32>,
          %parallel_loop3A_990 = arith.constant 224 : i32
          %parallel_loop3A_991 = arith.addi %parallel_loop3A_933, %parallel_loop3A_990 : i32
          %parallel_loop3A_992 = arith.index_cast %parallel_loop3A_991 : i32 to index
          %parallel_loop3A_993 = tpu.vector_load %arg5[%parallel_loop3A_992] {strides = array<i32>} : memref<65536xf32, #tpu.memory_space<vmem>>, vector<16xf32>,
          %parallel_loop3A_994 = arith.constant 240 : i32
          %parallel_loop3A_995 = arith.addi %parallel_loop3A_933, %parallel_loop3A_994 : i32
          %parallel_loop3A_996 = arith.index_cast %parallel_loop3A_995 : i32 to index
          %parallel_loop3A_997 = tpu.vector_load %arg5[%parallel_loop3A_996] {strides = array<i32>} : memref<65536xf32, #tpu.memory_space<vmem>>, vector<16xf32>,
          %parallel_loop3A_998 = arith.maximumf %parallel_loop3A_937, %parallel_loop3A_941 : vector<16xf32>
          %parallel_loop3A_999 = arith.maximumf %parallel_loop3A_945, %parallel_loop3A_949 : vector<16xf32>
          %parallel_loop3A_1000 = arith.maximumf %parallel_loop3A_953, %parallel_loop3A_957 : vector<16xf32>
          %parallel_loop3A_1001 = arith.maximumf %parallel_loop3A_961, %parallel_loop3A_965 : vector<16xf32>
          %parallel_loop3A_1002 = arith.maximumf %parallel_loop3A_969, %parallel_loop3A_973 : vector<16xf32>
          %parallel_loop3A_1003 = arith.maximumf %parallel_loop3A_977, %parallel_loop3A_981 : vector<16xf32>
          %parallel_loop3A_1004 = arith.maximumf %parallel_loop3A_985, %parallel_loop3A_989 : vector<16xf32>
          %parallel_loop3A_1005 = arith.maximumf %parallel_loop3A_993, %parallel_loop3A_997 : vector<16xf32>
          %parallel_loop3A_1006 = arith.maximumf %parallel_loop3A_998, %parallel_loop3A_999 : vector<16xf32>
          %parallel_loop3A_1007 = arith.maximumf %parallel_loop3A_1000, %parallel_loop3A_1001 : vector<16xf32>
          %parallel_loop3A_1008 = arith.maximumf %parallel_loop3A_1002, %parallel_loop3A_1003 : vector<16xf32>
          %parallel_loop3A_1009 = arith.maximumf %parallel_loop3A_1004, %parallel_loop3A_1005 : vector<16xf32>
          %parallel_loop3A_1010 = arith.maximumf %parallel_loop3A_1006, %parallel_loop3A_1007 : vector<16xf32>
          %parallel_loop3A_1011 = arith.maximumf %parallel_loop3A_1008, %parallel_loop3A_1009 : vector<16xf32>
          %parallel_loop3A_1012 = arith.maximumf %parallel_loop3A_1010, %parallel_loop3A_1011 : vector<16xf32>
          %parallel_loop3A_1013 = arith.constant 16 : i32
          %parallel_loop3A_1014 = arith.muli %parallel_loop3A_928, %parallel_loop3A_1013 : i32
          %parallel_loop3A_1015 = arith.index_cast %parallel_loop3A_1014 : i32 to index
          %parallel_loop3A_1016 = tpu.vector_load %arg6[%parallel_loop3A_1015] {strides = array<i32>} : memref<2048xf32, #tpu.memory_space<vmem>>, vector<16xf32>,
          tpu.vector_store %arg6[%parallel_loop3A_1015], %parallel_loop3A_1012 {strides = array<i32>} : memref<2048xf32, #tpu.memory_space<vmem>>, vector<16xf32>,
          %parallel_loop3A_1017 = arith.maximumf %parallel_loop3A_929, %parallel_loop3A_1012 : vector<16xf32>
          scf.yield %parallel_loop3A_1017 : vector<16xf32>
        } {sc.loop_unroll_factor = 2 : i64, sc.parallel_access}
        scf.yield %parallel_loop3A_927 : vector<16xf32>
      } else {
        %dma_wait3A_872 = arith.constant 0 : i32
        %dma_wait3A_873 = tpu.memref_slice %arg5[%dma_wait3A_872] : memref<65536xf32, #tpu.memory_space<vmem>> -> memref<32768xf32, #tpu.memory_space<vmem>>
        %dma_wait3A_874 = arith.constant 0 : i32
        %dma_wait3A_875 = tpu.memref_slice %arg2[%add3A_56, %dma_wait3A_874] : memref<128x32768xf32, #tpu.memory_space<hbm>> -> memref<1x32768xf32, #tpu.memory_space<hbm>>
        %dma_wait3A_876 = tpu.memref_squeeze %dma_wait3A_875 : memref<1x32768xf32, #tpu.memory_space<hbm>> -> memref<32768xf32, #tpu.memory_space<hbm>>
        %dma_wait3A_877 = arith.constant 0 : i32
        %dma_wait3A_878 = tpu.memref_slice %arg5[%dma_wait3A_877] : memref<65536xf32, #tpu.memory_space<vmem>> -> memref<32768xf32, #tpu.memory_space<vmem>>
        %dma_wait3A_879 = arith.constant 0 : i32
        %dma_wait3A_880 = tpu.memref_slice %arg2[%add3A_56, %dma_wait3A_879] : memref<128x32768xf32, #tpu.memory_space<hbm>> -> memref<1x32768xf32, #tpu.memory_space<hbm>>
        %dma_wait3A_881 = tpu.memref_squeeze %dma_wait3A_880 : memref<1x32768xf32, #tpu.memory_space<hbm>> -> memref<32768xf32, #tpu.memory_space<hbm>>
        tpu.wait_dma2 semaphore(%arg10 : memref<!tpu.dma_semaphore, #tpu.memory_space<semaphore_mem>>) src(%dma_wait3A_881 : memref<32768xf32, #tpu.memory_space<hbm>>) dst(%dma_wait3A_878 : memref<32768xf32, #tpu.memory_space<vmem>>)
        %parallel_loop3A_882 = arith.constant 0 : i32
        %parallel_loop3A_883 = arith.constant 128 : i32
        %parallel_loop3A_884 = arith.constant 1 : i32
        %parallel_loop3A_885 = scf.for %parallel_loop3A_886 = %parallel_loop3A_882 to %parallel_loop3A_883 step %parallel_loop3A_884 iter_args(%parallel_loop3A_887 = %broadcast_in_dim3A_3) -> (vector<16xf32>)  : i32 {
          %parallel_loop3A_888 = arith.constant 256 : i32
          %parallel_loop3A_889 = arith.muli %parallel_loop3A_886, %parallel_loop3A_888 : i32
          %parallel_loop3A_890 = arith.constant 0 : i32
          %parallel_loop3A_891 = arith.addi %parallel_loop3A_890, %parallel_loop3A_889 : i32
          %parallel_loop3A_892 = arith.constant 0 : i32
          %parallel_loop3A_893 = arith.addi %parallel_loop3A_891, %parallel_loop3A_892 : i32
          %parallel_loop3A_894 = arith.index_cast %parallel_loop3A_893 : i32 to index
          %parallel_loop3A_895 = tpu.vector_load %arg5[%parallel_loop3A_894] {strides = array<i32>} : memref<65536xf32, #tpu.memory_space<vmem>>, vector<16xf32>,
          %parallel_loop3A_896 = arith.constant 16 : i32
          %parallel_loop3A_897 = arith.addi %parallel_loop3A_891, %parallel_loop3A_896 : i32
          %parallel_loop3A_898 = arith.index_cast %parallel_loop3A_897 : i32 to index
          %parallel_loop3A_899 = tpu.vector_load %arg5[%parallel_loop3A_898] {strides = array<i32>} : memref<65536xf32, #tpu.memory_space<vmem>>, vector<16xf32>,
          %parallel_loop3A_900 = arith.constant 32 : i32
          %parallel_loop3A_901 = arith.addi %parallel_loop3A_891, %parallel_loop3A_900 : i32
          %parallel_loop3A_902 = arith.index_cast %parallel_loop3A_901 : i32 to index
          %parallel_loop3A_903 = tpu.vector_load %arg5[%parallel_loop3A_902] {strides = array<i32>} : memref<65536xf32, #tpu.memory_space<vmem>>, vector<16xf32>,
          %parallel_loop3A_904 = arith.constant 48 : i32
          %parallel_loop3A_905 = arith.addi %parallel_loop3A_891, %parallel_loop3A_904 : i32
          %parallel_loop3A_906 = arith.index_cast %parallel_loop3A_905 : i32 to index
          %parallel_loop3A_907 = tpu.vector_load %arg5[%parallel_loop3A_906] {strides = array<i32>} : memref<65536xf32, #tpu.memory_space<vmem>>, vector<16xf32>,
          %parallel_loop3A_908 = arith.constant 64 : i32
          %parallel_loop3A_909 = arith.addi %parallel_loop3A_891, %parallel_loop3A_908 : i32
          %parallel_loop3A_910 = arith.index_cast %parallel_loop3A_909 : i32 to index
          %parallel_loop3A_911 = tpu.vector_load %arg5[%parallel_loop3A_910] {strides = array<i32>} : memref<65536xf32, #tpu.memory_space<vmem>>, vector<16xf32>,
          %parallel_loop3A_912 = arith.constant 80 : i32
          %parallel_loop3A_913 = arith.addi %parallel_loop3A_891, %parallel_loop3A_912 : i32
          %parallel_loop3A_914 = arith.index_cast %parallel_loop3A_913 : i32 to index
          %parallel_loop3A_915 = tpu.vector_load %arg5[%parallel_loop3A_914] {strides = array<i32>} : memref<65536xf32, #tpu.memory_space<vmem>>, vector<16xf32>,
          %parallel_loop3A_916 = arith.constant 96 : i32
          %parallel_loop3A_917 = arith.addi %parallel_loop3A_891, %parallel_loop3A_916 : i32
          %parallel_loop3A_918 = arith.index_cast %parallel_loop3A_917 : i32 to index
          %parallel_loop3A_919 = tpu.vector_load %arg5[%parallel_loop3A_918] {strides = array<i32>} : memref<65536xf32, #tpu.memory_space<vmem>>, vector<16xf32>,
          %parallel_loop3A_920 = arith.constant 112 : i32
          %parallel_loop3A_921 = arith.addi %parallel_loop3A_891, %parallel_loop3A_920 : i32
          %parallel_loop3A_922 = arith.index_cast %parallel_loop3A_921 : i32 to index
          %parallel_loop3A_923 = tpu.vector_load %arg5[%parallel_loop3A_922] {strides = array<i32>} : memref<65536xf32, #tpu.memory_space<vmem>>, vector<16xf32>,
          %parallel_loop3A_924 = arith.constant 128 : i32
          %parallel_loop3A_925 = arith.addi %parallel_loop3A_891, %parallel_loop3A_924 : i32
          %parallel_loop3A_926 = arith.index_cast %parallel_loop3A_925 : i32 to index
          %parallel_loop3A_927 = tpu.vector_load %arg5[%parallel_loop3A_926] {strides = array<i32>} : memref<65536xf32, #tpu.memory_space<vmem>>, vector<16xf32>,
          %parallel_loop3A_928 = arith.constant 144 : i32
          %parallel_loop3A_929 = arith.addi %parallel_loop3A_891, %parallel_loop3A_928 : i32
          %parallel_loop3A_930 = arith.index_cast %parallel_loop3A_929 : i32 to index
          %parallel_loop3A_931 = tpu.vector_load %arg5[%parallel_loop3A_930] {strides = array<i32>} : memref<65536xf32, #tpu.memory_space<vmem>>, vector<16xf32>,
          %parallel_loop3A_932 = arith.constant 160 : i32
          %parallel_loop3A_933 = arith.addi %parallel_loop3A_891, %parallel_loop3A_932 : i32
          %parallel_loop3A_934 = arith.index_cast %parallel_loop3A_933 : i32 to index
          %parallel_loop3A_935 = tpu.vector_load %arg5[%parallel_loop3A_934] {strides = array<i32>} : memref<65536xf32, #tpu.memory_space<vmem>>, vector<16xf32>,
          %parallel_loop3A_936 = arith.constant 176 : i32
          %parallel_loop3A_937 = arith.addi %parallel_loop3A_891, %parallel_loop3A_936 : i32
          %parallel_loop3A_938 = arith.index_cast %parallel_loop3A_937 : i32 to index
          %parallel_loop3A_939 = tpu.vector_load %arg5[%parallel_loop3A_938] {strides = array<i32>} : memref<65536xf32, #tpu.memory_space<vmem>>, vector<16xf32>,
          %parallel_loop3A_940 = arith.constant 192 : i32
          %parallel_loop3A_941 = arith.addi %parallel_loop3A_891, %parallel_loop3A_940 : i32
          %parallel_loop3A_942 = arith.index_cast %parallel_loop3A_941 : i32 to index
          %parallel_loop3A_943 = tpu.vector_load %arg5[%parallel_loop3A_942] {strides = array<i32>} : memref<65536xf32, #tpu.memory_space<vmem>>, vector<16xf32>,
          %parallel_loop3A_944 = arith.constant 208 : i32
          %parallel_loop3A_945 = arith.addi %parallel_loop3A_891, %parallel_loop3A_944 : i32
          %parallel_loop3A_946 = arith.index_cast %parallel_loop3A_945 : i32 to index
          %parallel_loop3A_947 = tpu.vector_load %arg5[%parallel_loop3A_946] {strides = array<i32>} : memref<65536xf32, #tpu.memory_space<vmem>>, vector<16xf32>,
          %parallel_loop3A_948 = arith.constant 224 : i32
          %parallel_loop3A_949 = arith.addi %parallel_loop3A_891, %parallel_loop3A_948 : i32
          %parallel_loop3A_950 = arith.index_cast %parallel_loop3A_949 : i32 to index
          %parallel_loop3A_951 = tpu.vector_load %arg5[%parallel_loop3A_950] {strides = array<i32>} : memref<65536xf32, #tpu.memory_space<vmem>>, vector<16xf32>,
          %parallel_loop3A_952 = arith.constant 240 : i32
          %parallel_loop3A_953 = arith.addi %parallel_loop3A_891, %parallel_loop3A_952 : i32
          %parallel_loop3A_954 = arith.index_cast %parallel_loop3A_953 : i32 to index
          %parallel_loop3A_955 = tpu.vector_load %arg5[%parallel_loop3A_954] {strides = array<i32>} : memref<65536xf32, #tpu.memory_space<vmem>>, vector<16xf32>,
          %parallel_loop3A_956 = arith.maximumf %parallel_loop3A_895, %parallel_loop3A_899 : vector<16xf32>
          %parallel_loop3A_957 = arith.maximumf %parallel_loop3A_903, %parallel_loop3A_907 : vector<16xf32>
          %parallel_loop3A_958 = arith.maximumf %parallel_loop3A_911, %parallel_loop3A_915 : vector<16xf32>
          %parallel_loop3A_959 = arith.maximumf %parallel_loop3A_919, %parallel_loop3A_923 : vector<16xf32>
          %parallel_loop3A_960 = arith.maximumf %parallel_loop3A_927, %parallel_loop3A_931 : vector<16xf32>
          %parallel_loop3A_961 = arith.maximumf %parallel_loop3A_935, %parallel_loop3A_939 : vector<16xf32>
          %parallel_loop3A_962 = arith.maximumf %parallel_loop3A_943, %parallel_loop3A_947 : vector<16xf32>
          %parallel_loop3A_963 = arith.maximumf %parallel_loop3A_951, %parallel_loop3A_955 : vector<16xf32>
          %parallel_loop3A_964 = arith.maximumf %parallel_loop3A_956, %parallel_loop3A_957 : vector<16xf32>
          %parallel_loop3A_965 = arith.maximumf %parallel_loop3A_958, %parallel_loop3A_959 : vector<16xf32>
          %parallel_loop3A_966 = arith.maximumf %parallel_loop3A_960, %parallel_loop3A_961 : vector<16xf32>
          %parallel_loop3A_967 = arith.maximumf %parallel_loop3A_962, %parallel_loop3A_963 : vector<16xf32>
          %parallel_loop3A_968 = arith.maximumf %parallel_loop3A_964, %parallel_loop3A_965 : vector<16xf32>
          %parallel_loop3A_969 = arith.maximumf %parallel_loop3A_966, %parallel_loop3A_967 : vector<16xf32>
          %parallel_loop3A_970 = arith.maximumf %parallel_loop3A_968, %parallel_loop3A_969 : vector<16xf32>
          %parallel_loop3A_971 = arith.constant 16 : i32
          %parallel_loop3A_972 = arith.muli %parallel_loop3A_886, %parallel_loop3A_971 : i32
          %parallel_loop3A_973 = arith.index_cast %parallel_loop3A_972 : i32 to index
          %parallel_loop3A_974 = tpu.vector_load %arg6[%parallel_loop3A_973] {strides = array<i32>} : memref<2048xf32, #tpu.memory_space<vmem>>, vector<16xf32>,
          tpu.vector_store %arg6[%parallel_loop3A_973], %parallel_loop3A_970 {strides = array<i32>} : memref<2048xf32, #tpu.memory_space<vmem>>, vector<16xf32>,
          %parallel_loop3A_975 = arith.maximumf %parallel_loop3A_887, %parallel_loop3A_970 : vector<16xf32>
          scf.yield %parallel_loop3A_975 : vector<16xf32>
        } {sc.loop_unroll_factor = 2 : i64, sc.parallel_access}
        scf.yield %parallel_loop3A_885 : vector<16xf32>
      }
      %mul3A_73 = arith.constant 2 : i32
      %mul3A_74 = arith.muli %mul3A_73, %scan3A_53 : i32
      %xor3A = arith.constant 8 : i32
      %xor3A_75 = vector.broadcast %xor3A : i32 to vector<16xi32>
      %xor3A_76 = arith.xori %iota3A, %xor3A_75 : vector<16xi32>
      %reshape3A = vector.shape_cast %xor3A_76 : vector<16xi32> to vector<16x1xi32>
      %gather3A = vector.shape_cast %reshape3A : vector<16x1xi32> to vector<16xi32>
      %gather3A_77 = tpu.dynamic_gather %cond3A_72[%gather3A] in [0] : vector<16xf32>, vector<16xi32> -> vector<16xf32>
      %max3A = arith.maximumf %cond3A_72, %gather3A_77 : vector<16xf32>
      %xor3A_78 = arith.constant 4 : i32
      %xor3A_79 = vector.broadcast %xor3A_78 : i32 to vector<16xi32>
      %xor3A_80 = arith.xori %iota3A, %xor3A_79 : vector<16xi32>
      %reshape3A_81 = vector.shape_cast %xor3A_80 : vector<16xi32> to vector<16x1xi32>
      %gather3A_82 = vector.shape_cast %reshape3A_81 : vector<16x1xi32> to vector<16xi32>
      %gather3A_83 = tpu.dynamic_gather %max3A[%gather3A_82] in [0] : vector<16xf32>, vector<16xi32> -> vector<16xf32>
      %max3A_84 = arith.maximumf %max3A, %gather3A_83 : vector<16xf32>
      %xor3A_85 = arith.constant 2 : i32
      %xor3A_86 = vector.broadcast %xor3A_85 : i32 to vector<16xi32>
      %xor3A_87 = arith.xori %iota3A, %xor3A_86 : vector<16xi32>
      %reshape3A_88 = vector.shape_cast %xor3A_87 : vector<16xi32> to vector<16x1xi32>
      %gather3A_89 = vector.shape_cast %reshape3A_88 : vector<16x1xi32> to vector<16xi32>
      %gather3A_90 = tpu.dynamic_gather %max3A_84[%gather3A_89] in [0] : vector<16xf32>, vector<16xi32> -> vector<16xf32>
      %max3A_91 = arith.maximumf %max3A_84, %gather3A_90 : vector<16xf32>
      %xor3A_92 = arith.constant 1 : i32
      %xor3A_93 = vector.broadcast %xor3A_92 : i32 to vector<16xi32>
      %xor3A_94 = arith.xori %iota3A, %xor3A_93 : vector<16xi32>
      %reshape3A_95 = vector.shape_cast %xor3A_94 : vector<16xi32> to vector<16x1xi32>
      %gather3A_96 = vector.shape_cast %reshape3A_95 : vector<16x1xi32> to vector<16xi32>
      %gather3A_97 = tpu.dynamic_gather %max3A_91[%gather3A_96] in [0] : vector<16xf32>, vector<16xi32> -> vector<16xf32>
      %max3A_98 = arith.maximumf %max3A_91, %gather3A_97 : vector<16xf32>
      %eq3A_99 = arith.cmpf oeq, %cond3A_72, %max3A_98 : vector<16xf32>
      %jit3A = arith.constant 0xFF800000 : f32
      %broadcast_in_dim3A_100 = vector.broadcast %jit3A : f32 to vector<16xf32>
      %select_n3A = arith.select %eq3A_99, %broadcast_in_dim3A_100, %cond3A_72 : vector<16xi1>, vector<16xf32>
      %xor3A_101 = arith.constant 8 : i32
      %xor3A_102 = vector.broadcast %xor3A_101 : i32 to vector<16xi32>
      %xor3A_103 = arith.xori %iota3A, %xor3A_102 : vector<16xi32>
      %reshape3A_104 = vector.shape_cast %xor3A_103 : vector<16xi32> to vector<16x1xi32>
      %gather3A_105 = vector.shape_cast %reshape3A_104 : vector<16x1xi32> to vector<16xi32>
      %gather3A_106 = tpu.dynamic_gather %select_n3A[%gather3A_105] in [0] : vector<16xf32>, vector<16xi32> -> vector<16xf32>
      %max3A_107 = arith.maximumf %select_n3A, %gather3A_106 : vector<16xf32>
      %xor3A_108 = arith.constant 4 : i32
      %xor3A_109 = vector.broadcast %xor3A_108 : i32 to vector<16xi32>
      %xor3A_110 = arith.xori %iota3A, %xor3A_109 : vector<16xi32>
      %reshape3A_111 = vector.shape_cast %xor3A_110 : vector<16xi32> to vector<16x1xi32>
      %gather3A_112 = vector.shape_cast %reshape3A_111 : vector<16x1xi32> to vector<16xi32>
      %gather3A_113 = tpu.dynamic_gather %max3A_107[%gather3A_112] in [0] : vector<16xf32>, vector<16xi32> -> vector<16xf32>
      %max3A_114 = arith.maximumf %max3A_107, %gather3A_113 : vector<16xf32>
      %xor3A_115 = arith.constant 2 : i32
      %xor3A_116 = vector.broadcast %xor3A_115 : i32 to vector<16xi32>
      %xor3A_117 = arith.xori %iota3A, %xor3A_116 : vector<16xi32>
      %reshape3A_118 = vector.shape_cast %xor3A_117 : vector<16xi32> to vector<16x1xi32>
      %gather3A_119 = vector.shape_cast %reshape3A_118 : vector<16x1xi32> to vector<16xi32>
      %gather3A_120 = tpu.dynamic_gather %max3A_114[%gather3A_119] in [0] : vector<16xf32>, vector<16xi32> -> vector<16xf32>
      %max3A_121 = arith.maximumf %max3A_114, %gather3A_120 : vector<16xf32>
      %xor3A_122 = arith.constant 1 : i32
      %xor3A_123 = vector.broadcast %xor3A_122 : i32 to vector<16xi32>
      %xor3A_124 = arith.xori %iota3A, %xor3A_123 : vector<16xi32>
      %reshape3A_125 = vector.shape_cast %xor3A_124 : vector<16xi32> to vector<16x1xi32>
      %gather3A_126 = vector.shape_cast %reshape3A_125 : vector<16x1xi32> to vector<16xi32>
      %gather3A_127 = tpu.dynamic_gather %max3A_121[%gather3A_126] in [0] : vector<16xf32>, vector<16xi32> -> vector<16xf32>
      %max3A_128 = arith.maximumf %max3A_121, %gather3A_127 : vector<16xf32>
      %eq3A_129 = arith.cmpf oeq, %select_n3A, %max3A_128 : vector<16xf32>
      %jit3A_130 = arith.constant 0xFF800000 : f32
      %broadcast_in_dim3A_131 = vector.broadcast %jit3A_130 : f32 to vector<16xf32>
      %select_n3A_132 = arith.select %eq3A_129, %broadcast_in_dim3A_131, %select_n3A : vector<16xi1>, vector<16xf32>
      %xor3A_133 = arith.constant 8 : i32
      %xor3A_134 = vector.broadcast %xor3A_133 : i32 to vector<16xi32>
      %xor3A_135 = arith.xori %iota3A, %xor3A_134 : vector<16xi32>
      %reshape3A_136 = vector.shape_cast %xor3A_135 : vector<16xi32> to vector<16x1xi32>
      %gather3A_137 = vector.shape_cast %reshape3A_136 : vector<16x1xi32> to vector<16xi32>
      %gather3A_138 = tpu.dynamic_gather %select_n3A_132[%gather3A_137] in [0] : vector<16xf32>, vector<16xi32> -> vector<16xf32>
      %max3A_139 = arith.maximumf %select_n3A_132, %gather3A_138 : vector<16xf32>
      %xor3A_140 = arith.constant 4 : i32
      %xor3A_141 = vector.broadcast %xor3A_140 : i32 to vector<16xi32>
      %xor3A_142 = arith.xori %iota3A, %xor3A_141 : vector<16xi32>
      %reshape3A_143 = vector.shape_cast %xor3A_142 : vector<16xi32> to vector<16x1xi32>
      %gather3A_144 = vector.shape_cast %reshape3A_143 : vector<16x1xi32> to vector<16xi32>
      %gather3A_145 = tpu.dynamic_gather %max3A_139[%gather3A_144] in [0] : vector<16xf32>, vector<16xi32> -> vector<16xf32>
      %max3A_146 = arith.maximumf %max3A_139, %gather3A_145 : vector<16xf32>
      %xor3A_147 = arith.constant 2 : i32
      %xor3A_148 = vector.broadcast %xor3A_147 : i32 to vector<16xi32>
      %xor3A_149 = arith.xori %iota3A, %xor3A_148 : vector<16xi32>
      %reshape3A_150 = vector.shape_cast %xor3A_149 : vector<16xi32> to vector<16x1xi32>
      %gather3A_151 = vector.shape_cast %reshape3A_150 : vector<16x1xi32> to vector<16xi32>
      %gather3A_152 = tpu.dynamic_gather %max3A_146[%gather3A_151] in [0] : vector<16xf32>, vector<16xi32> -> vector<16xf32>
      %max3A_153 = arith.maximumf %max3A_146, %gather3A_152 : vector<16xf32>
      %xor3A_154 = arith.constant 1 : i32
      %xor3A_155 = vector.broadcast %xor3A_154 : i32 to vector<16xi32>
      %xor3A_156 = arith.xori %iota3A, %xor3A_155 : vector<16xi32>
      %reshape3A_157 = vector.shape_cast %xor3A_156 : vector<16xi32> to vector<16x1xi32>
      %gather3A_158 = vector.shape_cast %reshape3A_157 : vector<16x1xi32> to vector<16xi32>
      %gather3A_159 = tpu.dynamic_gather %max3A_153[%gather3A_158] in [0] : vector<16xf32>, vector<16xi32> -> vector<16xf32>
      %max3A_160 = arith.maximumf %max3A_153, %gather3A_159 : vector<16xf32>
      %parallel_loop3A = arith.constant 0 : i32
      %parallel_loop3A_161 = arith.constant 128 : i32
      %parallel_loop3A_162 = arith.constant 1 : i32
      %parallel_loop3A_163 = scf.for %parallel_loop3A_872 = %parallel_loop3A to %parallel_loop3A_161 step %parallel_loop3A_162 iter_args(%parallel_loop3A_873 = %broadcast_in_dim3A_5) -> (vector<16xi32>)  : i32 {
        %parallel_loop3A_874 = arith.constant 16 : i32
        %parallel_loop3A_875 = arith.muli %parallel_loop3A_872, %parallel_loop3A_874 : i32
        %parallel_loop3A_876 = arith.index_cast %parallel_loop3A_875 : i32 to index
        %parallel_loop3A_877 = tpu.vector_load %arg6[%parallel_loop3A_876] {strides = array<i32>} : memref<2048xf32, #tpu.memory_space<vmem>>, vector<16xf32>,
        %parallel_loop3A_878 = arith.cmpf oge, %parallel_loop3A_877, %max3A_160 : vector<16xf32>
        %parallel_loop3A_879 = arith.constant 16 : i32
        %parallel_loop3A_880 = arith.muli %parallel_loop3A_872, %parallel_loop3A_879 : i32
        %parallel_loop3A_881 = vector.broadcast %parallel_loop3A_880 : i32 to vector<16xi32>
        %parallel_loop3A_882 = arith.addi %iota3A, %parallel_loop3A_881 : vector<16xi32>
        %parallel_loop3A_883 = arith.addi %mul3A_8, %parallel_loop3A_873 : vector<16xi32>
        tpu.vector_store_idx %arg7[%parallel_loop3A_883], %parallel_loop3A_882 masked %parallel_loop3A_878 : memref<2048xi32, #tpu.memory_space<vmem>>[vector<16xi32>], vector<16xi32>, vector<16xi1>
        %parallel_loop3A_884 = arith.constant 1 : i32
        %parallel_loop3A_885 = arith.constant 0 : i32
        %parallel_loop3A_886 = vector.broadcast %parallel_loop3A_884 : i32 to vector<16xi32>
        %parallel_loop3A_887 = vector.broadcast %parallel_loop3A_885 : i32 to vector<16xi32>
        %parallel_loop3A_888 = arith.select %parallel_loop3A_878, %parallel_loop3A_886, %parallel_loop3A_887 : vector<16xi1>, vector<16xi32>
        %parallel_loop3A_889 = arith.addi %parallel_loop3A_873, %parallel_loop3A_888 : vector<16xi32>
        scf.yield %parallel_loop3A_889 : vector<16xi32>
      } {sc.loop_unroll_factor = 4 : i64, sc.parallel_access}
      %xor3A_164 = arith.constant 8 : i32
      %xor3A_165 = vector.broadcast %xor3A_164 : i32 to vector<16xi32>
      %xor3A_166 = arith.xori %iota3A, %xor3A_165 : vector<16xi32>
      %reshape3A_167 = vector.shape_cast %xor3A_166 : vector<16xi32> to vector<16x1xi32>
      %gather3A_168 = vector.shape_cast %reshape3A_167 : vector<16x1xi32> to vector<16xi32>
      %gather3A_169 = tpu.dynamic_gather %parallel_loop3A_163[%gather3A_168] in [0] : vector<16xi32>, vector<16xi32> -> vector<16xi32>
      %max3A_170 = arith.maxsi %parallel_loop3A_163, %gather3A_169 : vector<16xi32>
      %xor3A_171 = arith.constant 4 : i32
      %xor3A_172 = vector.broadcast %xor3A_171 : i32 to vector<16xi32>
      %xor3A_173 = arith.xori %iota3A, %xor3A_172 : vector<16xi32>
      %reshape3A_174 = vector.shape_cast %xor3A_173 : vector<16xi32> to vector<16x1xi32>
      %gather3A_175 = vector.shape_cast %reshape3A_174 : vector<16x1xi32> to vector<16xi32>
      %gather3A_176 = tpu.dynamic_gather %max3A_170[%gather3A_175] in [0] : vector<16xi32>, vector<16xi32> -> vector<16xi32>
      %max3A_177 = arith.maxsi %max3A_170, %gather3A_176 : vector<16xi32>
      %xor3A_178 = arith.constant 2 : i32
      %xor3A_179 = vector.broadcast %xor3A_178 : i32 to vector<16xi32>
      %xor3A_180 = arith.xori %iota3A, %xor3A_179 : vector<16xi32>
      %reshape3A_181 = vector.shape_cast %xor3A_180 : vector<16xi32> to vector<16x1xi32>
      %gather3A_182 = vector.shape_cast %reshape3A_181 : vector<16x1xi32> to vector<16xi32>
      %gather3A_183 = tpu.dynamic_gather %max3A_177[%gather3A_182] in [0] : vector<16xi32>, vector<16xi32> -> vector<16xi32>
      %max3A_184 = arith.maxsi %max3A_177, %gather3A_183 : vector<16xi32>
      %xor3A_185 = arith.constant 1 : i32
      %xor3A_186 = vector.broadcast %xor3A_185 : i32 to vector<16xi32>
      %xor3A_187 = arith.xori %iota3A, %xor3A_186 : vector<16xi32>
      %reshape3A_188 = vector.shape_cast %xor3A_187 : vector<16xi32> to vector<16x1xi32>
      %gather3A_189 = vector.shape_cast %reshape3A_188 : vector<16x1xi32> to vector<16xi32>
      %gather3A_190 = tpu.dynamic_gather %max3A_184[%gather3A_189] in [0] : vector<16xi32>, vector<16xi32> -> vector<16xi32>
      %max3A_191 = arith.maxsi %max3A_184, %gather3A_190 : vector<16xi32>
      %slice3A = vector.extract_strided_slice %max3A_191 {offsets = [0], sizes = [1], strides = [1]} : vector<16xi32> to vector<1xi32>
      %squeeze3A = vector.extract %slice3A[0] : i32 from vector<1xi32>
      %while3A = arith.constant 0 : i32
      %while3A_192 = arith.subi %squeeze3A, %while3A : i32
      %while3A_193 = arith.addi %while3A, %while3A_192 : i32
      %while3A_194 = arith.constant 1 : i32
      %while3A_195 = arith.divsi %while3A_192, %while3A_194 : i32
      %while3A_196 = arith.muli %while3A_195, %while3A_194 : i32
      %while3A_197 = arith.addi %while3A, %while3A_196 : i32
      %while3A_198 = arith.constant 1 : i32
      %while3A_199:6 = scf.for %while3A_872 = %while3A to %while3A_197 step %while3A_198 iter_args(%while3A_873 = %broadcast_in_dim3A_3, %while3A_874 = %broadcast_in_dim3A_3, %while3A_875 = %broadcast_in_dim3A_3, %while3A_876 = %broadcast_in_dim3A_5, %while3A_877 = %broadcast_in_dim3A_5, %while3A_878 = %broadcast_in_dim3A_5) -> (vector<16xf32>, vector<16xf32>, vector<16xf32>, vector<16xi32>, vector<16xi32>, vector<16xi32>)  : i32 {
        %lt3A_879 = vector.broadcast %while3A_872 : i32 to vector<16xi32>
        %lt3A_880 = arith.cmpi slt, %lt3A_879, %parallel_loop3A_163 : vector<16xi32>
        %jit3A_881 = arith.constant 0 : i32
        %broadcast_in_dim3A_882 = vector.broadcast %while3A_872 : i32 to vector<16xi32>
        %broadcast_in_dim3A_883 = vector.broadcast %jit3A_881 : i32 to vector<16xi32>
        %select_n3A_884 = arith.select %lt3A_880, %broadcast_in_dim3A_882, %broadcast_in_dim3A_883 : vector<16xi1>, vector<16xi32>
        %add3A_885 = arith.addi %mul3A_8, %select_n3A_884 : vector<16xi32>
        %gather3A_886 = tpu.vector_load_idx %arg7[%add3A_885] : memref<2048xi32, #tpu.memory_space<vmem>>[vector<16xi32>], vector<16xi32>,
        %jit3A_887 = arith.constant 0 : i32
        %broadcast_in_dim3A_888 = vector.broadcast %jit3A_887 : i32 to vector<16xi32>
        %select_n3A_889 = arith.select %lt3A_880, %gather3A_886, %broadcast_in_dim3A_888 : vector<16xi1>, vector<16xi32>
        %shift_right_arithmetic3A = arith.constant 4 : i32
        %shift_right_arithmetic3A_890 = vector.broadcast %shift_right_arithmetic3A : i32 to vector<16xi32>
        %shift_right_arithmetic3A_891 = arith.shrsi %select_n3A_889, %shift_right_arithmetic3A_890 : vector<16xi32>
        %and3A_892 = arith.constant 15 : i32
        %and3A_893 = vector.broadcast %and3A_892 : i32 to vector<16xi32>
        %and3A_894 = arith.andi %select_n3A_889, %and3A_893 : vector<16xi32>
        %mul3A_895 = arith.constant 256 : i32
        %mul3A_896 = vector.broadcast %mul3A_895 : i32 to vector<16xi32>
        %mul3A_897 = arith.muli %shift_right_arithmetic3A_891, %mul3A_896 : vector<16xi32>
        %add3A_898 = arith.addi %mul3A_897, %and3A_894 : vector<16xi32>
        %add3A_899 = arith.constant 0 : i32
        %add3A_900 = vector.broadcast %add3A_899 : i32 to vector<16xi32>
        %add3A_901 = arith.addi %add3A_898, %add3A_900 : vector<16xi32>
        %add3A_902 = arith.constant 0 : i32
        %add3A_903 = vector.broadcast %add3A_902 : i32 to vector<16xi32>
        %add3A_904 = arith.addi %add3A_901, %add3A_903 : vector<16xi32>
        %gather3A_905 = tpu.vector_load_idx %arg5[%add3A_904] : memref<65536xf32, #tpu.memory_space<vmem>>[vector<16xi32>], vector<16xf32>,
        %jit3A_906 = arith.constant 0xFF800000 : f32
        %broadcast_in_dim3A_907 = vector.broadcast %jit3A_906 : f32 to vector<16xf32>
        %select_n3A_908 = arith.select %lt3A_880, %gather3A_905, %broadcast_in_dim3A_907 : vector<16xi1>, vector<16xf32>
        %gt3A_909 = arith.cmpf ogt, %select_n3A_908, %while3A_873 : vector<16xf32>
        %eq3A_910 = arith.cmpf oeq, %select_n3A_908, %while3A_873 : vector<16xf32>
        %lt3A_911 = arith.cmpi slt, %add3A_901, %while3A_876 : vector<16xi32>
        %and3A_912 = arith.andi %eq3A_910, %lt3A_911 : vector<16xi1>
        %or3A_913 = arith.ori %gt3A_909, %and3A_912 : vector<16xi1>
        %gt3A_914 = arith.cmpf ogt, %select_n3A_908, %while3A_874 : vector<16xf32>
        %eq3A_915 = arith.cmpf oeq, %select_n3A_908, %while3A_874 : vector<16xf32>
        %lt3A_916 = arith.cmpi slt, %add3A_901, %while3A_877 : vector<16xi32>
        %and3A_917 = arith.andi %eq3A_915, %lt3A_916 : vector<16xi1>
        %or3A_918 = arith.ori %gt3A_914, %and3A_917 : vector<16xi1>
        %gt3A_919 = arith.cmpf ogt, %select_n3A_908, %while3A_875 : vector<16xf32>
        %eq3A_920 = arith.cmpf oeq, %select_n3A_908, %while3A_875 : vector<16xf32>
        %lt3A_921 = arith.cmpi slt, %add3A_901, %while3A_878 : vector<16xi32>
        %and3A_922 = arith.andi %eq3A_920, %lt3A_921 : vector<16xi1>
        %or3A_923 = arith.ori %gt3A_919, %and3A_922 : vector<16xi1>
        %select_n3A_924 = arith.select %or3A_913, %select_n3A_908, %while3A_873 : vector<16xi1>, vector<16xf32>
        %select_n3A_925 = arith.select %or3A_918, %select_n3A_908, %while3A_874 : vector<16xi1>, vector<16xf32>
        %select_n3A_926 = arith.select %or3A_913, %while3A_873, %select_n3A_925 : vector<16xi1>, vector<16xf32>
        %select_n3A_927 = arith.select %or3A_923, %select_n3A_908, %while3A_875 : vector<16xi1>, vector<16xf32>
        %select_n3A_928 = arith.select %or3A_918, %while3A_874, %select_n3A_927 : vector<16xi1>, vector<16xf32>
        %select_n3A_929 = arith.select %or3A_913, %add3A_901, %while3A_876 : vector<16xi1>, vector<16xi32>
        %select_n3A_930 = arith.select %or3A_918, %add3A_901, %while3A_877 : vector<16xi1>, vector<16xi32>
        %select_n3A_931 = arith.select %or3A_913, %while3A_876, %select_n3A_930 : vector<16xi1>, vector<16xi32>
        %select_n3A_932 = arith.select %or3A_923, %add3A_901, %while3A_878 : vector<16xi1>, vector<16xi32>
        %select_n3A_933 = arith.select %or3A_918, %while3A_877, %select_n3A_932 : vector<16xi1>, vector<16xi32>
        %add3A_934 = arith.constant 16 : i32
        %add3A_935 = vector.broadcast %add3A_934 : i32 to vector<16xi32>
        %add3A_936 = arith.addi %add3A_898, %add3A_935 : vector<16xi32>
        %add3A_937 = arith.constant 0 : i32
        %add3A_938 = vector.broadcast %add3A_937 : i32 to vector<16xi32>
        %add3A_939 = arith.addi %add3A_936, %add3A_938 : vector<16xi32>
        %gather3A_940 = tpu.vector_load_idx %arg5[%add3A_939] : memref<65536xf32, #tpu.memory_space<vmem>>[vector<16xi32>], vector<16xf32>,
        %jit3A_941 = arith.constant 0xFF800000 : f32
        %broadcast_in_dim3A_942 = vector.broadcast %jit3A_941 : f32 to vector<16xf32>
        %select_n3A_943 = arith.select %lt3A_880, %gather3A_940, %broadcast_in_dim3A_942 : vector<16xi1>, vector<16xf32>
        %gt3A_944 = arith.cmpf ogt, %select_n3A_943, %select_n3A_924 : vector<16xf32>
        %eq3A_945 = arith.cmpf oeq, %select_n3A_943, %select_n3A_924 : vector<16xf32>
        %lt3A_946 = arith.cmpi slt, %add3A_936, %select_n3A_929 : vector<16xi32>
        %and3A_947 = arith.andi %eq3A_945, %lt3A_946 : vector<16xi1>
        %or3A_948 = arith.ori %gt3A_944, %and3A_947 : vector<16xi1>
        %gt3A_949 = arith.cmpf ogt, %select_n3A_943, %select_n3A_926 : vector<16xf32>
        %eq3A_950 = arith.cmpf oeq, %select_n3A_943, %select_n3A_926 : vector<16xf32>
        %lt3A_951 = arith.cmpi slt, %add3A_936, %select_n3A_931 : vector<16xi32>
        %and3A_952 = arith.andi %eq3A_950, %lt3A_951 : vector<16xi1>
        %or3A_953 = arith.ori %gt3A_949, %and3A_952 : vector<16xi1>
        %gt3A_954 = arith.cmpf ogt, %select_n3A_943, %select_n3A_928 : vector<16xf32>
        %eq3A_955 = arith.cmpf oeq, %select_n3A_943, %select_n3A_928 : vector<16xf32>
        %lt3A_956 = arith.cmpi slt, %add3A_936, %select_n3A_933 : vector<16xi32>
        %and3A_957 = arith.andi %eq3A_955, %lt3A_956 : vector<16xi1>
        %or3A_958 = arith.ori %gt3A_954, %and3A_957 : vector<16xi1>
        %select_n3A_959 = arith.select %or3A_948, %select_n3A_943, %select_n3A_924 : vector<16xi1>, vector<16xf32>
        %select_n3A_960 = arith.select %or3A_953, %select_n3A_943, %select_n3A_926 : vector<16xi1>, vector<16xf32>
        %select_n3A_961 = arith.select %or3A_948, %select_n3A_924, %select_n3A_960 : vector<16xi1>, vector<16xf32>
        %select_n3A_962 = arith.select %or3A_958, %select_n3A_943, %select_n3A_928 : vector<16xi1>, vector<16xf32>
        %select_n3A_963 = arith.select %or3A_953, %select_n3A_926, %select_n3A_962 : vector<16xi1>, vector<16xf32>
        %select_n3A_964 = arith.select %or3A_948, %add3A_936, %select_n3A_929 : vector<16xi1>, vector<16xi32>
        %select_n3A_965 = arith.select %or3A_953, %add3A_936, %select_n3A_931 : vector<16xi1>, vector<16xi32>
        %select_n3A_966 = arith.select %or3A_948, %select_n3A_929, %select_n3A_965 : vector<16xi1>, vector<16xi32>
        %select_n3A_967 = arith.select %or3A_958, %add3A_936, %select_n3A_933 : vector<16xi1>, vector<16xi32>
        %select_n3A_968 = arith.select %or3A_953, %select_n3A_931, %select_n3A_967 : vector<16xi1>, vector<16xi32>
        %add3A_969 = arith.constant 32 : i32
        %add3A_970 = vector.broadcast %add3A_969 : i32 to vector<16xi32>
        %add3A_971 = arith.addi %add3A_898, %add3A_970 : vector<16xi32>
        %add3A_972 = arith.constant 0 : i32
        %add3A_973 = vector.broadcast %add3A_972 : i32 to vector<16xi32>
        %add3A_974 = arith.addi %add3A_971, %add3A_973 : vector<16xi32>
        %gather3A_975 = tpu.vector_load_idx %arg5[%add3A_974] : memref<65536xf32, #tpu.memory_space<vmem>>[vector<16xi32>], vector<16xf32>,
        %jit3A_976 = arith.constant 0xFF800000 : f32
        %broadcast_in_dim3A_977 = vector.broadcast %jit3A_976 : f32 to vector<16xf32>
        %select_n3A_978 = arith.select %lt3A_880, %gather3A_975, %broadcast_in_dim3A_977 : vector<16xi1>, vector<16xf32>
        %gt3A_979 = arith.cmpf ogt, %select_n3A_978, %select_n3A_959 : vector<16xf32>
        %eq3A_980 = arith.cmpf oeq, %select_n3A_978, %select_n3A_959 : vector<16xf32>
        %lt3A_981 = arith.cmpi slt, %add3A_971, %select_n3A_964 : vector<16xi32>
        %and3A_982 = arith.andi %eq3A_980, %lt3A_981 : vector<16xi1>
        %or3A_983 = arith.ori %gt3A_979, %and3A_982 : vector<16xi1>
        %gt3A_984 = arith.cmpf ogt, %select_n3A_978, %select_n3A_961 : vector<16xf32>
        %eq3A_985 = arith.cmpf oeq, %select_n3A_978, %select_n3A_961 : vector<16xf32>
        %lt3A_986 = arith.cmpi slt, %add3A_971, %select_n3A_966 : vector<16xi32>
        %and3A_987 = arith.andi %eq3A_985, %lt3A_986 : vector<16xi1>
        %or3A_988 = arith.ori %gt3A_984, %and3A_987 : vector<16xi1>
        %gt3A_989 = arith.cmpf ogt, %select_n3A_978, %select_n3A_963 : vector<16xf32>
        %eq3A_990 = arith.cmpf oeq, %select_n3A_978, %select_n3A_963 : vector<16xf32>
        %lt3A_991 = arith.cmpi slt, %add3A_971, %select_n3A_968 : vector<16xi32>
        %and3A_992 = arith.andi %eq3A_990, %lt3A_991 : vector<16xi1>
        %or3A_993 = arith.ori %gt3A_989, %and3A_992 : vector<16xi1>
        %select_n3A_994 = arith.select %or3A_983, %select_n3A_978, %select_n3A_959 : vector<16xi1>, vector<16xf32>
        %select_n3A_995 = arith.select %or3A_988, %select_n3A_978, %select_n3A_961 : vector<16xi1>, vector<16xf32>
        %select_n3A_996 = arith.select %or3A_983, %select_n3A_959, %select_n3A_995 : vector<16xi1>, vector<16xf32>
        %select_n3A_997 = arith.select %or3A_993, %select_n3A_978, %select_n3A_963 : vector<16xi1>, vector<16xf32>
        %select_n3A_998 = arith.select %or3A_988, %select_n3A_961, %select_n3A_997 : vector<16xi1>, vector<16xf32>
        %select_n3A_999 = arith.select %or3A_983, %add3A_971, %select_n3A_964 : vector<16xi1>, vector<16xi32>
        %select_n3A_1000 = arith.select %or3A_988, %add3A_971, %select_n3A_966 : vector<16xi1>, vector<16xi32>
        %select_n3A_1001 = arith.select %or3A_983, %select_n3A_964, %select_n3A_1000 : vector<16xi1>, vector<16xi32>
        %select_n3A_1002 = arith.select %or3A_993, %add3A_971, %select_n3A_968 : vector<16xi1>, vector<16xi32>
        %select_n3A_1003 = arith.select %or3A_988, %select_n3A_966, %select_n3A_1002 : vector<16xi1>, vector<16xi32>
        %add3A_1004 = arith.constant 48 : i32
        %add3A_1005 = vector.broadcast %add3A_1004 : i32 to vector<16xi32>
        %add3A_1006 = arith.addi %add3A_898, %add3A_1005 : vector<16xi32>
        %add3A_1007 = arith.constant 0 : i32
        %add3A_1008 = vector.broadcast %add3A_1007 : i32 to vector<16xi32>
        %add3A_1009 = arith.addi %add3A_1006, %add3A_1008 : vector<16xi32>
        %gather3A_1010 = tpu.vector_load_idx %arg5[%add3A_1009] : memref<65536xf32, #tpu.memory_space<vmem>>[vector<16xi32>], vector<16xf32>,
        %jit3A_1011 = arith.constant 0xFF800000 : f32
        %broadcast_in_dim3A_1012 = vector.broadcast %jit3A_1011 : f32 to vector<16xf32>
        %select_n3A_1013 = arith.select %lt3A_880, %gather3A_1010, %broadcast_in_dim3A_1012 : vector<16xi1>, vector<16xf32>
        %gt3A_1014 = arith.cmpf ogt, %select_n3A_1013, %select_n3A_994 : vector<16xf32>
        %eq3A_1015 = arith.cmpf oeq, %select_n3A_1013, %select_n3A_994 : vector<16xf32>
        %lt3A_1016 = arith.cmpi slt, %add3A_1006, %select_n3A_999 : vector<16xi32>
        %and3A_1017 = arith.andi %eq3A_1015, %lt3A_1016 : vector<16xi1>
        %or3A_1018 = arith.ori %gt3A_1014, %and3A_1017 : vector<16xi1>
        %gt3A_1019 = arith.cmpf ogt, %select_n3A_1013, %select_n3A_996 : vector<16xf32>
        %eq3A_1020 = arith.cmpf oeq, %select_n3A_1013, %select_n3A_996 : vector<16xf32>
        %lt3A_1021 = arith.cmpi slt, %add3A_1006, %select_n3A_1001 : vector<16xi32>
        %and3A_1022 = arith.andi %eq3A_1020, %lt3A_1021 : vector<16xi1>
        %or3A_1023 = arith.ori %gt3A_1019, %and3A_1022 : vector<16xi1>
        %gt3A_1024 = arith.cmpf ogt, %select_n3A_1013, %select_n3A_998 : vector<16xf32>
        %eq3A_1025 = arith.cmpf oeq, %select_n3A_1013, %select_n3A_998 : vector<16xf32>
        %lt3A_1026 = arith.cmpi slt, %add3A_1006, %select_n3A_1003 : vector<16xi32>
        %and3A_1027 = arith.andi %eq3A_1025, %lt3A_1026 : vector<16xi1>
        %or3A_1028 = arith.ori %gt3A_1024, %and3A_1027 : vector<16xi1>
        %select_n3A_1029 = arith.select %or3A_1018, %select_n3A_1013, %select_n3A_994 : vector<16xi1>, vector<16xf32>
        %select_n3A_1030 = arith.select %or3A_1023, %select_n3A_1013, %select_n3A_996 : vector<16xi1>, vector<16xf32>
        %select_n3A_1031 = arith.select %or3A_1018, %select_n3A_994, %select_n3A_1030 : vector<16xi1>, vector<16xf32>
        %select_n3A_1032 = arith.select %or3A_1028, %select_n3A_1013, %select_n3A_998 : vector<16xi1>, vector<16xf32>
        %select_n3A_1033 = arith.select %or3A_1023, %select_n3A_996, %select_n3A_1032 : vector<16xi1>, vector<16xf32>
        %select_n3A_1034 = arith.select %or3A_1018, %add3A_1006, %select_n3A_999 : vector<16xi1>, vector<16xi32>
        %select_n3A_1035 = arith.select %or3A_1023, %add3A_1006, %select_n3A_1001 : vector<16xi1>, vector<16xi32>
        %select_n3A_1036 = arith.select %or3A_1018, %select_n3A_999, %select_n3A_1035 : vector<16xi1>, vector<16xi32>
        %select_n3A_1037 = arith.select %or3A_1028, %add3A_1006, %select_n3A_1003 : vector<16xi1>, vector<16xi32>
        %select_n3A_1038 = arith.select %or3A_1023, %select_n3A_1001, %select_n3A_1037 : vector<16xi1>, vector<16xi32>
        %add3A_1039 = arith.constant 64 : i32
        %add3A_1040 = vector.broadcast %add3A_1039 : i32 to vector<16xi32>
        %add3A_1041 = arith.addi %add3A_898, %add3A_1040 : vector<16xi32>
        %add3A_1042 = arith.constant 0 : i32
        %add3A_1043 = vector.broadcast %add3A_1042 : i32 to vector<16xi32>
        %add3A_1044 = arith.addi %add3A_1041, %add3A_1043 : vector<16xi32>
        %gather3A_1045 = tpu.vector_load_idx %arg5[%add3A_1044] : memref<65536xf32, #tpu.memory_space<vmem>>[vector<16xi32>], vector<16xf32>,
        %jit3A_1046 = arith.constant 0xFF800000 : f32
        %broadcast_in_dim3A_1047 = vector.broadcast %jit3A_1046 : f32 to vector<16xf32>
        %select_n3A_1048 = arith.select %lt3A_880, %gather3A_1045, %broadcast_in_dim3A_1047 : vector<16xi1>, vector<16xf32>
        %gt3A_1049 = arith.cmpf ogt, %select_n3A_1048, %select_n3A_1029 : vector<16xf32>
        %eq3A_1050 = arith.cmpf oeq, %select_n3A_1048, %select_n3A_1029 : vector<16xf32>
        %lt3A_1051 = arith.cmpi slt, %add3A_1041, %select_n3A_1034 : vector<16xi32>
        %and3A_1052 = arith.andi %eq3A_1050, %lt3A_1051 : vector<16xi1>
        %or3A_1053 = arith.ori %gt3A_1049, %and3A_1052 : vector<16xi1>
        %gt3A_1054 = arith.cmpf ogt, %select_n3A_1048, %select_n3A_1031 : vector<16xf32>
        %eq3A_1055 = arith.cmpf oeq, %select_n3A_1048, %select_n3A_1031 : vector<16xf32>
        %lt3A_1056 = arith.cmpi slt, %add3A_1041, %select_n3A_1036 : vector<16xi32>
        %and3A_1057 = arith.andi %eq3A_1055, %lt3A_1056 : vector<16xi1>
        %or3A_1058 = arith.ori %gt3A_1054, %and3A_1057 : vector<16xi1>
        %gt3A_1059 = arith.cmpf ogt, %select_n3A_1048, %select_n3A_1033 : vector<16xf32>
        %eq3A_1060 = arith.cmpf oeq, %select_n3A_1048, %select_n3A_1033 : vector<16xf32>
        %lt3A_1061 = arith.cmpi slt, %add3A_1041, %select_n3A_1038 : vector<16xi32>
        %and3A_1062 = arith.andi %eq3A_1060, %lt3A_1061 : vector<16xi1>
        %or3A_1063 = arith.ori %gt3A_1059, %and3A_1062 : vector<16xi1>
        %select_n3A_1064 = arith.select %or3A_1053, %select_n3A_1048, %select_n3A_1029 : vector<16xi1>, vector<16xf32>
        %select_n3A_1065 = arith.select %or3A_1058, %select_n3A_1048, %select_n3A_1031 : vector<16xi1>, vector<16xf32>
        %select_n3A_1066 = arith.select %or3A_1053, %select_n3A_1029, %select_n3A_1065 : vector<16xi1>, vector<16xf32>
        %select_n3A_1067 = arith.select %or3A_1063, %select_n3A_1048, %select_n3A_1033 : vector<16xi1>, vector<16xf32>
        %select_n3A_1068 = arith.select %or3A_1058, %select_n3A_1031, %select_n3A_1067 : vector<16xi1>, vector<16xf32>
        %select_n3A_1069 = arith.select %or3A_1053, %add3A_1041, %select_n3A_1034 : vector<16xi1>, vector<16xi32>
        %select_n3A_1070 = arith.select %or3A_1058, %add3A_1041, %select_n3A_1036 : vector<16xi1>, vector<16xi32>
        %select_n3A_1071 = arith.select %or3A_1053, %select_n3A_1034, %select_n3A_1070 : vector<16xi1>, vector<16xi32>
        %select_n3A_1072 = arith.select %or3A_1063, %add3A_1041, %select_n3A_1038 : vector<16xi1>, vector<16xi32>
        %select_n3A_1073 = arith.select %or3A_1058, %select_n3A_1036, %select_n3A_1072 : vector<16xi1>, vector<16xi32>
        %add3A_1074 = arith.constant 80 : i32
        %add3A_1075 = vector.broadcast %add3A_1074 : i32 to vector<16xi32>
        %add3A_1076 = arith.addi %add3A_898, %add3A_1075 : vector<16xi32>
        %add3A_1077 = arith.constant 0 : i32
        %add3A_1078 = vector.broadcast %add3A_1077 : i32 to vector<16xi32>
        %add3A_1079 = arith.addi %add3A_1076, %add3A_1078 : vector<16xi32>
        %gather3A_1080 = tpu.vector_load_idx %arg5[%add3A_1079] : memref<65536xf32, #tpu.memory_space<vmem>>[vector<16xi32>], vector<16xf32>,
        %jit3A_1081 = arith.constant 0xFF800000 : f32
        %broadcast_in_dim3A_1082 = vector.broadcast %jit3A_1081 : f32 to vector<16xf32>
        %select_n3A_1083 = arith.select %lt3A_880, %gather3A_1080, %broadcast_in_dim3A_1082 : vector<16xi1>, vector<16xf32>
        %gt3A_1084 = arith.cmpf ogt, %select_n3A_1083, %select_n3A_1064 : vector<16xf32>
        %eq3A_1085 = arith.cmpf oeq, %select_n3A_1083, %select_n3A_1064 : vector<16xf32>
        %lt3A_1086 = arith.cmpi slt, %add3A_1076, %select_n3A_1069 : vector<16xi32>
        %and3A_1087 = arith.andi %eq3A_1085, %lt3A_1086 : vector<16xi1>
        %or3A_1088 = arith.ori %gt3A_1084, %and3A_1087 : vector<16xi1>
        %gt3A_1089 = arith.cmpf ogt, %select_n3A_1083, %select_n3A_1066 : vector<16xf32>
        %eq3A_1090 = arith.cmpf oeq, %select_n3A_1083, %select_n3A_1066 : vector<16xf32>
        %lt3A_1091 = arith.cmpi slt, %add3A_1076, %select_n3A_1071 : vector<16xi32>
        %and3A_1092 = arith.andi %eq3A_1090, %lt3A_1091 : vector<16xi1>
        %or3A_1093 = arith.ori %gt3A_1089, %and3A_1092 : vector<16xi1>
        %gt3A_1094 = arith.cmpf ogt, %select_n3A_1083, %select_n3A_1068 : vector<16xf32>
        %eq3A_1095 = arith.cmpf oeq, %select_n3A_1083, %select_n3A_1068 : vector<16xf32>
        %lt3A_1096 = arith.cmpi slt, %add3A_1076, %select_n3A_1073 : vector<16xi32>
        %and3A_1097 = arith.andi %eq3A_1095, %lt3A_1096 : vector<16xi1>
        %or3A_1098 = arith.ori %gt3A_1094, %and3A_1097 : vector<16xi1>
        %select_n3A_1099 = arith.select %or3A_1088, %select_n3A_1083, %select_n3A_1064 : vector<16xi1>, vector<16xf32>
        %select_n3A_1100 = arith.select %or3A_1093, %select_n3A_1083, %select_n3A_1066 : vector<16xi1>, vector<16xf32>
        %select_n3A_1101 = arith.select %or3A_1088, %select_n3A_1064, %select_n3A_1100 : vector<16xi1>, vector<16xf32>
        %select_n3A_1102 = arith.select %or3A_1098, %select_n3A_1083, %select_n3A_1068 : vector<16xi1>, vector<16xf32>
        %select_n3A_1103 = arith.select %or3A_1093, %select_n3A_1066, %select_n3A_1102 : vector<16xi1>, vector<16xf32>
        %select_n3A_1104 = arith.select %or3A_1088, %add3A_1076, %select_n3A_1069 : vector<16xi1>, vector<16xi32>
        %select_n3A_1105 = arith.select %or3A_1093, %add3A_1076, %select_n3A_1071 : vector<16xi1>, vector<16xi32>
        %select_n3A_1106 = arith.select %or3A_1088, %select_n3A_1069, %select_n3A_1105 : vector<16xi1>, vector<16xi32>
        %select_n3A_1107 = arith.select %or3A_1098, %add3A_1076, %select_n3A_1073 : vector<16xi1>, vector<16xi32>
        %select_n3A_1108 = arith.select %or3A_1093, %select_n3A_1071, %select_n3A_1107 : vector<16xi1>, vector<16xi32>
        %add3A_1109 = arith.constant 96 : i32
        %add3A_1110 = vector.broadcast %add3A_1109 : i32 to vector<16xi32>
        %add3A_1111 = arith.addi %add3A_898, %add3A_1110 : vector<16xi32>
        %add3A_1112 = arith.constant 0 : i32
        %add3A_1113 = vector.broadcast %add3A_1112 : i32 to vector<16xi32>
        %add3A_1114 = arith.addi %add3A_1111, %add3A_1113 : vector<16xi32>
        %gather3A_1115 = tpu.vector_load_idx %arg5[%add3A_1114] : memref<65536xf32, #tpu.memory_space<vmem>>[vector<16xi32>], vector<16xf32>,
        %jit3A_1116 = arith.constant 0xFF800000 : f32
        %broadcast_in_dim3A_1117 = vector.broadcast %jit3A_1116 : f32 to vector<16xf32>
        %select_n3A_1118 = arith.select %lt3A_880, %gather3A_1115, %broadcast_in_dim3A_1117 : vector<16xi1>, vector<16xf32>
        %gt3A_1119 = arith.cmpf ogt, %select_n3A_1118, %select_n3A_1099 : vector<16xf32>
        %eq3A_1120 = arith.cmpf oeq, %select_n3A_1118, %select_n3A_1099 : vector<16xf32>
        %lt3A_1121 = arith.cmpi slt, %add3A_1111, %select_n3A_1104 : vector<16xi32>
        %and3A_1122 = arith.andi %eq3A_1120, %lt3A_1121 : vector<16xi1>
        %or3A_1123 = arith.ori %gt3A_1119, %and3A_1122 : vector<16xi1>
        %gt3A_1124 = arith.cmpf ogt, %select_n3A_1118, %select_n3A_1101 : vector<16xf32>
        %eq3A_1125 = arith.cmpf oeq, %select_n3A_1118, %select_n3A_1101 : vector<16xf32>
        %lt3A_1126 = arith.cmpi slt, %add3A_1111, %select_n3A_1106 : vector<16xi32>
        %and3A_1127 = arith.andi %eq3A_1125, %lt3A_1126 : vector<16xi1>
        %or3A_1128 = arith.ori %gt3A_1124, %and3A_1127 : vector<16xi1>
        %gt3A_1129 = arith.cmpf ogt, %select_n3A_1118, %select_n3A_1103 : vector<16xf32>
        %eq3A_1130 = arith.cmpf oeq, %select_n3A_1118, %select_n3A_1103 : vector<16xf32>
        %lt3A_1131 = arith.cmpi slt, %add3A_1111, %select_n3A_1108 : vector<16xi32>
        %and3A_1132 = arith.andi %eq3A_1130, %lt3A_1131 : vector<16xi1>
        %or3A_1133 = arith.ori %gt3A_1129, %and3A_1132 : vector<16xi1>
        %select_n3A_1134 = arith.select %or3A_1123, %select_n3A_1118, %select_n3A_1099 : vector<16xi1>, vector<16xf32>
        %select_n3A_1135 = arith.select %or3A_1128, %select_n3A_1118, %select_n3A_1101 : vector<16xi1>, vector<16xf32>
        %select_n3A_1136 = arith.select %or3A_1123, %select_n3A_1099, %select_n3A_1135 : vector<16xi1>, vector<16xf32>
        %select_n3A_1137 = arith.select %or3A_1133, %select_n3A_1118, %select_n3A_1103 : vector<16xi1>, vector<16xf32>
        %select_n3A_1138 = arith.select %or3A_1128, %select_n3A_1101, %select_n3A_1137 : vector<16xi1>, vector<16xf32>
        %select_n3A_1139 = arith.select %or3A_1123, %add3A_1111, %select_n3A_1104 : vector<16xi1>, vector<16xi32>
        %select_n3A_1140 = arith.select %or3A_1128, %add3A_1111, %select_n3A_1106 : vector<16xi1>, vector<16xi32>
        %select_n3A_1141 = arith.select %or3A_1123, %select_n3A_1104, %select_n3A_1140 : vector<16xi1>, vector<16xi32>
        %select_n3A_1142 = arith.select %or3A_1133, %add3A_1111, %select_n3A_1108 : vector<16xi1>, vector<16xi32>
        %select_n3A_1143 = arith.select %or3A_1128, %select_n3A_1106, %select_n3A_1142 : vector<16xi1>, vector<16xi32>
        %add3A_1144 = arith.constant 112 : i32
        %add3A_1145 = vector.broadcast %add3A_1144 : i32 to vector<16xi32>
        %add3A_1146 = arith.addi %add3A_898, %add3A_1145 : vector<16xi32>
        %add3A_1147 = arith.constant 0 : i32
        %add3A_1148 = vector.broadcast %add3A_1147 : i32 to vector<16xi32>
        %add3A_1149 = arith.addi %add3A_1146, %add3A_1148 : vector<16xi32>
        %gather3A_1150 = tpu.vector_load_idx %arg5[%add3A_1149] : memref<65536xf32, #tpu.memory_space<vmem>>[vector<16xi32>], vector<16xf32>,
        %jit3A_1151 = arith.constant 0xFF800000 : f32
        %broadcast_in_dim3A_1152 = vector.broadcast %jit3A_1151 : f32 to vector<16xf32>
        %select_n3A_1153 = arith.select %lt3A_880, %gather3A_1150, %broadcast_in_dim3A_1152 : vector<16xi1>, vector<16xf32>
        %gt3A_1154 = arith.cmpf ogt, %select_n3A_1153, %select_n3A_1134 : vector<16xf32>
        %eq3A_1155 = arith.cmpf oeq, %select_n3A_1153, %select_n3A_1134 : vector<16xf32>
        %lt3A_1156 = arith.cmpi slt, %add3A_1146, %select_n3A_1139 : vector<16xi32>
        %and3A_1157 = arith.andi %eq3A_1155, %lt3A_1156 : vector<16xi1>
        %or3A_1158 = arith.ori %gt3A_1154, %and3A_1157 : vector<16xi1>
        %gt3A_1159 = arith.cmpf ogt, %select_n3A_1153, %select_n3A_1136 : vector<16xf32>
        %eq3A_1160 = arith.cmpf oeq, %select_n3A_1153, %select_n3A_1136 : vector<16xf32>
        %lt3A_1161 = arith.cmpi slt, %add3A_1146, %select_n3A_1141 : vector<16xi32>
        %and3A_1162 = arith.andi %eq3A_1160, %lt3A_1161 : vector<16xi1>
        %or3A_1163 = arith.ori %gt3A_1159, %and3A_1162 : vector<16xi1>
        %gt3A_1164 = arith.cmpf ogt, %select_n3A_1153, %select_n3A_1138 : vector<16xf32>
        %eq3A_1165 = arith.cmpf oeq, %select_n3A_1153, %select_n3A_1138 : vector<16xf32>
        %lt3A_1166 = arith.cmpi slt, %add3A_1146, %select_n3A_1143 : vector<16xi32>
        %and3A_1167 = arith.andi %eq3A_1165, %lt3A_1166 : vector<16xi1>
        %or3A_1168 = arith.ori %gt3A_1164, %and3A_1167 : vector<16xi1>
        %select_n3A_1169 = arith.select %or3A_1158, %select_n3A_1153, %select_n3A_1134 : vector<16xi1>, vector<16xf32>
        %select_n3A_1170 = arith.select %or3A_1163, %select_n3A_1153, %select_n3A_1136 : vector<16xi1>, vector<16xf32>
        %select_n3A_1171 = arith.select %or3A_1158, %select_n3A_1134, %select_n3A_1170 : vector<16xi1>, vector<16xf32>
        %select_n3A_1172 = arith.select %or3A_1168, %select_n3A_1153, %select_n3A_1138 : vector<16xi1>, vector<16xf32>
        %select_n3A_1173 = arith.select %or3A_1163, %select_n3A_1136, %select_n3A_1172 : vector<16xi1>, vector<16xf32>
        %select_n3A_1174 = arith.select %or3A_1158, %add3A_1146, %select_n3A_1139 : vector<16xi1>, vector<16xi32>
        %select_n3A_1175 = arith.select %or3A_1163, %add3A_1146, %select_n3A_1141 : vector<16xi1>, vector<16xi32>
        %select_n3A_1176 = arith.select %or3A_1158, %select_n3A_1139, %select_n3A_1175 : vector<16xi1>, vector<16xi32>
        %select_n3A_1177 = arith.select %or3A_1168, %add3A_1146, %select_n3A_1143 : vector<16xi1>, vector<16xi32>
        %select_n3A_1178 = arith.select %or3A_1163, %select_n3A_1141, %select_n3A_1177 : vector<16xi1>, vector<16xi32>
        %add3A_1179 = arith.constant 128 : i32
        %add3A_1180 = vector.broadcast %add3A_1179 : i32 to vector<16xi32>
        %add3A_1181 = arith.addi %add3A_898, %add3A_1180 : vector<16xi32>
        %add3A_1182 = arith.constant 0 : i32
        %add3A_1183 = vector.broadcast %add3A_1182 : i32 to vector<16xi32>
        %add3A_1184 = arith.addi %add3A_1181, %add3A_1183 : vector<16xi32>
        %gather3A_1185 = tpu.vector_load_idx %arg5[%add3A_1184] : memref<65536xf32, #tpu.memory_space<vmem>>[vector<16xi32>], vector<16xf32>,
        %jit3A_1186 = arith.constant 0xFF800000 : f32
        %broadcast_in_dim3A_1187 = vector.broadcast %jit3A_1186 : f32 to vector<16xf32>
        %select_n3A_1188 = arith.select %lt3A_880, %gather3A_1185, %broadcast_in_dim3A_1187 : vector<16xi1>, vector<16xf32>
        %gt3A_1189 = arith.cmpf ogt, %select_n3A_1188, %select_n3A_1169 : vector<16xf32>
        %eq3A_1190 = arith.cmpf oeq, %select_n3A_1188, %select_n3A_1169 : vector<16xf32>
        %lt3A_1191 = arith.cmpi slt, %add3A_1181, %select_n3A_1174 : vector<16xi32>
        %and3A_1192 = arith.andi %eq3A_1190, %lt3A_1191 : vector<16xi1>
        %or3A_1193 = arith.ori %gt3A_1189, %and3A_1192 : vector<16xi1>
        %gt3A_1194 = arith.cmpf ogt, %select_n3A_1188, %select_n3A_1171 : vector<16xf32>
        %eq3A_1195 = arith.cmpf oeq, %select_n3A_1188, %select_n3A_1171 : vector<16xf32>
        %lt3A_1196 = arith.cmpi slt, %add3A_1181, %select_n3A_1176 : vector<16xi32>
        %and3A_1197 = arith.andi %eq3A_1195, %lt3A_1196 : vector<16xi1>
        %or3A_1198 = arith.ori %gt3A_1194, %and3A_1197 : vector<16xi1>
        %gt3A_1199 = arith.cmpf ogt, %select_n3A_1188, %select_n3A_1173 : vector<16xf32>
        %eq3A_1200 = arith.cmpf oeq, %select_n3A_1188, %select_n3A_1173 : vector<16xf32>
        %lt3A_1201 = arith.cmpi slt, %add3A_1181, %select_n3A_1178 : vector<16xi32>
        %and3A_1202 = arith.andi %eq3A_1200, %lt3A_1201 : vector<16xi1>
        %or3A_1203 = arith.ori %gt3A_1199, %and3A_1202 : vector<16xi1>
        %select_n3A_1204 = arith.select %or3A_1193, %select_n3A_1188, %select_n3A_1169 : vector<16xi1>, vector<16xf32>
        %select_n3A_1205 = arith.select %or3A_1198, %select_n3A_1188, %select_n3A_1171 : vector<16xi1>, vector<16xf32>
        %select_n3A_1206 = arith.select %or3A_1193, %select_n3A_1169, %select_n3A_1205 : vector<16xi1>, vector<16xf32>
        %select_n3A_1207 = arith.select %or3A_1203, %select_n3A_1188, %select_n3A_1173 : vector<16xi1>, vector<16xf32>
        %select_n3A_1208 = arith.select %or3A_1198, %select_n3A_1171, %select_n3A_1207 : vector<16xi1>, vector<16xf32>
        %select_n3A_1209 = arith.select %or3A_1193, %add3A_1181, %select_n3A_1174 : vector<16xi1>, vector<16xi32>
        %select_n3A_1210 = arith.select %or3A_1198, %add3A_1181, %select_n3A_1176 : vector<16xi1>, vector<16xi32>
        %select_n3A_1211 = arith.select %or3A_1193, %select_n3A_1174, %select_n3A_1210 : vector<16xi1>, vector<16xi32>
        %select_n3A_1212 = arith.select %or3A_1203, %add3A_1181, %select_n3A_1178 : vector<16xi1>, vector<16xi32>
        %select_n3A_1213 = arith.select %or3A_1198, %select_n3A_1176, %select_n3A_1212 : vector<16xi1>, vector<16xi32>
        %add3A_1214 = arith.constant 144 : i32
        %add3A_1215 = vector.broadcast %add3A_1214 : i32 to vector<16xi32>
        %add3A_1216 = arith.addi %add3A_898, %add3A_1215 : vector<16xi32>
        %add3A_1217 = arith.constant 0 : i32
        %add3A_1218 = vector.broadcast %add3A_1217 : i32 to vector<16xi32>
        %add3A_1219 = arith.addi %add3A_1216, %add3A_1218 : vector<16xi32>
        %gather3A_1220 = tpu.vector_load_idx %arg5[%add3A_1219] : memref<65536xf32, #tpu.memory_space<vmem>>[vector<16xi32>], vector<16xf32>,
        %jit3A_1221 = arith.constant 0xFF800000 : f32
        %broadcast_in_dim3A_1222 = vector.broadcast %jit3A_1221 : f32 to vector<16xf32>
        %select_n3A_1223 = arith.select %lt3A_880, %gather3A_1220, %broadcast_in_dim3A_1222 : vector<16xi1>, vector<16xf32>
        %gt3A_1224 = arith.cmpf ogt, %select_n3A_1223, %select_n3A_1204 : vector<16xf32>
        %eq3A_1225 = arith.cmpf oeq, %select_n3A_1223, %select_n3A_1204 : vector<16xf32>
        %lt3A_1226 = arith.cmpi slt, %add3A_1216, %select_n3A_1209 : vector<16xi32>
        %and3A_1227 = arith.andi %eq3A_1225, %lt3A_1226 : vector<16xi1>
        %or3A_1228 = arith.ori %gt3A_1224, %and3A_1227 : vector<16xi1>
        %gt3A_1229 = arith.cmpf ogt, %select_n3A_1223, %select_n3A_1206 : vector<16xf32>
        %eq3A_1230 = arith.cmpf oeq, %select_n3A_1223, %select_n3A_1206 : vector<16xf32>
        %lt3A_1231 = arith.cmpi slt, %add3A_1216, %select_n3A_1211 : vector<16xi32>
        %and3A_1232 = arith.andi %eq3A_1230, %lt3A_1231 : vector<16xi1>
        %or3A_1233 = arith.ori %gt3A_1229, %and3A_1232 : vector<16xi1>
        %gt3A_1234 = arith.cmpf ogt, %select_n3A_1223, %select_n3A_1208 : vector<16xf32>
        %eq3A_1235 = arith.cmpf oeq, %select_n3A_1223, %select_n3A_1208 : vector<16xf32>
        %lt3A_1236 = arith.cmpi slt, %add3A_1216, %select_n3A_1213 : vector<16xi32>
        %and3A_1237 = arith.andi %eq3A_1235, %lt3A_1236 : vector<16xi1>
        %or3A_1238 = arith.ori %gt3A_1234, %and3A_1237 : vector<16xi1>
        %select_n3A_1239 = arith.select %or3A_1228, %select_n3A_1223, %select_n3A_1204 : vector<16xi1>, vector<16xf32>
        %select_n3A_1240 = arith.select %or3A_1233, %select_n3A_1223, %select_n3A_1206 : vector<16xi1>, vector<16xf32>
        %select_n3A_1241 = arith.select %or3A_1228, %select_n3A_1204, %select_n3A_1240 : vector<16xi1>, vector<16xf32>
        %select_n3A_1242 = arith.select %or3A_1238, %select_n3A_1223, %select_n3A_1208 : vector<16xi1>, vector<16xf32>
        %select_n3A_1243 = arith.select %or3A_1233, %select_n3A_1206, %select_n3A_1242 : vector<16xi1>, vector<16xf32>
        %select_n3A_1244 = arith.select %or3A_1228, %add3A_1216, %select_n3A_1209 : vector<16xi1>, vector<16xi32>
        %select_n3A_1245 = arith.select %or3A_1233, %add3A_1216, %select_n3A_1211 : vector<16xi1>, vector<16xi32>
        %select_n3A_1246 = arith.select %or3A_1228, %select_n3A_1209, %select_n3A_1245 : vector<16xi1>, vector<16xi32>
        %select_n3A_1247 = arith.select %or3A_1238, %add3A_1216, %select_n3A_1213 : vector<16xi1>, vector<16xi32>
        %select_n3A_1248 = arith.select %or3A_1233, %select_n3A_1211, %select_n3A_1247 : vector<16xi1>, vector<16xi32>
        %add3A_1249 = arith.constant 160 : i32
        %add3A_1250 = vector.broadcast %add3A_1249 : i32 to vector<16xi32>
        %add3A_1251 = arith.addi %add3A_898, %add3A_1250 : vector<16xi32>
        %add3A_1252 = arith.constant 0 : i32
        %add3A_1253 = vector.broadcast %add3A_1252 : i32 to vector<16xi32>
        %add3A_1254 = arith.addi %add3A_1251, %add3A_1253 : vector<16xi32>
        %gather3A_1255 = tpu.vector_load_idx %arg5[%add3A_1254] : memref<65536xf32, #tpu.memory_space<vmem>>[vector<16xi32>], vector<16xf32>,
        %jit3A_1256 = arith.constant 0xFF800000 : f32
        %broadcast_in_dim3A_1257 = vector.broadcast %jit3A_1256 : f32 to vector<16xf32>
        %select_n3A_1258 = arith.select %lt3A_880, %gather3A_1255, %broadcast_in_dim3A_1257 : vector<16xi1>, vector<16xf32>
        %gt3A_1259 = arith.cmpf ogt, %select_n3A_1258, %select_n3A_1239 : vector<16xf32>
        %eq3A_1260 = arith.cmpf oeq, %select_n3A_1258, %select_n3A_1239 : vector<16xf32>
        %lt3A_1261 = arith.cmpi slt, %add3A_1251, %select_n3A_1244 : vector<16xi32>
        %and3A_1262 = arith.andi %eq3A_1260, %lt3A_1261 : vector<16xi1>
        %or3A_1263 = arith.ori %gt3A_1259, %and3A_1262 : vector<16xi1>
        %gt3A_1264 = arith.cmpf ogt, %select_n3A_1258, %select_n3A_1241 : vector<16xf32>
        %eq3A_1265 = arith.cmpf oeq, %select_n3A_1258, %select_n3A_1241 : vector<16xf32>
        %lt3A_1266 = arith.cmpi slt, %add3A_1251, %select_n3A_1246 : vector<16xi32>
        %and3A_1267 = arith.andi %eq3A_1265, %lt3A_1266 : vector<16xi1>
        %or3A_1268 = arith.ori %gt3A_1264, %and3A_1267 : vector<16xi1>
        %gt3A_1269 = arith.cmpf ogt, %select_n3A_1258, %select_n3A_1243 : vector<16xf32>
        %eq3A_1270 = arith.cmpf oeq, %select_n3A_1258, %select_n3A_1243 : vector<16xf32>
        %lt3A_1271 = arith.cmpi slt, %add3A_1251, %select_n3A_1248 : vector<16xi32>
        %and3A_1272 = arith.andi %eq3A_1270, %lt3A_1271 : vector<16xi1>
        %or3A_1273 = arith.ori %gt3A_1269, %and3A_1272 : vector<16xi1>
        %select_n3A_1274 = arith.select %or3A_1263, %select_n3A_1258, %select_n3A_1239 : vector<16xi1>, vector<16xf32>
        %select_n3A_1275 = arith.select %or3A_1268, %select_n3A_1258, %select_n3A_1241 : vector<16xi1>, vector<16xf32>
        %select_n3A_1276 = arith.select %or3A_1263, %select_n3A_1239, %select_n3A_1275 : vector<16xi1>, vector<16xf32>
        %select_n3A_1277 = arith.select %or3A_1273, %select_n3A_1258, %select_n3A_1243 : vector<16xi1>, vector<16xf32>
        %select_n3A_1278 = arith.select %or3A_1268, %select_n3A_1241, %select_n3A_1277 : vector<16xi1>, vector<16xf32>
        %select_n3A_1279 = arith.select %or3A_1263, %add3A_1251, %select_n3A_1244 : vector<16xi1>, vector<16xi32>
        %select_n3A_1280 = arith.select %or3A_1268, %add3A_1251, %select_n3A_1246 : vector<16xi1>, vector<16xi32>
        %select_n3A_1281 = arith.select %or3A_1263, %select_n3A_1244, %select_n3A_1280 : vector<16xi1>, vector<16xi32>
        %select_n3A_1282 = arith.select %or3A_1273, %add3A_1251, %select_n3A_1248 : vector<16xi1>, vector<16xi32>
        %select_n3A_1283 = arith.select %or3A_1268, %select_n3A_1246, %select_n3A_1282 : vector<16xi1>, vector<16xi32>
        %add3A_1284 = arith.constant 176 : i32
        %add3A_1285 = vector.broadcast %add3A_1284 : i32 to vector<16xi32>
        %add3A_1286 = arith.addi %add3A_898, %add3A_1285 : vector<16xi32>
        %add3A_1287 = arith.constant 0 : i32
        %add3A_1288 = vector.broadcast %add3A_1287 : i32 to vector<16xi32>
        %add3A_1289 = arith.addi %add3A_1286, %add3A_1288 : vector<16xi32>
        %gather3A_1290 = tpu.vector_load_idx %arg5[%add3A_1289] : memref<65536xf32, #tpu.memory_space<vmem>>[vector<16xi32>], vector<16xf32>,
        %jit3A_1291 = arith.constant 0xFF800000 : f32
        %broadcast_in_dim3A_1292 = vector.broadcast %jit3A_1291 : f32 to vector<16xf32>
        %select_n3A_1293 = arith.select %lt3A_880, %gather3A_1290, %broadcast_in_dim3A_1292 : vector<16xi1>, vector<16xf32>
        %gt3A_1294 = arith.cmpf ogt, %select_n3A_1293, %select_n3A_1274 : vector<16xf32>
        %eq3A_1295 = arith.cmpf oeq, %select_n3A_1293, %select_n3A_1274 : vector<16xf32>
        %lt3A_1296 = arith.cmpi slt, %add3A_1286, %select_n3A_1279 : vector<16xi32>
        %and3A_1297 = arith.andi %eq3A_1295, %lt3A_1296 : vector<16xi1>
        %or3A_1298 = arith.ori %gt3A_1294, %and3A_1297 : vector<16xi1>
        %gt3A_1299 = arith.cmpf ogt, %select_n3A_1293, %select_n3A_1276 : vector<16xf32>
        %eq3A_1300 = arith.cmpf oeq, %select_n3A_1293, %select_n3A_1276 : vector<16xf32>
        %lt3A_1301 = arith.cmpi slt, %add3A_1286, %select_n3A_1281 : vector<16xi32>
        %and3A_1302 = arith.andi %eq3A_1300, %lt3A_1301 : vector<16xi1>
        %or3A_1303 = arith.ori %gt3A_1299, %and3A_1302 : vector<16xi1>
        %gt3A_1304 = arith.cmpf ogt, %select_n3A_1293, %select_n3A_1278 : vector<16xf32>
        %eq3A_1305 = arith.cmpf oeq, %select_n3A_1293, %select_n3A_1278 : vector<16xf32>
        %lt3A_1306 = arith.cmpi slt, %add3A_1286, %select_n3A_1283 : vector<16xi32>
        %and3A_1307 = arith.andi %eq3A_1305, %lt3A_1306 : vector<16xi1>
        %or3A_1308 = arith.ori %gt3A_1304, %and3A_1307 : vector<16xi1>
        %select_n3A_1309 = arith.select %or3A_1298, %select_n3A_1293, %select_n3A_1274 : vector<16xi1>, vector<16xf32>
        %select_n3A_1310 = arith.select %or3A_1303, %select_n3A_1293, %select_n3A_1276 : vector<16xi1>, vector<16xf32>
        %select_n3A_1311 = arith.select %or3A_1298, %select_n3A_1274, %select_n3A_1310 : vector<16xi1>, vector<16xf32>
        %select_n3A_1312 = arith.select %or3A_1308, %select_n3A_1293, %select_n3A_1278 : vector<16xi1>, vector<16xf32>
        %select_n3A_1313 = arith.select %or3A_1303, %select_n3A_1276, %select_n3A_1312 : vector<16xi1>, vector<16xf32>
        %select_n3A_1314 = arith.select %or3A_1298, %add3A_1286, %select_n3A_1279 : vector<16xi1>, vector<16xi32>
        %select_n3A_1315 = arith.select %or3A_1303, %add3A_1286, %select_n3A_1281 : vector<16xi1>, vector<16xi32>
        %select_n3A_1316 = arith.select %or3A_1298, %select_n3A_1279, %select_n3A_1315 : vector<16xi1>, vector<16xi32>
        %select_n3A_1317 = arith.select %or3A_1308, %add3A_1286, %select_n3A_1283 : vector<16xi1>, vector<16xi32>
        %select_n3A_1318 = arith.select %or3A_1303, %select_n3A_1281, %select_n3A_1317 : vector<16xi1>, vector<16xi32>
        %add3A_1319 = arith.constant 192 : i32
        %add3A_1320 = vector.broadcast %add3A_1319 : i32 to vector<16xi32>
        %add3A_1321 = arith.addi %add3A_898, %add3A_1320 : vector<16xi32>
        %add3A_1322 = arith.constant 0 : i32
        %add3A_1323 = vector.broadcast %add3A_1322 : i32 to vector<16xi32>
        %add3A_1324 = arith.addi %add3A_1321, %add3A_1323 : vector<16xi32>
        %gather3A_1325 = tpu.vector_load_idx %arg5[%add3A_1324] : memref<65536xf32, #tpu.memory_space<vmem>>[vector<16xi32>], vector<16xf32>,
        %jit3A_1326 = arith.constant 0xFF800000 : f32
        %broadcast_in_dim3A_1327 = vector.broadcast %jit3A_1326 : f32 to vector<16xf32>
        %select_n3A_1328 = arith.select %lt3A_880, %gather3A_1325, %broadcast_in_dim3A_1327 : vector<16xi1>, vector<16xf32>
        %gt3A_1329 = arith.cmpf ogt, %select_n3A_1328, %select_n3A_1309 : vector<16xf32>
        %eq3A_1330 = arith.cmpf oeq, %select_n3A_1328, %select_n3A_1309 : vector<16xf32>
        %lt3A_1331 = arith.cmpi slt, %add3A_1321, %select_n3A_1314 : vector<16xi32>
        %and3A_1332 = arith.andi %eq3A_1330, %lt3A_1331 : vector<16xi1>
        %or3A_1333 = arith.ori %gt3A_1329, %and3A_1332 : vector<16xi1>
        %gt3A_1334 = arith.cmpf ogt, %select_n3A_1328, %select_n3A_1311 : vector<16xf32>
        %eq3A_1335 = arith.cmpf oeq, %select_n3A_1328, %select_n3A_1311 : vector<16xf32>
        %lt3A_1336 = arith.cmpi slt, %add3A_1321, %select_n3A_1316 : vector<16xi32>
        %and3A_1337 = arith.andi %eq3A_1335, %lt3A_1336 : vector<16xi1>
        %or3A_1338 = arith.ori %gt3A_1334, %and3A_1337 : vector<16xi1>
        %gt3A_1339 = arith.cmpf ogt, %select_n3A_1328, %select_n3A_1313 : vector<16xf32>
        %eq3A_1340 = arith.cmpf oeq, %select_n3A_1328, %select_n3A_1313 : vector<16xf32>
        %lt3A_1341 = arith.cmpi slt, %add3A_1321, %select_n3A_1318 : vector<16xi32>
        %and3A_1342 = arith.andi %eq3A_1340, %lt3A_1341 : vector<16xi1>
        %or3A_1343 = arith.ori %gt3A_1339, %and3A_1342 : vector<16xi1>
        %select_n3A_1344 = arith.select %or3A_1333, %select_n3A_1328, %select_n3A_1309 : vector<16xi1>, vector<16xf32>
        %select_n3A_1345 = arith.select %or3A_1338, %select_n3A_1328, %select_n3A_1311 : vector<16xi1>, vector<16xf32>
        %select_n3A_1346 = arith.select %or3A_1333, %select_n3A_1309, %select_n3A_1345 : vector<16xi1>, vector<16xf32>
        %select_n3A_1347 = arith.select %or3A_1343, %select_n3A_1328, %select_n3A_1313 : vector<16xi1>, vector<16xf32>
        %select_n3A_1348 = arith.select %or3A_1338, %select_n3A_1311, %select_n3A_1347 : vector<16xi1>, vector<16xf32>
        %select_n3A_1349 = arith.select %or3A_1333, %add3A_1321, %select_n3A_1314 : vector<16xi1>, vector<16xi32>
        %select_n3A_1350 = arith.select %or3A_1338, %add3A_1321, %select_n3A_1316 : vector<16xi1>, vector<16xi32>
        %select_n3A_1351 = arith.select %or3A_1333, %select_n3A_1314, %select_n3A_1350 : vector<16xi1>, vector<16xi32>
        %select_n3A_1352 = arith.select %or3A_1343, %add3A_1321, %select_n3A_1318 : vector<16xi1>, vector<16xi32>
        %select_n3A_1353 = arith.select %or3A_1338, %select_n3A_1316, %select_n3A_1352 : vector<16xi1>, vector<16xi32>
        %add3A_1354 = arith.constant 208 : i32
        %add3A_1355 = vector.broadcast %add3A_1354 : i32 to vector<16xi32>
        %add3A_1356 = arith.addi %add3A_898, %add3A_1355 : vector<16xi32>
        %add3A_1357 = arith.constant 0 : i32
        %add3A_1358 = vector.broadcast %add3A_1357 : i32 to vector<16xi32>
        %add3A_1359 = arith.addi %add3A_1356, %add3A_1358 : vector<16xi32>
        %gather3A_1360 = tpu.vector_load_idx %arg5[%add3A_1359] : memref<65536xf32, #tpu.memory_space<vmem>>[vector<16xi32>], vector<16xf32>,
        %jit3A_1361 = arith.constant 0xFF800000 : f32
        %broadcast_in_dim3A_1362 = vector.broadcast %jit3A_1361 : f32 to vector<16xf32>
        %select_n3A_1363 = arith.select %lt3A_880, %gather3A_1360, %broadcast_in_dim3A_1362 : vector<16xi1>, vector<16xf32>
        %gt3A_1364 = arith.cmpf ogt, %select_n3A_1363, %select_n3A_1344 : vector<16xf32>
        %eq3A_1365 = arith.cmpf oeq, %select_n3A_1363, %select_n3A_1344 : vector<16xf32>
        %lt3A_1366 = arith.cmpi slt, %add3A_1356, %select_n3A_1349 : vector<16xi32>
        %and3A_1367 = arith.andi %eq3A_1365, %lt3A_1366 : vector<16xi1>
        %or3A_1368 = arith.ori %gt3A_1364, %and3A_1367 : vector<16xi1>
        %gt3A_1369 = arith.cmpf ogt, %select_n3A_1363, %select_n3A_1346 : vector<16xf32>
        %eq3A_1370 = arith.cmpf oeq, %select_n3A_1363, %select_n3A_1346 : vector<16xf32>
        %lt3A_1371 = arith.cmpi slt, %add3A_1356, %select_n3A_1351 : vector<16xi32>
        %and3A_1372 = arith.andi %eq3A_1370, %lt3A_1371 : vector<16xi1>
        %or3A_1373 = arith.ori %gt3A_1369, %and3A_1372 : vector<16xi1>
        %gt3A_1374 = arith.cmpf ogt, %select_n3A_1363, %select_n3A_1348 : vector<16xf32>
        %eq3A_1375 = arith.cmpf oeq, %select_n3A_1363, %select_n3A_1348 : vector<16xf32>
        %lt3A_1376 = arith.cmpi slt, %add3A_1356, %select_n3A_1353 : vector<16xi32>
        %and3A_1377 = arith.andi %eq3A_1375, %lt3A_1376 : vector<16xi1>
        %or3A_1378 = arith.ori %gt3A_1374, %and3A_1377 : vector<16xi1>
        %select_n3A_1379 = arith.select %or3A_1368, %select_n3A_1363, %select_n3A_1344 : vector<16xi1>, vector<16xf32>
        %select_n3A_1380 = arith.select %or3A_1373, %select_n3A_1363, %select_n3A_1346 : vector<16xi1>, vector<16xf32>
        %select_n3A_1381 = arith.select %or3A_1368, %select_n3A_1344, %select_n3A_1380 : vector<16xi1>, vector<16xf32>
        %select_n3A_1382 = arith.select %or3A_1378, %select_n3A_1363, %select_n3A_1348 : vector<16xi1>, vector<16xf32>
        %select_n3A_1383 = arith.select %or3A_1373, %select_n3A_1346, %select_n3A_1382 : vector<16xi1>, vector<16xf32>
        %select_n3A_1384 = arith.select %or3A_1368, %add3A_1356, %select_n3A_1349 : vector<16xi1>, vector<16xi32>
        %select_n3A_1385 = arith.select %or3A_1373, %add3A_1356, %select_n3A_1351 : vector<16xi1>, vector<16xi32>
        %select_n3A_1386 = arith.select %or3A_1368, %select_n3A_1349, %select_n3A_1385 : vector<16xi1>, vector<16xi32>
        %select_n3A_1387 = arith.select %or3A_1378, %add3A_1356, %select_n3A_1353 : vector<16xi1>, vector<16xi32>
        %select_n3A_1388 = arith.select %or3A_1373, %select_n3A_1351, %select_n3A_1387 : vector<16xi1>, vector<16xi32>
        %add3A_1389 = arith.constant 224 : i32
        %add3A_1390 = vector.broadcast %add3A_1389 : i32 to vector<16xi32>
        %add3A_1391 = arith.addi %add3A_898, %add3A_1390 : vector<16xi32>
        %add3A_1392 = arith.constant 0 : i32
        %add3A_1393 = vector.broadcast %add3A_1392 : i32 to vector<16xi32>
        %add3A_1394 = arith.addi %add3A_1391, %add3A_1393 : vector<16xi32>
        %gather3A_1395 = tpu.vector_load_idx %arg5[%add3A_1394] : memref<65536xf32, #tpu.memory_space<vmem>>[vector<16xi32>], vector<16xf32>,
        %jit3A_1396 = arith.constant 0xFF800000 : f32
        %broadcast_in_dim3A_1397 = vector.broadcast %jit3A_1396 : f32 to vector<16xf32>
        %select_n3A_1398 = arith.select %lt3A_880, %gather3A_1395, %broadcast_in_dim3A_1397 : vector<16xi1>, vector<16xf32>
        %gt3A_1399 = arith.cmpf ogt, %select_n3A_1398, %select_n3A_1379 : vector<16xf32>
        %eq3A_1400 = arith.cmpf oeq, %select_n3A_1398, %select_n3A_1379 : vector<16xf32>
        %lt3A_1401 = arith.cmpi slt, %add3A_1391, %select_n3A_1384 : vector<16xi32>
        %and3A_1402 = arith.andi %eq3A_1400, %lt3A_1401 : vector<16xi1>
        %or3A_1403 = arith.ori %gt3A_1399, %and3A_1402 : vector<16xi1>
        %gt3A_1404 = arith.cmpf ogt, %select_n3A_1398, %select_n3A_1381 : vector<16xf32>
        %eq3A_1405 = arith.cmpf oeq, %select_n3A_1398, %select_n3A_1381 : vector<16xf32>
        %lt3A_1406 = arith.cmpi slt, %add3A_1391, %select_n3A_1386 : vector<16xi32>
        %and3A_1407 = arith.andi %eq3A_1405, %lt3A_1406 : vector<16xi1>
        %or3A_1408 = arith.ori %gt3A_1404, %and3A_1407 : vector<16xi1>
        %gt3A_1409 = arith.cmpf ogt, %select_n3A_1398, %select_n3A_1383 : vector<16xf32>
        %eq3A_1410 = arith.cmpf oeq, %select_n3A_1398, %select_n3A_1383 : vector<16xf32>
        %lt3A_1411 = arith.cmpi slt, %add3A_1391, %select_n3A_1388 : vector<16xi32>
        %and3A_1412 = arith.andi %eq3A_1410, %lt3A_1411 : vector<16xi1>
        %or3A_1413 = arith.ori %gt3A_1409, %and3A_1412 : vector<16xi1>
        %select_n3A_1414 = arith.select %or3A_1403, %select_n3A_1398, %select_n3A_1379 : vector<16xi1>, vector<16xf32>
        %select_n3A_1415 = arith.select %or3A_1408, %select_n3A_1398, %select_n3A_1381 : vector<16xi1>, vector<16xf32>
        %select_n3A_1416 = arith.select %or3A_1403, %select_n3A_1379, %select_n3A_1415 : vector<16xi1>, vector<16xf32>
        %select_n3A_1417 = arith.select %or3A_1413, %select_n3A_1398, %select_n3A_1383 : vector<16xi1>, vector<16xf32>
        %select_n3A_1418 = arith.select %or3A_1408, %select_n3A_1381, %select_n3A_1417 : vector<16xi1>, vector<16xf32>
        %select_n3A_1419 = arith.select %or3A_1403, %add3A_1391, %select_n3A_1384 : vector<16xi1>, vector<16xi32>
        %select_n3A_1420 = arith.select %or3A_1408, %add3A_1391, %select_n3A_1386 : vector<16xi1>, vector<16xi32>
        %select_n3A_1421 = arith.select %or3A_1403, %select_n3A_1384, %select_n3A_1420 : vector<16xi1>, vector<16xi32>
        %select_n3A_1422 = arith.select %or3A_1413, %add3A_1391, %select_n3A_1388 : vector<16xi1>, vector<16xi32>
        %select_n3A_1423 = arith.select %or3A_1408, %select_n3A_1386, %select_n3A_1422 : vector<16xi1>, vector<16xi32>
        %add3A_1424 = arith.constant 240 : i32
        %add3A_1425 = vector.broadcast %add3A_1424 : i32 to vector<16xi32>
        %add3A_1426 = arith.addi %add3A_898, %add3A_1425 : vector<16xi32>
        %add3A_1427 = arith.constant 0 : i32
        %add3A_1428 = vector.broadcast %add3A_1427 : i32 to vector<16xi32>
        %add3A_1429 = arith.addi %add3A_1426, %add3A_1428 : vector<16xi32>
        %gather3A_1430 = tpu.vector_load_idx %arg5[%add3A_1429] : memref<65536xf32, #tpu.memory_space<vmem>>[vector<16xi32>], vector<16xf32>,
        %jit3A_1431 = arith.constant 0xFF800000 : f32
        %broadcast_in_dim3A_1432 = vector.broadcast %jit3A_1431 : f32 to vector<16xf32>
        %select_n3A_1433 = arith.select %lt3A_880, %gather3A_1430, %broadcast_in_dim3A_1432 : vector<16xi1>, vector<16xf32>
        %gt3A_1434 = arith.cmpf ogt, %select_n3A_1433, %select_n3A_1414 : vector<16xf32>
        %eq3A_1435 = arith.cmpf oeq, %select_n3A_1433, %select_n3A_1414 : vector<16xf32>
        %lt3A_1436 = arith.cmpi slt, %add3A_1426, %select_n3A_1419 : vector<16xi32>
        %and3A_1437 = arith.andi %eq3A_1435, %lt3A_1436 : vector<16xi1>
        %or3A_1438 = arith.ori %gt3A_1434, %and3A_1437 : vector<16xi1>
        %gt3A_1439 = arith.cmpf ogt, %select_n3A_1433, %select_n3A_1416 : vector<16xf32>
        %eq3A_1440 = arith.cmpf oeq, %select_n3A_1433, %select_n3A_1416 : vector<16xf32>
        %lt3A_1441 = arith.cmpi slt, %add3A_1426, %select_n3A_1421 : vector<16xi32>
        %and3A_1442 = arith.andi %eq3A_1440, %lt3A_1441 : vector<16xi1>
        %or3A_1443 = arith.ori %gt3A_1439, %and3A_1442 : vector<16xi1>
        %gt3A_1444 = arith.cmpf ogt, %select_n3A_1433, %select_n3A_1418 : vector<16xf32>
        %eq3A_1445 = arith.cmpf oeq, %select_n3A_1433, %select_n3A_1418 : vector<16xf32>
        %lt3A_1446 = arith.cmpi slt, %add3A_1426, %select_n3A_1423 : vector<16xi32>
        %and3A_1447 = arith.andi %eq3A_1445, %lt3A_1446 : vector<16xi1>
        %or3A_1448 = arith.ori %gt3A_1444, %and3A_1447 : vector<16xi1>
        %select_n3A_1449 = arith.select %or3A_1438, %select_n3A_1433, %select_n3A_1414 : vector<16xi1>, vector<16xf32>
        %select_n3A_1450 = arith.select %or3A_1443, %select_n3A_1433, %select_n3A_1416 : vector<16xi1>, vector<16xf32>
        %select_n3A_1451 = arith.select %or3A_1438, %select_n3A_1414, %select_n3A_1450 : vector<16xi1>, vector<16xf32>
        %select_n3A_1452 = arith.select %or3A_1448, %select_n3A_1433, %select_n3A_1418 : vector<16xi1>, vector<16xf32>
        %select_n3A_1453 = arith.select %or3A_1443, %select_n3A_1416, %select_n3A_1452 : vector<16xi1>, vector<16xf32>
        %select_n3A_1454 = arith.select %or3A_1438, %add3A_1426, %select_n3A_1419 : vector<16xi1>, vector<16xi32>
        %select_n3A_1455 = arith.select %or3A_1443, %add3A_1426, %select_n3A_1421 : vector<16xi1>, vector<16xi32>
        %select_n3A_1456 = arith.select %or3A_1438, %select_n3A_1419, %select_n3A_1455 : vector<16xi1>, vector<16xi32>
        %select_n3A_1457 = arith.select %or3A_1448, %add3A_1426, %select_n3A_1423 : vector<16xi1>, vector<16xi32>
        %select_n3A_1458 = arith.select %or3A_1443, %select_n3A_1421, %select_n3A_1457 : vector<16xi1>, vector<16xi32>
        scf.yield %select_n3A_1449, %select_n3A_1451, %select_n3A_1453, %select_n3A_1454, %select_n3A_1456, %select_n3A_1458 : vector<16xf32>, vector<16xf32>, vector<16xf32>, vector<16xi32>, vector<16xi32>, vector<16xi32>
      }
      %while3A_200 = arith.constant 1 : i32
      %while3A_201:6 = scf.for %while3A_872 = %while3A_197 to %while3A_193 step %while3A_200 iter_args(%while3A_873 = %while3A_199#0, %while3A_874 = %while3A_199#1, %while3A_875 = %while3A_199#2, %while3A_876 = %while3A_199#3, %while3A_877 = %while3A_199#4, %while3A_878 = %while3A_199#5) -> (vector<16xf32>, vector<16xf32>, vector<16xf32>, vector<16xi32>, vector<16xi32>, vector<16xi32>)  : i32 {
        %lt3A_879 = vector.broadcast %while3A_872 : i32 to vector<16xi32>
        %lt3A_880 = arith.cmpi slt, %lt3A_879, %parallel_loop3A_163 : vector<16xi32>
        %jit3A_881 = arith.constant 0 : i32
        %broadcast_in_dim3A_882 = vector.broadcast %while3A_872 : i32 to vector<16xi32>
        %broadcast_in_dim3A_883 = vector.broadcast %jit3A_881 : i32 to vector<16xi32>
        %select_n3A_884 = arith.select %lt3A_880, %broadcast_in_dim3A_882, %broadcast_in_dim3A_883 : vector<16xi1>, vector<16xi32>
        %add3A_885 = arith.addi %mul3A_8, %select_n3A_884 : vector<16xi32>
        %gather3A_886 = tpu.vector_load_idx %arg7[%add3A_885] : memref<2048xi32, #tpu.memory_space<vmem>>[vector<16xi32>], vector<16xi32>,
        %jit3A_887 = arith.constant 0 : i32
        %broadcast_in_dim3A_888 = vector.broadcast %jit3A_887 : i32 to vector<16xi32>
        %select_n3A_889 = arith.select %lt3A_880, %gather3A_886, %broadcast_in_dim3A_888 : vector<16xi1>, vector<16xi32>
        %shift_right_arithmetic3A = arith.constant 4 : i32
        %shift_right_arithmetic3A_890 = vector.broadcast %shift_right_arithmetic3A : i32 to vector<16xi32>
        %shift_right_arithmetic3A_891 = arith.shrsi %select_n3A_889, %shift_right_arithmetic3A_890 : vector<16xi32>
        %and3A_892 = arith.constant 15 : i32
        %and3A_893 = vector.broadcast %and3A_892 : i32 to vector<16xi32>
        %and3A_894 = arith.andi %select_n3A_889, %and3A_893 : vector<16xi32>
        %mul3A_895 = arith.constant 256 : i32
        %mul3A_896 = vector.broadcast %mul3A_895 : i32 to vector<16xi32>
        %mul3A_897 = arith.muli %shift_right_arithmetic3A_891, %mul3A_896 : vector<16xi32>
        %add3A_898 = arith.addi %mul3A_897, %and3A_894 : vector<16xi32>
        %add3A_899 = arith.constant 0 : i32
        %add3A_900 = vector.broadcast %add3A_899 : i32 to vector<16xi32>
        %add3A_901 = arith.addi %add3A_898, %add3A_900 : vector<16xi32>
        %add3A_902 = arith.constant 0 : i32
        %add3A_903 = vector.broadcast %add3A_902 : i32 to vector<16xi32>
        %add3A_904 = arith.addi %add3A_901, %add3A_903 : vector<16xi32>
        %gather3A_905 = tpu.vector_load_idx %arg5[%add3A_904] : memref<65536xf32, #tpu.memory_space<vmem>>[vector<16xi32>], vector<16xf32>,
        %jit3A_906 = arith.constant 0xFF800000 : f32
        %broadcast_in_dim3A_907 = vector.broadcast %jit3A_906 : f32 to vector<16xf32>
        %select_n3A_908 = arith.select %lt3A_880, %gather3A_905, %broadcast_in_dim3A_907 : vector<16xi1>, vector<16xf32>
        %gt3A_909 = arith.cmpf ogt, %select_n3A_908, %while3A_873 : vector<16xf32>
        %eq3A_910 = arith.cmpf oeq, %select_n3A_908, %while3A_873 : vector<16xf32>
        %lt3A_911 = arith.cmpi slt, %add3A_901, %while3A_876 : vector<16xi32>
        %and3A_912 = arith.andi %eq3A_910, %lt3A_911 : vector<16xi1>
        %or3A_913 = arith.ori %gt3A_909, %and3A_912 : vector<16xi1>
        %gt3A_914 = arith.cmpf ogt, %select_n3A_908, %while3A_874 : vector<16xf32>
        %eq3A_915 = arith.cmpf oeq, %select_n3A_908, %while3A_874 : vector<16xf32>
        %lt3A_916 = arith.cmpi slt, %add3A_901, %while3A_877 : vector<16xi32>
        %and3A_917 = arith.andi %eq3A_915, %lt3A_916 : vector<16xi1>
        %or3A_918 = arith.ori %gt3A_914, %and3A_917 : vector<16xi1>
        %gt3A_919 = arith.cmpf ogt, %select_n3A_908, %while3A_875 : vector<16xf32>
        %eq3A_920 = arith.cmpf oeq, %select_n3A_908, %while3A_875 : vector<16xf32>
        %lt3A_921 = arith.cmpi slt, %add3A_901, %while3A_878 : vector<16xi32>
        %and3A_922 = arith.andi %eq3A_920, %lt3A_921 : vector<16xi1>
        %or3A_923 = arith.ori %gt3A_919, %and3A_922 : vector<16xi1>
        %select_n3A_924 = arith.select %or3A_913, %select_n3A_908, %while3A_873 : vector<16xi1>, vector<16xf32>
        %select_n3A_925 = arith.select %or3A_918, %select_n3A_908, %while3A_874 : vector<16xi1>, vector<16xf32>
        %select_n3A_926 = arith.select %or3A_913, %while3A_873, %select_n3A_925 : vector<16xi1>, vector<16xf32>
        %select_n3A_927 = arith.select %or3A_923, %select_n3A_908, %while3A_875 : vector<16xi1>, vector<16xf32>
        %select_n3A_928 = arith.select %or3A_918, %while3A_874, %select_n3A_927 : vector<16xi1>, vector<16xf32>
        %select_n3A_929 = arith.select %or3A_913, %add3A_901, %while3A_876 : vector<16xi1>, vector<16xi32>
        %select_n3A_930 = arith.select %or3A_918, %add3A_901, %while3A_877 : vector<16xi1>, vector<16xi32>
        %select_n3A_931 = arith.select %or3A_913, %while3A_876, %select_n3A_930 : vector<16xi1>, vector<16xi32>
        %select_n3A_932 = arith.select %or3A_923, %add3A_901, %while3A_878 : vector<16xi1>, vector<16xi32>
        %select_n3A_933 = arith.select %or3A_918, %while3A_877, %select_n3A_932 : vector<16xi1>, vector<16xi32>
        %add3A_934 = arith.constant 16 : i32
        %add3A_935 = vector.broadcast %add3A_934 : i32 to vector<16xi32>
        %add3A_936 = arith.addi %add3A_898, %add3A_935 : vector<16xi32>
        %add3A_937 = arith.constant 0 : i32
        %add3A_938 = vector.broadcast %add3A_937 : i32 to vector<16xi32>
        %add3A_939 = arith.addi %add3A_936, %add3A_938 : vector<16xi32>
        %gather3A_940 = tpu.vector_load_idx %arg5[%add3A_939] : memref<65536xf32, #tpu.memory_space<vmem>>[vector<16xi32>], vector<16xf32>,
        %jit3A_941 = arith.constant 0xFF800000 : f32
        %broadcast_in_dim3A_942 = vector.broadcast %jit3A_941 : f32 to vector<16xf32>
        %select_n3A_943 = arith.select %lt3A_880, %gather3A_940, %broadcast_in_dim3A_942 : vector<16xi1>, vector<16xf32>
        %gt3A_944 = arith.cmpf ogt, %select_n3A_943, %select_n3A_924 : vector<16xf32>
        %eq3A_945 = arith.cmpf oeq, %select_n3A_943, %select_n3A_924 : vector<16xf32>
        %lt3A_946 = arith.cmpi slt, %add3A_936, %select_n3A_929 : vector<16xi32>
        %and3A_947 = arith.andi %eq3A_945, %lt3A_946 : vector<16xi1>
        %or3A_948 = arith.ori %gt3A_944, %and3A_947 : vector<16xi1>
        %gt3A_949 = arith.cmpf ogt, %select_n3A_943, %select_n3A_926 : vector<16xf32>
        %eq3A_950 = arith.cmpf oeq, %select_n3A_943, %select_n3A_926 : vector<16xf32>
        %lt3A_951 = arith.cmpi slt, %add3A_936, %select_n3A_931 : vector<16xi32>
        %and3A_952 = arith.andi %eq3A_950, %lt3A_951 : vector<16xi1>
        %or3A_953 = arith.ori %gt3A_949, %and3A_952 : vector<16xi1>
        %gt3A_954 = arith.cmpf ogt, %select_n3A_943, %select_n3A_928 : vector<16xf32>
        %eq3A_955 = arith.cmpf oeq, %select_n3A_943, %select_n3A_928 : vector<16xf32>
        %lt3A_956 = arith.cmpi slt, %add3A_936, %select_n3A_933 : vector<16xi32>
        %and3A_957 = arith.andi %eq3A_955, %lt3A_956 : vector<16xi1>
        %or3A_958 = arith.ori %gt3A_954, %and3A_957 : vector<16xi1>
        %select_n3A_959 = arith.select %or3A_948, %select_n3A_943, %select_n3A_924 : vector<16xi1>, vector<16xf32>
        %select_n3A_960 = arith.select %or3A_953, %select_n3A_943, %select_n3A_926 : vector<16xi1>, vector<16xf32>
        %select_n3A_961 = arith.select %or3A_948, %select_n3A_924, %select_n3A_960 : vector<16xi1>, vector<16xf32>
        %select_n3A_962 = arith.select %or3A_958, %select_n3A_943, %select_n3A_928 : vector<16xi1>, vector<16xf32>
        %select_n3A_963 = arith.select %or3A_953, %select_n3A_926, %select_n3A_962 : vector<16xi1>, vector<16xf32>
        %select_n3A_964 = arith.select %or3A_948, %add3A_936, %select_n3A_929 : vector<16xi1>, vector<16xi32>
        %select_n3A_965 = arith.select %or3A_953, %add3A_936, %select_n3A_931 : vector<16xi1>, vector<16xi32>
        %select_n3A_966 = arith.select %or3A_948, %select_n3A_929, %select_n3A_965 : vector<16xi1>, vector<16xi32>
        %select_n3A_967 = arith.select %or3A_958, %add3A_936, %select_n3A_933 : vector<16xi1>, vector<16xi32>
        %select_n3A_968 = arith.select %or3A_953, %select_n3A_931, %select_n3A_967 : vector<16xi1>, vector<16xi32>
        %add3A_969 = arith.constant 32 : i32
        %add3A_970 = vector.broadcast %add3A_969 : i32 to vector<16xi32>
        %add3A_971 = arith.addi %add3A_898, %add3A_970 : vector<16xi32>
        %add3A_972 = arith.constant 0 : i32
        %add3A_973 = vector.broadcast %add3A_972 : i32 to vector<16xi32>
        %add3A_974 = arith.addi %add3A_971, %add3A_973 : vector<16xi32>
        %gather3A_975 = tpu.vector_load_idx %arg5[%add3A_974] : memref<65536xf32, #tpu.memory_space<vmem>>[vector<16xi32>], vector<16xf32>,
        %jit3A_976 = arith.constant 0xFF800000 : f32
        %broadcast_in_dim3A_977 = vector.broadcast %jit3A_976 : f32 to vector<16xf32>
        %select_n3A_978 = arith.select %lt3A_880, %gather3A_975, %broadcast_in_dim3A_977 : vector<16xi1>, vector<16xf32>
        %gt3A_979 = arith.cmpf ogt, %select_n3A_978, %select_n3A_959 : vector<16xf32>
        %eq3A_980 = arith.cmpf oeq, %select_n3A_978, %select_n3A_959 : vector<16xf32>
        %lt3A_981 = arith.cmpi slt, %add3A_971, %select_n3A_964 : vector<16xi32>
        %and3A_982 = arith.andi %eq3A_980, %lt3A_981 : vector<16xi1>
        %or3A_983 = arith.ori %gt3A_979, %and3A_982 : vector<16xi1>
        %gt3A_984 = arith.cmpf ogt, %select_n3A_978, %select_n3A_961 : vector<16xf32>
        %eq3A_985 = arith.cmpf oeq, %select_n3A_978, %select_n3A_961 : vector<16xf32>
        %lt3A_986 = arith.cmpi slt, %add3A_971, %select_n3A_966 : vector<16xi32>
        %and3A_987 = arith.andi %eq3A_985, %lt3A_986 : vector<16xi1>
        %or3A_988 = arith.ori %gt3A_984, %and3A_987 : vector<16xi1>
        %gt3A_989 = arith.cmpf ogt, %select_n3A_978, %select_n3A_963 : vector<16xf32>
        %eq3A_990 = arith.cmpf oeq, %select_n3A_978, %select_n3A_963 : vector<16xf32>
        %lt3A_991 = arith.cmpi slt, %add3A_971, %select_n3A_968 : vector<16xi32>
        %and3A_992 = arith.andi %eq3A_990, %lt3A_991 : vector<16xi1>
        %or3A_993 = arith.ori %gt3A_989, %and3A_992 : vector<16xi1>
        %select_n3A_994 = arith.select %or3A_983, %select_n3A_978, %select_n3A_959 : vector<16xi1>, vector<16xf32>
        %select_n3A_995 = arith.select %or3A_988, %select_n3A_978, %select_n3A_961 : vector<16xi1>, vector<16xf32>
        %select_n3A_996 = arith.select %or3A_983, %select_n3A_959, %select_n3A_995 : vector<16xi1>, vector<16xf32>
        %select_n3A_997 = arith.select %or3A_993, %select_n3A_978, %select_n3A_963 : vector<16xi1>, vector<16xf32>
        %select_n3A_998 = arith.select %or3A_988, %select_n3A_961, %select_n3A_997 : vector<16xi1>, vector<16xf32>
        %select_n3A_999 = arith.select %or3A_983, %add3A_971, %select_n3A_964 : vector<16xi1>, vector<16xi32>
        %select_n3A_1000 = arith.select %or3A_988, %add3A_971, %select_n3A_966 : vector<16xi1>, vector<16xi32>
        %select_n3A_1001 = arith.select %or3A_983, %select_n3A_964, %select_n3A_1000 : vector<16xi1>, vector<16xi32>
        %select_n3A_1002 = arith.select %or3A_993, %add3A_971, %select_n3A_968 : vector<16xi1>, vector<16xi32>
        %select_n3A_1003 = arith.select %or3A_988, %select_n3A_966, %select_n3A_1002 : vector<16xi1>, vector<16xi32>
        %add3A_1004 = arith.constant 48 : i32
        %add3A_1005 = vector.broadcast %add3A_1004 : i32 to vector<16xi32>
        %add3A_1006 = arith.addi %add3A_898, %add3A_1005 : vector<16xi32>
        %add3A_1007 = arith.constant 0 : i32
        %add3A_1008 = vector.broadcast %add3A_1007 : i32 to vector<16xi32>
        %add3A_1009 = arith.addi %add3A_1006, %add3A_1008 : vector<16xi32>
        %gather3A_1010 = tpu.vector_load_idx %arg5[%add3A_1009] : memref<65536xf32, #tpu.memory_space<vmem>>[vector<16xi32>], vector<16xf32>,
        %jit3A_1011 = arith.constant 0xFF800000 : f32
        %broadcast_in_dim3A_1012 = vector.broadcast %jit3A_1011 : f32 to vector<16xf32>
        %select_n3A_1013 = arith.select %lt3A_880, %gather3A_1010, %broadcast_in_dim3A_1012 : vector<16xi1>, vector<16xf32>
        %gt3A_1014 = arith.cmpf ogt, %select_n3A_1013, %select_n3A_994 : vector<16xf32>
        %eq3A_1015 = arith.cmpf oeq, %select_n3A_1013, %select_n3A_994 : vector<16xf32>
        %lt3A_1016 = arith.cmpi slt, %add3A_1006, %select_n3A_999 : vector<16xi32>
        %and3A_1017 = arith.andi %eq3A_1015, %lt3A_1016 : vector<16xi1>
        %or3A_1018 = arith.ori %gt3A_1014, %and3A_1017 : vector<16xi1>
        %gt3A_1019 = arith.cmpf ogt, %select_n3A_1013, %select_n3A_996 : vector<16xf32>
        %eq3A_1020 = arith.cmpf oeq, %select_n3A_1013, %select_n3A_996 : vector<16xf32>
        %lt3A_1021 = arith.cmpi slt, %add3A_1006, %select_n3A_1001 : vector<16xi32>
        %and3A_1022 = arith.andi %eq3A_1020, %lt3A_1021 : vector<16xi1>
        %or3A_1023 = arith.ori %gt3A_1019, %and3A_1022 : vector<16xi1>
        %gt3A_1024 = arith.cmpf ogt, %select_n3A_1013, %select_n3A_998 : vector<16xf32>
        %eq3A_1025 = arith.cmpf oeq, %select_n3A_1013, %select_n3A_998 : vector<16xf32>
        %lt3A_1026 = arith.cmpi slt, %add3A_1006, %select_n3A_1003 : vector<16xi32>
        %and3A_1027 = arith.andi %eq3A_1025, %lt3A_1026 : vector<16xi1>
        %or3A_1028 = arith.ori %gt3A_1024, %and3A_1027 : vector<16xi1>
        %select_n3A_1029 = arith.select %or3A_1018, %select_n3A_1013, %select_n3A_994 : vector<16xi1>, vector<16xf32>
        %select_n3A_1030 = arith.select %or3A_1023, %select_n3A_1013, %select_n3A_996 : vector<16xi1>, vector<16xf32>
        %select_n3A_1031 = arith.select %or3A_1018, %select_n3A_994, %select_n3A_1030 : vector<16xi1>, vector<16xf32>
        %select_n3A_1032 = arith.select %or3A_1028, %select_n3A_1013, %select_n3A_998 : vector<16xi1>, vector<16xf32>
        %select_n3A_1033 = arith.select %or3A_1023, %select_n3A_996, %select_n3A_1032 : vector<16xi1>, vector<16xf32>
        %select_n3A_1034 = arith.select %or3A_1018, %add3A_1006, %select_n3A_999 : vector<16xi1>, vector<16xi32>
        %select_n3A_1035 = arith.select %or3A_1023, %add3A_1006, %select_n3A_1001 : vector<16xi1>, vector<16xi32>
        %select_n3A_1036 = arith.select %or3A_1018, %select_n3A_999, %select_n3A_1035 : vector<16xi1>, vector<16xi32>
        %select_n3A_1037 = arith.select %or3A_1028, %add3A_1006, %select_n3A_1003 : vector<16xi1>, vector<16xi32>
        %select_n3A_1038 = arith.select %or3A_1023, %select_n3A_1001, %select_n3A_1037 : vector<16xi1>, vector<16xi32>
        %add3A_1039 = arith.constant 64 : i32
        %add3A_1040 = vector.broadcast %add3A_1039 : i32 to vector<16xi32>
        %add3A_1041 = arith.addi %add3A_898, %add3A_1040 : vector<16xi32>
        %add3A_1042 = arith.constant 0 : i32
        %add3A_1043 = vector.broadcast %add3A_1042 : i32 to vector<16xi32>
        %add3A_1044 = arith.addi %add3A_1041, %add3A_1043 : vector<16xi32>
        %gather3A_1045 = tpu.vector_load_idx %arg5[%add3A_1044] : memref<65536xf32, #tpu.memory_space<vmem>>[vector<16xi32>], vector<16xf32>,
        %jit3A_1046 = arith.constant 0xFF800000 : f32
        %broadcast_in_dim3A_1047 = vector.broadcast %jit3A_1046 : f32 to vector<16xf32>
        %select_n3A_1048 = arith.select %lt3A_880, %gather3A_1045, %broadcast_in_dim3A_1047 : vector<16xi1>, vector<16xf32>
        %gt3A_1049 = arith.cmpf ogt, %select_n3A_1048, %select_n3A_1029 : vector<16xf32>
        %eq3A_1050 = arith.cmpf oeq, %select_n3A_1048, %select_n3A_1029 : vector<16xf32>
        %lt3A_1051 = arith.cmpi slt, %add3A_1041, %select_n3A_1034 : vector<16xi32>
        %and3A_1052 = arith.andi %eq3A_1050, %lt3A_1051 : vector<16xi1>
        %or3A_1053 = arith.ori %gt3A_1049, %and3A_1052 : vector<16xi1>
        %gt3A_1054 = arith.cmpf ogt, %select_n3A_1048, %select_n3A_1031 : vector<16xf32>
        %eq3A_1055 = arith.cmpf oeq, %select_n3A_1048, %select_n3A_1031 : vector<16xf32>
        %lt3A_1056 = arith.cmpi slt, %add3A_1041, %select_n3A_1036 : vector<16xi32>
        %and3A_1057 = arith.andi %eq3A_1055, %lt3A_1056 : vector<16xi1>
        %or3A_1058 = arith.ori %gt3A_1054, %and3A_1057 : vector<16xi1>
        %gt3A_1059 = arith.cmpf ogt, %select_n3A_1048, %select_n3A_1033 : vector<16xf32>
        %eq3A_1060 = arith.cmpf oeq, %select_n3A_1048, %select_n3A_1033 : vector<16xf32>
        %lt3A_1061 = arith.cmpi slt, %add3A_1041, %select_n3A_1038 : vector<16xi32>
        %and3A_1062 = arith.andi %eq3A_1060, %lt3A_1061 : vector<16xi1>
        %or3A_1063 = arith.ori %gt3A_1059, %and3A_1062 : vector<16xi1>
        %select_n3A_1064 = arith.select %or3A_1053, %select_n3A_1048, %select_n3A_1029 : vector<16xi1>, vector<16xf32>
        %select_n3A_1065 = arith.select %or3A_1058, %select_n3A_1048, %select_n3A_1031 : vector<16xi1>, vector<16xf32>
        %select_n3A_1066 = arith.select %or3A_1053, %select_n3A_1029, %select_n3A_1065 : vector<16xi1>, vector<16xf32>
        %select_n3A_1067 = arith.select %or3A_1063, %select_n3A_1048, %select_n3A_1033 : vector<16xi1>, vector<16xf32>
        %select_n3A_1068 = arith.select %or3A_1058, %select_n3A_1031, %select_n3A_1067 : vector<16xi1>, vector<16xf32>
        %select_n3A_1069 = arith.select %or3A_1053, %add3A_1041, %select_n3A_1034 : vector<16xi1>, vector<16xi32>
        %select_n3A_1070 = arith.select %or3A_1058, %add3A_1041, %select_n3A_1036 : vector<16xi1>, vector<16xi32>
        %select_n3A_1071 = arith.select %or3A_1053, %select_n3A_1034, %select_n3A_1070 : vector<16xi1>, vector<16xi32>
        %select_n3A_1072 = arith.select %or3A_1063, %add3A_1041, %select_n3A_1038 : vector<16xi1>, vector<16xi32>
        %select_n3A_1073 = arith.select %or3A_1058, %select_n3A_1036, %select_n3A_1072 : vector<16xi1>, vector<16xi32>
        %add3A_1074 = arith.constant 80 : i32
        %add3A_1075 = vector.broadcast %add3A_1074 : i32 to vector<16xi32>
        %add3A_1076 = arith.addi %add3A_898, %add3A_1075 : vector<16xi32>
        %add3A_1077 = arith.constant 0 : i32
        %add3A_1078 = vector.broadcast %add3A_1077 : i32 to vector<16xi32>
        %add3A_1079 = arith.addi %add3A_1076, %add3A_1078 : vector<16xi32>
        %gather3A_1080 = tpu.vector_load_idx %arg5[%add3A_1079] : memref<65536xf32, #tpu.memory_space<vmem>>[vector<16xi32>], vector<16xf32>,
        %jit3A_1081 = arith.constant 0xFF800000 : f32
        %broadcast_in_dim3A_1082 = vector.broadcast %jit3A_1081 : f32 to vector<16xf32>
        %select_n3A_1083 = arith.select %lt3A_880, %gather3A_1080, %broadcast_in_dim3A_1082 : vector<16xi1>, vector<16xf32>
        %gt3A_1084 = arith.cmpf ogt, %select_n3A_1083, %select_n3A_1064 : vector<16xf32>
        %eq3A_1085 = arith.cmpf oeq, %select_n3A_1083, %select_n3A_1064 : vector<16xf32>
        %lt3A_1086 = arith.cmpi slt, %add3A_1076, %select_n3A_1069 : vector<16xi32>
        %and3A_1087 = arith.andi %eq3A_1085, %lt3A_1086 : vector<16xi1>
        %or3A_1088 = arith.ori %gt3A_1084, %and3A_1087 : vector<16xi1>
        %gt3A_1089 = arith.cmpf ogt, %select_n3A_1083, %select_n3A_1066 : vector<16xf32>
        %eq3A_1090 = arith.cmpf oeq, %select_n3A_1083, %select_n3A_1066 : vector<16xf32>
        %lt3A_1091 = arith.cmpi slt, %add3A_1076, %select_n3A_1071 : vector<16xi32>
        %and3A_1092 = arith.andi %eq3A_1090, %lt3A_1091 : vector<16xi1>
        %or3A_1093 = arith.ori %gt3A_1089, %and3A_1092 : vector<16xi1>
        %gt3A_1094 = arith.cmpf ogt, %select_n3A_1083, %select_n3A_1068 : vector<16xf32>
        %eq3A_1095 = arith.cmpf oeq, %select_n3A_1083, %select_n3A_1068 : vector<16xf32>
        %lt3A_1096 = arith.cmpi slt, %add3A_1076, %select_n3A_1073 : vector<16xi32>
        %and3A_1097 = arith.andi %eq3A_1095, %lt3A_1096 : vector<16xi1>
        %or3A_1098 = arith.ori %gt3A_1094, %and3A_1097 : vector<16xi1>
        %select_n3A_1099 = arith.select %or3A_1088, %select_n3A_1083, %select_n3A_1064 : vector<16xi1>, vector<16xf32>
        %select_n3A_1100 = arith.select %or3A_1093, %select_n3A_1083, %select_n3A_1066 : vector<16xi1>, vector<16xf32>
        %select_n3A_1101 = arith.select %or3A_1088, %select_n3A_1064, %select_n3A_1100 : vector<16xi1>, vector<16xf32>
        %select_n3A_1102 = arith.select %or3A_1098, %select_n3A_1083, %select_n3A_1068 : vector<16xi1>, vector<16xf32>
        %select_n3A_1103 = arith.select %or3A_1093, %select_n3A_1066, %select_n3A_1102 : vector<16xi1>, vector<16xf32>
        %select_n3A_1104 = arith.select %or3A_1088, %add3A_1076, %select_n3A_1069 : vector<16xi1>, vector<16xi32>
        %select_n3A_1105 = arith.select %or3A_1093, %add3A_1076, %select_n3A_1071 : vector<16xi1>, vector<16xi32>
        %select_n3A_1106 = arith.select %or3A_1088, %select_n3A_1069, %select_n3A_1105 : vector<16xi1>, vector<16xi32>
        %select_n3A_1107 = arith.select %or3A_1098, %add3A_1076, %select_n3A_1073 : vector<16xi1>, vector<16xi32>
        %select_n3A_1108 = arith.select %or3A_1093, %select_n3A_1071, %select_n3A_1107 : vector<16xi1>, vector<16xi32>
        %add3A_1109 = arith.constant 96 : i32
        %add3A_1110 = vector.broadcast %add3A_1109 : i32 to vector<16xi32>
        %add3A_1111 = arith.addi %add3A_898, %add3A_1110 : vector<16xi32>
        %add3A_1112 = arith.constant 0 : i32
        %add3A_1113 = vector.broadcast %add3A_1112 : i32 to vector<16xi32>
        %add3A_1114 = arith.addi %add3A_1111, %add3A_1113 : vector<16xi32>
        %gather3A_1115 = tpu.vector_load_idx %arg5[%add3A_1114] : memref<65536xf32, #tpu.memory_space<vmem>>[vector<16xi32>], vector<16xf32>,
        %jit3A_1116 = arith.constant 0xFF800000 : f32
        %broadcast_in_dim3A_1117 = vector.broadcast %jit3A_1116 : f32 to vector<16xf32>
        %select_n3A_1118 = arith.select %lt3A_880, %gather3A_1115, %broadcast_in_dim3A_1117 : vector<16xi1>, vector<16xf32>
        %gt3A_1119 = arith.cmpf ogt, %select_n3A_1118, %select_n3A_1099 : vector<16xf32>
        %eq3A_1120 = arith.cmpf oeq, %select_n3A_1118, %select_n3A_1099 : vector<16xf32>
        %lt3A_1121 = arith.cmpi slt, %add3A_1111, %select_n3A_1104 : vector<16xi32>
        %and3A_1122 = arith.andi %eq3A_1120, %lt3A_1121 : vector<16xi1>
        %or3A_1123 = arith.ori %gt3A_1119, %and3A_1122 : vector<16xi1>
        %gt3A_1124 = arith.cmpf ogt, %select_n3A_1118, %select_n3A_1101 : vector<16xf32>
        %eq3A_1125 = arith.cmpf oeq, %select_n3A_1118, %select_n3A_1101 : vector<16xf32>
        %lt3A_1126 = arith.cmpi slt, %add3A_1111, %select_n3A_1106 : vector<16xi32>
        %and3A_1127 = arith.andi %eq3A_1125, %lt3A_1126 : vector<16xi1>
        %or3A_1128 = arith.ori %gt3A_1124, %and3A_1127 : vector<16xi1>
        %gt3A_1129 = arith.cmpf ogt, %select_n3A_1118, %select_n3A_1103 : vector<16xf32>
        %eq3A_1130 = arith.cmpf oeq, %select_n3A_1118, %select_n3A_1103 : vector<16xf32>
        %lt3A_1131 = arith.cmpi slt, %add3A_1111, %select_n3A_1108 : vector<16xi32>
        %and3A_1132 = arith.andi %eq3A_1130, %lt3A_1131 : vector<16xi1>
        %or3A_1133 = arith.ori %gt3A_1129, %and3A_1132 : vector<16xi1>
        %select_n3A_1134 = arith.select %or3A_1123, %select_n3A_1118, %select_n3A_1099 : vector<16xi1>, vector<16xf32>
        %select_n3A_1135 = arith.select %or3A_1128, %select_n3A_1118, %select_n3A_1101 : vector<16xi1>, vector<16xf32>
        %select_n3A_1136 = arith.select %or3A_1123, %select_n3A_1099, %select_n3A_1135 : vector<16xi1>, vector<16xf32>
        %select_n3A_1137 = arith.select %or3A_1133, %select_n3A_1118, %select_n3A_1103 : vector<16xi1>, vector<16xf32>
        %select_n3A_1138 = arith.select %or3A_1128, %select_n3A_1101, %select_n3A_1137 : vector<16xi1>, vector<16xf32>
        %select_n3A_1139 = arith.select %or3A_1123, %add3A_1111, %select_n3A_1104 : vector<16xi1>, vector<16xi32>
        %select_n3A_1140 = arith.select %or3A_1128, %add3A_1111, %select_n3A_1106 : vector<16xi1>, vector<16xi32>
        %select_n3A_1141 = arith.select %or3A_1123, %select_n3A_1104, %select_n3A_1140 : vector<16xi1>, vector<16xi32>
        %select_n3A_1142 = arith.select %or3A_1133, %add3A_1111, %select_n3A_1108 : vector<16xi1>, vector<16xi32>
        %select_n3A_1143 = arith.select %or3A_1128, %select_n3A_1106, %select_n3A_1142 : vector<16xi1>, vector<16xi32>
        %add3A_1144 = arith.constant 112 : i32
        %add3A_1145 = vector.broadcast %add3A_1144 : i32 to vector<16xi32>
        %add3A_1146 = arith.addi %add3A_898, %add3A_1145 : vector<16xi32>
        %add3A_1147 = arith.constant 0 : i32
        %add3A_1148 = vector.broadcast %add3A_1147 : i32 to vector<16xi32>
        %add3A_1149 = arith.addi %add3A_1146, %add3A_1148 : vector<16xi32>
        %gather3A_1150 = tpu.vector_load_idx %arg5[%add3A_1149] : memref<65536xf32, #tpu.memory_space<vmem>>[vector<16xi32>], vector<16xf32>,
        %jit3A_1151 = arith.constant 0xFF800000 : f32
        %broadcast_in_dim3A_1152 = vector.broadcast %jit3A_1151 : f32 to vector<16xf32>
        %select_n3A_1153 = arith.select %lt3A_880, %gather3A_1150, %broadcast_in_dim3A_1152 : vector<16xi1>, vector<16xf32>
        %gt3A_1154 = arith.cmpf ogt, %select_n3A_1153, %select_n3A_1134 : vector<16xf32>
        %eq3A_1155 = arith.cmpf oeq, %select_n3A_1153, %select_n3A_1134 : vector<16xf32>
        %lt3A_1156 = arith.cmpi slt, %add3A_1146, %select_n3A_1139 : vector<16xi32>
        %and3A_1157 = arith.andi %eq3A_1155, %lt3A_1156 : vector<16xi1>
        %or3A_1158 = arith.ori %gt3A_1154, %and3A_1157 : vector<16xi1>
        %gt3A_1159 = arith.cmpf ogt, %select_n3A_1153, %select_n3A_1136 : vector<16xf32>
        %eq3A_1160 = arith.cmpf oeq, %select_n3A_1153, %select_n3A_1136 : vector<16xf32>
        %lt3A_1161 = arith.cmpi slt, %add3A_1146, %select_n3A_1141 : vector<16xi32>
        %and3A_1162 = arith.andi %eq3A_1160, %lt3A_1161 : vector<16xi1>
        %or3A_1163 = arith.ori %gt3A_1159, %and3A_1162 : vector<16xi1>
        %gt3A_1164 = arith.cmpf ogt, %select_n3A_1153, %select_n3A_1138 : vector<16xf32>
        %eq3A_1165 = arith.cmpf oeq, %select_n3A_1153, %select_n3A_1138 : vector<16xf32>
        %lt3A_1166 = arith.cmpi slt, %add3A_1146, %select_n3A_1143 : vector<16xi32>
        %and3A_1167 = arith.andi %eq3A_1165, %lt3A_1166 : vector<16xi1>
        %or3A_1168 = arith.ori %gt3A_1164, %and3A_1167 : vector<16xi1>
        %select_n3A_1169 = arith.select %or3A_1158, %select_n3A_1153, %select_n3A_1134 : vector<16xi1>, vector<16xf32>
        %select_n3A_1170 = arith.select %or3A_1163, %select_n3A_1153, %select_n3A_1136 : vector<16xi1>, vector<16xf32>
        %select_n3A_1171 = arith.select %or3A_1158, %select_n3A_1134, %select_n3A_1170 : vector<16xi1>, vector<16xf32>
        %select_n3A_1172 = arith.select %or3A_1168, %select_n3A_1153, %select_n3A_1138 : vector<16xi1>, vector<16xf32>
        %select_n3A_1173 = arith.select %or3A_1163, %select_n3A_1136, %select_n3A_1172 : vector<16xi1>, vector<16xf32>
        %select_n3A_1174 = arith.select %or3A_1158, %add3A_1146, %select_n3A_1139 : vector<16xi1>, vector<16xi32>
        %select_n3A_1175 = arith.select %or3A_1163, %add3A_1146, %select_n3A_1141 : vector<16xi1>, vector<16xi32>
        %select_n3A_1176 = arith.select %or3A_1158, %select_n3A_1139, %select_n3A_1175 : vector<16xi1>, vector<16xi32>
        %select_n3A_1177 = arith.select %or3A_1168, %add3A_1146, %select_n3A_1143 : vector<16xi1>, vector<16xi32>
        %select_n3A_1178 = arith.select %or3A_1163, %select_n3A_1141, %select_n3A_1177 : vector<16xi1>, vector<16xi32>
        %add3A_1179 = arith.constant 128 : i32
        %add3A_1180 = vector.broadcast %add3A_1179 : i32 to vector<16xi32>
        %add3A_1181 = arith.addi %add3A_898, %add3A_1180 : vector<16xi32>
        %add3A_1182 = arith.constant 0 : i32
        %add3A_1183 = vector.broadcast %add3A_1182 : i32 to vector<16xi32>
        %add3A_1184 = arith.addi %add3A_1181, %add3A_1183 : vector<16xi32>
        %gather3A_1185 = tpu.vector_load_idx %arg5[%add3A_1184] : memref<65536xf32, #tpu.memory_space<vmem>>[vector<16xi32>], vector<16xf32>,
        %jit3A_1186 = arith.constant 0xFF800000 : f32
        %broadcast_in_dim3A_1187 = vector.broadcast %jit3A_1186 : f32 to vector<16xf32>
        %select_n3A_1188 = arith.select %lt3A_880, %gather3A_1185, %broadcast_in_dim3A_1187 : vector<16xi1>, vector<16xf32>
        %gt3A_1189 = arith.cmpf ogt, %select_n3A_1188, %select_n3A_1169 : vector<16xf32>
        %eq3A_1190 = arith.cmpf oeq, %select_n3A_1188, %select_n3A_1169 : vector<16xf32>
        %lt3A_1191 = arith.cmpi slt, %add3A_1181, %select_n3A_1174 : vector<16xi32>
        %and3A_1192 = arith.andi %eq3A_1190, %lt3A_1191 : vector<16xi1>
        %or3A_1193 = arith.ori %gt3A_1189, %and3A_1192 : vector<16xi1>
        %gt3A_1194 = arith.cmpf ogt, %select_n3A_1188, %select_n3A_1171 : vector<16xf32>
        %eq3A_1195 = arith.cmpf oeq, %select_n3A_1188, %select_n3A_1171 : vector<16xf32>
        %lt3A_1196 = arith.cmpi slt, %add3A_1181, %select_n3A_1176 : vector<16xi32>
        %and3A_1197 = arith.andi %eq3A_1195, %lt3A_1196 : vector<16xi1>
        %or3A_1198 = arith.ori %gt3A_1194, %and3A_1197 : vector<16xi1>
        %gt3A_1199 = arith.cmpf ogt, %select_n3A_1188, %select_n3A_1173 : vector<16xf32>
        %eq3A_1200 = arith.cmpf oeq, %select_n3A_1188, %select_n3A_1173 : vector<16xf32>
        %lt3A_1201 = arith.cmpi slt, %add3A_1181, %select_n3A_1178 : vector<16xi32>
        %and3A_1202 = arith.andi %eq3A_1200, %lt3A_1201 : vector<16xi1>
        %or3A_1203 = arith.ori %gt3A_1199, %and3A_1202 : vector<16xi1>
        %select_n3A_1204 = arith.select %or3A_1193, %select_n3A_1188, %select_n3A_1169 : vector<16xi1>, vector<16xf32>
        %select_n3A_1205 = arith.select %or3A_1198, %select_n3A_1188, %select_n3A_1171 : vector<16xi1>, vector<16xf32>
        %select_n3A_1206 = arith.select %or3A_1193, %select_n3A_1169, %select_n3A_1205 : vector<16xi1>, vector<16xf32>
        %select_n3A_1207 = arith.select %or3A_1203, %select_n3A_1188, %select_n3A_1173 : vector<16xi1>, vector<16xf32>
        %select_n3A_1208 = arith.select %or3A_1198, %select_n3A_1171, %select_n3A_1207 : vector<16xi1>, vector<16xf32>
        %select_n3A_1209 = arith.select %or3A_1193, %add3A_1181, %select_n3A_1174 : vector<16xi1>, vector<16xi32>
        %select_n3A_1210 = arith.select %or3A_1198, %add3A_1181, %select_n3A_1176 : vector<16xi1>, vector<16xi32>
        %select_n3A_1211 = arith.select %or3A_1193, %select_n3A_1174, %select_n3A_1210 : vector<16xi1>, vector<16xi32>
        %select_n3A_1212 = arith.select %or3A_1203, %add3A_1181, %select_n3A_1178 : vector<16xi1>, vector<16xi32>
        %select_n3A_1213 = arith.select %or3A_1198, %select_n3A_1176, %select_n3A_1212 : vector<16xi1>, vector<16xi32>
        %add3A_1214 = arith.constant 144 : i32
        %add3A_1215 = vector.broadcast %add3A_1214 : i32 to vector<16xi32>
        %add3A_1216 = arith.addi %add3A_898, %add3A_1215 : vector<16xi32>
        %add3A_1217 = arith.constant 0 : i32
        %add3A_1218 = vector.broadcast %add3A_1217 : i32 to vector<16xi32>
        %add3A_1219 = arith.addi %add3A_1216, %add3A_1218 : vector<16xi32>
        %gather3A_1220 = tpu.vector_load_idx %arg5[%add3A_1219] : memref<65536xf32, #tpu.memory_space<vmem>>[vector<16xi32>], vector<16xf32>,
        %jit3A_1221 = arith.constant 0xFF800000 : f32
        %broadcast_in_dim3A_1222 = vector.broadcast %jit3A_1221 : f32 to vector<16xf32>
        %select_n3A_1223 = arith.select %lt3A_880, %gather3A_1220, %broadcast_in_dim3A_1222 : vector<16xi1>, vector<16xf32>
        %gt3A_1224 = arith.cmpf ogt, %select_n3A_1223, %select_n3A_1204 : vector<16xf32>
        %eq3A_1225 = arith.cmpf oeq, %select_n3A_1223, %select_n3A_1204 : vector<16xf32>
        %lt3A_1226 = arith.cmpi slt, %add3A_1216, %select_n3A_1209 : vector<16xi32>
        %and3A_1227 = arith.andi %eq3A_1225, %lt3A_1226 : vector<16xi1>
        %or3A_1228 = arith.ori %gt3A_1224, %and3A_1227 : vector<16xi1>
        %gt3A_1229 = arith.cmpf ogt, %select_n3A_1223, %select_n3A_1206 : vector<16xf32>
        %eq3A_1230 = arith.cmpf oeq, %select_n3A_1223, %select_n3A_1206 : vector<16xf32>
        %lt3A_1231 = arith.cmpi slt, %add3A_1216, %select_n3A_1211 : vector<16xi32>
        %and3A_1232 = arith.andi %eq3A_1230, %lt3A_1231 : vector<16xi1>
        %or3A_1233 = arith.ori %gt3A_1229, %and3A_1232 : vector<16xi1>
        %gt3A_1234 = arith.cmpf ogt, %select_n3A_1223, %select_n3A_1208 : vector<16xf32>
        %eq3A_1235 = arith.cmpf oeq, %select_n3A_1223, %select_n3A_1208 : vector<16xf32>
        %lt3A_1236 = arith.cmpi slt, %add3A_1216, %select_n3A_1213 : vector<16xi32>
        %and3A_1237 = arith.andi %eq3A_1235, %lt3A_1236 : vector<16xi1>
        %or3A_1238 = arith.ori %gt3A_1234, %and3A_1237 : vector<16xi1>
        %select_n3A_1239 = arith.select %or3A_1228, %select_n3A_1223, %select_n3A_1204 : vector<16xi1>, vector<16xf32>
        %select_n3A_1240 = arith.select %or3A_1233, %select_n3A_1223, %select_n3A_1206 : vector<16xi1>, vector<16xf32>
        %select_n3A_1241 = arith.select %or3A_1228, %select_n3A_1204, %select_n3A_1240 : vector<16xi1>, vector<16xf32>
        %select_n3A_1242 = arith.select %or3A_1238, %select_n3A_1223, %select_n3A_1208 : vector<16xi1>, vector<16xf32>
        %select_n3A_1243 = arith.select %or3A_1233, %select_n3A_1206, %select_n3A_1242 : vector<16xi1>, vector<16xf32>
        %select_n3A_1244 = arith.select %or3A_1228, %add3A_1216, %select_n3A_1209 : vector<16xi1>, vector<16xi32>
        %select_n3A_1245 = arith.select %or3A_1233, %add3A_1216, %select_n3A_1211 : vector<16xi1>, vector<16xi32>
        %select_n3A_1246 = arith.select %or3A_1228, %select_n3A_1209, %select_n3A_1245 : vector<16xi1>, vector<16xi32>
        %select_n3A_1247 = arith.select %or3A_1238, %add3A_1216, %select_n3A_1213 : vector<16xi1>, vector<16xi32>
        %select_n3A_1248 = arith.select %or3A_1233, %select_n3A_1211, %select_n3A_1247 : vector<16xi1>, vector<16xi32>
        %add3A_1249 = arith.constant 160 : i32
        %add3A_1250 = vector.broadcast %add3A_1249 : i32 to vector<16xi32>
        %add3A_1251 = arith.addi %add3A_898, %add3A_1250 : vector<16xi32>
        %add3A_1252 = arith.constant 0 : i32
        %add3A_1253 = vector.broadcast %add3A_1252 : i32 to vector<16xi32>
        %add3A_1254 = arith.addi %add3A_1251, %add3A_1253 : vector<16xi32>
        %gather3A_1255 = tpu.vector_load_idx %arg5[%add3A_1254] : memref<65536xf32, #tpu.memory_space<vmem>>[vector<16xi32>], vector<16xf32>,
        %jit3A_1256 = arith.constant 0xFF800000 : f32
        %broadcast_in_dim3A_1257 = vector.broadcast %jit3A_1256 : f32 to vector<16xf32>
        %select_n3A_1258 = arith.select %lt3A_880, %gather3A_1255, %broadcast_in_dim3A_1257 : vector<16xi1>, vector<16xf32>
        %gt3A_1259 = arith.cmpf ogt, %select_n3A_1258, %select_n3A_1239 : vector<16xf32>
        %eq3A_1260 = arith.cmpf oeq, %select_n3A_1258, %select_n3A_1239 : vector<16xf32>
        %lt3A_1261 = arith.cmpi slt, %add3A_1251, %select_n3A_1244 : vector<16xi32>
        %and3A_1262 = arith.andi %eq3A_1260, %lt3A_1261 : vector<16xi1>
        %or3A_1263 = arith.ori %gt3A_1259, %and3A_1262 : vector<16xi1>
        %gt3A_1264 = arith.cmpf ogt, %select_n3A_1258, %select_n3A_1241 : vector<16xf32>
        %eq3A_1265 = arith.cmpf oeq, %select_n3A_1258, %select_n3A_1241 : vector<16xf32>
        %lt3A_1266 = arith.cmpi slt, %add3A_1251, %select_n3A_1246 : vector<16xi32>
        %and3A_1267 = arith.andi %eq3A_1265, %lt3A_1266 : vector<16xi1>
        %or3A_1268 = arith.ori %gt3A_1264, %and3A_1267 : vector<16xi1>
        %gt3A_1269 = arith.cmpf ogt, %select_n3A_1258, %select_n3A_1243 : vector<16xf32>
        %eq3A_1270 = arith.cmpf oeq, %select_n3A_1258, %select_n3A_1243 : vector<16xf32>
        %lt3A_1271 = arith.cmpi slt, %add3A_1251, %select_n3A_1248 : vector<16xi32>
        %and3A_1272 = arith.andi %eq3A_1270, %lt3A_1271 : vector<16xi1>
        %or3A_1273 = arith.ori %gt3A_1269, %and3A_1272 : vector<16xi1>
        %select_n3A_1274 = arith.select %or3A_1263, %select_n3A_1258, %select_n3A_1239 : vector<16xi1>, vector<16xf32>
        %select_n3A_1275 = arith.select %or3A_1268, %select_n3A_1258, %select_n3A_1241 : vector<16xi1>, vector<16xf32>
        %select_n3A_1276 = arith.select %or3A_1263, %select_n3A_1239, %select_n3A_1275 : vector<16xi1>, vector<16xf32>
        %select_n3A_1277 = arith.select %or3A_1273, %select_n3A_1258, %select_n3A_1243 : vector<16xi1>, vector<16xf32>
        %select_n3A_1278 = arith.select %or3A_1268, %select_n3A_1241, %select_n3A_1277 : vector<16xi1>, vector<16xf32>
        %select_n3A_1279 = arith.select %or3A_1263, %add3A_1251, %select_n3A_1244 : vector<16xi1>, vector<16xi32>
        %select_n3A_1280 = arith.select %or3A_1268, %add3A_1251, %select_n3A_1246 : vector<16xi1>, vector<16xi32>
        %select_n3A_1281 = arith.select %or3A_1263, %select_n3A_1244, %select_n3A_1280 : vector<16xi1>, vector<16xi32>
        %select_n3A_1282 = arith.select %or3A_1273, %add3A_1251, %select_n3A_1248 : vector<16xi1>, vector<16xi32>
        %select_n3A_1283 = arith.select %or3A_1268, %select_n3A_1246, %select_n3A_1282 : vector<16xi1>, vector<16xi32>
        %add3A_1284 = arith.constant 176 : i32
        %add3A_1285 = vector.broadcast %add3A_1284 : i32 to vector<16xi32>
        %add3A_1286 = arith.addi %add3A_898, %add3A_1285 : vector<16xi32>
        %add3A_1287 = arith.constant 0 : i32
        %add3A_1288 = vector.broadcast %add3A_1287 : i32 to vector<16xi32>
        %add3A_1289 = arith.addi %add3A_1286, %add3A_1288 : vector<16xi32>
        %gather3A_1290 = tpu.vector_load_idx %arg5[%add3A_1289] : memref<65536xf32, #tpu.memory_space<vmem>>[vector<16xi32>], vector<16xf32>,
        %jit3A_1291 = arith.constant 0xFF800000 : f32
        %broadcast_in_dim3A_1292 = vector.broadcast %jit3A_1291 : f32 to vector<16xf32>
        %select_n3A_1293 = arith.select %lt3A_880, %gather3A_1290, %broadcast_in_dim3A_1292 : vector<16xi1>, vector<16xf32>
        %gt3A_1294 = arith.cmpf ogt, %select_n3A_1293, %select_n3A_1274 : vector<16xf32>
        %eq3A_1295 = arith.cmpf oeq, %select_n3A_1293, %select_n3A_1274 : vector<16xf32>
        %lt3A_1296 = arith.cmpi slt, %add3A_1286, %select_n3A_1279 : vector<16xi32>
        %and3A_1297 = arith.andi %eq3A_1295, %lt3A_1296 : vector<16xi1>
        %or3A_1298 = arith.ori %gt3A_1294, %and3A_1297 : vector<16xi1>
        %gt3A_1299 = arith.cmpf ogt, %select_n3A_1293, %select_n3A_1276 : vector<16xf32>
        %eq3A_1300 = arith.cmpf oeq, %select_n3A_1293, %select_n3A_1276 : vector<16xf32>
        %lt3A_1301 = arith.cmpi slt, %add3A_1286, %select_n3A_1281 : vector<16xi32>
        %and3A_1302 = arith.andi %eq3A_1300, %lt3A_1301 : vector<16xi1>
        %or3A_1303 = arith.ori %gt3A_1299, %and3A_1302 : vector<16xi1>
        %gt3A_1304 = arith.cmpf ogt, %select_n3A_1293, %select_n3A_1278 : vector<16xf32>
        %eq3A_1305 = arith.cmpf oeq, %select_n3A_1293, %select_n3A_1278 : vector<16xf32>
        %lt3A_1306 = arith.cmpi slt, %add3A_1286, %select_n3A_1283 : vector<16xi32>
        %and3A_1307 = arith.andi %eq3A_1305, %lt3A_1306 : vector<16xi1>
        %or3A_1308 = arith.ori %gt3A_1304, %and3A_1307 : vector<16xi1>
        %select_n3A_1309 = arith.select %or3A_1298, %select_n3A_1293, %select_n3A_1274 : vector<16xi1>, vector<16xf32>
        %select_n3A_1310 = arith.select %or3A_1303, %select_n3A_1293, %select_n3A_1276 : vector<16xi1>, vector<16xf32>
        %select_n3A_1311 = arith.select %or3A_1298, %select_n3A_1274, %select_n3A_1310 : vector<16xi1>, vector<16xf32>
        %select_n3A_1312 = arith.select %or3A_1308, %select_n3A_1293, %select_n3A_1278 : vector<16xi1>, vector<16xf32>
        %select_n3A_1313 = arith.select %or3A_1303, %select_n3A_1276, %select_n3A_1312 : vector<16xi1>, vector<16xf32>
        %select_n3A_1314 = arith.select %or3A_1298, %add3A_1286, %select_n3A_1279 : vector<16xi1>, vector<16xi32>
        %select_n3A_1315 = arith.select %or3A_1303, %add3A_1286, %select_n3A_1281 : vector<16xi1>, vector<16xi32>
        %select_n3A_1316 = arith.select %or3A_1298, %select_n3A_1279, %select_n3A_1315 : vector<16xi1>, vector<16xi32>
        %select_n3A_1317 = arith.select %or3A_1308, %add3A_1286, %select_n3A_1283 : vector<16xi1>, vector<16xi32>
        %select_n3A_1318 = arith.select %or3A_1303, %select_n3A_1281, %select_n3A_1317 : vector<16xi1>, vector<16xi32>
        %add3A_1319 = arith.constant 192 : i32
        %add3A_1320 = vector.broadcast %add3A_1319 : i32 to vector<16xi32>
        %add3A_1321 = arith.addi %add3A_898, %add3A_1320 : vector<16xi32>
        %add3A_1322 = arith.constant 0 : i32
        %add3A_1323 = vector.broadcast %add3A_1322 : i32 to vector<16xi32>
        %add3A_1324 = arith.addi %add3A_1321, %add3A_1323 : vector<16xi32>
        %gather3A_1325 = tpu.vector_load_idx %arg5[%add3A_1324] : memref<65536xf32, #tpu.memory_space<vmem>>[vector<16xi32>], vector<16xf32>,
        %jit3A_1326 = arith.constant 0xFF800000 : f32
        %broadcast_in_dim3A_1327 = vector.broadcast %jit3A_1326 : f32 to vector<16xf32>
        %select_n3A_1328 = arith.select %lt3A_880, %gather3A_1325, %broadcast_in_dim3A_1327 : vector<16xi1>, vector<16xf32>
        %gt3A_1329 = arith.cmpf ogt, %select_n3A_1328, %select_n3A_1309 : vector<16xf32>
        %eq3A_1330 = arith.cmpf oeq, %select_n3A_1328, %select_n3A_1309 : vector<16xf32>
        %lt3A_1331 = arith.cmpi slt, %add3A_1321, %select_n3A_1314 : vector<16xi32>
        %and3A_1332 = arith.andi %eq3A_1330, %lt3A_1331 : vector<16xi1>
        %or3A_1333 = arith.ori %gt3A_1329, %and3A_1332 : vector<16xi1>
        %gt3A_1334 = arith.cmpf ogt, %select_n3A_1328, %select_n3A_1311 : vector<16xf32>
        %eq3A_1335 = arith.cmpf oeq, %select_n3A_1328, %select_n3A_1311 : vector<16xf32>
        %lt3A_1336 = arith.cmpi slt, %add3A_1321, %select_n3A_1316 : vector<16xi32>
        %and3A_1337 = arith.andi %eq3A_1335, %lt3A_1336 : vector<16xi1>
        %or3A_1338 = arith.ori %gt3A_1334, %and3A_1337 : vector<16xi1>
        %gt3A_1339 = arith.cmpf ogt, %select_n3A_1328, %select_n3A_1313 : vector<16xf32>
        %eq3A_1340 = arith.cmpf oeq, %select_n3A_1328, %select_n3A_1313 : vector<16xf32>
        %lt3A_1341 = arith.cmpi slt, %add3A_1321, %select_n3A_1318 : vector<16xi32>
        %and3A_1342 = arith.andi %eq3A_1340, %lt3A_1341 : vector<16xi1>
        %or3A_1343 = arith.ori %gt3A_1339, %and3A_1342 : vector<16xi1>
        %select_n3A_1344 = arith.select %or3A_1333, %select_n3A_1328, %select_n3A_1309 : vector<16xi1>, vector<16xf32>
        %select_n3A_1345 = arith.select %or3A_1338, %select_n3A_1328, %select_n3A_1311 : vector<16xi1>, vector<16xf32>
        %select_n3A_1346 = arith.select %or3A_1333, %select_n3A_1309, %select_n3A_1345 : vector<16xi1>, vector<16xf32>
        %select_n3A_1347 = arith.select %or3A_1343, %select_n3A_1328, %select_n3A_1313 : vector<16xi1>, vector<16xf32>
        %select_n3A_1348 = arith.select %or3A_1338, %select_n3A_1311, %select_n3A_1347 : vector<16xi1>, vector<16xf32>
        %select_n3A_1349 = arith.select %or3A_1333, %add3A_1321, %select_n3A_1314 : vector<16xi1>, vector<16xi32>
        %select_n3A_1350 = arith.select %or3A_1338, %add3A_1321, %select_n3A_1316 : vector<16xi1>, vector<16xi32>
        %select_n3A_1351 = arith.select %or3A_1333, %select_n3A_1314, %select_n3A_1350 : vector<16xi1>, vector<16xi32>
        %select_n3A_1352 = arith.select %or3A_1343, %add3A_1321, %select_n3A_1318 : vector<16xi1>, vector<16xi32>
        %select_n3A_1353 = arith.select %or3A_1338, %select_n3A_1316, %select_n3A_1352 : vector<16xi1>, vector<16xi32>
        %add3A_1354 = arith.constant 208 : i32
        %add3A_1355 = vector.broadcast %add3A_1354 : i32 to vector<16xi32>
        %add3A_1356 = arith.addi %add3A_898, %add3A_1355 : vector<16xi32>
        %add3A_1357 = arith.constant 0 : i32
        %add3A_1358 = vector.broadcast %add3A_1357 : i32 to vector<16xi32>
        %add3A_1359 = arith.addi %add3A_1356, %add3A_1358 : vector<16xi32>
        %gather3A_1360 = tpu.vector_load_idx %arg5[%add3A_1359] : memref<65536xf32, #tpu.memory_space<vmem>>[vector<16xi32>], vector<16xf32>,
        %jit3A_1361 = arith.constant 0xFF800000 : f32
        %broadcast_in_dim3A_1362 = vector.broadcast %jit3A_1361 : f32 to vector<16xf32>
        %select_n3A_1363 = arith.select %lt3A_880, %gather3A_1360, %broadcast_in_dim3A_1362 : vector<16xi1>, vector<16xf32>
        %gt3A_1364 = arith.cmpf ogt, %select_n3A_1363, %select_n3A_1344 : vector<16xf32>
        %eq3A_1365 = arith.cmpf oeq, %select_n3A_1363, %select_n3A_1344 : vector<16xf32>
        %lt3A_1366 = arith.cmpi slt, %add3A_1356, %select_n3A_1349 : vector<16xi32>
        %and3A_1367 = arith.andi %eq3A_1365, %lt3A_1366 : vector<16xi1>
        %or3A_1368 = arith.ori %gt3A_1364, %and3A_1367 : vector<16xi1>
        %gt3A_1369 = arith.cmpf ogt, %select_n3A_1363, %select_n3A_1346 : vector<16xf32>
        %eq3A_1370 = arith.cmpf oeq, %select_n3A_1363, %select_n3A_1346 : vector<16xf32>
        %lt3A_1371 = arith.cmpi slt, %add3A_1356, %select_n3A_1351 : vector<16xi32>
        %and3A_1372 = arith.andi %eq3A_1370, %lt3A_1371 : vector<16xi1>
        %or3A_1373 = arith.ori %gt3A_1369, %and3A_1372 : vector<16xi1>
        %gt3A_1374 = arith.cmpf ogt, %select_n3A_1363, %select_n3A_1348 : vector<16xf32>
        %eq3A_1375 = arith.cmpf oeq, %select_n3A_1363, %select_n3A_1348 : vector<16xf32>
        %lt3A_1376 = arith.cmpi slt, %add3A_1356, %select_n3A_1353 : vector<16xi32>
        %and3A_1377 = arith.andi %eq3A_1375, %lt3A_1376 : vector<16xi1>
        %or3A_1378 = arith.ori %gt3A_1374, %and3A_1377 : vector<16xi1>
        %select_n3A_1379 = arith.select %or3A_1368, %select_n3A_1363, %select_n3A_1344 : vector<16xi1>, vector<16xf32>
        %select_n3A_1380 = arith.select %or3A_1373, %select_n3A_1363, %select_n3A_1346 : vector<16xi1>, vector<16xf32>
        %select_n3A_1381 = arith.select %or3A_1368, %select_n3A_1344, %select_n3A_1380 : vector<16xi1>, vector<16xf32>
        %select_n3A_1382 = arith.select %or3A_1378, %select_n3A_1363, %select_n3A_1348 : vector<16xi1>, vector<16xf32>
        %select_n3A_1383 = arith.select %or3A_1373, %select_n3A_1346, %select_n3A_1382 : vector<16xi1>, vector<16xf32>
        %select_n3A_1384 = arith.select %or3A_1368, %add3A_1356, %select_n3A_1349 : vector<16xi1>, vector<16xi32>
        %select_n3A_1385 = arith.select %or3A_1373, %add3A_1356, %select_n3A_1351 : vector<16xi1>, vector<16xi32>
        %select_n3A_1386 = arith.select %or3A_1368, %select_n3A_1349, %select_n3A_1385 : vector<16xi1>, vector<16xi32>
        %select_n3A_1387 = arith.select %or3A_1378, %add3A_1356, %select_n3A_1353 : vector<16xi1>, vector<16xi32>
        %select_n3A_1388 = arith.select %or3A_1373, %select_n3A_1351, %select_n3A_1387 : vector<16xi1>, vector<16xi32>
        %add3A_1389 = arith.constant 224 : i32
        %add3A_1390 = vector.broadcast %add3A_1389 : i32 to vector<16xi32>
        %add3A_1391 = arith.addi %add3A_898, %add3A_1390 : vector<16xi32>
        %add3A_1392 = arith.constant 0 : i32
        %add3A_1393 = vector.broadcast %add3A_1392 : i32 to vector<16xi32>
        %add3A_1394 = arith.addi %add3A_1391, %add3A_1393 : vector<16xi32>
        %gather3A_1395 = tpu.vector_load_idx %arg5[%add3A_1394] : memref<65536xf32, #tpu.memory_space<vmem>>[vector<16xi32>], vector<16xf32>,
        %jit3A_1396 = arith.constant 0xFF800000 : f32
        %broadcast_in_dim3A_1397 = vector.broadcast %jit3A_1396 : f32 to vector<16xf32>
        %select_n3A_1398 = arith.select %lt3A_880, %gather3A_1395, %broadcast_in_dim3A_1397 : vector<16xi1>, vector<16xf32>
        %gt3A_1399 = arith.cmpf ogt, %select_n3A_1398, %select_n3A_1379 : vector<16xf32>
        %eq3A_1400 = arith.cmpf oeq, %select_n3A_1398, %select_n3A_1379 : vector<16xf32>
        %lt3A_1401 = arith.cmpi slt, %add3A_1391, %select_n3A_1384 : vector<16xi32>
        %and3A_1402 = arith.andi %eq3A_1400, %lt3A_1401 : vector<16xi1>
        %or3A_1403 = arith.ori %gt3A_1399, %and3A_1402 : vector<16xi1>
        %gt3A_1404 = arith.cmpf ogt, %select_n3A_1398, %select_n3A_1381 : vector<16xf32>
        %eq3A_1405 = arith.cmpf oeq, %select_n3A_1398, %select_n3A_1381 : vector<16xf32>
        %lt3A_1406 = arith.cmpi slt, %add3A_1391, %select_n3A_1386 : vector<16xi32>
        %and3A_1407 = arith.andi %eq3A_1405, %lt3A_1406 : vector<16xi1>
        %or3A_1408 = arith.ori %gt3A_1404, %and3A_1407 : vector<16xi1>
        %gt3A_1409 = arith.cmpf ogt, %select_n3A_1398, %select_n3A_1383 : vector<16xf32>
        %eq3A_1410 = arith.cmpf oeq, %select_n3A_1398, %select_n3A_1383 : vector<16xf32>
        %lt3A_1411 = arith.cmpi slt, %add3A_1391, %select_n3A_1388 : vector<16xi32>
        %and3A_1412 = arith.andi %eq3A_1410, %lt3A_1411 : vector<16xi1>
        %or3A_1413 = arith.ori %gt3A_1409, %and3A_1412 : vector<16xi1>
        %select_n3A_1414 = arith.select %or3A_1403, %select_n3A_1398, %select_n3A_1379 : vector<16xi1>, vector<16xf32>
        %select_n3A_1415 = arith.select %or3A_1408, %select_n3A_1398, %select_n3A_1381 : vector<16xi1>, vector<16xf32>
        %select_n3A_1416 = arith.select %or3A_1403, %select_n3A_1379, %select_n3A_1415 : vector<16xi1>, vector<16xf32>
        %select_n3A_1417 = arith.select %or3A_1413, %select_n3A_1398, %select_n3A_1383 : vector<16xi1>, vector<16xf32>
        %select_n3A_1418 = arith.select %or3A_1408, %select_n3A_1381, %select_n3A_1417 : vector<16xi1>, vector<16xf32>
        %select_n3A_1419 = arith.select %or3A_1403, %add3A_1391, %select_n3A_1384 : vector<16xi1>, vector<16xi32>
        %select_n3A_1420 = arith.select %or3A_1408, %add3A_1391, %select_n3A_1386 : vector<16xi1>, vector<16xi32>
        %select_n3A_1421 = arith.select %or3A_1403, %select_n3A_1384, %select_n3A_1420 : vector<16xi1>, vector<16xi32>
        %select_n3A_1422 = arith.select %or3A_1413, %add3A_1391, %select_n3A_1388 : vector<16xi1>, vector<16xi32>
        %select_n3A_1423 = arith.select %or3A_1408, %select_n3A_1386, %select_n3A_1422 : vector<16xi1>, vector<16xi32>
        %add3A_1424 = arith.constant 240 : i32
        %add3A_1425 = vector.broadcast %add3A_1424 : i32 to vector<16xi32>
        %add3A_1426 = arith.addi %add3A_898, %add3A_1425 : vector<16xi32>
        %add3A_1427 = arith.constant 0 : i32
        %add3A_1428 = vector.broadcast %add3A_1427 : i32 to vector<16xi32>
        %add3A_1429 = arith.addi %add3A_1426, %add3A_1428 : vector<16xi32>
        %gather3A_1430 = tpu.vector_load_idx %arg5[%add3A_1429] : memref<65536xf32, #tpu.memory_space<vmem>>[vector<16xi32>], vector<16xf32>,
        %jit3A_1431 = arith.constant 0xFF800000 : f32
        %broadcast_in_dim3A_1432 = vector.broadcast %jit3A_1431 : f32 to vector<16xf32>
        %select_n3A_1433 = arith.select %lt3A_880, %gather3A_1430, %broadcast_in_dim3A_1432 : vector<16xi1>, vector<16xf32>
        %gt3A_1434 = arith.cmpf ogt, %select_n3A_1433, %select_n3A_1414 : vector<16xf32>
        %eq3A_1435 = arith.cmpf oeq, %select_n3A_1433, %select_n3A_1414 : vector<16xf32>
        %lt3A_1436 = arith.cmpi slt, %add3A_1426, %select_n3A_1419 : vector<16xi32>
        %and3A_1437 = arith.andi %eq3A_1435, %lt3A_1436 : vector<16xi1>
        %or3A_1438 = arith.ori %gt3A_1434, %and3A_1437 : vector<16xi1>
        %gt3A_1439 = arith.cmpf ogt, %select_n3A_1433, %select_n3A_1416 : vector<16xf32>
        %eq3A_1440 = arith.cmpf oeq, %select_n3A_1433, %select_n3A_1416 : vector<16xf32>
        %lt3A_1441 = arith.cmpi slt, %add3A_1426, %select_n3A_1421 : vector<16xi32>
        %and3A_1442 = arith.andi %eq3A_1440, %lt3A_1441 : vector<16xi1>
        %or3A_1443 = arith.ori %gt3A_1439, %and3A_1442 : vector<16xi1>
        %gt3A_1444 = arith.cmpf ogt, %select_n3A_1433, %select_n3A_1418 : vector<16xf32>
        %eq3A_1445 = arith.cmpf oeq, %select_n3A_1433, %select_n3A_1418 : vector<16xf32>
        %lt3A_1446 = arith.cmpi slt, %add3A_1426, %select_n3A_1423 : vector<16xi32>
        %and3A_1447 = arith.andi %eq3A_1445, %lt3A_1446 : vector<16xi1>
        %or3A_1448 = arith.ori %gt3A_1444, %and3A_1447 : vector<16xi1>
        %select_n3A_1449 = arith.select %or3A_1438, %select_n3A_1433, %select_n3A_1414 : vector<16xi1>, vector<16xf32>
        %select_n3A_1450 = arith.select %or3A_1443, %select_n3A_1433, %select_n3A_1416 : vector<16xi1>, vector<16xf32>
        %select_n3A_1451 = arith.select %or3A_1438, %select_n3A_1414, %select_n3A_1450 : vector<16xi1>, vector<16xf32>
        %select_n3A_1452 = arith.select %or3A_1448, %select_n3A_1433, %select_n3A_1418 : vector<16xi1>, vector<16xf32>
        %select_n3A_1453 = arith.select %or3A_1443, %select_n3A_1416, %select_n3A_1452 : vector<16xi1>, vector<16xf32>
        %select_n3A_1454 = arith.select %or3A_1438, %add3A_1426, %select_n3A_1419 : vector<16xi1>, vector<16xi32>
        %select_n3A_1455 = arith.select %or3A_1443, %add3A_1426, %select_n3A_1421 : vector<16xi1>, vector<16xi32>
        %select_n3A_1456 = arith.select %or3A_1438, %select_n3A_1419, %select_n3A_1455 : vector<16xi1>, vector<16xi32>
        %select_n3A_1457 = arith.select %or3A_1448, %add3A_1426, %select_n3A_1423 : vector<16xi1>, vector<16xi32>
        %select_n3A_1458 = arith.select %or3A_1443, %select_n3A_1421, %select_n3A_1457 : vector<16xi1>, vector<16xi32>
        scf.yield %select_n3A_1449, %select_n3A_1451, %select_n3A_1453, %select_n3A_1454, %select_n3A_1456, %select_n3A_1458 : vector<16xf32>, vector<16xf32>, vector<16xf32>, vector<16xi32>, vector<16xi32>, vector<16xi32>
      }
      %broadcast_in_dim3A_202 = arith.constant 0.000000e+00 : f32
      %broadcast_in_dim3A_203 = vector.broadcast %broadcast_in_dim3A_202 : f32 to vector<16xf32>
      %broadcast_in_dim3A_204 = arith.constant 0 : i32
      %broadcast_in_dim3A_205 = vector.broadcast %broadcast_in_dim3A_204 : i32 to vector<16xi32>
      %xor3A_206 = arith.constant 8 : i32
      %xor3A_207 = vector.broadcast %xor3A_206 : i32 to vector<16xi32>
      %xor3A_208 = arith.xori %iota3A, %xor3A_207 : vector<16xi32>
      %reshape3A_209 = vector.shape_cast %xor3A_208 : vector<16xi32> to vector<16x1xi32>
      %gather3A_210 = vector.shape_cast %reshape3A_209 : vector<16x1xi32> to vector<16xi32>
      %gather3A_211 = tpu.dynamic_gather %while3A_201#0[%gather3A_210] in [0] : vector<16xf32>, vector<16xi32> -> vector<16xf32>
      %reshape3A_212 = vector.shape_cast %xor3A_208 : vector<16xi32> to vector<16x1xi32>
      %gather3A_213 = vector.shape_cast %reshape3A_212 : vector<16x1xi32> to vector<16xi32>
      %gather3A_214 = tpu.dynamic_gather %while3A_201#3[%gather3A_213] in [0] : vector<16xi32>, vector<16xi32> -> vector<16xi32>
      %gt3A = arith.cmpf ogt, %gather3A_211, %while3A_201#0 : vector<16xf32>
      %eq3A_215 = arith.cmpf oeq, %gather3A_211, %while3A_201#0 : vector<16xf32>
      %lt3A = arith.cmpi slt, %gather3A_214, %while3A_201#3 : vector<16xi32>
      %and3A = arith.andi %eq3A_215, %lt3A : vector<16xi1>
      %or3A = arith.ori %gt3A, %and3A : vector<16xi1>
      %select_n3A_216 = arith.select %or3A, %gather3A_211, %while3A_201#0 : vector<16xi1>, vector<16xf32>
      %select_n3A_217 = arith.select %or3A, %gather3A_214, %while3A_201#3 : vector<16xi1>, vector<16xi32>
      %xor3A_218 = arith.constant 4 : i32
      %xor3A_219 = vector.broadcast %xor3A_218 : i32 to vector<16xi32>
      %xor3A_220 = arith.xori %iota3A, %xor3A_219 : vector<16xi32>
      %reshape3A_221 = vector.shape_cast %xor3A_220 : vector<16xi32> to vector<16x1xi32>
      %gather3A_222 = vector.shape_cast %reshape3A_221 : vector<16x1xi32> to vector<16xi32>
      %gather3A_223 = tpu.dynamic_gather %select_n3A_216[%gather3A_222] in [0] : vector<16xf32>, vector<16xi32> -> vector<16xf32>
      %reshape3A_224 = vector.shape_cast %xor3A_220 : vector<16xi32> to vector<16x1xi32>
      %gather3A_225 = vector.shape_cast %reshape3A_224 : vector<16x1xi32> to vector<16xi32>
      %gather3A_226 = tpu.dynamic_gather %select_n3A_217[%gather3A_225] in [0] : vector<16xi32>, vector<16xi32> -> vector<16xi32>
      %gt3A_227 = arith.cmpf ogt, %gather3A_223, %select_n3A_216 : vector<16xf32>
      %eq3A_228 = arith.cmpf oeq, %gather3A_223, %select_n3A_216 : vector<16xf32>
      %lt3A_229 = arith.cmpi slt, %gather3A_226, %select_n3A_217 : vector<16xi32>
      %and3A_230 = arith.andi %eq3A_228, %lt3A_229 : vector<16xi1>
      %or3A_231 = arith.ori %gt3A_227, %and3A_230 : vector<16xi1>
      %select_n3A_232 = arith.select %or3A_231, %gather3A_223, %select_n3A_216 : vector<16xi1>, vector<16xf32>
      %select_n3A_233 = arith.select %or3A_231, %gather3A_226, %select_n3A_217 : vector<16xi1>, vector<16xi32>
      %xor3A_234 = arith.constant 2 : i32
      %xor3A_235 = vector.broadcast %xor3A_234 : i32 to vector<16xi32>
      %xor3A_236 = arith.xori %iota3A, %xor3A_235 : vector<16xi32>
      %reshape3A_237 = vector.shape_cast %xor3A_236 : vector<16xi32> to vector<16x1xi32>
      %gather3A_238 = vector.shape_cast %reshape3A_237 : vector<16x1xi32> to vector<16xi32>
      %gather3A_239 = tpu.dynamic_gather %select_n3A_232[%gather3A_238] in [0] : vector<16xf32>, vector<16xi32> -> vector<16xf32>
      %reshape3A_240 = vector.shape_cast %xor3A_236 : vector<16xi32> to vector<16x1xi32>
      %gather3A_241 = vector.shape_cast %reshape3A_240 : vector<16x1xi32> to vector<16xi32>
      %gather3A_242 = tpu.dynamic_gather %select_n3A_233[%gather3A_241] in [0] : vector<16xi32>, vector<16xi32> -> vector<16xi32>
      %gt3A_243 = arith.cmpf ogt, %gather3A_239, %select_n3A_232 : vector<16xf32>
      %eq3A_244 = arith.cmpf oeq, %gather3A_239, %select_n3A_232 : vector<16xf32>
      %lt3A_245 = arith.cmpi slt, %gather3A_242, %select_n3A_233 : vector<16xi32>
      %and3A_246 = arith.andi %eq3A_244, %lt3A_245 : vector<16xi1>
      %or3A_247 = arith.ori %gt3A_243, %and3A_246 : vector<16xi1>
      %select_n3A_248 = arith.select %or3A_247, %gather3A_239, %select_n3A_232 : vector<16xi1>, vector<16xf32>
      %select_n3A_249 = arith.select %or3A_247, %gather3A_242, %select_n3A_233 : vector<16xi1>, vector<16xi32>
      %xor3A_250 = arith.constant 1 : i32
      %xor3A_251 = vector.broadcast %xor3A_250 : i32 to vector<16xi32>
      %xor3A_252 = arith.xori %iota3A, %xor3A_251 : vector<16xi32>
      %reshape3A_253 = vector.shape_cast %xor3A_252 : vector<16xi32> to vector<16x1xi32>
      %gather3A_254 = vector.shape_cast %reshape3A_253 : vector<16x1xi32> to vector<16xi32>
      %gather3A_255 = tpu.dynamic_gather %select_n3A_248[%gather3A_254] in [0] : vector<16xf32>, vector<16xi32> -> vector<16xf32>
      %reshape3A_256 = vector.shape_cast %xor3A_252 : vector<16xi32> to vector<16x1xi32>
      %gather3A_257 = vector.shape_cast %reshape3A_256 : vector<16x1xi32> to vector<16xi32>
      %gather3A_258 = tpu.dynamic_gather %select_n3A_249[%gather3A_257] in [0] : vector<16xi32>, vector<16xi32> -> vector<16xi32>
      %gt3A_259 = arith.cmpf ogt, %gather3A_255, %select_n3A_248 : vector<16xf32>
      %eq3A_260 = arith.cmpf oeq, %gather3A_255, %select_n3A_248 : vector<16xf32>
      %lt3A_261 = arith.cmpi slt, %gather3A_258, %select_n3A_249 : vector<16xi32>
      %and3A_262 = arith.andi %eq3A_260, %lt3A_261 : vector<16xi1>
      %or3A_263 = arith.ori %gt3A_259, %and3A_262 : vector<16xi1>
      %select_n3A_264 = arith.select %or3A_263, %gather3A_255, %select_n3A_248 : vector<16xi1>, vector<16xf32>
      %select_n3A_265 = arith.select %or3A_263, %gather3A_258, %select_n3A_249 : vector<16xi1>, vector<16xi32>
      %eq3A_266 = arith.cmpf oeq, %while3A_201#0, %select_n3A_264 : vector<16xf32>
      %eq3A_267 = arith.cmpi eq, %while3A_201#3, %select_n3A_265 : vector<16xi32>
      %and3A_268 = arith.andi %eq3A_266, %eq3A_267 : vector<16xi1>
      %eq3A_269 = arith.constant 0 : i32
      %eq3A_270 = vector.broadcast %eq3A_269 : i32 to vector<16xi32>
      %eq3A_271 = arith.cmpi eq, %iota3A, %eq3A_270 : vector<16xi32>
      %select_n3A_272 = arith.select %eq3A_271, %select_n3A_264, %broadcast_in_dim3A_203 : vector<16xi1>, vector<16xf32>
      %eq3A_273 = arith.constant 0 : i32
      %eq3A_274 = vector.broadcast %eq3A_273 : i32 to vector<16xi32>
      %eq3A_275 = arith.cmpi eq, %iota3A, %eq3A_274 : vector<16xi32>
      %select_n3A_276 = arith.select %eq3A_275, %select_n3A_265, %broadcast_in_dim3A_205 : vector<16xi1>, vector<16xi32>
      %select_n3A_277 = arith.select %and3A_268, %while3A_201#1, %while3A_201#0 : vector<16xi1>, vector<16xf32>
      %select_n3A_278 = arith.select %and3A_268, %while3A_201#2, %while3A_201#1 : vector<16xi1>, vector<16xf32>
      %jit3A_279 = arith.constant 0xFF800000 : f32
      %broadcast_in_dim3A_280 = vector.broadcast %jit3A_279 : f32 to vector<16xf32>
      %select_n3A_281 = arith.select %and3A_268, %broadcast_in_dim3A_280, %while3A_201#2 : vector<16xi1>, vector<16xf32>
      %select_n3A_282 = arith.select %and3A_268, %while3A_201#4, %while3A_201#3 : vector<16xi1>, vector<16xi32>
      %select_n3A_283 = arith.select %and3A_268, %while3A_201#5, %while3A_201#4 : vector<16xi1>, vector<16xi32>
      %xor3A_284 = arith.constant 8 : i32
      %xor3A_285 = vector.broadcast %xor3A_284 : i32 to vector<16xi32>
      %xor3A_286 = arith.xori %iota3A, %xor3A_285 : vector<16xi32>
      %reshape3A_287 = vector.shape_cast %xor3A_286 : vector<16xi32> to vector<16x1xi32>
      %gather3A_288 = vector.shape_cast %reshape3A_287 : vector<16x1xi32> to vector<16xi32>
      %gather3A_289 = tpu.dynamic_gather %select_n3A_277[%gather3A_288] in [0] : vector<16xf32>, vector<16xi32> -> vector<16xf32>
      %reshape3A_290 = vector.shape_cast %xor3A_286 : vector<16xi32> to vector<16x1xi32>
      %gather3A_291 = vector.shape_cast %reshape3A_290 : vector<16x1xi32> to vector<16xi32>
      %gather3A_292 = tpu.dynamic_gather %select_n3A_282[%gather3A_291] in [0] : vector<16xi32>, vector<16xi32> -> vector<16xi32>
      %gt3A_293 = arith.cmpf ogt, %gather3A_289, %select_n3A_277 : vector<16xf32>
      %eq3A_294 = arith.cmpf oeq, %gather3A_289, %select_n3A_277 : vector<16xf32>
      %lt3A_295 = arith.cmpi slt, %gather3A_292, %select_n3A_282 : vector<16xi32>
      %and3A_296 = arith.andi %eq3A_294, %lt3A_295 : vector<16xi1>
      %or3A_297 = arith.ori %gt3A_293, %and3A_296 : vector<16xi1>
      %select_n3A_298 = arith.select %or3A_297, %gather3A_289, %select_n3A_277 : vector<16xi1>, vector<16xf32>
      %select_n3A_299 = arith.select %or3A_297, %gather3A_292, %select_n3A_282 : vector<16xi1>, vector<16xi32>
      %xor3A_300 = arith.constant 4 : i32
      %xor3A_301 = vector.broadcast %xor3A_300 : i32 to vector<16xi32>
      %xor3A_302 = arith.xori %iota3A, %xor3A_301 : vector<16xi32>
      %reshape3A_303 = vector.shape_cast %xor3A_302 : vector<16xi32> to vector<16x1xi32>
      %gather3A_304 = vector.shape_cast %reshape3A_303 : vector<16x1xi32> to vector<16xi32>
      %gather3A_305 = tpu.dynamic_gather %select_n3A_298[%gather3A_304] in [0] : vector<16xf32>, vector<16xi32> -> vector<16xf32>
      %reshape3A_306 = vector.shape_cast %xor3A_302 : vector<16xi32> to vector<16x1xi32>
      %gather3A_307 = vector.shape_cast %reshape3A_306 : vector<16x1xi32> to vector<16xi32>
      %gather3A_308 = tpu.dynamic_gather %select_n3A_299[%gather3A_307] in [0] : vector<16xi32>, vector<16xi32> -> vector<16xi32>
      %gt3A_309 = arith.cmpf ogt, %gather3A_305, %select_n3A_298 : vector<16xf32>
      %eq3A_310 = arith.cmpf oeq, %gather3A_305, %select_n3A_298 : vector<16xf32>
      %lt3A_311 = arith.cmpi slt, %gather3A_308, %select_n3A_299 : vector<16xi32>
      %and3A_312 = arith.andi %eq3A_310, %lt3A_311 : vector<16xi1>
      %or3A_313 = arith.ori %gt3A_309, %and3A_312 : vector<16xi1>
      %select_n3A_314 = arith.select %or3A_313, %gather3A_305, %select_n3A_298 : vector<16xi1>, vector<16xf32>
      %select_n3A_315 = arith.select %or3A_313, %gather3A_308, %select_n3A_299 : vector<16xi1>, vector<16xi32>
      %xor3A_316 = arith.constant 2 : i32
      %xor3A_317 = vector.broadcast %xor3A_316 : i32 to vector<16xi32>
      %xor3A_318 = arith.xori %iota3A, %xor3A_317 : vector<16xi32>
      %reshape3A_319 = vector.shape_cast %xor3A_318 : vector<16xi32> to vector<16x1xi32>
      %gather3A_320 = vector.shape_cast %reshape3A_319 : vector<16x1xi32> to vector<16xi32>
      %gather3A_321 = tpu.dynamic_gather %select_n3A_314[%gather3A_320] in [0] : vector<16xf32>, vector<16xi32> -> vector<16xf32>
      %reshape3A_322 = vector.shape_cast %xor3A_318 : vector<16xi32> to vector<16x1xi32>
      %gather3A_323 = vector.shape_cast %reshape3A_322 : vector<16x1xi32> to vector<16xi32>
      %gather3A_324 = tpu.dynamic_gather %select_n3A_315[%gather3A_323] in [0] : vector<16xi32>, vector<16xi32> -> vector<16xi32>
      %gt3A_325 = arith.cmpf ogt, %gather3A_321, %select_n3A_314 : vector<16xf32>
      %eq3A_326 = arith.cmpf oeq, %gather3A_321, %select_n3A_314 : vector<16xf32>
      %lt3A_327 = arith.cmpi slt, %gather3A_324, %select_n3A_315 : vector<16xi32>
      %and3A_328 = arith.andi %eq3A_326, %lt3A_327 : vector<16xi1>
      %or3A_329 = arith.ori %gt3A_325, %and3A_328 : vector<16xi1>
      %select_n3A_330 = arith.select %or3A_329, %gather3A_321, %select_n3A_314 : vector<16xi1>, vector<16xf32>
      %select_n3A_331 = arith.select %or3A_329, %gather3A_324, %select_n3A_315 : vector<16xi1>, vector<16xi32>
      %xor3A_332 = arith.constant 1 : i32
      %xor3A_333 = vector.broadcast %xor3A_332 : i32 to vector<16xi32>
      %xor3A_334 = arith.xori %iota3A, %xor3A_333 : vector<16xi32>
      %reshape3A_335 = vector.shape_cast %xor3A_334 : vector<16xi32> to vector<16x1xi32>
      %gather3A_336 = vector.shape_cast %reshape3A_335 : vector<16x1xi32> to vector<16xi32>
      %gather3A_337 = tpu.dynamic_gather %select_n3A_330[%gather3A_336] in [0] : vector<16xf32>, vector<16xi32> -> vector<16xf32>
      %reshape3A_338 = vector.shape_cast %xor3A_334 : vector<16xi32> to vector<16x1xi32>
      %gather3A_339 = vector.shape_cast %reshape3A_338 : vector<16x1xi32> to vector<16xi32>
      %gather3A_340 = tpu.dynamic_gather %select_n3A_331[%gather3A_339] in [0] : vector<16xi32>, vector<16xi32> -> vector<16xi32>
      %gt3A_341 = arith.cmpf ogt, %gather3A_337, %select_n3A_330 : vector<16xf32>
      %eq3A_342 = arith.cmpf oeq, %gather3A_337, %select_n3A_330 : vector<16xf32>
      %lt3A_343 = arith.cmpi slt, %gather3A_340, %select_n3A_331 : vector<16xi32>
      %and3A_344 = arith.andi %eq3A_342, %lt3A_343 : vector<16xi1>
      %or3A_345 = arith.ori %gt3A_341, %and3A_344 : vector<16xi1>
      %select_n3A_346 = arith.select %or3A_345, %gather3A_337, %select_n3A_330 : vector<16xi1>, vector<16xf32>
      %select_n3A_347 = arith.select %or3A_345, %gather3A_340, %select_n3A_331 : vector<16xi1>, vector<16xi32>
      %eq3A_348 = arith.cmpf oeq, %select_n3A_277, %select_n3A_346 : vector<16xf32>
      %eq3A_349 = arith.cmpi eq, %select_n3A_282, %select_n3A_347 : vector<16xi32>
      %and3A_350 = arith.andi %eq3A_348, %eq3A_349 : vector<16xi1>
      %eq3A_351 = arith.constant 1 : i32
      %eq3A_352 = vector.broadcast %eq3A_351 : i32 to vector<16xi32>
      %eq3A_353 = arith.cmpi eq, %iota3A, %eq3A_352 : vector<16xi32>
      %select_n3A_354 = arith.select %eq3A_353, %select_n3A_346, %select_n3A_272 : vector<16xi1>, vector<16xf32>
      %eq3A_355 = arith.constant 1 : i32
      %eq3A_356 = vector.broadcast %eq3A_355 : i32 to vector<16xi32>
      %eq3A_357 = arith.cmpi eq, %iota3A, %eq3A_356 : vector<16xi32>
      %select_n3A_358 = arith.select %eq3A_357, %select_n3A_347, %select_n3A_276 : vector<16xi1>, vector<16xi32>
      %select_n3A_359 = arith.select %and3A_350, %select_n3A_278, %select_n3A_277 : vector<16xi1>, vector<16xf32>
      %select_n3A_360 = arith.select %and3A_350, %select_n3A_281, %select_n3A_278 : vector<16xi1>, vector<16xf32>
      %jit3A_361 = arith.constant 0xFF800000 : f32
      %broadcast_in_dim3A_362 = vector.broadcast %jit3A_361 : f32 to vector<16xf32>
      %select_n3A_363 = arith.select %and3A_350, %broadcast_in_dim3A_362, %select_n3A_281 : vector<16xi1>, vector<16xf32>
      %select_n3A_364 = arith.select %and3A_350, %select_n3A_283, %select_n3A_282 : vector<16xi1>, vector<16xi32>
      %select_n3A_365 = arith.select %and3A_350, %while3A_201#5, %select_n3A_283 : vector<16xi1>, vector<16xi32>
      %xor3A_366 = arith.constant 8 : i32
      %xor3A_367 = vector.broadcast %xor3A_366 : i32 to vector<16xi32>
      %xor3A_368 = arith.xori %iota3A, %xor3A_367 : vector<16xi32>
      %reshape3A_369 = vector.shape_cast %xor3A_368 : vector<16xi32> to vector<16x1xi32>
      %gather3A_370 = vector.shape_cast %reshape3A_369 : vector<16x1xi32> to vector<16xi32>
      %gather3A_371 = tpu.dynamic_gather %select_n3A_359[%gather3A_370] in [0] : vector<16xf32>, vector<16xi32> -> vector<16xf32>
      %reshape3A_372 = vector.shape_cast %xor3A_368 : vector<16xi32> to vector<16x1xi32>
      %gather3A_373 = vector.shape_cast %reshape3A_372 : vector<16x1xi32> to vector<16xi32>
      %gather3A_374 = tpu.dynamic_gather %select_n3A_364[%gather3A_373] in [0] : vector<16xi32>, vector<16xi32> -> vector<16xi32>
      %gt3A_375 = arith.cmpf ogt, %gather3A_371, %select_n3A_359 : vector<16xf32>
      %eq3A_376 = arith.cmpf oeq, %gather3A_371, %select_n3A_359 : vector<16xf32>
      %lt3A_377 = arith.cmpi slt, %gather3A_374, %select_n3A_364 : vector<16xi32>
      %and3A_378 = arith.andi %eq3A_376, %lt3A_377 : vector<16xi1>
      %or3A_379 = arith.ori %gt3A_375, %and3A_378 : vector<16xi1>
      %select_n3A_380 = arith.select %or3A_379, %gather3A_371, %select_n3A_359 : vector<16xi1>, vector<16xf32>
      %select_n3A_381 = arith.select %or3A_379, %gather3A_374, %select_n3A_364 : vector<16xi1>, vector<16xi32>
      %xor3A_382 = arith.constant 4 : i32
      %xor3A_383 = vector.broadcast %xor3A_382 : i32 to vector<16xi32>
      %xor3A_384 = arith.xori %iota3A, %xor3A_383 : vector<16xi32>
      %reshape3A_385 = vector.shape_cast %xor3A_384 : vector<16xi32> to vector<16x1xi32>
      %gather3A_386 = vector.shape_cast %reshape3A_385 : vector<16x1xi32> to vector<16xi32>
      %gather3A_387 = tpu.dynamic_gather %select_n3A_380[%gather3A_386] in [0] : vector<16xf32>, vector<16xi32> -> vector<16xf32>
      %reshape3A_388 = vector.shape_cast %xor3A_384 : vector<16xi32> to vector<16x1xi32>
      %gather3A_389 = vector.shape_cast %reshape3A_388 : vector<16x1xi32> to vector<16xi32>
      %gather3A_390 = tpu.dynamic_gather %select_n3A_381[%gather3A_389] in [0] : vector<16xi32>, vector<16xi32> -> vector<16xi32>
      %gt3A_391 = arith.cmpf ogt, %gather3A_387, %select_n3A_380 : vector<16xf32>
      %eq3A_392 = arith.cmpf oeq, %gather3A_387, %select_n3A_380 : vector<16xf32>
      %lt3A_393 = arith.cmpi slt, %gather3A_390, %select_n3A_381 : vector<16xi32>
      %and3A_394 = arith.andi %eq3A_392, %lt3A_393 : vector<16xi1>
      %or3A_395 = arith.ori %gt3A_391, %and3A_394 : vector<16xi1>
      %select_n3A_396 = arith.select %or3A_395, %gather3A_387, %select_n3A_380 : vector<16xi1>, vector<16xf32>
      %select_n3A_397 = arith.select %or3A_395, %gather3A_390, %select_n3A_381 : vector<16xi1>, vector<16xi32>
      %xor3A_398 = arith.constant 2 : i32
      %xor3A_399 = vector.broadcast %xor3A_398 : i32 to vector<16xi32>
      %xor3A_400 = arith.xori %iota3A, %xor3A_399 : vector<16xi32>
      %reshape3A_401 = vector.shape_cast %xor3A_400 : vector<16xi32> to vector<16x1xi32>
      %gather3A_402 = vector.shape_cast %reshape3A_401 : vector<16x1xi32> to vector<16xi32>
      %gather3A_403 = tpu.dynamic_gather %select_n3A_396[%gather3A_402] in [0] : vector<16xf32>, vector<16xi32> -> vector<16xf32>
      %reshape3A_404 = vector.shape_cast %xor3A_400 : vector<16xi32> to vector<16x1xi32>
      %gather3A_405 = vector.shape_cast %reshape3A_404 : vector<16x1xi32> to vector<16xi32>
      %gather3A_406 = tpu.dynamic_gather %select_n3A_397[%gather3A_405] in [0] : vector<16xi32>, vector<16xi32> -> vector<16xi32>
      %gt3A_407 = arith.cmpf ogt, %gather3A_403, %select_n3A_396 : vector<16xf32>
      %eq3A_408 = arith.cmpf oeq, %gather3A_403, %select_n3A_396 : vector<16xf32>
      %lt3A_409 = arith.cmpi slt, %gather3A_406, %select_n3A_397 : vector<16xi32>
      %and3A_410 = arith.andi %eq3A_408, %lt3A_409 : vector<16xi1>
      %or3A_411 = arith.ori %gt3A_407, %and3A_410 : vector<16xi1>
      %select_n3A_412 = arith.select %or3A_411, %gather3A_403, %select_n3A_396 : vector<16xi1>, vector<16xf32>
      %select_n3A_413 = arith.select %or3A_411, %gather3A_406, %select_n3A_397 : vector<16xi1>, vector<16xi32>
      %xor3A_414 = arith.constant 1 : i32
      %xor3A_415 = vector.broadcast %xor3A_414 : i32 to vector<16xi32>
      %xor3A_416 = arith.xori %iota3A, %xor3A_415 : vector<16xi32>
      %reshape3A_417 = vector.shape_cast %xor3A_416 : vector<16xi32> to vector<16x1xi32>
      %gather3A_418 = vector.shape_cast %reshape3A_417 : vector<16x1xi32> to vector<16xi32>
      %gather3A_419 = tpu.dynamic_gather %select_n3A_412[%gather3A_418] in [0] : vector<16xf32>, vector<16xi32> -> vector<16xf32>
      %reshape3A_420 = vector.shape_cast %xor3A_416 : vector<16xi32> to vector<16x1xi32>
      %gather3A_421 = vector.shape_cast %reshape3A_420 : vector<16x1xi32> to vector<16xi32>
      %gather3A_422 = tpu.dynamic_gather %select_n3A_413[%gather3A_421] in [0] : vector<16xi32>, vector<16xi32> -> vector<16xi32>
      %gt3A_423 = arith.cmpf ogt, %gather3A_419, %select_n3A_412 : vector<16xf32>
      %eq3A_424 = arith.cmpf oeq, %gather3A_419, %select_n3A_412 : vector<16xf32>
      %lt3A_425 = arith.cmpi slt, %gather3A_422, %select_n3A_413 : vector<16xi32>
      %and3A_426 = arith.andi %eq3A_424, %lt3A_425 : vector<16xi1>
      %or3A_427 = arith.ori %gt3A_423, %and3A_426 : vector<16xi1>
      %select_n3A_428 = arith.select %or3A_427, %gather3A_419, %select_n3A_412 : vector<16xi1>, vector<16xf32>
      %select_n3A_429 = arith.select %or3A_427, %gather3A_422, %select_n3A_413 : vector<16xi1>, vector<16xi32>
      %eq3A_430 = arith.cmpf oeq, %select_n3A_359, %select_n3A_428 : vector<16xf32>
      %eq3A_431 = arith.cmpi eq, %select_n3A_364, %select_n3A_429 : vector<16xi32>
      %and3A_432 = arith.andi %eq3A_430, %eq3A_431 : vector<16xi1>
      %eq3A_433 = arith.constant 2 : i32
      %eq3A_434 = vector.broadcast %eq3A_433 : i32 to vector<16xi32>
      %eq3A_435 = arith.cmpi eq, %iota3A, %eq3A_434 : vector<16xi32>
      %select_n3A_436 = arith.select %eq3A_435, %select_n3A_428, %select_n3A_354 : vector<16xi1>, vector<16xf32>
      %eq3A_437 = arith.constant 2 : i32
      %eq3A_438 = vector.broadcast %eq3A_437 : i32 to vector<16xi32>
      %eq3A_439 = arith.cmpi eq, %iota3A, %eq3A_438 : vector<16xi32>
      %select_n3A_440 = arith.select %eq3A_439, %select_n3A_429, %select_n3A_358 : vector<16xi1>, vector<16xi32>
      %select_n3A_441 = arith.select %and3A_432, %select_n3A_360, %select_n3A_359 : vector<16xi1>, vector<16xf32>
      %select_n3A_442 = arith.select %and3A_432, %select_n3A_363, %select_n3A_360 : vector<16xi1>, vector<16xf32>
      %jit3A_443 = arith.constant 0xFF800000 : f32
      %broadcast_in_dim3A_444 = vector.broadcast %jit3A_443 : f32 to vector<16xf32>
      %select_n3A_445 = arith.select %and3A_432, %broadcast_in_dim3A_444, %select_n3A_363 : vector<16xi1>, vector<16xf32>
      %select_n3A_446 = arith.select %and3A_432, %select_n3A_365, %select_n3A_364 : vector<16xi1>, vector<16xi32>
      %select_n3A_447 = arith.select %and3A_432, %while3A_201#5, %select_n3A_365 : vector<16xi1>, vector<16xi32>
      %swap3A = arith.index_cast %mul3A_74 : i32 to index
      %swap3A_448 = arith.constant 0 : index
      %swap3A_449 = tpu.vector_load %arg8[%swap3A, %swap3A_448] {strides = array<i32>} : memref<4x16xf32, #tpu.memory_space<vmem>>, vector<16xf32>,
      tpu.vector_store %arg8[%swap3A, %swap3A_448], %select_n3A_436 {strides = array<i32>} : memref<4x16xf32, #tpu.memory_space<vmem>>, vector<16xf32>,
      %swap3A_450 = arith.index_cast %mul3A_74 : i32 to index
      %swap3A_451 = arith.constant 0 : index
      %swap3A_452 = tpu.vector_load %arg9[%swap3A_450, %swap3A_451] {strides = array<i32>} : memref<4x16xi32, #tpu.memory_space<vmem>>, vector<16xi32>,
      tpu.vector_store %arg9[%swap3A_450, %swap3A_451], %select_n3A_440 {strides = array<i32>} : memref<4x16xi32, #tpu.memory_space<vmem>>, vector<16xi32>,
      %add3A_453 = arith.constant 1 : i32
      %add3A_454 = arith.addi %scan3A_53, %add3A_453 : i32
      %lt3A_455 = arith.constant 2 : i32
      %lt3A_456 = arith.cmpi slt, %add3A_454, %lt3A_455 : i32
      %convert_element_type3A_457 = arith.extui %lt3A_456 : i1 to i32
      %cond3A_458 = arith.constant 0 : i32
      %cond3A_459 = arith.cmpi ne, %convert_element_type3A_457, %cond3A_458 : i32
      scf.if %cond3A_459 {
        %add3A_872 = arith.constant 2 : i32
        %add3A_873 = arith.addi %add3A_56, %add3A_872 : i32
        %dma_start3A_874 = arith.constant 0 : i32
        %dma_start3A_875 = tpu.memref_slice %arg5[%dma_start3A_874] : memref<65536xf32, #tpu.memory_space<vmem>> -> memref<32768xf32, #tpu.memory_space<vmem>>
        %dma_start3A_876 = arith.constant 0 : i32
        %dma_start3A_877 = tpu.memref_slice %arg2[%add3A_873, %dma_start3A_876] : memref<128x32768xf32, #tpu.memory_space<hbm>> -> memref<1x32768xf32, #tpu.memory_space<hbm>>
        %dma_start3A_878 = tpu.memref_squeeze %dma_start3A_877 : memref<1x32768xf32, #tpu.memory_space<hbm>> -> memref<32768xf32, #tpu.memory_space<hbm>>
        %dma_start3A_879 = arith.constant 0 : i32
        %dma_start3A_880 = tpu.memref_slice %arg5[%dma_start3A_879] : memref<65536xf32, #tpu.memory_space<vmem>> -> memref<32768xf32, #tpu.memory_space<vmem>>
        %dma_start3A_881 = arith.constant 0 : i32
        %dma_start3A_882 = tpu.memref_slice %arg2[%add3A_873, %dma_start3A_881] : memref<128x32768xf32, #tpu.memory_space<hbm>> -> memref<1x32768xf32, #tpu.memory_space<hbm>>
        %dma_start3A_883 = tpu.memref_squeeze %dma_start3A_882 : memref<1x32768xf32, #tpu.memory_space<hbm>> -> memref<32768xf32, #tpu.memory_space<hbm>>
        tpu.enqueue_dma source(%dma_start3A_883 : memref<32768xf32, #tpu.memory_space<hbm>>) target(%dma_start3A_880 : memref<32768xf32, #tpu.memory_space<vmem>>) target_semaphore(%arg10 : memref<!tpu.dma_semaphore, #tpu.memory_space<semaphore_mem>>)
      } else {
      }
      %add3A_460 = arith.constant 1 : i32
      %add3A_461 = arith.addi %add3A_56, %add3A_460 : i32
      %dma_wait3A = arith.constant 32768 : i32
      %dma_wait3A_462 = tpu.memref_slice %arg5[%dma_wait3A] : memref<65536xf32, #tpu.memory_space<vmem>> -> memref<32768xf32, #tpu.memory_space<vmem>>
      %dma_wait3A_463 = arith.constant 0 : i32
      %dma_wait3A_464 = tpu.memref_slice %arg2[%add3A_461, %dma_wait3A_463] : memref<128x32768xf32, #tpu.memory_space<hbm>> -> memref<1x32768xf32, #tpu.memory_space<hbm>>
      %dma_wait3A_465 = tpu.memref_squeeze %dma_wait3A_464 : memref<1x32768xf32, #tpu.memory_space<hbm>> -> memref<32768xf32, #tpu.memory_space<hbm>>
      %dma_wait3A_466 = arith.constant 32768 : i32
      %dma_wait3A_467 = tpu.memref_slice %arg5[%dma_wait3A_466] : memref<65536xf32, #tpu.memory_space<vmem>> -> memref<32768xf32, #tpu.memory_space<vmem>>
      %dma_wait3A_468 = arith.constant 0 : i32
      %dma_wait3A_469 = tpu.memref_slice %arg2[%add3A_461, %dma_wait3A_468] : memref<128x32768xf32, #tpu.memory_space<hbm>> -> memref<1x32768xf32, #tpu.memory_space<hbm>>
      %dma_wait3A_470 = tpu.memref_squeeze %dma_wait3A_469 : memref<1x32768xf32, #tpu.memory_space<hbm>> -> memref<32768xf32, #tpu.memory_space<hbm>>
      tpu.wait_dma2 semaphore(%arg11 : memref<!tpu.dma_semaphore, #tpu.memory_space<semaphore_mem>>) src(%dma_wait3A_470 : memref<32768xf32, #tpu.memory_space<hbm>>) dst(%dma_wait3A_467 : memref<32768xf32, #tpu.memory_space<vmem>>)
      %parallel_loop3A_471 = arith.constant 0 : i32
      %parallel_loop3A_472 = arith.constant 128 : i32
      %parallel_loop3A_473 = arith.constant 1 : i32
      %parallel_loop3A_474 = scf.for %parallel_loop3A_872 = %parallel_loop3A_471 to %parallel_loop3A_472 step %parallel_loop3A_473 iter_args(%parallel_loop3A_873 = %broadcast_in_dim3A_3) -> (vector<16xf32>)  : i32 {
        %parallel_loop3A_874 = arith.constant 256 : i32
        %parallel_loop3A_875 = arith.muli %parallel_loop3A_872, %parallel_loop3A_874 : i32
        %parallel_loop3A_876 = arith.constant 32768 : i32
        %parallel_loop3A_877 = arith.addi %parallel_loop3A_876, %parallel_loop3A_875 : i32
        %parallel_loop3A_878 = arith.constant 0 : i32
        %parallel_loop3A_879 = arith.addi %parallel_loop3A_877, %parallel_loop3A_878 : i32
        %parallel_loop3A_880 = arith.index_cast %parallel_loop3A_879 : i32 to index
        %parallel_loop3A_881 = tpu.vector_load %arg5[%parallel_loop3A_880] {strides = array<i32>} : memref<65536xf32, #tpu.memory_space<vmem>>, vector<16xf32>,
        %parallel_loop3A_882 = arith.constant 16 : i32
        %parallel_loop3A_883 = arith.addi %parallel_loop3A_877, %parallel_loop3A_882 : i32
        %parallel_loop3A_884 = arith.index_cast %parallel_loop3A_883 : i32 to index
        %parallel_loop3A_885 = tpu.vector_load %arg5[%parallel_loop3A_884] {strides = array<i32>} : memref<65536xf32, #tpu.memory_space<vmem>>, vector<16xf32>,
        %parallel_loop3A_886 = arith.constant 32 : i32
        %parallel_loop3A_887 = arith.addi %parallel_loop3A_877, %parallel_loop3A_886 : i32
        %parallel_loop3A_888 = arith.index_cast %parallel_loop3A_887 : i32 to index
        %parallel_loop3A_889 = tpu.vector_load %arg5[%parallel_loop3A_888] {strides = array<i32>} : memref<65536xf32, #tpu.memory_space<vmem>>, vector<16xf32>,
        %parallel_loop3A_890 = arith.constant 48 : i32
        %parallel_loop3A_891 = arith.addi %parallel_loop3A_877, %parallel_loop3A_890 : i32
        %parallel_loop3A_892 = arith.index_cast %parallel_loop3A_891 : i32 to index
        %parallel_loop3A_893 = tpu.vector_load %arg5[%parallel_loop3A_892] {strides = array<i32>} : memref<65536xf32, #tpu.memory_space<vmem>>, vector<16xf32>,
        %parallel_loop3A_894 = arith.constant 64 : i32
        %parallel_loop3A_895 = arith.addi %parallel_loop3A_877, %parallel_loop3A_894 : i32
        %parallel_loop3A_896 = arith.index_cast %parallel_loop3A_895 : i32 to index
        %parallel_loop3A_897 = tpu.vector_load %arg5[%parallel_loop3A_896] {strides = array<i32>} : memref<65536xf32, #tpu.memory_space<vmem>>, vector<16xf32>,
        %parallel_loop3A_898 = arith.constant 80 : i32
        %parallel_loop3A_899 = arith.addi %parallel_loop3A_877, %parallel_loop3A_898 : i32
        %parallel_loop3A_900 = arith.index_cast %parallel_loop3A_899 : i32 to index
        %parallel_loop3A_901 = tpu.vector_load %arg5[%parallel_loop3A_900] {strides = array<i32>} : memref<65536xf32, #tpu.memory_space<vmem>>, vector<16xf32>,
        %parallel_loop3A_902 = arith.constant 96 : i32
        %parallel_loop3A_903 = arith.addi %parallel_loop3A_877, %parallel_loop3A_902 : i32
        %parallel_loop3A_904 = arith.index_cast %parallel_loop3A_903 : i32 to index
        %parallel_loop3A_905 = tpu.vector_load %arg5[%parallel_loop3A_904] {strides = array<i32>} : memref<65536xf32, #tpu.memory_space<vmem>>, vector<16xf32>,
        %parallel_loop3A_906 = arith.constant 112 : i32
        %parallel_loop3A_907 = arith.addi %parallel_loop3A_877, %parallel_loop3A_906 : i32
        %parallel_loop3A_908 = arith.index_cast %parallel_loop3A_907 : i32 to index
        %parallel_loop3A_909 = tpu.vector_load %arg5[%parallel_loop3A_908] {strides = array<i32>} : memref<65536xf32, #tpu.memory_space<vmem>>, vector<16xf32>,
        %parallel_loop3A_910 = arith.constant 128 : i32
        %parallel_loop3A_911 = arith.addi %parallel_loop3A_877, %parallel_loop3A_910 : i32
        %parallel_loop3A_912 = arith.index_cast %parallel_loop3A_911 : i32 to index
        %parallel_loop3A_913 = tpu.vector_load %arg5[%parallel_loop3A_912] {strides = array<i32>} : memref<65536xf32, #tpu.memory_space<vmem>>, vector<16xf32>,
        %parallel_loop3A_914 = arith.constant 144 : i32
        %parallel_loop3A_915 = arith.addi %parallel_loop3A_877, %parallel_loop3A_914 : i32
        %parallel_loop3A_916 = arith.index_cast %parallel_loop3A_915 : i32 to index
        %parallel_loop3A_917 = tpu.vector_load %arg5[%parallel_loop3A_916] {strides = array<i32>} : memref<65536xf32, #tpu.memory_space<vmem>>, vector<16xf32>,
        %parallel_loop3A_918 = arith.constant 160 : i32
        %parallel_loop3A_919 = arith.addi %parallel_loop3A_877, %parallel_loop3A_918 : i32
        %parallel_loop3A_920 = arith.index_cast %parallel_loop3A_919 : i32 to index
        %parallel_loop3A_921 = tpu.vector_load %arg5[%parallel_loop3A_920] {strides = array<i32>} : memref<65536xf32, #tpu.memory_space<vmem>>, vector<16xf32>,
        %parallel_loop3A_922 = arith.constant 176 : i32
        %parallel_loop3A_923 = arith.addi %parallel_loop3A_877, %parallel_loop3A_922 : i32
        %parallel_loop3A_924 = arith.index_cast %parallel_loop3A_923 : i32 to index
        %parallel_loop3A_925 = tpu.vector_load %arg5[%parallel_loop3A_924] {strides = array<i32>} : memref<65536xf32, #tpu.memory_space<vmem>>, vector<16xf32>,
        %parallel_loop3A_926 = arith.constant 192 : i32
        %parallel_loop3A_927 = arith.addi %parallel_loop3A_877, %parallel_loop3A_926 : i32
        %parallel_loop3A_928 = arith.index_cast %parallel_loop3A_927 : i32 to index
        %parallel_loop3A_929 = tpu.vector_load %arg5[%parallel_loop3A_928] {strides = array<i32>} : memref<65536xf32, #tpu.memory_space<vmem>>, vector<16xf32>,
        %parallel_loop3A_930 = arith.constant 208 : i32
        %parallel_loop3A_931 = arith.addi %parallel_loop3A_877, %parallel_loop3A_930 : i32
        %parallel_loop3A_932 = arith.index_cast %parallel_loop3A_931 : i32 to index
        %parallel_loop3A_933 = tpu.vector_load %arg5[%parallel_loop3A_932] {strides = array<i32>} : memref<65536xf32, #tpu.memory_space<vmem>>, vector<16xf32>,
        %parallel_loop3A_934 = arith.constant 224 : i32
        %parallel_loop3A_935 = arith.addi %parallel_loop3A_877, %parallel_loop3A_934 : i32
        %parallel_loop3A_936 = arith.index_cast %parallel_loop3A_935 : i32 to index
        %parallel_loop3A_937 = tpu.vector_load %arg5[%parallel_loop3A_936] {strides = array<i32>} : memref<65536xf32, #tpu.memory_space<vmem>>, vector<16xf32>,
        %parallel_loop3A_938 = arith.constant 240 : i32
        %parallel_loop3A_939 = arith.addi %parallel_loop3A_877, %parallel_loop3A_938 : i32
        %parallel_loop3A_940 = arith.index_cast %parallel_loop3A_939 : i32 to index
        %parallel_loop3A_941 = tpu.vector_load %arg5[%parallel_loop3A_940] {strides = array<i32>} : memref<65536xf32, #tpu.memory_space<vmem>>, vector<16xf32>,
        %parallel_loop3A_942 = arith.maximumf %parallel_loop3A_881, %parallel_loop3A_885 : vector<16xf32>
        %parallel_loop3A_943 = arith.maximumf %parallel_loop3A_889, %parallel_loop3A_893 : vector<16xf32>
        %parallel_loop3A_944 = arith.maximumf %parallel_loop3A_897, %parallel_loop3A_901 : vector<16xf32>
        %parallel_loop3A_945 = arith.maximumf %parallel_loop3A_905, %parallel_loop3A_909 : vector<16xf32>
        %parallel_loop3A_946 = arith.maximumf %parallel_loop3A_913, %parallel_loop3A_917 : vector<16xf32>
        %parallel_loop3A_947 = arith.maximumf %parallel_loop3A_921, %parallel_loop3A_925 : vector<16xf32>
        %parallel_loop3A_948 = arith.maximumf %parallel_loop3A_929, %parallel_loop3A_933 : vector<16xf32>
        %parallel_loop3A_949 = arith.maximumf %parallel_loop3A_937, %parallel_loop3A_941 : vector<16xf32>
        %parallel_loop3A_950 = arith.maximumf %parallel_loop3A_942, %parallel_loop3A_943 : vector<16xf32>
        %parallel_loop3A_951 = arith.maximumf %parallel_loop3A_944, %parallel_loop3A_945 : vector<16xf32>
        %parallel_loop3A_952 = arith.maximumf %parallel_loop3A_946, %parallel_loop3A_947 : vector<16xf32>
        %parallel_loop3A_953 = arith.maximumf %parallel_loop3A_948, %parallel_loop3A_949 : vector<16xf32>
        %parallel_loop3A_954 = arith.maximumf %parallel_loop3A_950, %parallel_loop3A_951 : vector<16xf32>
        %parallel_loop3A_955 = arith.maximumf %parallel_loop3A_952, %parallel_loop3A_953 : vector<16xf32>
        %parallel_loop3A_956 = arith.maximumf %parallel_loop3A_954, %parallel_loop3A_955 : vector<16xf32>
        %parallel_loop3A_957 = arith.constant 16 : i32
        %parallel_loop3A_958 = arith.muli %parallel_loop3A_872, %parallel_loop3A_957 : i32
        %parallel_loop3A_959 = arith.index_cast %parallel_loop3A_958 : i32 to index
        %parallel_loop3A_960 = tpu.vector_load %arg6[%parallel_loop3A_959] {strides = array<i32>} : memref<2048xf32, #tpu.memory_space<vmem>>, vector<16xf32>,
        tpu.vector_store %arg6[%parallel_loop3A_959], %parallel_loop3A_956 {strides = array<i32>} : memref<2048xf32, #tpu.memory_space<vmem>>, vector<16xf32>,
        %parallel_loop3A_961 = arith.maximumf %parallel_loop3A_873, %parallel_loop3A_956 : vector<16xf32>
        scf.yield %parallel_loop3A_961 : vector<16xf32>
      } {sc.loop_unroll_factor = 2 : i64, sc.parallel_access}
      %mul3A_475 = arith.constant 2 : i32
      %mul3A_476 = arith.muli %mul3A_475, %scan3A_53 : i32
      %add3A_477 = arith.constant 1 : i32
      %add3A_478 = arith.addi %mul3A_476, %add3A_477 : i32
      %xor3A_479 = arith.constant 8 : i32
      %xor3A_480 = vector.broadcast %xor3A_479 : i32 to vector<16xi32>
      %xor3A_481 = arith.xori %iota3A, %xor3A_480 : vector<16xi32>
      %reshape3A_482 = vector.shape_cast %xor3A_481 : vector<16xi32> to vector<16x1xi32>
      %gather3A_483 = vector.shape_cast %reshape3A_482 : vector<16x1xi32> to vector<16xi32>
      %gather3A_484 = tpu.dynamic_gather %parallel_loop3A_474[%gather3A_483] in [0] : vector<16xf32>, vector<16xi32> -> vector<16xf32>
      %max3A_485 = arith.maximumf %parallel_loop3A_474, %gather3A_484 : vector<16xf32>
      %xor3A_486 = arith.constant 4 : i32
      %xor3A_487 = vector.broadcast %xor3A_486 : i32 to vector<16xi32>
      %xor3A_488 = arith.xori %iota3A, %xor3A_487 : vector<16xi32>
      %reshape3A_489 = vector.shape_cast %xor3A_488 : vector<16xi32> to vector<16x1xi32>
      %gather3A_490 = vector.shape_cast %reshape3A_489 : vector<16x1xi32> to vector<16xi32>
      %gather3A_491 = tpu.dynamic_gather %max3A_485[%gather3A_490] in [0] : vector<16xf32>, vector<16xi32> -> vector<16xf32>
      %max3A_492 = arith.maximumf %max3A_485, %gather3A_491 : vector<16xf32>
      %xor3A_493 = arith.constant 2 : i32
      %xor3A_494 = vector.broadcast %xor3A_493 : i32 to vector<16xi32>
      %xor3A_495 = arith.xori %iota3A, %xor3A_494 : vector<16xi32>
      %reshape3A_496 = vector.shape_cast %xor3A_495 : vector<16xi32> to vector<16x1xi32>
      %gather3A_497 = vector.shape_cast %reshape3A_496 : vector<16x1xi32> to vector<16xi32>
      %gather3A_498 = tpu.dynamic_gather %max3A_492[%gather3A_497] in [0] : vector<16xf32>, vector<16xi32> -> vector<16xf32>
      %max3A_499 = arith.maximumf %max3A_492, %gather3A_498 : vector<16xf32>
      %xor3A_500 = arith.constant 1 : i32
      %xor3A_501 = vector.broadcast %xor3A_500 : i32 to vector<16xi32>
      %xor3A_502 = arith.xori %iota3A, %xor3A_501 : vector<16xi32>
      %reshape3A_503 = vector.shape_cast %xor3A_502 : vector<16xi32> to vector<16x1xi32>
      %gather3A_504 = vector.shape_cast %reshape3A_503 : vector<16x1xi32> to vector<16xi32>
      %gather3A_505 = tpu.dynamic_gather %max3A_499[%gather3A_504] in [0] : vector<16xf32>, vector<16xi32> -> vector<16xf32>
      %max3A_506 = arith.maximumf %max3A_499, %gather3A_505 : vector<16xf32>
      %eq3A_507 = arith.cmpf oeq, %parallel_loop3A_474, %max3A_506 : vector<16xf32>
      %jit3A_508 = arith.constant 0xFF800000 : f32
      %broadcast_in_dim3A_509 = vector.broadcast %jit3A_508 : f32 to vector<16xf32>
      %select_n3A_510 = arith.select %eq3A_507, %broadcast_in_dim3A_509, %parallel_loop3A_474 : vector<16xi1>, vector<16xf32>
      %xor3A_511 = arith.constant 8 : i32
      %xor3A_512 = vector.broadcast %xor3A_511 : i32 to vector<16xi32>
      %xor3A_513 = arith.xori %iota3A, %xor3A_512 : vector<16xi32>
      %reshape3A_514 = vector.shape_cast %xor3A_513 : vector<16xi32> to vector<16x1xi32>
      %gather3A_515 = vector.shape_cast %reshape3A_514 : vector<16x1xi32> to vector<16xi32>
      %gather3A_516 = tpu.dynamic_gather %select_n3A_510[%gather3A_515] in [0] : vector<16xf32>, vector<16xi32> -> vector<16xf32>
      %max3A_517 = arith.maximumf %select_n3A_510, %gather3A_516 : vector<16xf32>
      %xor3A_518 = arith.constant 4 : i32
      %xor3A_519 = vector.broadcast %xor3A_518 : i32 to vector<16xi32>
      %xor3A_520 = arith.xori %iota3A, %xor3A_519 : vector<16xi32>
      %reshape3A_521 = vector.shape_cast %xor3A_520 : vector<16xi32> to vector<16x1xi32>
      %gather3A_522 = vector.shape_cast %reshape3A_521 : vector<16x1xi32> to vector<16xi32>
      %gather3A_523 = tpu.dynamic_gather %max3A_517[%gather3A_522] in [0] : vector<16xf32>, vector<16xi32> -> vector<16xf32>
      %max3A_524 = arith.maximumf %max3A_517, %gather3A_523 : vector<16xf32>
      %xor3A_525 = arith.constant 2 : i32
      %xor3A_526 = vector.broadcast %xor3A_525 : i32 to vector<16xi32>
      %xor3A_527 = arith.xori %iota3A, %xor3A_526 : vector<16xi32>
      %reshape3A_528 = vector.shape_cast %xor3A_527 : vector<16xi32> to vector<16x1xi32>
      %gather3A_529 = vector.shape_cast %reshape3A_528 : vector<16x1xi32> to vector<16xi32>
      %gather3A_530 = tpu.dynamic_gather %max3A_524[%gather3A_529] in [0] : vector<16xf32>, vector<16xi32> -> vector<16xf32>
      %max3A_531 = arith.maximumf %max3A_524, %gather3A_530 : vector<16xf32>
      %xor3A_532 = arith.constant 1 : i32
      %xor3A_533 = vector.broadcast %xor3A_532 : i32 to vector<16xi32>
      %xor3A_534 = arith.xori %iota3A, %xor3A_533 : vector<16xi32>
      %reshape3A_535 = vector.shape_cast %xor3A_534 : vector<16xi32> to vector<16x1xi32>
      %gather3A_536 = vector.shape_cast %reshape3A_535 : vector<16x1xi32> to vector<16xi32>
      %gather3A_537 = tpu.dynamic_gather %max3A_531[%gather3A_536] in [0] : vector<16xf32>, vector<16xi32> -> vector<16xf32>
      %max3A_538 = arith.maximumf %max3A_531, %gather3A_537 : vector<16xf32>
      %eq3A_539 = arith.cmpf oeq, %select_n3A_510, %max3A_538 : vector<16xf32>
      %jit3A_540 = arith.constant 0xFF800000 : f32
      %broadcast_in_dim3A_541 = vector.broadcast %jit3A_540 : f32 to vector<16xf32>
      %select_n3A_542 = arith.select %eq3A_539, %broadcast_in_dim3A_541, %select_n3A_510 : vector<16xi1>, vector<16xf32>
      %xor3A_543 = arith.constant 8 : i32
      %xor3A_544 = vector.broadcast %xor3A_543 : i32 to vector<16xi32>
      %xor3A_545 = arith.xori %iota3A, %xor3A_544 : vector<16xi32>
      %reshape3A_546 = vector.shape_cast %xor3A_545 : vector<16xi32> to vector<16x1xi32>
      %gather3A_547 = vector.shape_cast %reshape3A_546 : vector<16x1xi32> to vector<16xi32>
      %gather3A_548 = tpu.dynamic_gather %select_n3A_542[%gather3A_547] in [0] : vector<16xf32>, vector<16xi32> -> vector<16xf32>
      %max3A_549 = arith.maximumf %select_n3A_542, %gather3A_548 : vector<16xf32>
      %xor3A_550 = arith.constant 4 : i32
      %xor3A_551 = vector.broadcast %xor3A_550 : i32 to vector<16xi32>
      %xor3A_552 = arith.xori %iota3A, %xor3A_551 : vector<16xi32>
      %reshape3A_553 = vector.shape_cast %xor3A_552 : vector<16xi32> to vector<16x1xi32>
      %gather3A_554 = vector.shape_cast %reshape3A_553 : vector<16x1xi32> to vector<16xi32>
      %gather3A_555 = tpu.dynamic_gather %max3A_549[%gather3A_554] in [0] : vector<16xf32>, vector<16xi32> -> vector<16xf32>
      %max3A_556 = arith.maximumf %max3A_549, %gather3A_555 : vector<16xf32>
      %xor3A_557 = arith.constant 2 : i32
      %xor3A_558 = vector.broadcast %xor3A_557 : i32 to vector<16xi32>
      %xor3A_559 = arith.xori %iota3A, %xor3A_558 : vector<16xi32>
      %reshape3A_560 = vector.shape_cast %xor3A_559 : vector<16xi32> to vector<16x1xi32>
      %gather3A_561 = vector.shape_cast %reshape3A_560 : vector<16x1xi32> to vector<16xi32>
      %gather3A_562 = tpu.dynamic_gather %max3A_556[%gather3A_561] in [0] : vector<16xf32>, vector<16xi32> -> vector<16xf32>
      %max3A_563 = arith.maximumf %max3A_556, %gather3A_562 : vector<16xf32>
      %xor3A_564 = arith.constant 1 : i32
      %xor3A_565 = vector.broadcast %xor3A_564 : i32 to vector<16xi32>
      %xor3A_566 = arith.xori %iota3A, %xor3A_565 : vector<16xi32>
      %reshape3A_567 = vector.shape_cast %xor3A_566 : vector<16xi32> to vector<16x1xi32>
      %gather3A_568 = vector.shape_cast %reshape3A_567 : vector<16x1xi32> to vector<16xi32>
      %gather3A_569 = tpu.dynamic_gather %max3A_563[%gather3A_568] in [0] : vector<16xf32>, vector<16xi32> -> vector<16xf32>
      %max3A_570 = arith.maximumf %max3A_563, %gather3A_569 : vector<16xf32>
      %parallel_loop3A_571 = arith.constant 0 : i32
      %parallel_loop3A_572 = arith.constant 128 : i32
      %parallel_loop3A_573 = arith.constant 1 : i32
      %parallel_loop3A_574 = scf.for %parallel_loop3A_872 = %parallel_loop3A_571 to %parallel_loop3A_572 step %parallel_loop3A_573 iter_args(%parallel_loop3A_873 = %broadcast_in_dim3A_5) -> (vector<16xi32>)  : i32 {
        %parallel_loop3A_874 = arith.constant 16 : i32
        %parallel_loop3A_875 = arith.muli %parallel_loop3A_872, %parallel_loop3A_874 : i32
        %parallel_loop3A_876 = arith.index_cast %parallel_loop3A_875 : i32 to index
        %parallel_loop3A_877 = tpu.vector_load %arg6[%parallel_loop3A_876] {strides = array<i32>} : memref<2048xf32, #tpu.memory_space<vmem>>, vector<16xf32>,
        %parallel_loop3A_878 = arith.cmpf oge, %parallel_loop3A_877, %max3A_570 : vector<16xf32>
        %parallel_loop3A_879 = arith.constant 16 : i32
        %parallel_loop3A_880 = arith.muli %parallel_loop3A_872, %parallel_loop3A_879 : i32
        %parallel_loop3A_881 = vector.broadcast %parallel_loop3A_880 : i32 to vector<16xi32>
        %parallel_loop3A_882 = arith.addi %iota3A, %parallel_loop3A_881 : vector<16xi32>
        %parallel_loop3A_883 = arith.addi %mul3A_8, %parallel_loop3A_873 : vector<16xi32>
        tpu.vector_store_idx %arg7[%parallel_loop3A_883], %parallel_loop3A_882 masked %parallel_loop3A_878 : memref<2048xi32, #tpu.memory_space<vmem>>[vector<16xi32>], vector<16xi32>, vector<16xi1>
        %parallel_loop3A_884 = arith.constant 1 : i32
        %parallel_loop3A_885 = arith.constant 0 : i32
        %parallel_loop3A_886 = vector.broadcast %parallel_loop3A_884 : i32 to vector<16xi32>
        %parallel_loop3A_887 = vector.broadcast %parallel_loop3A_885 : i32 to vector<16xi32>
        %parallel_loop3A_888 = arith.select %parallel_loop3A_878, %parallel_loop3A_886, %parallel_loop3A_887 : vector<16xi1>, vector<16xi32>
        %parallel_loop3A_889 = arith.addi %parallel_loop3A_873, %parallel_loop3A_888 : vector<16xi32>
        scf.yield %parallel_loop3A_889 : vector<16xi32>
      } {sc.loop_unroll_factor = 4 : i64, sc.parallel_access}
      %xor3A_575 = arith.constant 8 : i32
      %xor3A_576 = vector.broadcast %xor3A_575 : i32 to vector<16xi32>
      %xor3A_577 = arith.xori %iota3A, %xor3A_576 : vector<16xi32>
      %reshape3A_578 = vector.shape_cast %xor3A_577 : vector<16xi32> to vector<16x1xi32>
      %gather3A_579 = vector.shape_cast %reshape3A_578 : vector<16x1xi32> to vector<16xi32>
      %gather3A_580 = tpu.dynamic_gather %parallel_loop3A_574[%gather3A_579] in [0] : vector<16xi32>, vector<16xi32> -> vector<16xi32>
      %max3A_581 = arith.maxsi %parallel_loop3A_574, %gather3A_580 : vector<16xi32>
      %xor3A_582 = arith.constant 4 : i32
      %xor3A_583 = vector.broadcast %xor3A_582 : i32 to vector<16xi32>
      %xor3A_584 = arith.xori %iota3A, %xor3A_583 : vector<16xi32>
      %reshape3A_585 = vector.shape_cast %xor3A_584 : vector<16xi32> to vector<16x1xi32>
      %gather3A_586 = vector.shape_cast %reshape3A_585 : vector<16x1xi32> to vector<16xi32>
      %gather3A_587 = tpu.dynamic_gather %max3A_581[%gather3A_586] in [0] : vector<16xi32>, vector<16xi32> -> vector<16xi32>
      %max3A_588 = arith.maxsi %max3A_581, %gather3A_587 : vector<16xi32>
      %xor3A_589 = arith.constant 2 : i32
      %xor3A_590 = vector.broadcast %xor3A_589 : i32 to vector<16xi32>
      %xor3A_591 = arith.xori %iota3A, %xor3A_590 : vector<16xi32>
      %reshape3A_592 = vector.shape_cast %xor3A_591 : vector<16xi32> to vector<16x1xi32>
      %gather3A_593 = vector.shape_cast %reshape3A_592 : vector<16x1xi32> to vector<16xi32>
      %gather3A_594 = tpu.dynamic_gather %max3A_588[%gather3A_593] in [0] : vector<16xi32>, vector<16xi32> -> vector<16xi32>
      %max3A_595 = arith.maxsi %max3A_588, %gather3A_594 : vector<16xi32>
      %xor3A_596 = arith.constant 1 : i32
      %xor3A_597 = vector.broadcast %xor3A_596 : i32 to vector<16xi32>
      %xor3A_598 = arith.xori %iota3A, %xor3A_597 : vector<16xi32>
      %reshape3A_599 = vector.shape_cast %xor3A_598 : vector<16xi32> to vector<16x1xi32>
      %gather3A_600 = vector.shape_cast %reshape3A_599 : vector<16x1xi32> to vector<16xi32>
      %gather3A_601 = tpu.dynamic_gather %max3A_595[%gather3A_600] in [0] : vector<16xi32>, vector<16xi32> -> vector<16xi32>
      %max3A_602 = arith.maxsi %max3A_595, %gather3A_601 : vector<16xi32>
      %slice3A_603 = vector.extract_strided_slice %max3A_602 {offsets = [0], sizes = [1], strides = [1]} : vector<16xi32> to vector<1xi32>
      %squeeze3A_604 = vector.extract %slice3A_603[0] : i32 from vector<1xi32>
      %while3A_605 = arith.constant 0 : i32
      %while3A_606 = arith.subi %squeeze3A_604, %while3A_605 : i32
      %while3A_607 = arith.addi %while3A_605, %while3A_606 : i32
      %while3A_608 = arith.constant 1 : i32
      %while3A_609 = arith.divsi %while3A_606, %while3A_608 : i32
      %while3A_610 = arith.muli %while3A_609, %while3A_608 : i32
      %while3A_611 = arith.addi %while3A_605, %while3A_610 : i32
      %while3A_612 = arith.constant 1 : i32
      %while3A_613:6 = scf.for %while3A_872 = %while3A_605 to %while3A_611 step %while3A_612 iter_args(%while3A_873 = %broadcast_in_dim3A_3, %while3A_874 = %broadcast_in_dim3A_3, %while3A_875 = %broadcast_in_dim3A_3, %while3A_876 = %broadcast_in_dim3A_5, %while3A_877 = %broadcast_in_dim3A_5, %while3A_878 = %broadcast_in_dim3A_5) -> (vector<16xf32>, vector<16xf32>, vector<16xf32>, vector<16xi32>, vector<16xi32>, vector<16xi32>)  : i32 {
        %lt3A_879 = vector.broadcast %while3A_872 : i32 to vector<16xi32>
        %lt3A_880 = arith.cmpi slt, %lt3A_879, %parallel_loop3A_574 : vector<16xi32>
        %jit3A_881 = arith.constant 0 : i32
        %broadcast_in_dim3A_882 = vector.broadcast %while3A_872 : i32 to vector<16xi32>
        %broadcast_in_dim3A_883 = vector.broadcast %jit3A_881 : i32 to vector<16xi32>
        %select_n3A_884 = arith.select %lt3A_880, %broadcast_in_dim3A_882, %broadcast_in_dim3A_883 : vector<16xi1>, vector<16xi32>
        %add3A_885 = arith.addi %mul3A_8, %select_n3A_884 : vector<16xi32>
        %gather3A_886 = tpu.vector_load_idx %arg7[%add3A_885] : memref<2048xi32, #tpu.memory_space<vmem>>[vector<16xi32>], vector<16xi32>,
        %jit3A_887 = arith.constant 0 : i32
        %broadcast_in_dim3A_888 = vector.broadcast %jit3A_887 : i32 to vector<16xi32>
        %select_n3A_889 = arith.select %lt3A_880, %gather3A_886, %broadcast_in_dim3A_888 : vector<16xi1>, vector<16xi32>
        %shift_right_arithmetic3A = arith.constant 4 : i32
        %shift_right_arithmetic3A_890 = vector.broadcast %shift_right_arithmetic3A : i32 to vector<16xi32>
        %shift_right_arithmetic3A_891 = arith.shrsi %select_n3A_889, %shift_right_arithmetic3A_890 : vector<16xi32>
        %and3A_892 = arith.constant 15 : i32
        %and3A_893 = vector.broadcast %and3A_892 : i32 to vector<16xi32>
        %and3A_894 = arith.andi %select_n3A_889, %and3A_893 : vector<16xi32>
        %mul3A_895 = arith.constant 256 : i32
        %mul3A_896 = vector.broadcast %mul3A_895 : i32 to vector<16xi32>
        %mul3A_897 = arith.muli %shift_right_arithmetic3A_891, %mul3A_896 : vector<16xi32>
        %add3A_898 = arith.addi %mul3A_897, %and3A_894 : vector<16xi32>
        %add3A_899 = arith.constant 0 : i32
        %add3A_900 = vector.broadcast %add3A_899 : i32 to vector<16xi32>
        %add3A_901 = arith.addi %add3A_898, %add3A_900 : vector<16xi32>
        %add3A_902 = arith.constant 32768 : i32
        %add3A_903 = vector.broadcast %add3A_902 : i32 to vector<16xi32>
        %add3A_904 = arith.addi %add3A_901, %add3A_903 : vector<16xi32>
        %gather3A_905 = tpu.vector_load_idx %arg5[%add3A_904] : memref<65536xf32, #tpu.memory_space<vmem>>[vector<16xi32>], vector<16xf32>,
        %jit3A_906 = arith.constant 0xFF800000 : f32
        %broadcast_in_dim3A_907 = vector.broadcast %jit3A_906 : f32 to vector<16xf32>
        %select_n3A_908 = arith.select %lt3A_880, %gather3A_905, %broadcast_in_dim3A_907 : vector<16xi1>, vector<16xf32>
        %gt3A_909 = arith.cmpf ogt, %select_n3A_908, %while3A_873 : vector<16xf32>
        %eq3A_910 = arith.cmpf oeq, %select_n3A_908, %while3A_873 : vector<16xf32>
        %lt3A_911 = arith.cmpi slt, %add3A_901, %while3A_876 : vector<16xi32>
        %and3A_912 = arith.andi %eq3A_910, %lt3A_911 : vector<16xi1>
        %or3A_913 = arith.ori %gt3A_909, %and3A_912 : vector<16xi1>
        %gt3A_914 = arith.cmpf ogt, %select_n3A_908, %while3A_874 : vector<16xf32>
        %eq3A_915 = arith.cmpf oeq, %select_n3A_908, %while3A_874 : vector<16xf32>
        %lt3A_916 = arith.cmpi slt, %add3A_901, %while3A_877 : vector<16xi32>
        %and3A_917 = arith.andi %eq3A_915, %lt3A_916 : vector<16xi1>
        %or3A_918 = arith.ori %gt3A_914, %and3A_917 : vector<16xi1>
        %gt3A_919 = arith.cmpf ogt, %select_n3A_908, %while3A_875 : vector<16xf32>
        %eq3A_920 = arith.cmpf oeq, %select_n3A_908, %while3A_875 : vector<16xf32>
        %lt3A_921 = arith.cmpi slt, %add3A_901, %while3A_878 : vector<16xi32>
        %and3A_922 = arith.andi %eq3A_920, %lt3A_921 : vector<16xi1>
        %or3A_923 = arith.ori %gt3A_919, %and3A_922 : vector<16xi1>
        %select_n3A_924 = arith.select %or3A_913, %select_n3A_908, %while3A_873 : vector<16xi1>, vector<16xf32>
        %select_n3A_925 = arith.select %or3A_918, %select_n3A_908, %while3A_874 : vector<16xi1>, vector<16xf32>
        %select_n3A_926 = arith.select %or3A_913, %while3A_873, %select_n3A_925 : vector<16xi1>, vector<16xf32>
        %select_n3A_927 = arith.select %or3A_923, %select_n3A_908, %while3A_875 : vector<16xi1>, vector<16xf32>
        %select_n3A_928 = arith.select %or3A_918, %while3A_874, %select_n3A_927 : vector<16xi1>, vector<16xf32>
        %select_n3A_929 = arith.select %or3A_913, %add3A_901, %while3A_876 : vector<16xi1>, vector<16xi32>
        %select_n3A_930 = arith.select %or3A_918, %add3A_901, %while3A_877 : vector<16xi1>, vector<16xi32>
        %select_n3A_931 = arith.select %or3A_913, %while3A_876, %select_n3A_930 : vector<16xi1>, vector<16xi32>
        %select_n3A_932 = arith.select %or3A_923, %add3A_901, %while3A_878 : vector<16xi1>, vector<16xi32>
        %select_n3A_933 = arith.select %or3A_918, %while3A_877, %select_n3A_932 : vector<16xi1>, vector<16xi32>
        %add3A_934 = arith.constant 16 : i32
        %add3A_935 = vector.broadcast %add3A_934 : i32 to vector<16xi32>
        %add3A_936 = arith.addi %add3A_898, %add3A_935 : vector<16xi32>
        %add3A_937 = arith.constant 32768 : i32
        %add3A_938 = vector.broadcast %add3A_937 : i32 to vector<16xi32>
        %add3A_939 = arith.addi %add3A_936, %add3A_938 : vector<16xi32>
        %gather3A_940 = tpu.vector_load_idx %arg5[%add3A_939] : memref<65536xf32, #tpu.memory_space<vmem>>[vector<16xi32>], vector<16xf32>,
        %jit3A_941 = arith.constant 0xFF800000 : f32
        %broadcast_in_dim3A_942 = vector.broadcast %jit3A_941 : f32 to vector<16xf32>
        %select_n3A_943 = arith.select %lt3A_880, %gather3A_940, %broadcast_in_dim3A_942 : vector<16xi1>, vector<16xf32>
        %gt3A_944 = arith.cmpf ogt, %select_n3A_943, %select_n3A_924 : vector<16xf32>
        %eq3A_945 = arith.cmpf oeq, %select_n3A_943, %select_n3A_924 : vector<16xf32>
        %lt3A_946 = arith.cmpi slt, %add3A_936, %select_n3A_929 : vector<16xi32>
        %and3A_947 = arith.andi %eq3A_945, %lt3A_946 : vector<16xi1>
        %or3A_948 = arith.ori %gt3A_944, %and3A_947 : vector<16xi1>
        %gt3A_949 = arith.cmpf ogt, %select_n3A_943, %select_n3A_926 : vector<16xf32>
        %eq3A_950 = arith.cmpf oeq, %select_n3A_943, %select_n3A_926 : vector<16xf32>
        %lt3A_951 = arith.cmpi slt, %add3A_936, %select_n3A_931 : vector<16xi32>
        %and3A_952 = arith.andi %eq3A_950, %lt3A_951 : vector<16xi1>
        %or3A_953 = arith.ori %gt3A_949, %and3A_952 : vector<16xi1>
        %gt3A_954 = arith.cmpf ogt, %select_n3A_943, %select_n3A_928 : vector<16xf32>
        %eq3A_955 = arith.cmpf oeq, %select_n3A_943, %select_n3A_928 : vector<16xf32>
        %lt3A_956 = arith.cmpi slt, %add3A_936, %select_n3A_933 : vector<16xi32>
        %and3A_957 = arith.andi %eq3A_955, %lt3A_956 : vector<16xi1>
        %or3A_958 = arith.ori %gt3A_954, %and3A_957 : vector<16xi1>
        %select_n3A_959 = arith.select %or3A_948, %select_n3A_943, %select_n3A_924 : vector<16xi1>, vector<16xf32>
        %select_n3A_960 = arith.select %or3A_953, %select_n3A_943, %select_n3A_926 : vector<16xi1>, vector<16xf32>
        %select_n3A_961 = arith.select %or3A_948, %select_n3A_924, %select_n3A_960 : vector<16xi1>, vector<16xf32>
        %select_n3A_962 = arith.select %or3A_958, %select_n3A_943, %select_n3A_928 : vector<16xi1>, vector<16xf32>
        %select_n3A_963 = arith.select %or3A_953, %select_n3A_926, %select_n3A_962 : vector<16xi1>, vector<16xf32>
        %select_n3A_964 = arith.select %or3A_948, %add3A_936, %select_n3A_929 : vector<16xi1>, vector<16xi32>
        %select_n3A_965 = arith.select %or3A_953, %add3A_936, %select_n3A_931 : vector<16xi1>, vector<16xi32>
        %select_n3A_966 = arith.select %or3A_948, %select_n3A_929, %select_n3A_965 : vector<16xi1>, vector<16xi32>
        %select_n3A_967 = arith.select %or3A_958, %add3A_936, %select_n3A_933 : vector<16xi1>, vector<16xi32>
        %select_n3A_968 = arith.select %or3A_953, %select_n3A_931, %select_n3A_967 : vector<16xi1>, vector<16xi32>
        %add3A_969 = arith.constant 32 : i32
        %add3A_970 = vector.broadcast %add3A_969 : i32 to vector<16xi32>
        %add3A_971 = arith.addi %add3A_898, %add3A_970 : vector<16xi32>
        %add3A_972 = arith.constant 32768 : i32
        %add3A_973 = vector.broadcast %add3A_972 : i32 to vector<16xi32>
        %add3A_974 = arith.addi %add3A_971, %add3A_973 : vector<16xi32>
        %gather3A_975 = tpu.vector_load_idx %arg5[%add3A_974] : memref<65536xf32, #tpu.memory_space<vmem>>[vector<16xi32>], vector<16xf32>,
        %jit3A_976 = arith.constant 0xFF800000 : f32
        %broadcast_in_dim3A_977 = vector.broadcast %jit3A_976 : f32 to vector<16xf32>
        %select_n3A_978 = arith.select %lt3A_880, %gather3A_975, %broadcast_in_dim3A_977 : vector<16xi1>, vector<16xf32>
        %gt3A_979 = arith.cmpf ogt, %select_n3A_978, %select_n3A_959 : vector<16xf32>
        %eq3A_980 = arith.cmpf oeq, %select_n3A_978, %select_n3A_959 : vector<16xf32>
        %lt3A_981 = arith.cmpi slt, %add3A_971, %select_n3A_964 : vector<16xi32>
        %and3A_982 = arith.andi %eq3A_980, %lt3A_981 : vector<16xi1>
        %or3A_983 = arith.ori %gt3A_979, %and3A_982 : vector<16xi1>
        %gt3A_984 = arith.cmpf ogt, %select_n3A_978, %select_n3A_961 : vector<16xf32>
        %eq3A_985 = arith.cmpf oeq, %select_n3A_978, %select_n3A_961 : vector<16xf32>
        %lt3A_986 = arith.cmpi slt, %add3A_971, %select_n3A_966 : vector<16xi32>
        %and3A_987 = arith.andi %eq3A_985, %lt3A_986 : vector<16xi1>
        %or3A_988 = arith.ori %gt3A_984, %and3A_987 : vector<16xi1>
        %gt3A_989 = arith.cmpf ogt, %select_n3A_978, %select_n3A_963 : vector<16xf32>
        %eq3A_990 = arith.cmpf oeq, %select_n3A_978, %select_n3A_963 : vector<16xf32>
        %lt3A_991 = arith.cmpi slt, %add3A_971, %select_n3A_968 : vector<16xi32>
        %and3A_992 = arith.andi %eq3A_990, %lt3A_991 : vector<16xi1>
        %or3A_993 = arith.ori %gt3A_989, %and3A_992 : vector<16xi1>
        %select_n3A_994 = arith.select %or3A_983, %select_n3A_978, %select_n3A_959 : vector<16xi1>, vector<16xf32>
        %select_n3A_995 = arith.select %or3A_988, %select_n3A_978, %select_n3A_961 : vector<16xi1>, vector<16xf32>
        %select_n3A_996 = arith.select %or3A_983, %select_n3A_959, %select_n3A_995 : vector<16xi1>, vector<16xf32>
        %select_n3A_997 = arith.select %or3A_993, %select_n3A_978, %select_n3A_963 : vector<16xi1>, vector<16xf32>
        %select_n3A_998 = arith.select %or3A_988, %select_n3A_961, %select_n3A_997 : vector<16xi1>, vector<16xf32>
        %select_n3A_999 = arith.select %or3A_983, %add3A_971, %select_n3A_964 : vector<16xi1>, vector<16xi32>
        %select_n3A_1000 = arith.select %or3A_988, %add3A_971, %select_n3A_966 : vector<16xi1>, vector<16xi32>
        %select_n3A_1001 = arith.select %or3A_983, %select_n3A_964, %select_n3A_1000 : vector<16xi1>, vector<16xi32>
        %select_n3A_1002 = arith.select %or3A_993, %add3A_971, %select_n3A_968 : vector<16xi1>, vector<16xi32>
        %select_n3A_1003 = arith.select %or3A_988, %select_n3A_966, %select_n3A_1002 : vector<16xi1>, vector<16xi32>
        %add3A_1004 = arith.constant 48 : i32
        %add3A_1005 = vector.broadcast %add3A_1004 : i32 to vector<16xi32>
        %add3A_1006 = arith.addi %add3A_898, %add3A_1005 : vector<16xi32>
        %add3A_1007 = arith.constant 32768 : i32
        %add3A_1008 = vector.broadcast %add3A_1007 : i32 to vector<16xi32>
        %add3A_1009 = arith.addi %add3A_1006, %add3A_1008 : vector<16xi32>
        %gather3A_1010 = tpu.vector_load_idx %arg5[%add3A_1009] : memref<65536xf32, #tpu.memory_space<vmem>>[vector<16xi32>], vector<16xf32>,
        %jit3A_1011 = arith.constant 0xFF800000 : f32
        %broadcast_in_dim3A_1012 = vector.broadcast %jit3A_1011 : f32 to vector<16xf32>
        %select_n3A_1013 = arith.select %lt3A_880, %gather3A_1010, %broadcast_in_dim3A_1012 : vector<16xi1>, vector<16xf32>
        %gt3A_1014 = arith.cmpf ogt, %select_n3A_1013, %select_n3A_994 : vector<16xf32>
        %eq3A_1015 = arith.cmpf oeq, %select_n3A_1013, %select_n3A_994 : vector<16xf32>
        %lt3A_1016 = arith.cmpi slt, %add3A_1006, %select_n3A_999 : vector<16xi32>
        %and3A_1017 = arith.andi %eq3A_1015, %lt3A_1016 : vector<16xi1>
        %or3A_1018 = arith.ori %gt3A_1014, %and3A_1017 : vector<16xi1>
        %gt3A_1019 = arith.cmpf ogt, %select_n3A_1013, %select_n3A_996 : vector<16xf32>
        %eq3A_1020 = arith.cmpf oeq, %select_n3A_1013, %select_n3A_996 : vector<16xf32>
        %lt3A_1021 = arith.cmpi slt, %add3A_1006, %select_n3A_1001 : vector<16xi32>
        %and3A_1022 = arith.andi %eq3A_1020, %lt3A_1021 : vector<16xi1>
        %or3A_1023 = arith.ori %gt3A_1019, %and3A_1022 : vector<16xi1>
        %gt3A_1024 = arith.cmpf ogt, %select_n3A_1013, %select_n3A_998 : vector<16xf32>
        %eq3A_1025 = arith.cmpf oeq, %select_n3A_1013, %select_n3A_998 : vector<16xf32>
        %lt3A_1026 = arith.cmpi slt, %add3A_1006, %select_n3A_1003 : vector<16xi32>
        %and3A_1027 = arith.andi %eq3A_1025, %lt3A_1026 : vector<16xi1>
        %or3A_1028 = arith.ori %gt3A_1024, %and3A_1027 : vector<16xi1>
        %select_n3A_1029 = arith.select %or3A_1018, %select_n3A_1013, %select_n3A_994 : vector<16xi1>, vector<16xf32>
        %select_n3A_1030 = arith.select %or3A_1023, %select_n3A_1013, %select_n3A_996 : vector<16xi1>, vector<16xf32>
        %select_n3A_1031 = arith.select %or3A_1018, %select_n3A_994, %select_n3A_1030 : vector<16xi1>, vector<16xf32>
        %select_n3A_1032 = arith.select %or3A_1028, %select_n3A_1013, %select_n3A_998 : vector<16xi1>, vector<16xf32>
        %select_n3A_1033 = arith.select %or3A_1023, %select_n3A_996, %select_n3A_1032 : vector<16xi1>, vector<16xf32>
        %select_n3A_1034 = arith.select %or3A_1018, %add3A_1006, %select_n3A_999 : vector<16xi1>, vector<16xi32>
        %select_n3A_1035 = arith.select %or3A_1023, %add3A_1006, %select_n3A_1001 : vector<16xi1>, vector<16xi32>
        %select_n3A_1036 = arith.select %or3A_1018, %select_n3A_999, %select_n3A_1035 : vector<16xi1>, vector<16xi32>
        %select_n3A_1037 = arith.select %or3A_1028, %add3A_1006, %select_n3A_1003 : vector<16xi1>, vector<16xi32>
        %select_n3A_1038 = arith.select %or3A_1023, %select_n3A_1001, %select_n3A_1037 : vector<16xi1>, vector<16xi32>
        %add3A_1039 = arith.constant 64 : i32
        %add3A_1040 = vector.broadcast %add3A_1039 : i32 to vector<16xi32>
        %add3A_1041 = arith.addi %add3A_898, %add3A_1040 : vector<16xi32>
        %add3A_1042 = arith.constant 32768 : i32
        %add3A_1043 = vector.broadcast %add3A_1042 : i32 to vector<16xi32>
        %add3A_1044 = arith.addi %add3A_1041, %add3A_1043 : vector<16xi32>
        %gather3A_1045 = tpu.vector_load_idx %arg5[%add3A_1044] : memref<65536xf32, #tpu.memory_space<vmem>>[vector<16xi32>], vector<16xf32>,
        %jit3A_1046 = arith.constant 0xFF800000 : f32
        %broadcast_in_dim3A_1047 = vector.broadcast %jit3A_1046 : f32 to vector<16xf32>
        %select_n3A_1048 = arith.select %lt3A_880, %gather3A_1045, %broadcast_in_dim3A_1047 : vector<16xi1>, vector<16xf32>
        %gt3A_1049 = arith.cmpf ogt, %select_n3A_1048, %select_n3A_1029 : vector<16xf32>
        %eq3A_1050 = arith.cmpf oeq, %select_n3A_1048, %select_n3A_1029 : vector<16xf32>
        %lt3A_1051 = arith.cmpi slt, %add3A_1041, %select_n3A_1034 : vector<16xi32>
        %and3A_1052 = arith.andi %eq3A_1050, %lt3A_1051 : vector<16xi1>
        %or3A_1053 = arith.ori %gt3A_1049, %and3A_1052 : vector<16xi1>
        %gt3A_1054 = arith.cmpf ogt, %select_n3A_1048, %select_n3A_1031 : vector<16xf32>
        %eq3A_1055 = arith.cmpf oeq, %select_n3A_1048, %select_n3A_1031 : vector<16xf32>
        %lt3A_1056 = arith.cmpi slt, %add3A_1041, %select_n3A_1036 : vector<16xi32>
        %and3A_1057 = arith.andi %eq3A_1055, %lt3A_1056 : vector<16xi1>
        %or3A_1058 = arith.ori %gt3A_1054, %and3A_1057 : vector<16xi1>
        %gt3A_1059 = arith.cmpf ogt, %select_n3A_1048, %select_n3A_1033 : vector<16xf32>
        %eq3A_1060 = arith.cmpf oeq, %select_n3A_1048, %select_n3A_1033 : vector<16xf32>
        %lt3A_1061 = arith.cmpi slt, %add3A_1041, %select_n3A_1038 : vector<16xi32>
        %and3A_1062 = arith.andi %eq3A_1060, %lt3A_1061 : vector<16xi1>
        %or3A_1063 = arith.ori %gt3A_1059, %and3A_1062 : vector<16xi1>
        %select_n3A_1064 = arith.select %or3A_1053, %select_n3A_1048, %select_n3A_1029 : vector<16xi1>, vector<16xf32>
        %select_n3A_1065 = arith.select %or3A_1058, %select_n3A_1048, %select_n3A_1031 : vector<16xi1>, vector<16xf32>
        %select_n3A_1066 = arith.select %or3A_1053, %select_n3A_1029, %select_n3A_1065 : vector<16xi1>, vector<16xf32>
        %select_n3A_1067 = arith.select %or3A_1063, %select_n3A_1048, %select_n3A_1033 : vector<16xi1>, vector<16xf32>
        %select_n3A_1068 = arith.select %or3A_1058, %select_n3A_1031, %select_n3A_1067 : vector<16xi1>, vector<16xf32>
        %select_n3A_1069 = arith.select %or3A_1053, %add3A_1041, %select_n3A_1034 : vector<16xi1>, vector<16xi32>
        %select_n3A_1070 = arith.select %or3A_1058, %add3A_1041, %select_n3A_1036 : vector<16xi1>, vector<16xi32>
        %select_n3A_1071 = arith.select %or3A_1053, %select_n3A_1034, %select_n3A_1070 : vector<16xi1>, vector<16xi32>
        %select_n3A_1072 = arith.select %or3A_1063, %add3A_1041, %select_n3A_1038 : vector<16xi1>, vector<16xi32>
        %select_n3A_1073 = arith.select %or3A_1058, %select_n3A_1036, %select_n3A_1072 : vector<16xi1>, vector<16xi32>
        %add3A_1074 = arith.constant 80 : i32
        %add3A_1075 = vector.broadcast %add3A_1074 : i32 to vector<16xi32>
        %add3A_1076 = arith.addi %add3A_898, %add3A_1075 : vector<16xi32>
        %add3A_1077 = arith.constant 32768 : i32
        %add3A_1078 = vector.broadcast %add3A_1077 : i32 to vector<16xi32>
        %add3A_1079 = arith.addi %add3A_1076, %add3A_1078 : vector<16xi32>
        %gather3A_1080 = tpu.vector_load_idx %arg5[%add3A_1079] : memref<65536xf32, #tpu.memory_space<vmem>>[vector<16xi32>], vector<16xf32>,
        %jit3A_1081 = arith.constant 0xFF800000 : f32
        %broadcast_in_dim3A_1082 = vector.broadcast %jit3A_1081 : f32 to vector<16xf32>
        %select_n3A_1083 = arith.select %lt3A_880, %gather3A_1080, %broadcast_in_dim3A_1082 : vector<16xi1>, vector<16xf32>
        %gt3A_1084 = arith.cmpf ogt, %select_n3A_1083, %select_n3A_1064 : vector<16xf32>
        %eq3A_1085 = arith.cmpf oeq, %select_n3A_1083, %select_n3A_1064 : vector<16xf32>
        %lt3A_1086 = arith.cmpi slt, %add3A_1076, %select_n3A_1069 : vector<16xi32>
        %and3A_1087 = arith.andi %eq3A_1085, %lt3A_1086 : vector<16xi1>
        %or3A_1088 = arith.ori %gt3A_1084, %and3A_1087 : vector<16xi1>
        %gt3A_1089 = arith.cmpf ogt, %select_n3A_1083, %select_n3A_1066 : vector<16xf32>
        %eq3A_1090 = arith.cmpf oeq, %select_n3A_1083, %select_n3A_1066 : vector<16xf32>
        %lt3A_1091 = arith.cmpi slt, %add3A_1076, %select_n3A_1071 : vector<16xi32>
        %and3A_1092 = arith.andi %eq3A_1090, %lt3A_1091 : vector<16xi1>
        %or3A_1093 = arith.ori %gt3A_1089, %and3A_1092 : vector<16xi1>
        %gt3A_1094 = arith.cmpf ogt, %select_n3A_1083, %select_n3A_1068 : vector<16xf32>
        %eq3A_1095 = arith.cmpf oeq, %select_n3A_1083, %select_n3A_1068 : vector<16xf32>
        %lt3A_1096 = arith.cmpi slt, %add3A_1076, %select_n3A_1073 : vector<16xi32>
        %and3A_1097 = arith.andi %eq3A_1095, %lt3A_1096 : vector<16xi1>
        %or3A_1098 = arith.ori %gt3A_1094, %and3A_1097 : vector<16xi1>
        %select_n3A_1099 = arith.select %or3A_1088, %select_n3A_1083, %select_n3A_1064 : vector<16xi1>, vector<16xf32>
        %select_n3A_1100 = arith.select %or3A_1093, %select_n3A_1083, %select_n3A_1066 : vector<16xi1>, vector<16xf32>
        %select_n3A_1101 = arith.select %or3A_1088, %select_n3A_1064, %select_n3A_1100 : vector<16xi1>, vector<16xf32>
        %select_n3A_1102 = arith.select %or3A_1098, %select_n3A_1083, %select_n3A_1068 : vector<16xi1>, vector<16xf32>
        %select_n3A_1103 = arith.select %or3A_1093, %select_n3A_1066, %select_n3A_1102 : vector<16xi1>, vector<16xf32>
        %select_n3A_1104 = arith.select %or3A_1088, %add3A_1076, %select_n3A_1069 : vector<16xi1>, vector<16xi32>
        %select_n3A_1105 = arith.select %or3A_1093, %add3A_1076, %select_n3A_1071 : vector<16xi1>, vector<16xi32>
        %select_n3A_1106 = arith.select %or3A_1088, %select_n3A_1069, %select_n3A_1105 : vector<16xi1>, vector<16xi32>
        %select_n3A_1107 = arith.select %or3A_1098, %add3A_1076, %select_n3A_1073 : vector<16xi1>, vector<16xi32>
        %select_n3A_1108 = arith.select %or3A_1093, %select_n3A_1071, %select_n3A_1107 : vector<16xi1>, vector<16xi32>
        %add3A_1109 = arith.constant 96 : i32
        %add3A_1110 = vector.broadcast %add3A_1109 : i32 to vector<16xi32>
        %add3A_1111 = arith.addi %add3A_898, %add3A_1110 : vector<16xi32>
        %add3A_1112 = arith.constant 32768 : i32
        %add3A_1113 = vector.broadcast %add3A_1112 : i32 to vector<16xi32>
        %add3A_1114 = arith.addi %add3A_1111, %add3A_1113 : vector<16xi32>
        %gather3A_1115 = tpu.vector_load_idx %arg5[%add3A_1114] : memref<65536xf32, #tpu.memory_space<vmem>>[vector<16xi32>], vector<16xf32>,
        %jit3A_1116 = arith.constant 0xFF800000 : f32
        %broadcast_in_dim3A_1117 = vector.broadcast %jit3A_1116 : f32 to vector<16xf32>
        %select_n3A_1118 = arith.select %lt3A_880, %gather3A_1115, %broadcast_in_dim3A_1117 : vector<16xi1>, vector<16xf32>
        %gt3A_1119 = arith.cmpf ogt, %select_n3A_1118, %select_n3A_1099 : vector<16xf32>
        %eq3A_1120 = arith.cmpf oeq, %select_n3A_1118, %select_n3A_1099 : vector<16xf32>
        %lt3A_1121 = arith.cmpi slt, %add3A_1111, %select_n3A_1104 : vector<16xi32>
        %and3A_1122 = arith.andi %eq3A_1120, %lt3A_1121 : vector<16xi1>
        %or3A_1123 = arith.ori %gt3A_1119, %and3A_1122 : vector<16xi1>
        %gt3A_1124 = arith.cmpf ogt, %select_n3A_1118, %select_n3A_1101 : vector<16xf32>
        %eq3A_1125 = arith.cmpf oeq, %select_n3A_1118, %select_n3A_1101 : vector<16xf32>
        %lt3A_1126 = arith.cmpi slt, %add3A_1111, %select_n3A_1106 : vector<16xi32>
        %and3A_1127 = arith.andi %eq3A_1125, %lt3A_1126 : vector<16xi1>
        %or3A_1128 = arith.ori %gt3A_1124, %and3A_1127 : vector<16xi1>
        %gt3A_1129 = arith.cmpf ogt, %select_n3A_1118, %select_n3A_1103 : vector<16xf32>
        %eq3A_1130 = arith.cmpf oeq, %select_n3A_1118, %select_n3A_1103 : vector<16xf32>
        %lt3A_1131 = arith.cmpi slt, %add3A_1111, %select_n3A_1108 : vector<16xi32>
        %and3A_1132 = arith.andi %eq3A_1130, %lt3A_1131 : vector<16xi1>
        %or3A_1133 = arith.ori %gt3A_1129, %and3A_1132 : vector<16xi1>
        %select_n3A_1134 = arith.select %or3A_1123, %select_n3A_1118, %select_n3A_1099 : vector<16xi1>, vector<16xf32>
        %select_n3A_1135 = arith.select %or3A_1128, %select_n3A_1118, %select_n3A_1101 : vector<16xi1>, vector<16xf32>
        %select_n3A_1136 = arith.select %or3A_1123, %select_n3A_1099, %select_n3A_1135 : vector<16xi1>, vector<16xf32>
        %select_n3A_1137 = arith.select %or3A_1133, %select_n3A_1118, %select_n3A_1103 : vector<16xi1>, vector<16xf32>
        %select_n3A_1138 = arith.select %or3A_1128, %select_n3A_1101, %select_n3A_1137 : vector<16xi1>, vector<16xf32>
        %select_n3A_1139 = arith.select %or3A_1123, %add3A_1111, %select_n3A_1104 : vector<16xi1>, vector<16xi32>
        %select_n3A_1140 = arith.select %or3A_1128, %add3A_1111, %select_n3A_1106 : vector<16xi1>, vector<16xi32>
        %select_n3A_1141 = arith.select %or3A_1123, %select_n3A_1104, %select_n3A_1140 : vector<16xi1>, vector<16xi32>
        %select_n3A_1142 = arith.select %or3A_1133, %add3A_1111, %select_n3A_1108 : vector<16xi1>, vector<16xi32>
        %select_n3A_1143 = arith.select %or3A_1128, %select_n3A_1106, %select_n3A_1142 : vector<16xi1>, vector<16xi32>
        %add3A_1144 = arith.constant 112 : i32
        %add3A_1145 = vector.broadcast %add3A_1144 : i32 to vector<16xi32>
        %add3A_1146 = arith.addi %add3A_898, %add3A_1145 : vector<16xi32>
        %add3A_1147 = arith.constant 32768 : i32
        %add3A_1148 = vector.broadcast %add3A_1147 : i32 to vector<16xi32>
        %add3A_1149 = arith.addi %add3A_1146, %add3A_1148 : vector<16xi32>
        %gather3A_1150 = tpu.vector_load_idx %arg5[%add3A_1149] : memref<65536xf32, #tpu.memory_space<vmem>>[vector<16xi32>], vector<16xf32>,
        %jit3A_1151 = arith.constant 0xFF800000 : f32
        %broadcast_in_dim3A_1152 = vector.broadcast %jit3A_1151 : f32 to vector<16xf32>
        %select_n3A_1153 = arith.select %lt3A_880, %gather3A_1150, %broadcast_in_dim3A_1152 : vector<16xi1>, vector<16xf32>
        %gt3A_1154 = arith.cmpf ogt, %select_n3A_1153, %select_n3A_1134 : vector<16xf32>
        %eq3A_1155 = arith.cmpf oeq, %select_n3A_1153, %select_n3A_1134 : vector<16xf32>
        %lt3A_1156 = arith.cmpi slt, %add3A_1146, %select_n3A_1139 : vector<16xi32>
        %and3A_1157 = arith.andi %eq3A_1155, %lt3A_1156 : vector<16xi1>
        %or3A_1158 = arith.ori %gt3A_1154, %and3A_1157 : vector<16xi1>
        %gt3A_1159 = arith.cmpf ogt, %select_n3A_1153, %select_n3A_1136 : vector<16xf32>
        %eq3A_1160 = arith.cmpf oeq, %select_n3A_1153, %select_n3A_1136 : vector<16xf32>
        %lt3A_1161 = arith.cmpi slt, %add3A_1146, %select_n3A_1141 : vector<16xi32>
        %and3A_1162 = arith.andi %eq3A_1160, %lt3A_1161 : vector<16xi1>
        %or3A_1163 = arith.ori %gt3A_1159, %and3A_1162 : vector<16xi1>
        %gt3A_1164 = arith.cmpf ogt, %select_n3A_1153, %select_n3A_1138 : vector<16xf32>
        %eq3A_1165 = arith.cmpf oeq, %select_n3A_1153, %select_n3A_1138 : vector<16xf32>
        %lt3A_1166 = arith.cmpi slt, %add3A_1146, %select_n3A_1143 : vector<16xi32>
        %and3A_1167 = arith.andi %eq3A_1165, %lt3A_1166 : vector<16xi1>
        %or3A_1168 = arith.ori %gt3A_1164, %and3A_1167 : vector<16xi1>
        %select_n3A_1169 = arith.select %or3A_1158, %select_n3A_1153, %select_n3A_1134 : vector<16xi1>, vector<16xf32>
        %select_n3A_1170 = arith.select %or3A_1163, %select_n3A_1153, %select_n3A_1136 : vector<16xi1>, vector<16xf32>
        %select_n3A_1171 = arith.select %or3A_1158, %select_n3A_1134, %select_n3A_1170 : vector<16xi1>, vector<16xf32>
        %select_n3A_1172 = arith.select %or3A_1168, %select_n3A_1153, %select_n3A_1138 : vector<16xi1>, vector<16xf32>
        %select_n3A_1173 = arith.select %or3A_1163, %select_n3A_1136, %select_n3A_1172 : vector<16xi1>, vector<16xf32>
        %select_n3A_1174 = arith.select %or3A_1158, %add3A_1146, %select_n3A_1139 : vector<16xi1>, vector<16xi32>
        %select_n3A_1175 = arith.select %or3A_1163, %add3A_1146, %select_n3A_1141 : vector<16xi1>, vector<16xi32>
        %select_n3A_1176 = arith.select %or3A_1158, %select_n3A_1139, %select_n3A_1175 : vector<16xi1>, vector<16xi32>
        %select_n3A_1177 = arith.select %or3A_1168, %add3A_1146, %select_n3A_1143 : vector<16xi1>, vector<16xi32>
        %select_n3A_1178 = arith.select %or3A_1163, %select_n3A_1141, %select_n3A_1177 : vector<16xi1>, vector<16xi32>
        %add3A_1179 = arith.constant 128 : i32
        %add3A_1180 = vector.broadcast %add3A_1179 : i32 to vector<16xi32>
        %add3A_1181 = arith.addi %add3A_898, %add3A_1180 : vector<16xi32>
        %add3A_1182 = arith.constant 32768 : i32
        %add3A_1183 = vector.broadcast %add3A_1182 : i32 to vector<16xi32>
        %add3A_1184 = arith.addi %add3A_1181, %add3A_1183 : vector<16xi32>
        %gather3A_1185 = tpu.vector_load_idx %arg5[%add3A_1184] : memref<65536xf32, #tpu.memory_space<vmem>>[vector<16xi32>], vector<16xf32>,
        %jit3A_1186 = arith.constant 0xFF800000 : f32
        %broadcast_in_dim3A_1187 = vector.broadcast %jit3A_1186 : f32 to vector<16xf32>
        %select_n3A_1188 = arith.select %lt3A_880, %gather3A_1185, %broadcast_in_dim3A_1187 : vector<16xi1>, vector<16xf32>
        %gt3A_1189 = arith.cmpf ogt, %select_n3A_1188, %select_n3A_1169 : vector<16xf32>
        %eq3A_1190 = arith.cmpf oeq, %select_n3A_1188, %select_n3A_1169 : vector<16xf32>
        %lt3A_1191 = arith.cmpi slt, %add3A_1181, %select_n3A_1174 : vector<16xi32>
        %and3A_1192 = arith.andi %eq3A_1190, %lt3A_1191 : vector<16xi1>
        %or3A_1193 = arith.ori %gt3A_1189, %and3A_1192 : vector<16xi1>
        %gt3A_1194 = arith.cmpf ogt, %select_n3A_1188, %select_n3A_1171 : vector<16xf32>
        %eq3A_1195 = arith.cmpf oeq, %select_n3A_1188, %select_n3A_1171 : vector<16xf32>
        %lt3A_1196 = arith.cmpi slt, %add3A_1181, %select_n3A_1176 : vector<16xi32>
        %and3A_1197 = arith.andi %eq3A_1195, %lt3A_1196 : vector<16xi1>
        %or3A_1198 = arith.ori %gt3A_1194, %and3A_1197 : vector<16xi1>
        %gt3A_1199 = arith.cmpf ogt, %select_n3A_1188, %select_n3A_1173 : vector<16xf32>
        %eq3A_1200 = arith.cmpf oeq, %select_n3A_1188, %select_n3A_1173 : vector<16xf32>
        %lt3A_1201 = arith.cmpi slt, %add3A_1181, %select_n3A_1178 : vector<16xi32>
        %and3A_1202 = arith.andi %eq3A_1200, %lt3A_1201 : vector<16xi1>
        %or3A_1203 = arith.ori %gt3A_1199, %and3A_1202 : vector<16xi1>
        %select_n3A_1204 = arith.select %or3A_1193, %select_n3A_1188, %select_n3A_1169 : vector<16xi1>, vector<16xf32>
        %select_n3A_1205 = arith.select %or3A_1198, %select_n3A_1188, %select_n3A_1171 : vector<16xi1>, vector<16xf32>
        %select_n3A_1206 = arith.select %or3A_1193, %select_n3A_1169, %select_n3A_1205 : vector<16xi1>, vector<16xf32>
        %select_n3A_1207 = arith.select %or3A_1203, %select_n3A_1188, %select_n3A_1173 : vector<16xi1>, vector<16xf32>
        %select_n3A_1208 = arith.select %or3A_1198, %select_n3A_1171, %select_n3A_1207 : vector<16xi1>, vector<16xf32>
        %select_n3A_1209 = arith.select %or3A_1193, %add3A_1181, %select_n3A_1174 : vector<16xi1>, vector<16xi32>
        %select_n3A_1210 = arith.select %or3A_1198, %add3A_1181, %select_n3A_1176 : vector<16xi1>, vector<16xi32>
        %select_n3A_1211 = arith.select %or3A_1193, %select_n3A_1174, %select_n3A_1210 : vector<16xi1>, vector<16xi32>
        %select_n3A_1212 = arith.select %or3A_1203, %add3A_1181, %select_n3A_1178 : vector<16xi1>, vector<16xi32>
        %select_n3A_1213 = arith.select %or3A_1198, %select_n3A_1176, %select_n3A_1212 : vector<16xi1>, vector<16xi32>
        %add3A_1214 = arith.constant 144 : i32
        %add3A_1215 = vector.broadcast %add3A_1214 : i32 to vector<16xi32>
        %add3A_1216 = arith.addi %add3A_898, %add3A_1215 : vector<16xi32>
        %add3A_1217 = arith.constant 32768 : i32
        %add3A_1218 = vector.broadcast %add3A_1217 : i32 to vector<16xi32>
        %add3A_1219 = arith.addi %add3A_1216, %add3A_1218 : vector<16xi32>
        %gather3A_1220 = tpu.vector_load_idx %arg5[%add3A_1219] : memref<65536xf32, #tpu.memory_space<vmem>>[vector<16xi32>], vector<16xf32>,
        %jit3A_1221 = arith.constant 0xFF800000 : f32
        %broadcast_in_dim3A_1222 = vector.broadcast %jit3A_1221 : f32 to vector<16xf32>
        %select_n3A_1223 = arith.select %lt3A_880, %gather3A_1220, %broadcast_in_dim3A_1222 : vector<16xi1>, vector<16xf32>
        %gt3A_1224 = arith.cmpf ogt, %select_n3A_1223, %select_n3A_1204 : vector<16xf32>
        %eq3A_1225 = arith.cmpf oeq, %select_n3A_1223, %select_n3A_1204 : vector<16xf32>
        %lt3A_1226 = arith.cmpi slt, %add3A_1216, %select_n3A_1209 : vector<16xi32>
        %and3A_1227 = arith.andi %eq3A_1225, %lt3A_1226 : vector<16xi1>
        %or3A_1228 = arith.ori %gt3A_1224, %and3A_1227 : vector<16xi1>
        %gt3A_1229 = arith.cmpf ogt, %select_n3A_1223, %select_n3A_1206 : vector<16xf32>
        %eq3A_1230 = arith.cmpf oeq, %select_n3A_1223, %select_n3A_1206 : vector<16xf32>
        %lt3A_1231 = arith.cmpi slt, %add3A_1216, %select_n3A_1211 : vector<16xi32>
        %and3A_1232 = arith.andi %eq3A_1230, %lt3A_1231 : vector<16xi1>
        %or3A_1233 = arith.ori %gt3A_1229, %and3A_1232 : vector<16xi1>
        %gt3A_1234 = arith.cmpf ogt, %select_n3A_1223, %select_n3A_1208 : vector<16xf32>
        %eq3A_1235 = arith.cmpf oeq, %select_n3A_1223, %select_n3A_1208 : vector<16xf32>
        %lt3A_1236 = arith.cmpi slt, %add3A_1216, %select_n3A_1213 : vector<16xi32>
        %and3A_1237 = arith.andi %eq3A_1235, %lt3A_1236 : vector<16xi1>
        %or3A_1238 = arith.ori %gt3A_1234, %and3A_1237 : vector<16xi1>
        %select_n3A_1239 = arith.select %or3A_1228, %select_n3A_1223, %select_n3A_1204 : vector<16xi1>, vector<16xf32>
        %select_n3A_1240 = arith.select %or3A_1233, %select_n3A_1223, %select_n3A_1206 : vector<16xi1>, vector<16xf32>
        %select_n3A_1241 = arith.select %or3A_1228, %select_n3A_1204, %select_n3A_1240 : vector<16xi1>, vector<16xf32>
        %select_n3A_1242 = arith.select %or3A_1238, %select_n3A_1223, %select_n3A_1208 : vector<16xi1>, vector<16xf32>
        %select_n3A_1243 = arith.select %or3A_1233, %select_n3A_1206, %select_n3A_1242 : vector<16xi1>, vector<16xf32>
        %select_n3A_1244 = arith.select %or3A_1228, %add3A_1216, %select_n3A_1209 : vector<16xi1>, vector<16xi32>
        %select_n3A_1245 = arith.select %or3A_1233, %add3A_1216, %select_n3A_1211 : vector<16xi1>, vector<16xi32>
        %select_n3A_1246 = arith.select %or3A_1228, %select_n3A_1209, %select_n3A_1245 : vector<16xi1>, vector<16xi32>
        %select_n3A_1247 = arith.select %or3A_1238, %add3A_1216, %select_n3A_1213 : vector<16xi1>, vector<16xi32>
        %select_n3A_1248 = arith.select %or3A_1233, %select_n3A_1211, %select_n3A_1247 : vector<16xi1>, vector<16xi32>
        %add3A_1249 = arith.constant 160 : i32
        %add3A_1250 = vector.broadcast %add3A_1249 : i32 to vector<16xi32>
        %add3A_1251 = arith.addi %add3A_898, %add3A_1250 : vector<16xi32>
        %add3A_1252 = arith.constant 32768 : i32
        %add3A_1253 = vector.broadcast %add3A_1252 : i32 to vector<16xi32>
        %add3A_1254 = arith.addi %add3A_1251, %add3A_1253 : vector<16xi32>
        %gather3A_1255 = tpu.vector_load_idx %arg5[%add3A_1254] : memref<65536xf32, #tpu.memory_space<vmem>>[vector<16xi32>], vector<16xf32>,
        %jit3A_1256 = arith.constant 0xFF800000 : f32
        %broadcast_in_dim3A_1257 = vector.broadcast %jit3A_1256 : f32 to vector<16xf32>
        %select_n3A_1258 = arith.select %lt3A_880, %gather3A_1255, %broadcast_in_dim3A_1257 : vector<16xi1>, vector<16xf32>
        %gt3A_1259 = arith.cmpf ogt, %select_n3A_1258, %select_n3A_1239 : vector<16xf32>
        %eq3A_1260 = arith.cmpf oeq, %select_n3A_1258, %select_n3A_1239 : vector<16xf32>
        %lt3A_1261 = arith.cmpi slt, %add3A_1251, %select_n3A_1244 : vector<16xi32>
        %and3A_1262 = arith.andi %eq3A_1260, %lt3A_1261 : vector<16xi1>
        %or3A_1263 = arith.ori %gt3A_1259, %and3A_1262 : vector<16xi1>
        %gt3A_1264 = arith.cmpf ogt, %select_n3A_1258, %select_n3A_1241 : vector<16xf32>
        %eq3A_1265 = arith.cmpf oeq, %select_n3A_1258, %select_n3A_1241 : vector<16xf32>
        %lt3A_1266 = arith.cmpi slt, %add3A_1251, %select_n3A_1246 : vector<16xi32>
        %and3A_1267 = arith.andi %eq3A_1265, %lt3A_1266 : vector<16xi1>
        %or3A_1268 = arith.ori %gt3A_1264, %and3A_1267 : vector<16xi1>
        %gt3A_1269 = arith.cmpf ogt, %select_n3A_1258, %select_n3A_1243 : vector<16xf32>
        %eq3A_1270 = arith.cmpf oeq, %select_n3A_1258, %select_n3A_1243 : vector<16xf32>
        %lt3A_1271 = arith.cmpi slt, %add3A_1251, %select_n3A_1248 : vector<16xi32>
        %and3A_1272 = arith.andi %eq3A_1270, %lt3A_1271 : vector<16xi1>
        %or3A_1273 = arith.ori %gt3A_1269, %and3A_1272 : vector<16xi1>
        %select_n3A_1274 = arith.select %or3A_1263, %select_n3A_1258, %select_n3A_1239 : vector<16xi1>, vector<16xf32>
        %select_n3A_1275 = arith.select %or3A_1268, %select_n3A_1258, %select_n3A_1241 : vector<16xi1>, vector<16xf32>
        %select_n3A_1276 = arith.select %or3A_1263, %select_n3A_1239, %select_n3A_1275 : vector<16xi1>, vector<16xf32>
        %select_n3A_1277 = arith.select %or3A_1273, %select_n3A_1258, %select_n3A_1243 : vector<16xi1>, vector<16xf32>
        %select_n3A_1278 = arith.select %or3A_1268, %select_n3A_1241, %select_n3A_1277 : vector<16xi1>, vector<16xf32>
        %select_n3A_1279 = arith.select %or3A_1263, %add3A_1251, %select_n3A_1244 : vector<16xi1>, vector<16xi32>
        %select_n3A_1280 = arith.select %or3A_1268, %add3A_1251, %select_n3A_1246 : vector<16xi1>, vector<16xi32>
        %select_n3A_1281 = arith.select %or3A_1263, %select_n3A_1244, %select_n3A_1280 : vector<16xi1>, vector<16xi32>
        %select_n3A_1282 = arith.select %or3A_1273, %add3A_1251, %select_n3A_1248 : vector<16xi1>, vector<16xi32>
        %select_n3A_1283 = arith.select %or3A_1268, %select_n3A_1246, %select_n3A_1282 : vector<16xi1>, vector<16xi32>
        %add3A_1284 = arith.constant 176 : i32
        %add3A_1285 = vector.broadcast %add3A_1284 : i32 to vector<16xi32>
        %add3A_1286 = arith.addi %add3A_898, %add3A_1285 : vector<16xi32>
        %add3A_1287 = arith.constant 32768 : i32
        %add3A_1288 = vector.broadcast %add3A_1287 : i32 to vector<16xi32>
        %add3A_1289 = arith.addi %add3A_1286, %add3A_1288 : vector<16xi32>
        %gather3A_1290 = tpu.vector_load_idx %arg5[%add3A_1289] : memref<65536xf32, #tpu.memory_space<vmem>>[vector<16xi32>], vector<16xf32>,
        %jit3A_1291 = arith.constant 0xFF800000 : f32
        %broadcast_in_dim3A_1292 = vector.broadcast %jit3A_1291 : f32 to vector<16xf32>
        %select_n3A_1293 = arith.select %lt3A_880, %gather3A_1290, %broadcast_in_dim3A_1292 : vector<16xi1>, vector<16xf32>
        %gt3A_1294 = arith.cmpf ogt, %select_n3A_1293, %select_n3A_1274 : vector<16xf32>
        %eq3A_1295 = arith.cmpf oeq, %select_n3A_1293, %select_n3A_1274 : vector<16xf32>
        %lt3A_1296 = arith.cmpi slt, %add3A_1286, %select_n3A_1279 : vector<16xi32>
        %and3A_1297 = arith.andi %eq3A_1295, %lt3A_1296 : vector<16xi1>
        %or3A_1298 = arith.ori %gt3A_1294, %and3A_1297 : vector<16xi1>
        %gt3A_1299 = arith.cmpf ogt, %select_n3A_1293, %select_n3A_1276 : vector<16xf32>
        %eq3A_1300 = arith.cmpf oeq, %select_n3A_1293, %select_n3A_1276 : vector<16xf32>
        %lt3A_1301 = arith.cmpi slt, %add3A_1286, %select_n3A_1281 : vector<16xi32>
        %and3A_1302 = arith.andi %eq3A_1300, %lt3A_1301 : vector<16xi1>
        %or3A_1303 = arith.ori %gt3A_1299, %and3A_1302 : vector<16xi1>
        %gt3A_1304 = arith.cmpf ogt, %select_n3A_1293, %select_n3A_1278 : vector<16xf32>
        %eq3A_1305 = arith.cmpf oeq, %select_n3A_1293, %select_n3A_1278 : vector<16xf32>
        %lt3A_1306 = arith.cmpi slt, %add3A_1286, %select_n3A_1283 : vector<16xi32>
        %and3A_1307 = arith.andi %eq3A_1305, %lt3A_1306 : vector<16xi1>
        %or3A_1308 = arith.ori %gt3A_1304, %and3A_1307 : vector<16xi1>
        %select_n3A_1309 = arith.select %or3A_1298, %select_n3A_1293, %select_n3A_1274 : vector<16xi1>, vector<16xf32>
        %select_n3A_1310 = arith.select %or3A_1303, %select_n3A_1293, %select_n3A_1276 : vector<16xi1>, vector<16xf32>
        %select_n3A_1311 = arith.select %or3A_1298, %select_n3A_1274, %select_n3A_1310 : vector<16xi1>, vector<16xf32>
        %select_n3A_1312 = arith.select %or3A_1308, %select_n3A_1293, %select_n3A_1278 : vector<16xi1>, vector<16xf32>
        %select_n3A_1313 = arith.select %or3A_1303, %select_n3A_1276, %select_n3A_1312 : vector<16xi1>, vector<16xf32>
        %select_n3A_1314 = arith.select %or3A_1298, %add3A_1286, %select_n3A_1279 : vector<16xi1>, vector<16xi32>
        %select_n3A_1315 = arith.select %or3A_1303, %add3A_1286, %select_n3A_1281 : vector<16xi1>, vector<16xi32>
        %select_n3A_1316 = arith.select %or3A_1298, %select_n3A_1279, %select_n3A_1315 : vector<16xi1>, vector<16xi32>
        %select_n3A_1317 = arith.select %or3A_1308, %add3A_1286, %select_n3A_1283 : vector<16xi1>, vector<16xi32>
        %select_n3A_1318 = arith.select %or3A_1303, %select_n3A_1281, %select_n3A_1317 : vector<16xi1>, vector<16xi32>
        %add3A_1319 = arith.constant 192 : i32
        %add3A_1320 = vector.broadcast %add3A_1319 : i32 to vector<16xi32>
        %add3A_1321 = arith.addi %add3A_898, %add3A_1320 : vector<16xi32>
        %add3A_1322 = arith.constant 32768 : i32
        %add3A_1323 = vector.broadcast %add3A_1322 : i32 to vector<16xi32>
        %add3A_1324 = arith.addi %add3A_1321, %add3A_1323 : vector<16xi32>
        %gather3A_1325 = tpu.vector_load_idx %arg5[%add3A_1324] : memref<65536xf32, #tpu.memory_space<vmem>>[vector<16xi32>], vector<16xf32>,
        %jit3A_1326 = arith.constant 0xFF800000 : f32
        %broadcast_in_dim3A_1327 = vector.broadcast %jit3A_1326 : f32 to vector<16xf32>
        %select_n3A_1328 = arith.select %lt3A_880, %gather3A_1325, %broadcast_in_dim3A_1327 : vector<16xi1>, vector<16xf32>
        %gt3A_1329 = arith.cmpf ogt, %select_n3A_1328, %select_n3A_1309 : vector<16xf32>
        %eq3A_1330 = arith.cmpf oeq, %select_n3A_1328, %select_n3A_1309 : vector<16xf32>
        %lt3A_1331 = arith.cmpi slt, %add3A_1321, %select_n3A_1314 : vector<16xi32>
        %and3A_1332 = arith.andi %eq3A_1330, %lt3A_1331 : vector<16xi1>
        %or3A_1333 = arith.ori %gt3A_1329, %and3A_1332 : vector<16xi1>
        %gt3A_1334 = arith.cmpf ogt, %select_n3A_1328, %select_n3A_1311 : vector<16xf32>
        %eq3A_1335 = arith.cmpf oeq, %select_n3A_1328, %select_n3A_1311 : vector<16xf32>
        %lt3A_1336 = arith.cmpi slt, %add3A_1321, %select_n3A_1316 : vector<16xi32>
        %and3A_1337 = arith.andi %eq3A_1335, %lt3A_1336 : vector<16xi1>
        %or3A_1338 = arith.ori %gt3A_1334, %and3A_1337 : vector<16xi1>
        %gt3A_1339 = arith.cmpf ogt, %select_n3A_1328, %select_n3A_1313 : vector<16xf32>
        %eq3A_1340 = arith.cmpf oeq, %select_n3A_1328, %select_n3A_1313 : vector<16xf32>
        %lt3A_1341 = arith.cmpi slt, %add3A_1321, %select_n3A_1318 : vector<16xi32>
        %and3A_1342 = arith.andi %eq3A_1340, %lt3A_1341 : vector<16xi1>
        %or3A_1343 = arith.ori %gt3A_1339, %and3A_1342 : vector<16xi1>
        %select_n3A_1344 = arith.select %or3A_1333, %select_n3A_1328, %select_n3A_1309 : vector<16xi1>, vector<16xf32>
        %select_n3A_1345 = arith.select %or3A_1338, %select_n3A_1328, %select_n3A_1311 : vector<16xi1>, vector<16xf32>
        %select_n3A_1346 = arith.select %or3A_1333, %select_n3A_1309, %select_n3A_1345 : vector<16xi1>, vector<16xf32>
        %select_n3A_1347 = arith.select %or3A_1343, %select_n3A_1328, %select_n3A_1313 : vector<16xi1>, vector<16xf32>
        %select_n3A_1348 = arith.select %or3A_1338, %select_n3A_1311, %select_n3A_1347 : vector<16xi1>, vector<16xf32>
        %select_n3A_1349 = arith.select %or3A_1333, %add3A_1321, %select_n3A_1314 : vector<16xi1>, vector<16xi32>
        %select_n3A_1350 = arith.select %or3A_1338, %add3A_1321, %select_n3A_1316 : vector<16xi1>, vector<16xi32>
        %select_n3A_1351 = arith.select %or3A_1333, %select_n3A_1314, %select_n3A_1350 : vector<16xi1>, vector<16xi32>
        %select_n3A_1352 = arith.select %or3A_1343, %add3A_1321, %select_n3A_1318 : vector<16xi1>, vector<16xi32>
        %select_n3A_1353 = arith.select %or3A_1338, %select_n3A_1316, %select_n3A_1352 : vector<16xi1>, vector<16xi32>
        %add3A_1354 = arith.constant 208 : i32
        %add3A_1355 = vector.broadcast %add3A_1354 : i32 to vector<16xi32>
        %add3A_1356 = arith.addi %add3A_898, %add3A_1355 : vector<16xi32>
        %add3A_1357 = arith.constant 32768 : i32
        %add3A_1358 = vector.broadcast %add3A_1357 : i32 to vector<16xi32>
        %add3A_1359 = arith.addi %add3A_1356, %add3A_1358 : vector<16xi32>
        %gather3A_1360 = tpu.vector_load_idx %arg5[%add3A_1359] : memref<65536xf32, #tpu.memory_space<vmem>>[vector<16xi32>], vector<16xf32>,
        %jit3A_1361 = arith.constant 0xFF800000 : f32
        %broadcast_in_dim3A_1362 = vector.broadcast %jit3A_1361 : f32 to vector<16xf32>
        %select_n3A_1363 = arith.select %lt3A_880, %gather3A_1360, %broadcast_in_dim3A_1362 : vector<16xi1>, vector<16xf32>
        %gt3A_1364 = arith.cmpf ogt, %select_n3A_1363, %select_n3A_1344 : vector<16xf32>
        %eq3A_1365 = arith.cmpf oeq, %select_n3A_1363, %select_n3A_1344 : vector<16xf32>
        %lt3A_1366 = arith.cmpi slt, %add3A_1356, %select_n3A_1349 : vector<16xi32>
        %and3A_1367 = arith.andi %eq3A_1365, %lt3A_1366 : vector<16xi1>
        %or3A_1368 = arith.ori %gt3A_1364, %and3A_1367 : vector<16xi1>
        %gt3A_1369 = arith.cmpf ogt, %select_n3A_1363, %select_n3A_1346 : vector<16xf32>
        %eq3A_1370 = arith.cmpf oeq, %select_n3A_1363, %select_n3A_1346 : vector<16xf32>
        %lt3A_1371 = arith.cmpi slt, %add3A_1356, %select_n3A_1351 : vector<16xi32>
        %and3A_1372 = arith.andi %eq3A_1370, %lt3A_1371 : vector<16xi1>
        %or3A_1373 = arith.ori %gt3A_1369, %and3A_1372 : vector<16xi1>
        %gt3A_1374 = arith.cmpf ogt, %select_n3A_1363, %select_n3A_1348 : vector<16xf32>
        %eq3A_1375 = arith.cmpf oeq, %select_n3A_1363, %select_n3A_1348 : vector<16xf32>
        %lt3A_1376 = arith.cmpi slt, %add3A_1356, %select_n3A_1353 : vector<16xi32>
        %and3A_1377 = arith.andi %eq3A_1375, %lt3A_1376 : vector<16xi1>
        %or3A_1378 = arith.ori %gt3A_1374, %and3A_1377 : vector<16xi1>
        %select_n3A_1379 = arith.select %or3A_1368, %select_n3A_1363, %select_n3A_1344 : vector<16xi1>, vector<16xf32>
        %select_n3A_1380 = arith.select %or3A_1373, %select_n3A_1363, %select_n3A_1346 : vector<16xi1>, vector<16xf32>
        %select_n3A_1381 = arith.select %or3A_1368, %select_n3A_1344, %select_n3A_1380 : vector<16xi1>, vector<16xf32>
        %select_n3A_1382 = arith.select %or3A_1378, %select_n3A_1363, %select_n3A_1348 : vector<16xi1>, vector<16xf32>
        %select_n3A_1383 = arith.select %or3A_1373, %select_n3A_1346, %select_n3A_1382 : vector<16xi1>, vector<16xf32>
        %select_n3A_1384 = arith.select %or3A_1368, %add3A_1356, %select_n3A_1349 : vector<16xi1>, vector<16xi32>
        %select_n3A_1385 = arith.select %or3A_1373, %add3A_1356, %select_n3A_1351 : vector<16xi1>, vector<16xi32>
        %select_n3A_1386 = arith.select %or3A_1368, %select_n3A_1349, %select_n3A_1385 : vector<16xi1>, vector<16xi32>
        %select_n3A_1387 = arith.select %or3A_1378, %add3A_1356, %select_n3A_1353 : vector<16xi1>, vector<16xi32>
        %select_n3A_1388 = arith.select %or3A_1373, %select_n3A_1351, %select_n3A_1387 : vector<16xi1>, vector<16xi32>
        %add3A_1389 = arith.constant 224 : i32
        %add3A_1390 = vector.broadcast %add3A_1389 : i32 to vector<16xi32>
        %add3A_1391 = arith.addi %add3A_898, %add3A_1390 : vector<16xi32>
        %add3A_1392 = arith.constant 32768 : i32
        %add3A_1393 = vector.broadcast %add3A_1392 : i32 to vector<16xi32>
        %add3A_1394 = arith.addi %add3A_1391, %add3A_1393 : vector<16xi32>
        %gather3A_1395 = tpu.vector_load_idx %arg5[%add3A_1394] : memref<65536xf32, #tpu.memory_space<vmem>>[vector<16xi32>], vector<16xf32>,
        %jit3A_1396 = arith.constant 0xFF800000 : f32
        %broadcast_in_dim3A_1397 = vector.broadcast %jit3A_1396 : f32 to vector<16xf32>
        %select_n3A_1398 = arith.select %lt3A_880, %gather3A_1395, %broadcast_in_dim3A_1397 : vector<16xi1>, vector<16xf32>
        %gt3A_1399 = arith.cmpf ogt, %select_n3A_1398, %select_n3A_1379 : vector<16xf32>
        %eq3A_1400 = arith.cmpf oeq, %select_n3A_1398, %select_n3A_1379 : vector<16xf32>
        %lt3A_1401 = arith.cmpi slt, %add3A_1391, %select_n3A_1384 : vector<16xi32>
        %and3A_1402 = arith.andi %eq3A_1400, %lt3A_1401 : vector<16xi1>
        %or3A_1403 = arith.ori %gt3A_1399, %and3A_1402 : vector<16xi1>
        %gt3A_1404 = arith.cmpf ogt, %select_n3A_1398, %select_n3A_1381 : vector<16xf32>
        %eq3A_1405 = arith.cmpf oeq, %select_n3A_1398, %select_n3A_1381 : vector<16xf32>
        %lt3A_1406 = arith.cmpi slt, %add3A_1391, %select_n3A_1386 : vector<16xi32>
        %and3A_1407 = arith.andi %eq3A_1405, %lt3A_1406 : vector<16xi1>
        %or3A_1408 = arith.ori %gt3A_1404, %and3A_1407 : vector<16xi1>
        %gt3A_1409 = arith.cmpf ogt, %select_n3A_1398, %select_n3A_1383 : vector<16xf32>
        %eq3A_1410 = arith.cmpf oeq, %select_n3A_1398, %select_n3A_1383 : vector<16xf32>
        %lt3A_1411 = arith.cmpi slt, %add3A_1391, %select_n3A_1388 : vector<16xi32>
        %and3A_1412 = arith.andi %eq3A_1410, %lt3A_1411 : vector<16xi1>
        %or3A_1413 = arith.ori %gt3A_1409, %and3A_1412 : vector<16xi1>
        %select_n3A_1414 = arith.select %or3A_1403, %select_n3A_1398, %select_n3A_1379 : vector<16xi1>, vector<16xf32>
        %select_n3A_1415 = arith.select %or3A_1408, %select_n3A_1398, %select_n3A_1381 : vector<16xi1>, vector<16xf32>
        %select_n3A_1416 = arith.select %or3A_1403, %select_n3A_1379, %select_n3A_1415 : vector<16xi1>, vector<16xf32>
        %select_n3A_1417 = arith.select %or3A_1413, %select_n3A_1398, %select_n3A_1383 : vector<16xi1>, vector<16xf32>
        %select_n3A_1418 = arith.select %or3A_1408, %select_n3A_1381, %select_n3A_1417 : vector<16xi1>, vector<16xf32>
        %select_n3A_1419 = arith.select %or3A_1403, %add3A_1391, %select_n3A_1384 : vector<16xi1>, vector<16xi32>
        %select_n3A_1420 = arith.select %or3A_1408, %add3A_1391, %select_n3A_1386 : vector<16xi1>, vector<16xi32>
        %select_n3A_1421 = arith.select %or3A_1403, %select_n3A_1384, %select_n3A_1420 : vector<16xi1>, vector<16xi32>
        %select_n3A_1422 = arith.select %or3A_1413, %add3A_1391, %select_n3A_1388 : vector<16xi1>, vector<16xi32>
        %select_n3A_1423 = arith.select %or3A_1408, %select_n3A_1386, %select_n3A_1422 : vector<16xi1>, vector<16xi32>
        %add3A_1424 = arith.constant 240 : i32
        %add3A_1425 = vector.broadcast %add3A_1424 : i32 to vector<16xi32>
        %add3A_1426 = arith.addi %add3A_898, %add3A_1425 : vector<16xi32>
        %add3A_1427 = arith.constant 32768 : i32
        %add3A_1428 = vector.broadcast %add3A_1427 : i32 to vector<16xi32>
        %add3A_1429 = arith.addi %add3A_1426, %add3A_1428 : vector<16xi32>
        %gather3A_1430 = tpu.vector_load_idx %arg5[%add3A_1429] : memref<65536xf32, #tpu.memory_space<vmem>>[vector<16xi32>], vector<16xf32>,
        %jit3A_1431 = arith.constant 0xFF800000 : f32
        %broadcast_in_dim3A_1432 = vector.broadcast %jit3A_1431 : f32 to vector<16xf32>
        %select_n3A_1433 = arith.select %lt3A_880, %gather3A_1430, %broadcast_in_dim3A_1432 : vector<16xi1>, vector<16xf32>
        %gt3A_1434 = arith.cmpf ogt, %select_n3A_1433, %select_n3A_1414 : vector<16xf32>
        %eq3A_1435 = arith.cmpf oeq, %select_n3A_1433, %select_n3A_1414 : vector<16xf32>
        %lt3A_1436 = arith.cmpi slt, %add3A_1426, %select_n3A_1419 : vector<16xi32>
        %and3A_1437 = arith.andi %eq3A_1435, %lt3A_1436 : vector<16xi1>
        %or3A_1438 = arith.ori %gt3A_1434, %and3A_1437 : vector<16xi1>
        %gt3A_1439 = arith.cmpf ogt, %select_n3A_1433, %select_n3A_1416 : vector<16xf32>
        %eq3A_1440 = arith.cmpf oeq, %select_n3A_1433, %select_n3A_1416 : vector<16xf32>
        %lt3A_1441 = arith.cmpi slt, %add3A_1426, %select_n3A_1421 : vector<16xi32>
        %and3A_1442 = arith.andi %eq3A_1440, %lt3A_1441 : vector<16xi1>
        %or3A_1443 = arith.ori %gt3A_1439, %and3A_1442 : vector<16xi1>
        %gt3A_1444 = arith.cmpf ogt, %select_n3A_1433, %select_n3A_1418 : vector<16xf32>
        %eq3A_1445 = arith.cmpf oeq, %select_n3A_1433, %select_n3A_1418 : vector<16xf32>
        %lt3A_1446 = arith.cmpi slt, %add3A_1426, %select_n3A_1423 : vector<16xi32>
        %and3A_1447 = arith.andi %eq3A_1445, %lt3A_1446 : vector<16xi1>
        %or3A_1448 = arith.ori %gt3A_1444, %and3A_1447 : vector<16xi1>
        %select_n3A_1449 = arith.select %or3A_1438, %select_n3A_1433, %select_n3A_1414 : vector<16xi1>, vector<16xf32>
        %select_n3A_1450 = arith.select %or3A_1443, %select_n3A_1433, %select_n3A_1416 : vector<16xi1>, vector<16xf32>
        %select_n3A_1451 = arith.select %or3A_1438, %select_n3A_1414, %select_n3A_1450 : vector<16xi1>, vector<16xf32>
        %select_n3A_1452 = arith.select %or3A_1448, %select_n3A_1433, %select_n3A_1418 : vector<16xi1>, vector<16xf32>
        %select_n3A_1453 = arith.select %or3A_1443, %select_n3A_1416, %select_n3A_1452 : vector<16xi1>, vector<16xf32>
        %select_n3A_1454 = arith.select %or3A_1438, %add3A_1426, %select_n3A_1419 : vector<16xi1>, vector<16xi32>
        %select_n3A_1455 = arith.select %or3A_1443, %add3A_1426, %select_n3A_1421 : vector<16xi1>, vector<16xi32>
        %select_n3A_1456 = arith.select %or3A_1438, %select_n3A_1419, %select_n3A_1455 : vector<16xi1>, vector<16xi32>
        %select_n3A_1457 = arith.select %or3A_1448, %add3A_1426, %select_n3A_1423 : vector<16xi1>, vector<16xi32>
        %select_n3A_1458 = arith.select %or3A_1443, %select_n3A_1421, %select_n3A_1457 : vector<16xi1>, vector<16xi32>
        scf.yield %select_n3A_1449, %select_n3A_1451, %select_n3A_1453, %select_n3A_1454, %select_n3A_1456, %select_n3A_1458 : vector<16xf32>, vector<16xf32>, vector<16xf32>, vector<16xi32>, vector<16xi32>, vector<16xi32>
      }
      %while3A_614 = arith.constant 1 : i32
      %while3A_615:6 = scf.for %while3A_872 = %while3A_611 to %while3A_607 step %while3A_614 iter_args(%while3A_873 = %while3A_613#0, %while3A_874 = %while3A_613#1, %while3A_875 = %while3A_613#2, %while3A_876 = %while3A_613#3, %while3A_877 = %while3A_613#4, %while3A_878 = %while3A_613#5) -> (vector<16xf32>, vector<16xf32>, vector<16xf32>, vector<16xi32>, vector<16xi32>, vector<16xi32>)  : i32 {
        %lt3A_879 = vector.broadcast %while3A_872 : i32 to vector<16xi32>
        %lt3A_880 = arith.cmpi slt, %lt3A_879, %parallel_loop3A_574 : vector<16xi32>
        %jit3A_881 = arith.constant 0 : i32
        %broadcast_in_dim3A_882 = vector.broadcast %while3A_872 : i32 to vector<16xi32>
        %broadcast_in_dim3A_883 = vector.broadcast %jit3A_881 : i32 to vector<16xi32>
        %select_n3A_884 = arith.select %lt3A_880, %broadcast_in_dim3A_882, %broadcast_in_dim3A_883 : vector<16xi1>, vector<16xi32>
        %add3A_885 = arith.addi %mul3A_8, %select_n3A_884 : vector<16xi32>
        %gather3A_886 = tpu.vector_load_idx %arg7[%add3A_885] : memref<2048xi32, #tpu.memory_space<vmem>>[vector<16xi32>], vector<16xi32>,
        %jit3A_887 = arith.constant 0 : i32
        %broadcast_in_dim3A_888 = vector.broadcast %jit3A_887 : i32 to vector<16xi32>
        %select_n3A_889 = arith.select %lt3A_880, %gather3A_886, %broadcast_in_dim3A_888 : vector<16xi1>, vector<16xi32>
        %shift_right_arithmetic3A = arith.constant 4 : i32
        %shift_right_arithmetic3A_890 = vector.broadcast %shift_right_arithmetic3A : i32 to vector<16xi32>
        %shift_right_arithmetic3A_891 = arith.shrsi %select_n3A_889, %shift_right_arithmetic3A_890 : vector<16xi32>
        %and3A_892 = arith.constant 15 : i32
        %and3A_893 = vector.broadcast %and3A_892 : i32 to vector<16xi32>
        %and3A_894 = arith.andi %select_n3A_889, %and3A_893 : vector<16xi32>
        %mul3A_895 = arith.constant 256 : i32
        %mul3A_896 = vector.broadcast %mul3A_895 : i32 to vector<16xi32>
        %mul3A_897 = arith.muli %shift_right_arithmetic3A_891, %mul3A_896 : vector<16xi32>
        %add3A_898 = arith.addi %mul3A_897, %and3A_894 : vector<16xi32>
        %add3A_899 = arith.constant 0 : i32
        %add3A_900 = vector.broadcast %add3A_899 : i32 to vector<16xi32>
        %add3A_901 = arith.addi %add3A_898, %add3A_900 : vector<16xi32>
        %add3A_902 = arith.constant 32768 : i32
        %add3A_903 = vector.broadcast %add3A_902 : i32 to vector<16xi32>
        %add3A_904 = arith.addi %add3A_901, %add3A_903 : vector<16xi32>
        %gather3A_905 = tpu.vector_load_idx %arg5[%add3A_904] : memref<65536xf32, #tpu.memory_space<vmem>>[vector<16xi32>], vector<16xf32>,
        %jit3A_906 = arith.constant 0xFF800000 : f32
        %broadcast_in_dim3A_907 = vector.broadcast %jit3A_906 : f32 to vector<16xf32>
        %select_n3A_908 = arith.select %lt3A_880, %gather3A_905, %broadcast_in_dim3A_907 : vector<16xi1>, vector<16xf32>
        %gt3A_909 = arith.cmpf ogt, %select_n3A_908, %while3A_873 : vector<16xf32>
        %eq3A_910 = arith.cmpf oeq, %select_n3A_908, %while3A_873 : vector<16xf32>
        %lt3A_911 = arith.cmpi slt, %add3A_901, %while3A_876 : vector<16xi32>
        %and3A_912 = arith.andi %eq3A_910, %lt3A_911 : vector<16xi1>
        %or3A_913 = arith.ori %gt3A_909, %and3A_912 : vector<16xi1>
        %gt3A_914 = arith.cmpf ogt, %select_n3A_908, %while3A_874 : vector<16xf32>
        %eq3A_915 = arith.cmpf oeq, %select_n3A_908, %while3A_874 : vector<16xf32>
        %lt3A_916 = arith.cmpi slt, %add3A_901, %while3A_877 : vector<16xi32>
        %and3A_917 = arith.andi %eq3A_915, %lt3A_916 : vector<16xi1>
        %or3A_918 = arith.ori %gt3A_914, %and3A_917 : vector<16xi1>
        %gt3A_919 = arith.cmpf ogt, %select_n3A_908, %while3A_875 : vector<16xf32>
        %eq3A_920 = arith.cmpf oeq, %select_n3A_908, %while3A_875 : vector<16xf32>
        %lt3A_921 = arith.cmpi slt, %add3A_901, %while3A_878 : vector<16xi32>
        %and3A_922 = arith.andi %eq3A_920, %lt3A_921 : vector<16xi1>
        %or3A_923 = arith.ori %gt3A_919, %and3A_922 : vector<16xi1>
        %select_n3A_924 = arith.select %or3A_913, %select_n3A_908, %while3A_873 : vector<16xi1>, vector<16xf32>
        %select_n3A_925 = arith.select %or3A_918, %select_n3A_908, %while3A_874 : vector<16xi1>, vector<16xf32>
        %select_n3A_926 = arith.select %or3A_913, %while3A_873, %select_n3A_925 : vector<16xi1>, vector<16xf32>
        %select_n3A_927 = arith.select %or3A_923, %select_n3A_908, %while3A_875 : vector<16xi1>, vector<16xf32>
        %select_n3A_928 = arith.select %or3A_918, %while3A_874, %select_n3A_927 : vector<16xi1>, vector<16xf32>
        %select_n3A_929 = arith.select %or3A_913, %add3A_901, %while3A_876 : vector<16xi1>, vector<16xi32>
        %select_n3A_930 = arith.select %or3A_918, %add3A_901, %while3A_877 : vector<16xi1>, vector<16xi32>
        %select_n3A_931 = arith.select %or3A_913, %while3A_876, %select_n3A_930 : vector<16xi1>, vector<16xi32>
        %select_n3A_932 = arith.select %or3A_923, %add3A_901, %while3A_878 : vector<16xi1>, vector<16xi32>
        %select_n3A_933 = arith.select %or3A_918, %while3A_877, %select_n3A_932 : vector<16xi1>, vector<16xi32>
        %add3A_934 = arith.constant 16 : i32
        %add3A_935 = vector.broadcast %add3A_934 : i32 to vector<16xi32>
        %add3A_936 = arith.addi %add3A_898, %add3A_935 : vector<16xi32>
        %add3A_937 = arith.constant 32768 : i32
        %add3A_938 = vector.broadcast %add3A_937 : i32 to vector<16xi32>
        %add3A_939 = arith.addi %add3A_936, %add3A_938 : vector<16xi32>
        %gather3A_940 = tpu.vector_load_idx %arg5[%add3A_939] : memref<65536xf32, #tpu.memory_space<vmem>>[vector<16xi32>], vector<16xf32>,
        %jit3A_941 = arith.constant 0xFF800000 : f32
        %broadcast_in_dim3A_942 = vector.broadcast %jit3A_941 : f32 to vector<16xf32>
        %select_n3A_943 = arith.select %lt3A_880, %gather3A_940, %broadcast_in_dim3A_942 : vector<16xi1>, vector<16xf32>
        %gt3A_944 = arith.cmpf ogt, %select_n3A_943, %select_n3A_924 : vector<16xf32>
        %eq3A_945 = arith.cmpf oeq, %select_n3A_943, %select_n3A_924 : vector<16xf32>
        %lt3A_946 = arith.cmpi slt, %add3A_936, %select_n3A_929 : vector<16xi32>
        %and3A_947 = arith.andi %eq3A_945, %lt3A_946 : vector<16xi1>
        %or3A_948 = arith.ori %gt3A_944, %and3A_947 : vector<16xi1>
        %gt3A_949 = arith.cmpf ogt, %select_n3A_943, %select_n3A_926 : vector<16xf32>
        %eq3A_950 = arith.cmpf oeq, %select_n3A_943, %select_n3A_926 : vector<16xf32>
        %lt3A_951 = arith.cmpi slt, %add3A_936, %select_n3A_931 : vector<16xi32>
        %and3A_952 = arith.andi %eq3A_950, %lt3A_951 : vector<16xi1>
        %or3A_953 = arith.ori %gt3A_949, %and3A_952 : vector<16xi1>
        %gt3A_954 = arith.cmpf ogt, %select_n3A_943, %select_n3A_928 : vector<16xf32>
        %eq3A_955 = arith.cmpf oeq, %select_n3A_943, %select_n3A_928 : vector<16xf32>
        %lt3A_956 = arith.cmpi slt, %add3A_936, %select_n3A_933 : vector<16xi32>
        %and3A_957 = arith.andi %eq3A_955, %lt3A_956 : vector<16xi1>
        %or3A_958 = arith.ori %gt3A_954, %and3A_957 : vector<16xi1>
        %select_n3A_959 = arith.select %or3A_948, %select_n3A_943, %select_n3A_924 : vector<16xi1>, vector<16xf32>
        %select_n3A_960 = arith.select %or3A_953, %select_n3A_943, %select_n3A_926 : vector<16xi1>, vector<16xf32>
        %select_n3A_961 = arith.select %or3A_948, %select_n3A_924, %select_n3A_960 : vector<16xi1>, vector<16xf32>
        %select_n3A_962 = arith.select %or3A_958, %select_n3A_943, %select_n3A_928 : vector<16xi1>, vector<16xf32>
        %select_n3A_963 = arith.select %or3A_953, %select_n3A_926, %select_n3A_962 : vector<16xi1>, vector<16xf32>
        %select_n3A_964 = arith.select %or3A_948, %add3A_936, %select_n3A_929 : vector<16xi1>, vector<16xi32>
        %select_n3A_965 = arith.select %or3A_953, %add3A_936, %select_n3A_931 : vector<16xi1>, vector<16xi32>
        %select_n3A_966 = arith.select %or3A_948, %select_n3A_929, %select_n3A_965 : vector<16xi1>, vector<16xi32>
        %select_n3A_967 = arith.select %or3A_958, %add3A_936, %select_n3A_933 : vector<16xi1>, vector<16xi32>
        %select_n3A_968 = arith.select %or3A_953, %select_n3A_931, %select_n3A_967 : vector<16xi1>, vector<16xi32>
        %add3A_969 = arith.constant 32 : i32
        %add3A_970 = vector.broadcast %add3A_969 : i32 to vector<16xi32>
        %add3A_971 = arith.addi %add3A_898, %add3A_970 : vector<16xi32>
        %add3A_972 = arith.constant 32768 : i32
        %add3A_973 = vector.broadcast %add3A_972 : i32 to vector<16xi32>
        %add3A_974 = arith.addi %add3A_971, %add3A_973 : vector<16xi32>
        %gather3A_975 = tpu.vector_load_idx %arg5[%add3A_974] : memref<65536xf32, #tpu.memory_space<vmem>>[vector<16xi32>], vector<16xf32>,
        %jit3A_976 = arith.constant 0xFF800000 : f32
        %broadcast_in_dim3A_977 = vector.broadcast %jit3A_976 : f32 to vector<16xf32>
        %select_n3A_978 = arith.select %lt3A_880, %gather3A_975, %broadcast_in_dim3A_977 : vector<16xi1>, vector<16xf32>
        %gt3A_979 = arith.cmpf ogt, %select_n3A_978, %select_n3A_959 : vector<16xf32>
        %eq3A_980 = arith.cmpf oeq, %select_n3A_978, %select_n3A_959 : vector<16xf32>
        %lt3A_981 = arith.cmpi slt, %add3A_971, %select_n3A_964 : vector<16xi32>
        %and3A_982 = arith.andi %eq3A_980, %lt3A_981 : vector<16xi1>
        %or3A_983 = arith.ori %gt3A_979, %and3A_982 : vector<16xi1>
        %gt3A_984 = arith.cmpf ogt, %select_n3A_978, %select_n3A_961 : vector<16xf32>
        %eq3A_985 = arith.cmpf oeq, %select_n3A_978, %select_n3A_961 : vector<16xf32>
        %lt3A_986 = arith.cmpi slt, %add3A_971, %select_n3A_966 : vector<16xi32>
        %and3A_987 = arith.andi %eq3A_985, %lt3A_986 : vector<16xi1>
        %or3A_988 = arith.ori %gt3A_984, %and3A_987 : vector<16xi1>
        %gt3A_989 = arith.cmpf ogt, %select_n3A_978, %select_n3A_963 : vector<16xf32>
        %eq3A_990 = arith.cmpf oeq, %select_n3A_978, %select_n3A_963 : vector<16xf32>
        %lt3A_991 = arith.cmpi slt, %add3A_971, %select_n3A_968 : vector<16xi32>
        %and3A_992 = arith.andi %eq3A_990, %lt3A_991 : vector<16xi1>
        %or3A_993 = arith.ori %gt3A_989, %and3A_992 : vector<16xi1>
        %select_n3A_994 = arith.select %or3A_983, %select_n3A_978, %select_n3A_959 : vector<16xi1>, vector<16xf32>
        %select_n3A_995 = arith.select %or3A_988, %select_n3A_978, %select_n3A_961 : vector<16xi1>, vector<16xf32>
        %select_n3A_996 = arith.select %or3A_983, %select_n3A_959, %select_n3A_995 : vector<16xi1>, vector<16xf32>
        %select_n3A_997 = arith.select %or3A_993, %select_n3A_978, %select_n3A_963 : vector<16xi1>, vector<16xf32>
        %select_n3A_998 = arith.select %or3A_988, %select_n3A_961, %select_n3A_997 : vector<16xi1>, vector<16xf32>
        %select_n3A_999 = arith.select %or3A_983, %add3A_971, %select_n3A_964 : vector<16xi1>, vector<16xi32>
        %select_n3A_1000 = arith.select %or3A_988, %add3A_971, %select_n3A_966 : vector<16xi1>, vector<16xi32>
        %select_n3A_1001 = arith.select %or3A_983, %select_n3A_964, %select_n3A_1000 : vector<16xi1>, vector<16xi32>
        %select_n3A_1002 = arith.select %or3A_993, %add3A_971, %select_n3A_968 : vector<16xi1>, vector<16xi32>
        %select_n3A_1003 = arith.select %or3A_988, %select_n3A_966, %select_n3A_1002 : vector<16xi1>, vector<16xi32>
        %add3A_1004 = arith.constant 48 : i32
        %add3A_1005 = vector.broadcast %add3A_1004 : i32 to vector<16xi32>
        %add3A_1006 = arith.addi %add3A_898, %add3A_1005 : vector<16xi32>
        %add3A_1007 = arith.constant 32768 : i32
        %add3A_1008 = vector.broadcast %add3A_1007 : i32 to vector<16xi32>
        %add3A_1009 = arith.addi %add3A_1006, %add3A_1008 : vector<16xi32>
        %gather3A_1010 = tpu.vector_load_idx %arg5[%add3A_1009] : memref<65536xf32, #tpu.memory_space<vmem>>[vector<16xi32>], vector<16xf32>,
        %jit3A_1011 = arith.constant 0xFF800000 : f32
        %broadcast_in_dim3A_1012 = vector.broadcast %jit3A_1011 : f32 to vector<16xf32>
        %select_n3A_1013 = arith.select %lt3A_880, %gather3A_1010, %broadcast_in_dim3A_1012 : vector<16xi1>, vector<16xf32>
        %gt3A_1014 = arith.cmpf ogt, %select_n3A_1013, %select_n3A_994 : vector<16xf32>
        %eq3A_1015 = arith.cmpf oeq, %select_n3A_1013, %select_n3A_994 : vector<16xf32>
        %lt3A_1016 = arith.cmpi slt, %add3A_1006, %select_n3A_999 : vector<16xi32>
        %and3A_1017 = arith.andi %eq3A_1015, %lt3A_1016 : vector<16xi1>
        %or3A_1018 = arith.ori %gt3A_1014, %and3A_1017 : vector<16xi1>
        %gt3A_1019 = arith.cmpf ogt, %select_n3A_1013, %select_n3A_996 : vector<16xf32>
        %eq3A_1020 = arith.cmpf oeq, %select_n3A_1013, %select_n3A_996 : vector<16xf32>
        %lt3A_1021 = arith.cmpi slt, %add3A_1006, %select_n3A_1001 : vector<16xi32>
        %and3A_1022 = arith.andi %eq3A_1020, %lt3A_1021 : vector<16xi1>
        %or3A_1023 = arith.ori %gt3A_1019, %and3A_1022 : vector<16xi1>
        %gt3A_1024 = arith.cmpf ogt, %select_n3A_1013, %select_n3A_998 : vector<16xf32>
        %eq3A_1025 = arith.cmpf oeq, %select_n3A_1013, %select_n3A_998 : vector<16xf32>
        %lt3A_1026 = arith.cmpi slt, %add3A_1006, %select_n3A_1003 : vector<16xi32>
        %and3A_1027 = arith.andi %eq3A_1025, %lt3A_1026 : vector<16xi1>
        %or3A_1028 = arith.ori %gt3A_1024, %and3A_1027 : vector<16xi1>
        %select_n3A_1029 = arith.select %or3A_1018, %select_n3A_1013, %select_n3A_994 : vector<16xi1>, vector<16xf32>
        %select_n3A_1030 = arith.select %or3A_1023, %select_n3A_1013, %select_n3A_996 : vector<16xi1>, vector<16xf32>
        %select_n3A_1031 = arith.select %or3A_1018, %select_n3A_994, %select_n3A_1030 : vector<16xi1>, vector<16xf32>
        %select_n3A_1032 = arith.select %or3A_1028, %select_n3A_1013, %select_n3A_998 : vector<16xi1>, vector<16xf32>
        %select_n3A_1033 = arith.select %or3A_1023, %select_n3A_996, %select_n3A_1032 : vector<16xi1>, vector<16xf32>
        %select_n3A_1034 = arith.select %or3A_1018, %add3A_1006, %select_n3A_999 : vector<16xi1>, vector<16xi32>
        %select_n3A_1035 = arith.select %or3A_1023, %add3A_1006, %select_n3A_1001 : vector<16xi1>, vector<16xi32>
        %select_n3A_1036 = arith.select %or3A_1018, %select_n3A_999, %select_n3A_1035 : vector<16xi1>, vector<16xi32>
        %select_n3A_1037 = arith.select %or3A_1028, %add3A_1006, %select_n3A_1003 : vector<16xi1>, vector<16xi32>
        %select_n3A_1038 = arith.select %or3A_1023, %select_n3A_1001, %select_n3A_1037 : vector<16xi1>, vector<16xi32>
        %add3A_1039 = arith.constant 64 : i32
        %add3A_1040 = vector.broadcast %add3A_1039 : i32 to vector<16xi32>
        %add3A_1041 = arith.addi %add3A_898, %add3A_1040 : vector<16xi32>
        %add3A_1042 = arith.constant 32768 : i32
        %add3A_1043 = vector.broadcast %add3A_1042 : i32 to vector<16xi32>
        %add3A_1044 = arith.addi %add3A_1041, %add3A_1043 : vector<16xi32>
        %gather3A_1045 = tpu.vector_load_idx %arg5[%add3A_1044] : memref<65536xf32, #tpu.memory_space<vmem>>[vector<16xi32>], vector<16xf32>,
        %jit3A_1046 = arith.constant 0xFF800000 : f32
        %broadcast_in_dim3A_1047 = vector.broadcast %jit3A_1046 : f32 to vector<16xf32>
        %select_n3A_1048 = arith.select %lt3A_880, %gather3A_1045, %broadcast_in_dim3A_1047 : vector<16xi1>, vector<16xf32>
        %gt3A_1049 = arith.cmpf ogt, %select_n3A_1048, %select_n3A_1029 : vector<16xf32>
        %eq3A_1050 = arith.cmpf oeq, %select_n3A_1048, %select_n3A_1029 : vector<16xf32>
        %lt3A_1051 = arith.cmpi slt, %add3A_1041, %select_n3A_1034 : vector<16xi32>
        %and3A_1052 = arith.andi %eq3A_1050, %lt3A_1051 : vector<16xi1>
        %or3A_1053 = arith.ori %gt3A_1049, %and3A_1052 : vector<16xi1>
        %gt3A_1054 = arith.cmpf ogt, %select_n3A_1048, %select_n3A_1031 : vector<16xf32>
        %eq3A_1055 = arith.cmpf oeq, %select_n3A_1048, %select_n3A_1031 : vector<16xf32>
        %lt3A_1056 = arith.cmpi slt, %add3A_1041, %select_n3A_1036 : vector<16xi32>
        %and3A_1057 = arith.andi %eq3A_1055, %lt3A_1056 : vector<16xi1>
        %or3A_1058 = arith.ori %gt3A_1054, %and3A_1057 : vector<16xi1>
        %gt3A_1059 = arith.cmpf ogt, %select_n3A_1048, %select_n3A_1033 : vector<16xf32>
        %eq3A_1060 = arith.cmpf oeq, %select_n3A_1048, %select_n3A_1033 : vector<16xf32>
        %lt3A_1061 = arith.cmpi slt, %add3A_1041, %select_n3A_1038 : vector<16xi32>
        %and3A_1062 = arith.andi %eq3A_1060, %lt3A_1061 : vector<16xi1>
        %or3A_1063 = arith.ori %gt3A_1059, %and3A_1062 : vector<16xi1>
        %select_n3A_1064 = arith.select %or3A_1053, %select_n3A_1048, %select_n3A_1029 : vector<16xi1>, vector<16xf32>
        %select_n3A_1065 = arith.select %or3A_1058, %select_n3A_1048, %select_n3A_1031 : vector<16xi1>, vector<16xf32>
        %select_n3A_1066 = arith.select %or3A_1053, %select_n3A_1029, %select_n3A_1065 : vector<16xi1>, vector<16xf32>
        %select_n3A_1067 = arith.select %or3A_1063, %select_n3A_1048, %select_n3A_1033 : vector<16xi1>, vector<16xf32>
        %select_n3A_1068 = arith.select %or3A_1058, %select_n3A_1031, %select_n3A_1067 : vector<16xi1>, vector<16xf32>
        %select_n3A_1069 = arith.select %or3A_1053, %add3A_1041, %select_n3A_1034 : vector<16xi1>, vector<16xi32>
        %select_n3A_1070 = arith.select %or3A_1058, %add3A_1041, %select_n3A_1036 : vector<16xi1>, vector<16xi32>
        %select_n3A_1071 = arith.select %or3A_1053, %select_n3A_1034, %select_n3A_1070 : vector<16xi1>, vector<16xi32>
        %select_n3A_1072 = arith.select %or3A_1063, %add3A_1041, %select_n3A_1038 : vector<16xi1>, vector<16xi32>
        %select_n3A_1073 = arith.select %or3A_1058, %select_n3A_1036, %select_n3A_1072 : vector<16xi1>, vector<16xi32>
        %add3A_1074 = arith.constant 80 : i32
        %add3A_1075 = vector.broadcast %add3A_1074 : i32 to vector<16xi32>
        %add3A_1076 = arith.addi %add3A_898, %add3A_1075 : vector<16xi32>
        %add3A_1077 = arith.constant 32768 : i32
        %add3A_1078 = vector.broadcast %add3A_1077 : i32 to vector<16xi32>
        %add3A_1079 = arith.addi %add3A_1076, %add3A_1078 : vector<16xi32>
        %gather3A_1080 = tpu.vector_load_idx %arg5[%add3A_1079] : memref<65536xf32, #tpu.memory_space<vmem>>[vector<16xi32>], vector<16xf32>,
        %jit3A_1081 = arith.constant 0xFF800000 : f32
        %broadcast_in_dim3A_1082 = vector.broadcast %jit3A_1081 : f32 to vector<16xf32>
        %select_n3A_1083 = arith.select %lt3A_880, %gather3A_1080, %broadcast_in_dim3A_1082 : vector<16xi1>, vector<16xf32>
        %gt3A_1084 = arith.cmpf ogt, %select_n3A_1083, %select_n3A_1064 : vector<16xf32>
        %eq3A_1085 = arith.cmpf oeq, %select_n3A_1083, %select_n3A_1064 : vector<16xf32>
        %lt3A_1086 = arith.cmpi slt, %add3A_1076, %select_n3A_1069 : vector<16xi32>
        %and3A_1087 = arith.andi %eq3A_1085, %lt3A_1086 : vector<16xi1>
        %or3A_1088 = arith.ori %gt3A_1084, %and3A_1087 : vector<16xi1>
        %gt3A_1089 = arith.cmpf ogt, %select_n3A_1083, %select_n3A_1066 : vector<16xf32>
        %eq3A_1090 = arith.cmpf oeq, %select_n3A_1083, %select_n3A_1066 : vector<16xf32>
        %lt3A_1091 = arith.cmpi slt, %add3A_1076, %select_n3A_1071 : vector<16xi32>
        %and3A_1092 = arith.andi %eq3A_1090, %lt3A_1091 : vector<16xi1>
        %or3A_1093 = arith.ori %gt3A_1089, %and3A_1092 : vector<16xi1>
        %gt3A_1094 = arith.cmpf ogt, %select_n3A_1083, %select_n3A_1068 : vector<16xf32>
        %eq3A_1095 = arith.cmpf oeq, %select_n3A_1083, %select_n3A_1068 : vector<16xf32>
        %lt3A_1096 = arith.cmpi slt, %add3A_1076, %select_n3A_1073 : vector<16xi32>
        %and3A_1097 = arith.andi %eq3A_1095, %lt3A_1096 : vector<16xi1>
        %or3A_1098 = arith.ori %gt3A_1094, %and3A_1097 : vector<16xi1>
        %select_n3A_1099 = arith.select %or3A_1088, %select_n3A_1083, %select_n3A_1064 : vector<16xi1>, vector<16xf32>
        %select_n3A_1100 = arith.select %or3A_1093, %select_n3A_1083, %select_n3A_1066 : vector<16xi1>, vector<16xf32>
        %select_n3A_1101 = arith.select %or3A_1088, %select_n3A_1064, %select_n3A_1100 : vector<16xi1>, vector<16xf32>
        %select_n3A_1102 = arith.select %or3A_1098, %select_n3A_1083, %select_n3A_1068 : vector<16xi1>, vector<16xf32>
        %select_n3A_1103 = arith.select %or3A_1093, %select_n3A_1066, %select_n3A_1102 : vector<16xi1>, vector<16xf32>
        %select_n3A_1104 = arith.select %or3A_1088, %add3A_1076, %select_n3A_1069 : vector<16xi1>, vector<16xi32>
        %select_n3A_1105 = arith.select %or3A_1093, %add3A_1076, %select_n3A_1071 : vector<16xi1>, vector<16xi32>
        %select_n3A_1106 = arith.select %or3A_1088, %select_n3A_1069, %select_n3A_1105 : vector<16xi1>, vector<16xi32>
        %select_n3A_1107 = arith.select %or3A_1098, %add3A_1076, %select_n3A_1073 : vector<16xi1>, vector<16xi32>
        %select_n3A_1108 = arith.select %or3A_1093, %select_n3A_1071, %select_n3A_1107 : vector<16xi1>, vector<16xi32>
        %add3A_1109 = arith.constant 96 : i32
        %add3A_1110 = vector.broadcast %add3A_1109 : i32 to vector<16xi32>
        %add3A_1111 = arith.addi %add3A_898, %add3A_1110 : vector<16xi32>
        %add3A_1112 = arith.constant 32768 : i32
        %add3A_1113 = vector.broadcast %add3A_1112 : i32 to vector<16xi32>
        %add3A_1114 = arith.addi %add3A_1111, %add3A_1113 : vector<16xi32>
        %gather3A_1115 = tpu.vector_load_idx %arg5[%add3A_1114] : memref<65536xf32, #tpu.memory_space<vmem>>[vector<16xi32>], vector<16xf32>,
        %jit3A_1116 = arith.constant 0xFF800000 : f32
        %broadcast_in_dim3A_1117 = vector.broadcast %jit3A_1116 : f32 to vector<16xf32>
        %select_n3A_1118 = arith.select %lt3A_880, %gather3A_1115, %broadcast_in_dim3A_1117 : vector<16xi1>, vector<16xf32>
        %gt3A_1119 = arith.cmpf ogt, %select_n3A_1118, %select_n3A_1099 : vector<16xf32>
        %eq3A_1120 = arith.cmpf oeq, %select_n3A_1118, %select_n3A_1099 : vector<16xf32>
        %lt3A_1121 = arith.cmpi slt, %add3A_1111, %select_n3A_1104 : vector<16xi32>
        %and3A_1122 = arith.andi %eq3A_1120, %lt3A_1121 : vector<16xi1>
        %or3A_1123 = arith.ori %gt3A_1119, %and3A_1122 : vector<16xi1>
        %gt3A_1124 = arith.cmpf ogt, %select_n3A_1118, %select_n3A_1101 : vector<16xf32>
        %eq3A_1125 = arith.cmpf oeq, %select_n3A_1118, %select_n3A_1101 : vector<16xf32>
        %lt3A_1126 = arith.cmpi slt, %add3A_1111, %select_n3A_1106 : vector<16xi32>
        %and3A_1127 = arith.andi %eq3A_1125, %lt3A_1126 : vector<16xi1>
        %or3A_1128 = arith.ori %gt3A_1124, %and3A_1127 : vector<16xi1>
        %gt3A_1129 = arith.cmpf ogt, %select_n3A_1118, %select_n3A_1103 : vector<16xf32>
        %eq3A_1130 = arith.cmpf oeq, %select_n3A_1118, %select_n3A_1103 : vector<16xf32>
        %lt3A_1131 = arith.cmpi slt, %add3A_1111, %select_n3A_1108 : vector<16xi32>
        %and3A_1132 = arith.andi %eq3A_1130, %lt3A_1131 : vector<16xi1>
        %or3A_1133 = arith.ori %gt3A_1129, %and3A_1132 : vector<16xi1>
        %select_n3A_1134 = arith.select %or3A_1123, %select_n3A_1118, %select_n3A_1099 : vector<16xi1>, vector<16xf32>
        %select_n3A_1135 = arith.select %or3A_1128, %select_n3A_1118, %select_n3A_1101 : vector<16xi1>, vector<16xf32>
        %select_n3A_1136 = arith.select %or3A_1123, %select_n3A_1099, %select_n3A_1135 : vector<16xi1>, vector<16xf32>
        %select_n3A_1137 = arith.select %or3A_1133, %select_n3A_1118, %select_n3A_1103 : vector<16xi1>, vector<16xf32>
        %select_n3A_1138 = arith.select %or3A_1128, %select_n3A_1101, %select_n3A_1137 : vector<16xi1>, vector<16xf32>
        %select_n3A_1139 = arith.select %or3A_1123, %add3A_1111, %select_n3A_1104 : vector<16xi1>, vector<16xi32>
        %select_n3A_1140 = arith.select %or3A_1128, %add3A_1111, %select_n3A_1106 : vector<16xi1>, vector<16xi32>
        %select_n3A_1141 = arith.select %or3A_1123, %select_n3A_1104, %select_n3A_1140 : vector<16xi1>, vector<16xi32>
        %select_n3A_1142 = arith.select %or3A_1133, %add3A_1111, %select_n3A_1108 : vector<16xi1>, vector<16xi32>
        %select_n3A_1143 = arith.select %or3A_1128, %select_n3A_1106, %select_n3A_1142 : vector<16xi1>, vector<16xi32>
        %add3A_1144 = arith.constant 112 : i32
        %add3A_1145 = vector.broadcast %add3A_1144 : i32 to vector<16xi32>
        %add3A_1146 = arith.addi %add3A_898, %add3A_1145 : vector<16xi32>
        %add3A_1147 = arith.constant 32768 : i32
        %add3A_1148 = vector.broadcast %add3A_1147 : i32 to vector<16xi32>
        %add3A_1149 = arith.addi %add3A_1146, %add3A_1148 : vector<16xi32>
        %gather3A_1150 = tpu.vector_load_idx %arg5[%add3A_1149] : memref<65536xf32, #tpu.memory_space<vmem>>[vector<16xi32>], vector<16xf32>,
        %jit3A_1151 = arith.constant 0xFF800000 : f32
        %broadcast_in_dim3A_1152 = vector.broadcast %jit3A_1151 : f32 to vector<16xf32>
        %select_n3A_1153 = arith.select %lt3A_880, %gather3A_1150, %broadcast_in_dim3A_1152 : vector<16xi1>, vector<16xf32>
        %gt3A_1154 = arith.cmpf ogt, %select_n3A_1153, %select_n3A_1134 : vector<16xf32>
        %eq3A_1155 = arith.cmpf oeq, %select_n3A_1153, %select_n3A_1134 : vector<16xf32>
        %lt3A_1156 = arith.cmpi slt, %add3A_1146, %select_n3A_1139 : vector<16xi32>
        %and3A_1157 = arith.andi %eq3A_1155, %lt3A_1156 : vector<16xi1>
        %or3A_1158 = arith.ori %gt3A_1154, %and3A_1157 : vector<16xi1>
        %gt3A_1159 = arith.cmpf ogt, %select_n3A_1153, %select_n3A_1136 : vector<16xf32>
        %eq3A_1160 = arith.cmpf oeq, %select_n3A_1153, %select_n3A_1136 : vector<16xf32>
        %lt3A_1161 = arith.cmpi slt, %add3A_1146, %select_n3A_1141 : vector<16xi32>
        %and3A_1162 = arith.andi %eq3A_1160, %lt3A_1161 : vector<16xi1>
        %or3A_1163 = arith.ori %gt3A_1159, %and3A_1162 : vector<16xi1>
        %gt3A_1164 = arith.cmpf ogt, %select_n3A_1153, %select_n3A_1138 : vector<16xf32>
        %eq3A_1165 = arith.cmpf oeq, %select_n3A_1153, %select_n3A_1138 : vector<16xf32>
        %lt3A_1166 = arith.cmpi slt, %add3A_1146, %select_n3A_1143 : vector<16xi32>
        %and3A_1167 = arith.andi %eq3A_1165, %lt3A_1166 : vector<16xi1>
        %or3A_1168 = arith.ori %gt3A_1164, %and3A_1167 : vector<16xi1>
        %select_n3A_1169 = arith.select %or3A_1158, %select_n3A_1153, %select_n3A_1134 : vector<16xi1>, vector<16xf32>
        %select_n3A_1170 = arith.select %or3A_1163, %select_n3A_1153, %select_n3A_1136 : vector<16xi1>, vector<16xf32>
        %select_n3A_1171 = arith.select %or3A_1158, %select_n3A_1134, %select_n3A_1170 : vector<16xi1>, vector<16xf32>
        %select_n3A_1172 = arith.select %or3A_1168, %select_n3A_1153, %select_n3A_1138 : vector<16xi1>, vector<16xf32>
        %select_n3A_1173 = arith.select %or3A_1163, %select_n3A_1136, %select_n3A_1172 : vector<16xi1>, vector<16xf32>
        %select_n3A_1174 = arith.select %or3A_1158, %add3A_1146, %select_n3A_1139 : vector<16xi1>, vector<16xi32>
        %select_n3A_1175 = arith.select %or3A_1163, %add3A_1146, %select_n3A_1141 : vector<16xi1>, vector<16xi32>
        %select_n3A_1176 = arith.select %or3A_1158, %select_n3A_1139, %select_n3A_1175 : vector<16xi1>, vector<16xi32>
        %select_n3A_1177 = arith.select %or3A_1168, %add3A_1146, %select_n3A_1143 : vector<16xi1>, vector<16xi32>
        %select_n3A_1178 = arith.select %or3A_1163, %select_n3A_1141, %select_n3A_1177 : vector<16xi1>, vector<16xi32>
        %add3A_1179 = arith.constant 128 : i32
        %add3A_1180 = vector.broadcast %add3A_1179 : i32 to vector<16xi32>
        %add3A_1181 = arith.addi %add3A_898, %add3A_1180 : vector<16xi32>
        %add3A_1182 = arith.constant 32768 : i32
        %add3A_1183 = vector.broadcast %add3A_1182 : i32 to vector<16xi32>
        %add3A_1184 = arith.addi %add3A_1181, %add3A_1183 : vector<16xi32>
        %gather3A_1185 = tpu.vector_load_idx %arg5[%add3A_1184] : memref<65536xf32, #tpu.memory_space<vmem>>[vector<16xi32>], vector<16xf32>,
        %jit3A_1186 = arith.constant 0xFF800000 : f32
        %broadcast_in_dim3A_1187 = vector.broadcast %jit3A_1186 : f32 to vector<16xf32>
        %select_n3A_1188 = arith.select %lt3A_880, %gather3A_1185, %broadcast_in_dim3A_1187 : vector<16xi1>, vector<16xf32>
        %gt3A_1189 = arith.cmpf ogt, %select_n3A_1188, %select_n3A_1169 : vector<16xf32>
        %eq3A_1190 = arith.cmpf oeq, %select_n3A_1188, %select_n3A_1169 : vector<16xf32>
        %lt3A_1191 = arith.cmpi slt, %add3A_1181, %select_n3A_1174 : vector<16xi32>
        %and3A_1192 = arith.andi %eq3A_1190, %lt3A_1191 : vector<16xi1>
        %or3A_1193 = arith.ori %gt3A_1189, %and3A_1192 : vector<16xi1>
        %gt3A_1194 = arith.cmpf ogt, %select_n3A_1188, %select_n3A_1171 : vector<16xf32>
        %eq3A_1195 = arith.cmpf oeq, %select_n3A_1188, %select_n3A_1171 : vector<16xf32>
        %lt3A_1196 = arith.cmpi slt, %add3A_1181, %select_n3A_1176 : vector<16xi32>
        %and3A_1197 = arith.andi %eq3A_1195, %lt3A_1196 : vector<16xi1>
        %or3A_1198 = arith.ori %gt3A_1194, %and3A_1197 : vector<16xi1>
        %gt3A_1199 = arith.cmpf ogt, %select_n3A_1188, %select_n3A_1173 : vector<16xf32>
        %eq3A_1200 = arith.cmpf oeq, %select_n3A_1188, %select_n3A_1173 : vector<16xf32>
        %lt3A_1201 = arith.cmpi slt, %add3A_1181, %select_n3A_1178 : vector<16xi32>
        %and3A_1202 = arith.andi %eq3A_1200, %lt3A_1201 : vector<16xi1>
        %or3A_1203 = arith.ori %gt3A_1199, %and3A_1202 : vector<16xi1>
        %select_n3A_1204 = arith.select %or3A_1193, %select_n3A_1188, %select_n3A_1169 : vector<16xi1>, vector<16xf32>
        %select_n3A_1205 = arith.select %or3A_1198, %select_n3A_1188, %select_n3A_1171 : vector<16xi1>, vector<16xf32>
        %select_n3A_1206 = arith.select %or3A_1193, %select_n3A_1169, %select_n3A_1205 : vector<16xi1>, vector<16xf32>
        %select_n3A_1207 = arith.select %or3A_1203, %select_n3A_1188, %select_n3A_1173 : vector<16xi1>, vector<16xf32>
        %select_n3A_1208 = arith.select %or3A_1198, %select_n3A_1171, %select_n3A_1207 : vector<16xi1>, vector<16xf32>
        %select_n3A_1209 = arith.select %or3A_1193, %add3A_1181, %select_n3A_1174 : vector<16xi1>, vector<16xi32>
        %select_n3A_1210 = arith.select %or3A_1198, %add3A_1181, %select_n3A_1176 : vector<16xi1>, vector<16xi32>
        %select_n3A_1211 = arith.select %or3A_1193, %select_n3A_1174, %select_n3A_1210 : vector<16xi1>, vector<16xi32>
        %select_n3A_1212 = arith.select %or3A_1203, %add3A_1181, %select_n3A_1178 : vector<16xi1>, vector<16xi32>
        %select_n3A_1213 = arith.select %or3A_1198, %select_n3A_1176, %select_n3A_1212 : vector<16xi1>, vector<16xi32>
        %add3A_1214 = arith.constant 144 : i32
        %add3A_1215 = vector.broadcast %add3A_1214 : i32 to vector<16xi32>
        %add3A_1216 = arith.addi %add3A_898, %add3A_1215 : vector<16xi32>
        %add3A_1217 = arith.constant 32768 : i32
        %add3A_1218 = vector.broadcast %add3A_1217 : i32 to vector<16xi32>
        %add3A_1219 = arith.addi %add3A_1216, %add3A_1218 : vector<16xi32>
        %gather3A_1220 = tpu.vector_load_idx %arg5[%add3A_1219] : memref<65536xf32, #tpu.memory_space<vmem>>[vector<16xi32>], vector<16xf32>,
        %jit3A_1221 = arith.constant 0xFF800000 : f32
        %broadcast_in_dim3A_1222 = vector.broadcast %jit3A_1221 : f32 to vector<16xf32>
        %select_n3A_1223 = arith.select %lt3A_880, %gather3A_1220, %broadcast_in_dim3A_1222 : vector<16xi1>, vector<16xf32>
        %gt3A_1224 = arith.cmpf ogt, %select_n3A_1223, %select_n3A_1204 : vector<16xf32>
        %eq3A_1225 = arith.cmpf oeq, %select_n3A_1223, %select_n3A_1204 : vector<16xf32>
        %lt3A_1226 = arith.cmpi slt, %add3A_1216, %select_n3A_1209 : vector<16xi32>
        %and3A_1227 = arith.andi %eq3A_1225, %lt3A_1226 : vector<16xi1>
        %or3A_1228 = arith.ori %gt3A_1224, %and3A_1227 : vector<16xi1>
        %gt3A_1229 = arith.cmpf ogt, %select_n3A_1223, %select_n3A_1206 : vector<16xf32>
        %eq3A_1230 = arith.cmpf oeq, %select_n3A_1223, %select_n3A_1206 : vector<16xf32>
        %lt3A_1231 = arith.cmpi slt, %add3A_1216, %select_n3A_1211 : vector<16xi32>
        %and3A_1232 = arith.andi %eq3A_1230, %lt3A_1231 : vector<16xi1>
        %or3A_1233 = arith.ori %gt3A_1229, %and3A_1232 : vector<16xi1>
        %gt3A_1234 = arith.cmpf ogt, %select_n3A_1223, %select_n3A_1208 : vector<16xf32>
        %eq3A_1235 = arith.cmpf oeq, %select_n3A_1223, %select_n3A_1208 : vector<16xf32>
        %lt3A_1236 = arith.cmpi slt, %add3A_1216, %select_n3A_1213 : vector<16xi32>
        %and3A_1237 = arith.andi %eq3A_1235, %lt3A_1236 : vector<16xi1>
        %or3A_1238 = arith.ori %gt3A_1234, %and3A_1237 : vector<16xi1>
        %select_n3A_1239 = arith.select %or3A_1228, %select_n3A_1223, %select_n3A_1204 : vector<16xi1>, vector<16xf32>
        %select_n3A_1240 = arith.select %or3A_1233, %select_n3A_1223, %select_n3A_1206 : vector<16xi1>, vector<16xf32>
        %select_n3A_1241 = arith.select %or3A_1228, %select_n3A_1204, %select_n3A_1240 : vector<16xi1>, vector<16xf32>
        %select_n3A_1242 = arith.select %or3A_1238, %select_n3A_1223, %select_n3A_1208 : vector<16xi1>, vector<16xf32>
        %select_n3A_1243 = arith.select %or3A_1233, %select_n3A_1206, %select_n3A_1242 : vector<16xi1>, vector<16xf32>
        %select_n3A_1244 = arith.select %or3A_1228, %add3A_1216, %select_n3A_1209 : vector<16xi1>, vector<16xi32>
        %select_n3A_1245 = arith.select %or3A_1233, %add3A_1216, %select_n3A_1211 : vector<16xi1>, vector<16xi32>
        %select_n3A_1246 = arith.select %or3A_1228, %select_n3A_1209, %select_n3A_1245 : vector<16xi1>, vector<16xi32>
        %select_n3A_1247 = arith.select %or3A_1238, %add3A_1216, %select_n3A_1213 : vector<16xi1>, vector<16xi32>
        %select_n3A_1248 = arith.select %or3A_1233, %select_n3A_1211, %select_n3A_1247 : vector<16xi1>, vector<16xi32>
        %add3A_1249 = arith.constant 160 : i32
        %add3A_1250 = vector.broadcast %add3A_1249 : i32 to vector<16xi32>
        %add3A_1251 = arith.addi %add3A_898, %add3A_1250 : vector<16xi32>
        %add3A_1252 = arith.constant 32768 : i32
        %add3A_1253 = vector.broadcast %add3A_1252 : i32 to vector<16xi32>
        %add3A_1254 = arith.addi %add3A_1251, %add3A_1253 : vector<16xi32>
        %gather3A_1255 = tpu.vector_load_idx %arg5[%add3A_1254] : memref<65536xf32, #tpu.memory_space<vmem>>[vector<16xi32>], vector<16xf32>,
        %jit3A_1256 = arith.constant 0xFF800000 : f32
        %broadcast_in_dim3A_1257 = vector.broadcast %jit3A_1256 : f32 to vector<16xf32>
        %select_n3A_1258 = arith.select %lt3A_880, %gather3A_1255, %broadcast_in_dim3A_1257 : vector<16xi1>, vector<16xf32>
        %gt3A_1259 = arith.cmpf ogt, %select_n3A_1258, %select_n3A_1239 : vector<16xf32>
        %eq3A_1260 = arith.cmpf oeq, %select_n3A_1258, %select_n3A_1239 : vector<16xf32>
        %lt3A_1261 = arith.cmpi slt, %add3A_1251, %select_n3A_1244 : vector<16xi32>
        %and3A_1262 = arith.andi %eq3A_1260, %lt3A_1261 : vector<16xi1>
        %or3A_1263 = arith.ori %gt3A_1259, %and3A_1262 : vector<16xi1>
        %gt3A_1264 = arith.cmpf ogt, %select_n3A_1258, %select_n3A_1241 : vector<16xf32>
        %eq3A_1265 = arith.cmpf oeq, %select_n3A_1258, %select_n3A_1241 : vector<16xf32>
        %lt3A_1266 = arith.cmpi slt, %add3A_1251, %select_n3A_1246 : vector<16xi32>
        %and3A_1267 = arith.andi %eq3A_1265, %lt3A_1266 : vector<16xi1>
        %or3A_1268 = arith.ori %gt3A_1264, %and3A_1267 : vector<16xi1>
        %gt3A_1269 = arith.cmpf ogt, %select_n3A_1258, %select_n3A_1243 : vector<16xf32>
        %eq3A_1270 = arith.cmpf oeq, %select_n3A_1258, %select_n3A_1243 : vector<16xf32>
        %lt3A_1271 = arith.cmpi slt, %add3A_1251, %select_n3A_1248 : vector<16xi32>
        %and3A_1272 = arith.andi %eq3A_1270, %lt3A_1271 : vector<16xi1>
        %or3A_1273 = arith.ori %gt3A_1269, %and3A_1272 : vector<16xi1>
        %select_n3A_1274 = arith.select %or3A_1263, %select_n3A_1258, %select_n3A_1239 : vector<16xi1>, vector<16xf32>
        %select_n3A_1275 = arith.select %or3A_1268, %select_n3A_1258, %select_n3A_1241 : vector<16xi1>, vector<16xf32>
        %select_n3A_1276 = arith.select %or3A_1263, %select_n3A_1239, %select_n3A_1275 : vector<16xi1>, vector<16xf32>
        %select_n3A_1277 = arith.select %or3A_1273, %select_n3A_1258, %select_n3A_1243 : vector<16xi1>, vector<16xf32>
        %select_n3A_1278 = arith.select %or3A_1268, %select_n3A_1241, %select_n3A_1277 : vector<16xi1>, vector<16xf32>
        %select_n3A_1279 = arith.select %or3A_1263, %add3A_1251, %select_n3A_1244 : vector<16xi1>, vector<16xi32>
        %select_n3A_1280 = arith.select %or3A_1268, %add3A_1251, %select_n3A_1246 : vector<16xi1>, vector<16xi32>
        %select_n3A_1281 = arith.select %or3A_1263, %select_n3A_1244, %select_n3A_1280 : vector<16xi1>, vector<16xi32>
        %select_n3A_1282 = arith.select %or3A_1273, %add3A_1251, %select_n3A_1248 : vector<16xi1>, vector<16xi32>
        %select_n3A_1283 = arith.select %or3A_1268, %select_n3A_1246, %select_n3A_1282 : vector<16xi1>, vector<16xi32>
        %add3A_1284 = arith.constant 176 : i32
        %add3A_1285 = vector.broadcast %add3A_1284 : i32 to vector<16xi32>
        %add3A_1286 = arith.addi %add3A_898, %add3A_1285 : vector<16xi32>
        %add3A_1287 = arith.constant 32768 : i32
        %add3A_1288 = vector.broadcast %add3A_1287 : i32 to vector<16xi32>
        %add3A_1289 = arith.addi %add3A_1286, %add3A_1288 : vector<16xi32>
        %gather3A_1290 = tpu.vector_load_idx %arg5[%add3A_1289] : memref<65536xf32, #tpu.memory_space<vmem>>[vector<16xi32>], vector<16xf32>,
        %jit3A_1291 = arith.constant 0xFF800000 : f32
        %broadcast_in_dim3A_1292 = vector.broadcast %jit3A_1291 : f32 to vector<16xf32>
        %select_n3A_1293 = arith.select %lt3A_880, %gather3A_1290, %broadcast_in_dim3A_1292 : vector<16xi1>, vector<16xf32>
        %gt3A_1294 = arith.cmpf ogt, %select_n3A_1293, %select_n3A_1274 : vector<16xf32>
        %eq3A_1295 = arith.cmpf oeq, %select_n3A_1293, %select_n3A_1274 : vector<16xf32>
        %lt3A_1296 = arith.cmpi slt, %add3A_1286, %select_n3A_1279 : vector<16xi32>
        %and3A_1297 = arith.andi %eq3A_1295, %lt3A_1296 : vector<16xi1>
        %or3A_1298 = arith.ori %gt3A_1294, %and3A_1297 : vector<16xi1>
        %gt3A_1299 = arith.cmpf ogt, %select_n3A_1293, %select_n3A_1276 : vector<16xf32>
        %eq3A_1300 = arith.cmpf oeq, %select_n3A_1293, %select_n3A_1276 : vector<16xf32>
        %lt3A_1301 = arith.cmpi slt, %add3A_1286, %select_n3A_1281 : vector<16xi32>
        %and3A_1302 = arith.andi %eq3A_1300, %lt3A_1301 : vector<16xi1>
        %or3A_1303 = arith.ori %gt3A_1299, %and3A_1302 : vector<16xi1>
        %gt3A_1304 = arith.cmpf ogt, %select_n3A_1293, %select_n3A_1278 : vector<16xf32>
        %eq3A_1305 = arith.cmpf oeq, %select_n3A_1293, %select_n3A_1278 : vector<16xf32>
        %lt3A_1306 = arith.cmpi slt, %add3A_1286, %select_n3A_1283 : vector<16xi32>
        %and3A_1307 = arith.andi %eq3A_1305, %lt3A_1306 : vector<16xi1>
        %or3A_1308 = arith.ori %gt3A_1304, %and3A_1307 : vector<16xi1>
        %select_n3A_1309 = arith.select %or3A_1298, %select_n3A_1293, %select_n3A_1274 : vector<16xi1>, vector<16xf32>
        %select_n3A_1310 = arith.select %or3A_1303, %select_n3A_1293, %select_n3A_1276 : vector<16xi1>, vector<16xf32>
        %select_n3A_1311 = arith.select %or3A_1298, %select_n3A_1274, %select_n3A_1310 : vector<16xi1>, vector<16xf32>
        %select_n3A_1312 = arith.select %or3A_1308, %select_n3A_1293, %select_n3A_1278 : vector<16xi1>, vector<16xf32>
        %select_n3A_1313 = arith.select %or3A_1303, %select_n3A_1276, %select_n3A_1312 : vector<16xi1>, vector<16xf32>
        %select_n3A_1314 = arith.select %or3A_1298, %add3A_1286, %select_n3A_1279 : vector<16xi1>, vector<16xi32>
        %select_n3A_1315 = arith.select %or3A_1303, %add3A_1286, %select_n3A_1281 : vector<16xi1>, vector<16xi32>
        %select_n3A_1316 = arith.select %or3A_1298, %select_n3A_1279, %select_n3A_1315 : vector<16xi1>, vector<16xi32>
        %select_n3A_1317 = arith.select %or3A_1308, %add3A_1286, %select_n3A_1283 : vector<16xi1>, vector<16xi32>
        %select_n3A_1318 = arith.select %or3A_1303, %select_n3A_1281, %select_n3A_1317 : vector<16xi1>, vector<16xi32>
        %add3A_1319 = arith.constant 192 : i32
        %add3A_1320 = vector.broadcast %add3A_1319 : i32 to vector<16xi32>
        %add3A_1321 = arith.addi %add3A_898, %add3A_1320 : vector<16xi32>
        %add3A_1322 = arith.constant 32768 : i32
        %add3A_1323 = vector.broadcast %add3A_1322 : i32 to vector<16xi32>
        %add3A_1324 = arith.addi %add3A_1321, %add3A_1323 : vector<16xi32>
        %gather3A_1325 = tpu.vector_load_idx %arg5[%add3A_1324] : memref<65536xf32, #tpu.memory_space<vmem>>[vector<16xi32>], vector<16xf32>,
        %jit3A_1326 = arith.constant 0xFF800000 : f32
        %broadcast_in_dim3A_1327 = vector.broadcast %jit3A_1326 : f32 to vector<16xf32>
        %select_n3A_1328 = arith.select %lt3A_880, %gather3A_1325, %broadcast_in_dim3A_1327 : vector<16xi1>, vector<16xf32>
        %gt3A_1329 = arith.cmpf ogt, %select_n3A_1328, %select_n3A_1309 : vector<16xf32>
        %eq3A_1330 = arith.cmpf oeq, %select_n3A_1328, %select_n3A_1309 : vector<16xf32>
        %lt3A_1331 = arith.cmpi slt, %add3A_1321, %select_n3A_1314 : vector<16xi32>
        %and3A_1332 = arith.andi %eq3A_1330, %lt3A_1331 : vector<16xi1>
        %or3A_1333 = arith.ori %gt3A_1329, %and3A_1332 : vector<16xi1>
        %gt3A_1334 = arith.cmpf ogt, %select_n3A_1328, %select_n3A_1311 : vector<16xf32>
        %eq3A_1335 = arith.cmpf oeq, %select_n3A_1328, %select_n3A_1311 : vector<16xf32>
        %lt3A_1336 = arith.cmpi slt, %add3A_1321, %select_n3A_1316 : vector<16xi32>
        %and3A_1337 = arith.andi %eq3A_1335, %lt3A_1336 : vector<16xi1>
        %or3A_1338 = arith.ori %gt3A_1334, %and3A_1337 : vector<16xi1>
        %gt3A_1339 = arith.cmpf ogt, %select_n3A_1328, %select_n3A_1313 : vector<16xf32>
        %eq3A_1340 = arith.cmpf oeq, %select_n3A_1328, %select_n3A_1313 : vector<16xf32>
        %lt3A_1341 = arith.cmpi slt, %add3A_1321, %select_n3A_1318 : vector<16xi32>
        %and3A_1342 = arith.andi %eq3A_1340, %lt3A_1341 : vector<16xi1>
        %or3A_1343 = arith.ori %gt3A_1339, %and3A_1342 : vector<16xi1>
        %select_n3A_1344 = arith.select %or3A_1333, %select_n3A_1328, %select_n3A_1309 : vector<16xi1>, vector<16xf32>
        %select_n3A_1345 = arith.select %or3A_1338, %select_n3A_1328, %select_n3A_1311 : vector<16xi1>, vector<16xf32>
        %select_n3A_1346 = arith.select %or3A_1333, %select_n3A_1309, %select_n3A_1345 : vector<16xi1>, vector<16xf32>
        %select_n3A_1347 = arith.select %or3A_1343, %select_n3A_1328, %select_n3A_1313 : vector<16xi1>, vector<16xf32>
        %select_n3A_1348 = arith.select %or3A_1338, %select_n3A_1311, %select_n3A_1347 : vector<16xi1>, vector<16xf32>
        %select_n3A_1349 = arith.select %or3A_1333, %add3A_1321, %select_n3A_1314 : vector<16xi1>, vector<16xi32>
        %select_n3A_1350 = arith.select %or3A_1338, %add3A_1321, %select_n3A_1316 : vector<16xi1>, vector<16xi32>
        %select_n3A_1351 = arith.select %or3A_1333, %select_n3A_1314, %select_n3A_1350 : vector<16xi1>, vector<16xi32>
        %select_n3A_1352 = arith.select %or3A_1343, %add3A_1321, %select_n3A_1318 : vector<16xi1>, vector<16xi32>
        %select_n3A_1353 = arith.select %or3A_1338, %select_n3A_1316, %select_n3A_1352 : vector<16xi1>, vector<16xi32>
        %add3A_1354 = arith.constant 208 : i32
        %add3A_1355 = vector.broadcast %add3A_1354 : i32 to vector<16xi32>
        %add3A_1356 = arith.addi %add3A_898, %add3A_1355 : vector<16xi32>
        %add3A_1357 = arith.constant 32768 : i32
        %add3A_1358 = vector.broadcast %add3A_1357 : i32 to vector<16xi32>
        %add3A_1359 = arith.addi %add3A_1356, %add3A_1358 : vector<16xi32>
        %gather3A_1360 = tpu.vector_load_idx %arg5[%add3A_1359] : memref<65536xf32, #tpu.memory_space<vmem>>[vector<16xi32>], vector<16xf32>,
        %jit3A_1361 = arith.constant 0xFF800000 : f32
        %broadcast_in_dim3A_1362 = vector.broadcast %jit3A_1361 : f32 to vector<16xf32>
        %select_n3A_1363 = arith.select %lt3A_880, %gather3A_1360, %broadcast_in_dim3A_1362 : vector<16xi1>, vector<16xf32>
        %gt3A_1364 = arith.cmpf ogt, %select_n3A_1363, %select_n3A_1344 : vector<16xf32>
        %eq3A_1365 = arith.cmpf oeq, %select_n3A_1363, %select_n3A_1344 : vector<16xf32>
        %lt3A_1366 = arith.cmpi slt, %add3A_1356, %select_n3A_1349 : vector<16xi32>
        %and3A_1367 = arith.andi %eq3A_1365, %lt3A_1366 : vector<16xi1>
        %or3A_1368 = arith.ori %gt3A_1364, %and3A_1367 : vector<16xi1>
        %gt3A_1369 = arith.cmpf ogt, %select_n3A_1363, %select_n3A_1346 : vector<16xf32>
        %eq3A_1370 = arith.cmpf oeq, %select_n3A_1363, %select_n3A_1346 : vector<16xf32>
        %lt3A_1371 = arith.cmpi slt, %add3A_1356, %select_n3A_1351 : vector<16xi32>
        %and3A_1372 = arith.andi %eq3A_1370, %lt3A_1371 : vector<16xi1>
        %or3A_1373 = arith.ori %gt3A_1369, %and3A_1372 : vector<16xi1>
        %gt3A_1374 = arith.cmpf ogt, %select_n3A_1363, %select_n3A_1348 : vector<16xf32>
        %eq3A_1375 = arith.cmpf oeq, %select_n3A_1363, %select_n3A_1348 : vector<16xf32>
        %lt3A_1376 = arith.cmpi slt, %add3A_1356, %select_n3A_1353 : vector<16xi32>
        %and3A_1377 = arith.andi %eq3A_1375, %lt3A_1376 : vector<16xi1>
        %or3A_1378 = arith.ori %gt3A_1374, %and3A_1377 : vector<16xi1>
        %select_n3A_1379 = arith.select %or3A_1368, %select_n3A_1363, %select_n3A_1344 : vector<16xi1>, vector<16xf32>
        %select_n3A_1380 = arith.select %or3A_1373, %select_n3A_1363, %select_n3A_1346 : vector<16xi1>, vector<16xf32>
        %select_n3A_1381 = arith.select %or3A_1368, %select_n3A_1344, %select_n3A_1380 : vector<16xi1>, vector<16xf32>
        %select_n3A_1382 = arith.select %or3A_1378, %select_n3A_1363, %select_n3A_1348 : vector<16xi1>, vector<16xf32>
        %select_n3A_1383 = arith.select %or3A_1373, %select_n3A_1346, %select_n3A_1382 : vector<16xi1>, vector<16xf32>
        %select_n3A_1384 = arith.select %or3A_1368, %add3A_1356, %select_n3A_1349 : vector<16xi1>, vector<16xi32>
        %select_n3A_1385 = arith.select %or3A_1373, %add3A_1356, %select_n3A_1351 : vector<16xi1>, vector<16xi32>
        %select_n3A_1386 = arith.select %or3A_1368, %select_n3A_1349, %select_n3A_1385 : vector<16xi1>, vector<16xi32>
        %select_n3A_1387 = arith.select %or3A_1378, %add3A_1356, %select_n3A_1353 : vector<16xi1>, vector<16xi32>
        %select_n3A_1388 = arith.select %or3A_1373, %select_n3A_1351, %select_n3A_1387 : vector<16xi1>, vector<16xi32>
        %add3A_1389 = arith.constant 224 : i32
        %add3A_1390 = vector.broadcast %add3A_1389 : i32 to vector<16xi32>
        %add3A_1391 = arith.addi %add3A_898, %add3A_1390 : vector<16xi32>
        %add3A_1392 = arith.constant 32768 : i32
        %add3A_1393 = vector.broadcast %add3A_1392 : i32 to vector<16xi32>
        %add3A_1394 = arith.addi %add3A_1391, %add3A_1393 : vector<16xi32>
        %gather3A_1395 = tpu.vector_load_idx %arg5[%add3A_1394] : memref<65536xf32, #tpu.memory_space<vmem>>[vector<16xi32>], vector<16xf32>,
        %jit3A_1396 = arith.constant 0xFF800000 : f32
        %broadcast_in_dim3A_1397 = vector.broadcast %jit3A_1396 : f32 to vector<16xf32>
        %select_n3A_1398 = arith.select %lt3A_880, %gather3A_1395, %broadcast_in_dim3A_1397 : vector<16xi1>, vector<16xf32>
        %gt3A_1399 = arith.cmpf ogt, %select_n3A_1398, %select_n3A_1379 : vector<16xf32>
        %eq3A_1400 = arith.cmpf oeq, %select_n3A_1398, %select_n3A_1379 : vector<16xf32>
        %lt3A_1401 = arith.cmpi slt, %add3A_1391, %select_n3A_1384 : vector<16xi32>
        %and3A_1402 = arith.andi %eq3A_1400, %lt3A_1401 : vector<16xi1>
        %or3A_1403 = arith.ori %gt3A_1399, %and3A_1402 : vector<16xi1>
        %gt3A_1404 = arith.cmpf ogt, %select_n3A_1398, %select_n3A_1381 : vector<16xf32>
        %eq3A_1405 = arith.cmpf oeq, %select_n3A_1398, %select_n3A_1381 : vector<16xf32>
        %lt3A_1406 = arith.cmpi slt, %add3A_1391, %select_n3A_1386 : vector<16xi32>
        %and3A_1407 = arith.andi %eq3A_1405, %lt3A_1406 : vector<16xi1>
        %or3A_1408 = arith.ori %gt3A_1404, %and3A_1407 : vector<16xi1>
        %gt3A_1409 = arith.cmpf ogt, %select_n3A_1398, %select_n3A_1383 : vector<16xf32>
        %eq3A_1410 = arith.cmpf oeq, %select_n3A_1398, %select_n3A_1383 : vector<16xf32>
        %lt3A_1411 = arith.cmpi slt, %add3A_1391, %select_n3A_1388 : vector<16xi32>
        %and3A_1412 = arith.andi %eq3A_1410, %lt3A_1411 : vector<16xi1>
        %or3A_1413 = arith.ori %gt3A_1409, %and3A_1412 : vector<16xi1>
        %select_n3A_1414 = arith.select %or3A_1403, %select_n3A_1398, %select_n3A_1379 : vector<16xi1>, vector<16xf32>
        %select_n3A_1415 = arith.select %or3A_1408, %select_n3A_1398, %select_n3A_1381 : vector<16xi1>, vector<16xf32>
        %select_n3A_1416 = arith.select %or3A_1403, %select_n3A_1379, %select_n3A_1415 : vector<16xi1>, vector<16xf32>
        %select_n3A_1417 = arith.select %or3A_1413, %select_n3A_1398, %select_n3A_1383 : vector<16xi1>, vector<16xf32>
        %select_n3A_1418 = arith.select %or3A_1408, %select_n3A_1381, %select_n3A_1417 : vector<16xi1>, vector<16xf32>
        %select_n3A_1419 = arith.select %or3A_1403, %add3A_1391, %select_n3A_1384 : vector<16xi1>, vector<16xi32>
        %select_n3A_1420 = arith.select %or3A_1408, %add3A_1391, %select_n3A_1386 : vector<16xi1>, vector<16xi32>
        %select_n3A_1421 = arith.select %or3A_1403, %select_n3A_1384, %select_n3A_1420 : vector<16xi1>, vector<16xi32>
        %select_n3A_1422 = arith.select %or3A_1413, %add3A_1391, %select_n3A_1388 : vector<16xi1>, vector<16xi32>
        %select_n3A_1423 = arith.select %or3A_1408, %select_n3A_1386, %select_n3A_1422 : vector<16xi1>, vector<16xi32>
        %add3A_1424 = arith.constant 240 : i32
        %add3A_1425 = vector.broadcast %add3A_1424 : i32 to vector<16xi32>
        %add3A_1426 = arith.addi %add3A_898, %add3A_1425 : vector<16xi32>
        %add3A_1427 = arith.constant 32768 : i32
        %add3A_1428 = vector.broadcast %add3A_1427 : i32 to vector<16xi32>
        %add3A_1429 = arith.addi %add3A_1426, %add3A_1428 : vector<16xi32>
        %gather3A_1430 = tpu.vector_load_idx %arg5[%add3A_1429] : memref<65536xf32, #tpu.memory_space<vmem>>[vector<16xi32>], vector<16xf32>,
        %jit3A_1431 = arith.constant 0xFF800000 : f32
        %broadcast_in_dim3A_1432 = vector.broadcast %jit3A_1431 : f32 to vector<16xf32>
        %select_n3A_1433 = arith.select %lt3A_880, %gather3A_1430, %broadcast_in_dim3A_1432 : vector<16xi1>, vector<16xf32>
        %gt3A_1434 = arith.cmpf ogt, %select_n3A_1433, %select_n3A_1414 : vector<16xf32>
        %eq3A_1435 = arith.cmpf oeq, %select_n3A_1433, %select_n3A_1414 : vector<16xf32>
        %lt3A_1436 = arith.cmpi slt, %add3A_1426, %select_n3A_1419 : vector<16xi32>
        %and3A_1437 = arith.andi %eq3A_1435, %lt3A_1436 : vector<16xi1>
        %or3A_1438 = arith.ori %gt3A_1434, %and3A_1437 : vector<16xi1>
        %gt3A_1439 = arith.cmpf ogt, %select_n3A_1433, %select_n3A_1416 : vector<16xf32>
        %eq3A_1440 = arith.cmpf oeq, %select_n3A_1433, %select_n3A_1416 : vector<16xf32>
        %lt3A_1441 = arith.cmpi slt, %add3A_1426, %select_n3A_1421 : vector<16xi32>
        %and3A_1442 = arith.andi %eq3A_1440, %lt3A_1441 : vector<16xi1>
        %or3A_1443 = arith.ori %gt3A_1439, %and3A_1442 : vector<16xi1>
        %gt3A_1444 = arith.cmpf ogt, %select_n3A_1433, %select_n3A_1418 : vector<16xf32>
        %eq3A_1445 = arith.cmpf oeq, %select_n3A_1433, %select_n3A_1418 : vector<16xf32>
        %lt3A_1446 = arith.cmpi slt, %add3A_1426, %select_n3A_1423 : vector<16xi32>
        %and3A_1447 = arith.andi %eq3A_1445, %lt3A_1446 : vector<16xi1>
        %or3A_1448 = arith.ori %gt3A_1444, %and3A_1447 : vector<16xi1>
        %select_n3A_1449 = arith.select %or3A_1438, %select_n3A_1433, %select_n3A_1414 : vector<16xi1>, vector<16xf32>
        %select_n3A_1450 = arith.select %or3A_1443, %select_n3A_1433, %select_n3A_1416 : vector<16xi1>, vector<16xf32>
        %select_n3A_1451 = arith.select %or3A_1438, %select_n3A_1414, %select_n3A_1450 : vector<16xi1>, vector<16xf32>
        %select_n3A_1452 = arith.select %or3A_1448, %select_n3A_1433, %select_n3A_1418 : vector<16xi1>, vector<16xf32>
        %select_n3A_1453 = arith.select %or3A_1443, %select_n3A_1416, %select_n3A_1452 : vector<16xi1>, vector<16xf32>
        %select_n3A_1454 = arith.select %or3A_1438, %add3A_1426, %select_n3A_1419 : vector<16xi1>, vector<16xi32>
        %select_n3A_1455 = arith.select %or3A_1443, %add3A_1426, %select_n3A_1421 : vector<16xi1>, vector<16xi32>
        %select_n3A_1456 = arith.select %or3A_1438, %select_n3A_1419, %select_n3A_1455 : vector<16xi1>, vector<16xi32>
        %select_n3A_1457 = arith.select %or3A_1448, %add3A_1426, %select_n3A_1423 : vector<16xi1>, vector<16xi32>
        %select_n3A_1458 = arith.select %or3A_1443, %select_n3A_1421, %select_n3A_1457 : vector<16xi1>, vector<16xi32>
        scf.yield %select_n3A_1449, %select_n3A_1451, %select_n3A_1453, %select_n3A_1454, %select_n3A_1456, %select_n3A_1458 : vector<16xf32>, vector<16xf32>, vector<16xf32>, vector<16xi32>, vector<16xi32>, vector<16xi32>
      }
      %broadcast_in_dim3A_616 = arith.constant 0.000000e+00 : f32
      %broadcast_in_dim3A_617 = vector.broadcast %broadcast_in_dim3A_616 : f32 to vector<16xf32>
      %broadcast_in_dim3A_618 = arith.constant 0 : i32
      %broadcast_in_dim3A_619 = vector.broadcast %broadcast_in_dim3A_618 : i32 to vector<16xi32>
      %xor3A_620 = arith.constant 8 : i32
      %xor3A_621 = vector.broadcast %xor3A_620 : i32 to vector<16xi32>
      %xor3A_622 = arith.xori %iota3A, %xor3A_621 : vector<16xi32>
      %reshape3A_623 = vector.shape_cast %xor3A_622 : vector<16xi32> to vector<16x1xi32>
      %gather3A_624 = vector.shape_cast %reshape3A_623 : vector<16x1xi32> to vector<16xi32>
      %gather3A_625 = tpu.dynamic_gather %while3A_615#0[%gather3A_624] in [0] : vector<16xf32>, vector<16xi32> -> vector<16xf32>
      %reshape3A_626 = vector.shape_cast %xor3A_622 : vector<16xi32> to vector<16x1xi32>
      %gather3A_627 = vector.shape_cast %reshape3A_626 : vector<16x1xi32> to vector<16xi32>
      %gather3A_628 = tpu.dynamic_gather %while3A_615#3[%gather3A_627] in [0] : vector<16xi32>, vector<16xi32> -> vector<16xi32>
      %gt3A_629 = arith.cmpf ogt, %gather3A_625, %while3A_615#0 : vector<16xf32>
      %eq3A_630 = arith.cmpf oeq, %gather3A_625, %while3A_615#0 : vector<16xf32>
      %lt3A_631 = arith.cmpi slt, %gather3A_628, %while3A_615#3 : vector<16xi32>
      %and3A_632 = arith.andi %eq3A_630, %lt3A_631 : vector<16xi1>
      %or3A_633 = arith.ori %gt3A_629, %and3A_632 : vector<16xi1>
      %select_n3A_634 = arith.select %or3A_633, %gather3A_625, %while3A_615#0 : vector<16xi1>, vector<16xf32>
      %select_n3A_635 = arith.select %or3A_633, %gather3A_628, %while3A_615#3 : vector<16xi1>, vector<16xi32>
      %xor3A_636 = arith.constant 4 : i32
      %xor3A_637 = vector.broadcast %xor3A_636 : i32 to vector<16xi32>
      %xor3A_638 = arith.xori %iota3A, %xor3A_637 : vector<16xi32>
      %reshape3A_639 = vector.shape_cast %xor3A_638 : vector<16xi32> to vector<16x1xi32>
      %gather3A_640 = vector.shape_cast %reshape3A_639 : vector<16x1xi32> to vector<16xi32>
      %gather3A_641 = tpu.dynamic_gather %select_n3A_634[%gather3A_640] in [0] : vector<16xf32>, vector<16xi32> -> vector<16xf32>
      %reshape3A_642 = vector.shape_cast %xor3A_638 : vector<16xi32> to vector<16x1xi32>
      %gather3A_643 = vector.shape_cast %reshape3A_642 : vector<16x1xi32> to vector<16xi32>
      %gather3A_644 = tpu.dynamic_gather %select_n3A_635[%gather3A_643] in [0] : vector<16xi32>, vector<16xi32> -> vector<16xi32>
      %gt3A_645 = arith.cmpf ogt, %gather3A_641, %select_n3A_634 : vector<16xf32>
      %eq3A_646 = arith.cmpf oeq, %gather3A_641, %select_n3A_634 : vector<16xf32>
      %lt3A_647 = arith.cmpi slt, %gather3A_644, %select_n3A_635 : vector<16xi32>
      %and3A_648 = arith.andi %eq3A_646, %lt3A_647 : vector<16xi1>
      %or3A_649 = arith.ori %gt3A_645, %and3A_648 : vector<16xi1>
      %select_n3A_650 = arith.select %or3A_649, %gather3A_641, %select_n3A_634 : vector<16xi1>, vector<16xf32>
      %select_n3A_651 = arith.select %or3A_649, %gather3A_644, %select_n3A_635 : vector<16xi1>, vector<16xi32>
      %xor3A_652 = arith.constant 2 : i32
      %xor3A_653 = vector.broadcast %xor3A_652 : i32 to vector<16xi32>
      %xor3A_654 = arith.xori %iota3A, %xor3A_653 : vector<16xi32>
      %reshape3A_655 = vector.shape_cast %xor3A_654 : vector<16xi32> to vector<16x1xi32>
      %gather3A_656 = vector.shape_cast %reshape3A_655 : vector<16x1xi32> to vector<16xi32>
      %gather3A_657 = tpu.dynamic_gather %select_n3A_650[%gather3A_656] in [0] : vector<16xf32>, vector<16xi32> -> vector<16xf32>
      %reshape3A_658 = vector.shape_cast %xor3A_654 : vector<16xi32> to vector<16x1xi32>
      %gather3A_659 = vector.shape_cast %reshape3A_658 : vector<16x1xi32> to vector<16xi32>
      %gather3A_660 = tpu.dynamic_gather %select_n3A_651[%gather3A_659] in [0] : vector<16xi32>, vector<16xi32> -> vector<16xi32>
      %gt3A_661 = arith.cmpf ogt, %gather3A_657, %select_n3A_650 : vector<16xf32>
      %eq3A_662 = arith.cmpf oeq, %gather3A_657, %select_n3A_650 : vector<16xf32>
      %lt3A_663 = arith.cmpi slt, %gather3A_660, %select_n3A_651 : vector<16xi32>
      %and3A_664 = arith.andi %eq3A_662, %lt3A_663 : vector<16xi1>
      %or3A_665 = arith.ori %gt3A_661, %and3A_664 : vector<16xi1>
      %select_n3A_666 = arith.select %or3A_665, %gather3A_657, %select_n3A_650 : vector<16xi1>, vector<16xf32>
      %select_n3A_667 = arith.select %or3A_665, %gather3A_660, %select_n3A_651 : vector<16xi1>, vector<16xi32>
      %xor3A_668 = arith.constant 1 : i32
      %xor3A_669 = vector.broadcast %xor3A_668 : i32 to vector<16xi32>
      %xor3A_670 = arith.xori %iota3A, %xor3A_669 : vector<16xi32>
      %reshape3A_671 = vector.shape_cast %xor3A_670 : vector<16xi32> to vector<16x1xi32>
      %gather3A_672 = vector.shape_cast %reshape3A_671 : vector<16x1xi32> to vector<16xi32>
      %gather3A_673 = tpu.dynamic_gather %select_n3A_666[%gather3A_672] in [0] : vector<16xf32>, vector<16xi32> -> vector<16xf32>
      %reshape3A_674 = vector.shape_cast %xor3A_670 : vector<16xi32> to vector<16x1xi32>
      %gather3A_675 = vector.shape_cast %reshape3A_674 : vector<16x1xi32> to vector<16xi32>
      %gather3A_676 = tpu.dynamic_gather %select_n3A_667[%gather3A_675] in [0] : vector<16xi32>, vector<16xi32> -> vector<16xi32>
      %gt3A_677 = arith.cmpf ogt, %gather3A_673, %select_n3A_666 : vector<16xf32>
      %eq3A_678 = arith.cmpf oeq, %gather3A_673, %select_n3A_666 : vector<16xf32>
      %lt3A_679 = arith.cmpi slt, %gather3A_676, %select_n3A_667 : vector<16xi32>
      %and3A_680 = arith.andi %eq3A_678, %lt3A_679 : vector<16xi1>
      %or3A_681 = arith.ori %gt3A_677, %and3A_680 : vector<16xi1>
      %select_n3A_682 = arith.select %or3A_681, %gather3A_673, %select_n3A_666 : vector<16xi1>, vector<16xf32>
      %select_n3A_683 = arith.select %or3A_681, %gather3A_676, %select_n3A_667 : vector<16xi1>, vector<16xi32>
      %eq3A_684 = arith.cmpf oeq, %while3A_615#0, %select_n3A_682 : vector<16xf32>
      %eq3A_685 = arith.cmpi eq, %while3A_615#3, %select_n3A_683 : vector<16xi32>
      %and3A_686 = arith.andi %eq3A_684, %eq3A_685 : vector<16xi1>
      %eq3A_687 = arith.constant 0 : i32
      %eq3A_688 = vector.broadcast %eq3A_687 : i32 to vector<16xi32>
      %eq3A_689 = arith.cmpi eq, %iota3A, %eq3A_688 : vector<16xi32>
      %select_n3A_690 = arith.select %eq3A_689, %select_n3A_682, %broadcast_in_dim3A_617 : vector<16xi1>, vector<16xf32>
      %eq3A_691 = arith.constant 0 : i32
      %eq3A_692 = vector.broadcast %eq3A_691 : i32 to vector<16xi32>
      %eq3A_693 = arith.cmpi eq, %iota3A, %eq3A_692 : vector<16xi32>
      %select_n3A_694 = arith.select %eq3A_693, %select_n3A_683, %broadcast_in_dim3A_619 : vector<16xi1>, vector<16xi32>
      %select_n3A_695 = arith.select %and3A_686, %while3A_615#1, %while3A_615#0 : vector<16xi1>, vector<16xf32>
      %select_n3A_696 = arith.select %and3A_686, %while3A_615#2, %while3A_615#1 : vector<16xi1>, vector<16xf32>
      %jit3A_697 = arith.constant 0xFF800000 : f32
      %broadcast_in_dim3A_698 = vector.broadcast %jit3A_697 : f32 to vector<16xf32>
      %select_n3A_699 = arith.select %and3A_686, %broadcast_in_dim3A_698, %while3A_615#2 : vector<16xi1>, vector<16xf32>
      %select_n3A_700 = arith.select %and3A_686, %while3A_615#4, %while3A_615#3 : vector<16xi1>, vector<16xi32>
      %select_n3A_701 = arith.select %and3A_686, %while3A_615#5, %while3A_615#4 : vector<16xi1>, vector<16xi32>
      %xor3A_702 = arith.constant 8 : i32
      %xor3A_703 = vector.broadcast %xor3A_702 : i32 to vector<16xi32>
      %xor3A_704 = arith.xori %iota3A, %xor3A_703 : vector<16xi32>
      %reshape3A_705 = vector.shape_cast %xor3A_704 : vector<16xi32> to vector<16x1xi32>
      %gather3A_706 = vector.shape_cast %reshape3A_705 : vector<16x1xi32> to vector<16xi32>
      %gather3A_707 = tpu.dynamic_gather %select_n3A_695[%gather3A_706] in [0] : vector<16xf32>, vector<16xi32> -> vector<16xf32>
      %reshape3A_708 = vector.shape_cast %xor3A_704 : vector<16xi32> to vector<16x1xi32>
      %gather3A_709 = vector.shape_cast %reshape3A_708 : vector<16x1xi32> to vector<16xi32>
      %gather3A_710 = tpu.dynamic_gather %select_n3A_700[%gather3A_709] in [0] : vector<16xi32>, vector<16xi32> -> vector<16xi32>
      %gt3A_711 = arith.cmpf ogt, %gather3A_707, %select_n3A_695 : vector<16xf32>
      %eq3A_712 = arith.cmpf oeq, %gather3A_707, %select_n3A_695 : vector<16xf32>
      %lt3A_713 = arith.cmpi slt, %gather3A_710, %select_n3A_700 : vector<16xi32>
      %and3A_714 = arith.andi %eq3A_712, %lt3A_713 : vector<16xi1>
      %or3A_715 = arith.ori %gt3A_711, %and3A_714 : vector<16xi1>
      %select_n3A_716 = arith.select %or3A_715, %gather3A_707, %select_n3A_695 : vector<16xi1>, vector<16xf32>
      %select_n3A_717 = arith.select %or3A_715, %gather3A_710, %select_n3A_700 : vector<16xi1>, vector<16xi32>
      %xor3A_718 = arith.constant 4 : i32
      %xor3A_719 = vector.broadcast %xor3A_718 : i32 to vector<16xi32>
      %xor3A_720 = arith.xori %iota3A, %xor3A_719 : vector<16xi32>
      %reshape3A_721 = vector.shape_cast %xor3A_720 : vector<16xi32> to vector<16x1xi32>
      %gather3A_722 = vector.shape_cast %reshape3A_721 : vector<16x1xi32> to vector<16xi32>
      %gather3A_723 = tpu.dynamic_gather %select_n3A_716[%gather3A_722] in [0] : vector<16xf32>, vector<16xi32> -> vector<16xf32>
      %reshape3A_724 = vector.shape_cast %xor3A_720 : vector<16xi32> to vector<16x1xi32>
      %gather3A_725 = vector.shape_cast %reshape3A_724 : vector<16x1xi32> to vector<16xi32>
      %gather3A_726 = tpu.dynamic_gather %select_n3A_717[%gather3A_725] in [0] : vector<16xi32>, vector<16xi32> -> vector<16xi32>
      %gt3A_727 = arith.cmpf ogt, %gather3A_723, %select_n3A_716 : vector<16xf32>
      %eq3A_728 = arith.cmpf oeq, %gather3A_723, %select_n3A_716 : vector<16xf32>
      %lt3A_729 = arith.cmpi slt, %gather3A_726, %select_n3A_717 : vector<16xi32>
      %and3A_730 = arith.andi %eq3A_728, %lt3A_729 : vector<16xi1>
      %or3A_731 = arith.ori %gt3A_727, %and3A_730 : vector<16xi1>
      %select_n3A_732 = arith.select %or3A_731, %gather3A_723, %select_n3A_716 : vector<16xi1>, vector<16xf32>
      %select_n3A_733 = arith.select %or3A_731, %gather3A_726, %select_n3A_717 : vector<16xi1>, vector<16xi32>
      %xor3A_734 = arith.constant 2 : i32
      %xor3A_735 = vector.broadcast %xor3A_734 : i32 to vector<16xi32>
      %xor3A_736 = arith.xori %iota3A, %xor3A_735 : vector<16xi32>
      %reshape3A_737 = vector.shape_cast %xor3A_736 : vector<16xi32> to vector<16x1xi32>
      %gather3A_738 = vector.shape_cast %reshape3A_737 : vector<16x1xi32> to vector<16xi32>
      %gather3A_739 = tpu.dynamic_gather %select_n3A_732[%gather3A_738] in [0] : vector<16xf32>, vector<16xi32> -> vector<16xf32>
      %reshape3A_740 = vector.shape_cast %xor3A_736 : vector<16xi32> to vector<16x1xi32>
      %gather3A_741 = vector.shape_cast %reshape3A_740 : vector<16x1xi32> to vector<16xi32>
      %gather3A_742 = tpu.dynamic_gather %select_n3A_733[%gather3A_741] in [0] : vector<16xi32>, vector<16xi32> -> vector<16xi32>
      %gt3A_743 = arith.cmpf ogt, %gather3A_739, %select_n3A_732 : vector<16xf32>
      %eq3A_744 = arith.cmpf oeq, %gather3A_739, %select_n3A_732 : vector<16xf32>
      %lt3A_745 = arith.cmpi slt, %gather3A_742, %select_n3A_733 : vector<16xi32>
      %and3A_746 = arith.andi %eq3A_744, %lt3A_745 : vector<16xi1>
      %or3A_747 = arith.ori %gt3A_743, %and3A_746 : vector<16xi1>
      %select_n3A_748 = arith.select %or3A_747, %gather3A_739, %select_n3A_732 : vector<16xi1>, vector<16xf32>
      %select_n3A_749 = arith.select %or3A_747, %gather3A_742, %select_n3A_733 : vector<16xi1>, vector<16xi32>
      %xor3A_750 = arith.constant 1 : i32
      %xor3A_751 = vector.broadcast %xor3A_750 : i32 to vector<16xi32>
      %xor3A_752 = arith.xori %iota3A, %xor3A_751 : vector<16xi32>
      %reshape3A_753 = vector.shape_cast %xor3A_752 : vector<16xi32> to vector<16x1xi32>
      %gather3A_754 = vector.shape_cast %reshape3A_753 : vector<16x1xi32> to vector<16xi32>
      %gather3A_755 = tpu.dynamic_gather %select_n3A_748[%gather3A_754] in [0] : vector<16xf32>, vector<16xi32> -> vector<16xf32>
      %reshape3A_756 = vector.shape_cast %xor3A_752 : vector<16xi32> to vector<16x1xi32>
      %gather3A_757 = vector.shape_cast %reshape3A_756 : vector<16x1xi32> to vector<16xi32>
      %gather3A_758 = tpu.dynamic_gather %select_n3A_749[%gather3A_757] in [0] : vector<16xi32>, vector<16xi32> -> vector<16xi32>
      %gt3A_759 = arith.cmpf ogt, %gather3A_755, %select_n3A_748 : vector<16xf32>
      %eq3A_760 = arith.cmpf oeq, %gather3A_755, %select_n3A_748 : vector<16xf32>
      %lt3A_761 = arith.cmpi slt, %gather3A_758, %select_n3A_749 : vector<16xi32>
      %and3A_762 = arith.andi %eq3A_760, %lt3A_761 : vector<16xi1>
      %or3A_763 = arith.ori %gt3A_759, %and3A_762 : vector<16xi1>
      %select_n3A_764 = arith.select %or3A_763, %gather3A_755, %select_n3A_748 : vector<16xi1>, vector<16xf32>
      %select_n3A_765 = arith.select %or3A_763, %gather3A_758, %select_n3A_749 : vector<16xi1>, vector<16xi32>
      %eq3A_766 = arith.cmpf oeq, %select_n3A_695, %select_n3A_764 : vector<16xf32>
      %eq3A_767 = arith.cmpi eq, %select_n3A_700, %select_n3A_765 : vector<16xi32>
      %and3A_768 = arith.andi %eq3A_766, %eq3A_767 : vector<16xi1>
      %eq3A_769 = arith.constant 1 : i32
      %eq3A_770 = vector.broadcast %eq3A_769 : i32 to vector<16xi32>
      %eq3A_771 = arith.cmpi eq, %iota3A, %eq3A_770 : vector<16xi32>
      %select_n3A_772 = arith.select %eq3A_771, %select_n3A_764, %select_n3A_690 : vector<16xi1>, vector<16xf32>
      %eq3A_773 = arith.constant 1 : i32
      %eq3A_774 = vector.broadcast %eq3A_773 : i32 to vector<16xi32>
      %eq3A_775 = arith.cmpi eq, %iota3A, %eq3A_774 : vector<16xi32>
      %select_n3A_776 = arith.select %eq3A_775, %select_n3A_765, %select_n3A_694 : vector<16xi1>, vector<16xi32>
      %select_n3A_777 = arith.select %and3A_768, %select_n3A_696, %select_n3A_695 : vector<16xi1>, vector<16xf32>
      %select_n3A_778 = arith.select %and3A_768, %select_n3A_699, %select_n3A_696 : vector<16xi1>, vector<16xf32>
      %jit3A_779 = arith.constant 0xFF800000 : f32
      %broadcast_in_dim3A_780 = vector.broadcast %jit3A_779 : f32 to vector<16xf32>
      %select_n3A_781 = arith.select %and3A_768, %broadcast_in_dim3A_780, %select_n3A_699 : vector<16xi1>, vector<16xf32>
      %select_n3A_782 = arith.select %and3A_768, %select_n3A_701, %select_n3A_700 : vector<16xi1>, vector<16xi32>
      %select_n3A_783 = arith.select %and3A_768, %while3A_615#5, %select_n3A_701 : vector<16xi1>, vector<16xi32>
      %xor3A_784 = arith.constant 8 : i32
      %xor3A_785 = vector.broadcast %xor3A_784 : i32 to vector<16xi32>
      %xor3A_786 = arith.xori %iota3A, %xor3A_785 : vector<16xi32>
      %reshape3A_787 = vector.shape_cast %xor3A_786 : vector<16xi32> to vector<16x1xi32>
      %gather3A_788 = vector.shape_cast %reshape3A_787 : vector<16x1xi32> to vector<16xi32>
      %gather3A_789 = tpu.dynamic_gather %select_n3A_777[%gather3A_788] in [0] : vector<16xf32>, vector<16xi32> -> vector<16xf32>
      %reshape3A_790 = vector.shape_cast %xor3A_786 : vector<16xi32> to vector<16x1xi32>
      %gather3A_791 = vector.shape_cast %reshape3A_790 : vector<16x1xi32> to vector<16xi32>
      %gather3A_792 = tpu.dynamic_gather %select_n3A_782[%gather3A_791] in [0] : vector<16xi32>, vector<16xi32> -> vector<16xi32>
      %gt3A_793 = arith.cmpf ogt, %gather3A_789, %select_n3A_777 : vector<16xf32>
      %eq3A_794 = arith.cmpf oeq, %gather3A_789, %select_n3A_777 : vector<16xf32>
      %lt3A_795 = arith.cmpi slt, %gather3A_792, %select_n3A_782 : vector<16xi32>
      %and3A_796 = arith.andi %eq3A_794, %lt3A_795 : vector<16xi1>
      %or3A_797 = arith.ori %gt3A_793, %and3A_796 : vector<16xi1>
      %select_n3A_798 = arith.select %or3A_797, %gather3A_789, %select_n3A_777 : vector<16xi1>, vector<16xf32>
      %select_n3A_799 = arith.select %or3A_797, %gather3A_792, %select_n3A_782 : vector<16xi1>, vector<16xi32>
      %xor3A_800 = arith.constant 4 : i32
      %xor3A_801 = vector.broadcast %xor3A_800 : i32 to vector<16xi32>
      %xor3A_802 = arith.xori %iota3A, %xor3A_801 : vector<16xi32>
      %reshape3A_803 = vector.shape_cast %xor3A_802 : vector<16xi32> to vector<16x1xi32>
      %gather3A_804 = vector.shape_cast %reshape3A_803 : vector<16x1xi32> to vector<16xi32>
      %gather3A_805 = tpu.dynamic_gather %select_n3A_798[%gather3A_804] in [0] : vector<16xf32>, vector<16xi32> -> vector<16xf32>
      %reshape3A_806 = vector.shape_cast %xor3A_802 : vector<16xi32> to vector<16x1xi32>
      %gather3A_807 = vector.shape_cast %reshape3A_806 : vector<16x1xi32> to vector<16xi32>
      %gather3A_808 = tpu.dynamic_gather %select_n3A_799[%gather3A_807] in [0] : vector<16xi32>, vector<16xi32> -> vector<16xi32>
      %gt3A_809 = arith.cmpf ogt, %gather3A_805, %select_n3A_798 : vector<16xf32>
      %eq3A_810 = arith.cmpf oeq, %gather3A_805, %select_n3A_798 : vector<16xf32>
      %lt3A_811 = arith.cmpi slt, %gather3A_808, %select_n3A_799 : vector<16xi32>
      %and3A_812 = arith.andi %eq3A_810, %lt3A_811 : vector<16xi1>
      %or3A_813 = arith.ori %gt3A_809, %and3A_812 : vector<16xi1>
      %select_n3A_814 = arith.select %or3A_813, %gather3A_805, %select_n3A_798 : vector<16xi1>, vector<16xf32>
      %select_n3A_815 = arith.select %or3A_813, %gather3A_808, %select_n3A_799 : vector<16xi1>, vector<16xi32>
      %xor3A_816 = arith.constant 2 : i32
      %xor3A_817 = vector.broadcast %xor3A_816 : i32 to vector<16xi32>
      %xor3A_818 = arith.xori %iota3A, %xor3A_817 : vector<16xi32>
      %reshape3A_819 = vector.shape_cast %xor3A_818 : vector<16xi32> to vector<16x1xi32>
      %gather3A_820 = vector.shape_cast %reshape3A_819 : vector<16x1xi32> to vector<16xi32>
      %gather3A_821 = tpu.dynamic_gather %select_n3A_814[%gather3A_820] in [0] : vector<16xf32>, vector<16xi32> -> vector<16xf32>
      %reshape3A_822 = vector.shape_cast %xor3A_818 : vector<16xi32> to vector<16x1xi32>
      %gather3A_823 = vector.shape_cast %reshape3A_822 : vector<16x1xi32> to vector<16xi32>
      %gather3A_824 = tpu.dynamic_gather %select_n3A_815[%gather3A_823] in [0] : vector<16xi32>, vector<16xi32> -> vector<16xi32>
      %gt3A_825 = arith.cmpf ogt, %gather3A_821, %select_n3A_814 : vector<16xf32>
      %eq3A_826 = arith.cmpf oeq, %gather3A_821, %select_n3A_814 : vector<16xf32>
      %lt3A_827 = arith.cmpi slt, %gather3A_824, %select_n3A_815 : vector<16xi32>
      %and3A_828 = arith.andi %eq3A_826, %lt3A_827 : vector<16xi1>
      %or3A_829 = arith.ori %gt3A_825, %and3A_828 : vector<16xi1>
      %select_n3A_830 = arith.select %or3A_829, %gather3A_821, %select_n3A_814 : vector<16xi1>, vector<16xf32>
      %select_n3A_831 = arith.select %or3A_829, %gather3A_824, %select_n3A_815 : vector<16xi1>, vector<16xi32>
      %xor3A_832 = arith.constant 1 : i32
      %xor3A_833 = vector.broadcast %xor3A_832 : i32 to vector<16xi32>
      %xor3A_834 = arith.xori %iota3A, %xor3A_833 : vector<16xi32>
      %reshape3A_835 = vector.shape_cast %xor3A_834 : vector<16xi32> to vector<16x1xi32>
      %gather3A_836 = vector.shape_cast %reshape3A_835 : vector<16x1xi32> to vector<16xi32>
      %gather3A_837 = tpu.dynamic_gather %select_n3A_830[%gather3A_836] in [0] : vector<16xf32>, vector<16xi32> -> vector<16xf32>
      %reshape3A_838 = vector.shape_cast %xor3A_834 : vector<16xi32> to vector<16x1xi32>
      %gather3A_839 = vector.shape_cast %reshape3A_838 : vector<16x1xi32> to vector<16xi32>
      %gather3A_840 = tpu.dynamic_gather %select_n3A_831[%gather3A_839] in [0] : vector<16xi32>, vector<16xi32> -> vector<16xi32>
      %gt3A_841 = arith.cmpf ogt, %gather3A_837, %select_n3A_830 : vector<16xf32>
      %eq3A_842 = arith.cmpf oeq, %gather3A_837, %select_n3A_830 : vector<16xf32>
      %lt3A_843 = arith.cmpi slt, %gather3A_840, %select_n3A_831 : vector<16xi32>
      %and3A_844 = arith.andi %eq3A_842, %lt3A_843 : vector<16xi1>
      %or3A_845 = arith.ori %gt3A_841, %and3A_844 : vector<16xi1>
      %select_n3A_846 = arith.select %or3A_845, %gather3A_837, %select_n3A_830 : vector<16xi1>, vector<16xf32>
      %select_n3A_847 = arith.select %or3A_845, %gather3A_840, %select_n3A_831 : vector<16xi1>, vector<16xi32>
      %eq3A_848 = arith.cmpf oeq, %select_n3A_777, %select_n3A_846 : vector<16xf32>
      %eq3A_849 = arith.cmpi eq, %select_n3A_782, %select_n3A_847 : vector<16xi32>
      %and3A_850 = arith.andi %eq3A_848, %eq3A_849 : vector<16xi1>
      %eq3A_851 = arith.constant 2 : i32
      %eq3A_852 = vector.broadcast %eq3A_851 : i32 to vector<16xi32>
      %eq3A_853 = arith.cmpi eq, %iota3A, %eq3A_852 : vector<16xi32>
      %select_n3A_854 = arith.select %eq3A_853, %select_n3A_846, %select_n3A_772 : vector<16xi1>, vector<16xf32>
      %eq3A_855 = arith.constant 2 : i32
      %eq3A_856 = vector.broadcast %eq3A_855 : i32 to vector<16xi32>
      %eq3A_857 = arith.cmpi eq, %iota3A, %eq3A_856 : vector<16xi32>
      %select_n3A_858 = arith.select %eq3A_857, %select_n3A_847, %select_n3A_776 : vector<16xi1>, vector<16xi32>
      %select_n3A_859 = arith.select %and3A_850, %select_n3A_778, %select_n3A_777 : vector<16xi1>, vector<16xf32>
      %select_n3A_860 = arith.select %and3A_850, %select_n3A_781, %select_n3A_778 : vector<16xi1>, vector<16xf32>
      %jit3A_861 = arith.constant 0xFF800000 : f32
      %broadcast_in_dim3A_862 = vector.broadcast %jit3A_861 : f32 to vector<16xf32>
      %select_n3A_863 = arith.select %and3A_850, %broadcast_in_dim3A_862, %select_n3A_781 : vector<16xi1>, vector<16xf32>
      %select_n3A_864 = arith.select %and3A_850, %select_n3A_783, %select_n3A_782 : vector<16xi1>, vector<16xi32>
      %select_n3A_865 = arith.select %and3A_850, %while3A_615#5, %select_n3A_783 : vector<16xi1>, vector<16xi32>
      %swap3A_866 = arith.index_cast %add3A_478 : i32 to index
      %swap3A_867 = arith.constant 0 : index
      %swap3A_868 = tpu.vector_load %arg8[%swap3A_866, %swap3A_867] {strides = array<i32>} : memref<4x16xf32, #tpu.memory_space<vmem>>, vector<16xf32>,
      tpu.vector_store %arg8[%swap3A_866, %swap3A_867], %select_n3A_854 {strides = array<i32>} : memref<4x16xf32, #tpu.memory_space<vmem>>, vector<16xf32>,
      %swap3A_869 = arith.index_cast %add3A_478 : i32 to index
      %swap3A_870 = arith.constant 0 : index
      %swap3A_871 = tpu.vector_load %arg9[%swap3A_869, %swap3A_870] {strides = array<i32>} : memref<4x16xi32, #tpu.memory_space<vmem>>, vector<16xi32>,
      tpu.vector_store %arg9[%swap3A_869, %swap3A_870], %select_n3A_858 {strides = array<i32>} : memref<4x16xi32, #tpu.memory_space<vmem>>, vector<16xi32>,
    }
    %scan3A_52 = arith.constant 2 : i32
    "tpu.region"() ({
      %run_scoped3A = tpu.sem_alloc : memref<!tpu.dma_semaphore, #tpu.memory_space<semaphore_mem>>
      %dma_start3A_53 = arith.constant 0 : i32
      %dma_start3A_54 = tpu.memref_slice %arg3[%mul3A_2, %dma_start3A_53] : memref<128x16xf32, #tpu.memory_space<hbm>> -> memref<4x16xf32, #tpu.memory_space<hbm>>
      %dma_start3A_55 = arith.constant 0 : i32
      %dma_start3A_56 = tpu.memref_slice %arg3[%mul3A_2, %dma_start3A_55] : memref<128x16xf32, #tpu.memory_space<hbm>> -> memref<4x16xf32, #tpu.memory_space<hbm>>
      tpu.enqueue_dma source(%arg8 : memref<4x16xf32, #tpu.memory_space<vmem>>) target(%dma_start3A_56 : memref<4x16xf32, #tpu.memory_space<hbm>>) target_semaphore(%run_scoped3A : memref<!tpu.dma_semaphore, #tpu.memory_space<semaphore_mem>>)
      %dma_wait3A = arith.constant 0 : i32
      %dma_wait3A_57 = tpu.memref_slice %arg3[%mul3A_2, %dma_wait3A] : memref<128x16xf32, #tpu.memory_space<hbm>> -> memref<4x16xf32, #tpu.memory_space<hbm>>
      %dma_wait3A_58 = arith.constant 0 : i32
      %dma_wait3A_59 = tpu.memref_slice %arg3[%mul3A_2, %dma_wait3A_58] : memref<128x16xf32, #tpu.memory_space<hbm>> -> memref<4x16xf32, #tpu.memory_space<hbm>>
      tpu.wait_dma2 semaphore(%run_scoped3A : memref<!tpu.dma_semaphore, #tpu.memory_space<semaphore_mem>>) src(%arg8 : memref<4x16xf32, #tpu.memory_space<vmem>>) dst(%dma_wait3A_59 : memref<4x16xf32, #tpu.memory_space<hbm>>)
      tpu.yield
    }) : () -> ()
    "tpu.region"() ({
      %run_scoped3A = tpu.sem_alloc : memref<!tpu.dma_semaphore, #tpu.memory_space<semaphore_mem>>
      %dma_start3A_53 = arith.constant 0 : i32
      %dma_start3A_54 = tpu.memref_slice %arg4[%mul3A_2, %dma_start3A_53] : memref<128x16xi32, #tpu.memory_space<hbm>> -> memref<4x16xi32, #tpu.memory_space<hbm>>
      %dma_start3A_55 = arith.constant 0 : i32
      %dma_start3A_56 = tpu.memref_slice %arg4[%mul3A_2, %dma_start3A_55] : memref<128x16xi32, #tpu.memory_space<hbm>> -> memref<4x16xi32, #tpu.memory_space<hbm>>
      tpu.enqueue_dma source(%arg9 : memref<4x16xi32, #tpu.memory_space<vmem>>) target(%dma_start3A_56 : memref<4x16xi32, #tpu.memory_space<hbm>>) target_semaphore(%run_scoped3A : memref<!tpu.dma_semaphore, #tpu.memory_space<semaphore_mem>>)
      %dma_wait3A = arith.constant 0 : i32
      %dma_wait3A_57 = tpu.memref_slice %arg4[%mul3A_2, %dma_wait3A] : memref<128x16xi32, #tpu.memory_space<hbm>> -> memref<4x16xi32, #tpu.memory_space<hbm>>
      %dma_wait3A_58 = arith.constant 0 : i32
      %dma_wait3A_59 = tpu.memref_slice %arg4[%mul3A_2, %dma_wait3A_58] : memref<128x16xi32, #tpu.memory_space<hbm>> -> memref<4x16xi32, #tpu.memory_space<hbm>>
      tpu.wait_dma2 semaphore(%run_scoped3A : memref<!tpu.dma_semaphore, #tpu.memory_space<semaphore_mem>>) src(%arg9 : memref<4x16xi32, #tpu.memory_space<vmem>>) dst(%dma_wait3A_59 : memref<4x16xi32, #tpu.memory_space<hbm>>)
      tpu.yield
    }) : () -> ()
    return
  }
}

</mosaic_0001>

<sc_bundles>
// kernel: kernel.3.cloned.1.call-start
scs
__scs_entry_jumppad:
0x0: {  	(pc) =	sbr.rel $0x88, $3  }
0x1: {  	(tag) =	ssettag $0x0;
	lr =	simm.s32 $0x1  }
0x2: {  	[smem:$0x3FA0] =	sst lr;
	_ =	strace $0xD0000000  }
0x3: {  	_ = 	snop  }
0x4: {  	_ = 	snop  }
0x5: {  	_ = 	snop  }
0x6: {  	_ = 	snop  }
0x7: {  	_ = 	snop  }
__scs_overlays_trampoline_lowered:
0x8: {  	[smem:$0x3FAF] =	sst s0  }
0x9: {  	[smem:$0x3FB0] =	sst s1  }
0xa: {  	[smem:$0x3FB1] =	sst s2  }
0xb: {  	[smem:$0x3FB2] =	sst s3  }
0xc: {  	[smem:$0x3FB3] =	sst s4  }
0xd: {  	[smem:$0x3FB4] =	sst s5  }
0xe: {  	[smem:$0x3FB5] =	sst s6  }
0xf: {  	[smem:$0x3FB6] =	sst s7  }
0x10: {  	[smem:$0x3FB7] =	sst s8  }
0x11: {  	[smem:$0x3FB8] =	sst s9;
	s0 =	simm.s32 @!p0 $0x0  }
0x12: {  	s1 =	sld [smem:$0x3F9E];
	s0 =	simm.s32 @p0 $0x1  }
0x13: {  	[smem:$0x3FB9] =	sst s0;
	s0 =	simm.s32 @!p1 $0x0  }
0x14: {  	s2 =	sld [smem:$0x3F9D];
	s0 =	simm.s32 @p1 $0x1  }
0x15: {  	[smem:$0x3FBA] =	sst s0;
	s0 =	simm.s32 @!p2 $0x0  }
0x16: {  	s3 =	sld [smem:$0x3FDB];
	s0 =	simm.s32 @p2 $0x1  }
0x17: {  	s4 =	simm.s32 $0x1BF5;
	[smem:$0x3FBC] =	sst s0  }
0x18: {  	s0 =	sld [smem:$0x3F9F];
	_ =	swait.ge [sflag:s4], $0x0  }
0x19: {  	s7 =	sld [smem:$0x3FA0]  }
0x1a: {  	s8 =	sadd.s32 $0xFFFFE003, lr  }
0x1b: {  	s9 =	sadd.s32 $0xFFFFFEF7, lr;
	s5 =	simm.s32 $0xFFFFFFFF;
	p2 =	slt.u32 s8, $0xFFFFF086  }
0x1c: {  	p1 =	slt.u32 s9, $0xF7A;
	s5 =	simm.s32 @!p2 $0x0  }
0x1d: {  	s5 =	simm.s32 @p1 $0x1;
	p0 =	seq.s32 s7, s2  }
0x1e: {  	s7 =	smul.u32 @!p0 $0xF7A, s2;
	p2 =	seq.s32 @!p0 s5, $0x0  }
0x1f: {  	s9 =	smul.u32 $0xF7A, s1;
	s8 =	simm.s32 @!p0 $0x1BF5;
	p2 =	por !p2, p0  }
0x20: {  	[sflag:s8] =	ssyncset.s32 @!p0 $0xFFFFF086;
	s6 =	sadd.s32 @!p0 s3, s7;
	s7 =	simm.s32 @!p0 $0x108  }
0x21: {  	s3 =	sadd.s32 s3, s9;
	s6 =	sadd.s32 @!p0 $0x88, s6;
	s7 =	simm.s32 @p2 $0x1082  }
0x22: {  	[simem:s7], [sflag:s8] =	dma.local @!p0 [hbm:s6], $0xF7A  }
0x23: {  	s9 =	sor.u32 $0xD0000000, s2;
	s6 =	simm.s32 $0x108;
	_ =	swait.ge @!p0 [sflag:s8], $0x0  }
0x24: {  	s3 =	sadd.s32 $0x88, s3;
	s6 =	simm.s32 @!p1 $0x1082;
	[sflag:s4] =	ssyncset.s32 $0xFFFFF086  }
0x25: {  	[simem:s6], [sflag:s4] =	dma.local [hbm:s3], $0xF7A  }
0x26: {  	[smem:$0x3FA0] =	sst s1;
	(tag) =	ssettag s2;
	_ =	strace s9  }
0x27: {  	s1 =	sld [smem:$0x3FB0]  }
0x28: {  	s2 =	sld [smem:$0x3FB1]  }
0x29: {  	s4 =	sld [smem:$0x3FB3]  }
0x2a: {  	p0 =	seq.s32 s5, $0x0;
	s5 =	sld [smem:$0x3FB4]  }
0x2b: {  	s6 =	sld [smem:$0x3FB5]  }
0x2c: {  	s7 =	sld [smem:$0x3FB6]  }
0x2d: {  	s3 =	simm.s32 $0x108;
	s8 =	sld [smem:$0x3FB7]  }
0x2e: {  	s3 =	simm.s32 @!p0 $0x1082;
	s9 =	sld [smem:$0x3FB8]  }
0x2f: {  	lr =	sadd.s32 s0, s3;
	s0 =	sld [smem:$0x3FAF]  }
0x30: {  	s3 =	sld [smem:$0x3FB2]  }
0x31: {  	[smem:$0x3FBB] =	sst s10  }
0x32: {  	s10 =	sld [smem:$0x3FB9];
	_ =	sdelay $0x3  }
0x33: {  	p0 =	seq.s32 s10, $0x1;
	s10 =	sld [smem:$0x3FBB];
	_ =	sdelay $0x3  }
0x34: {  	[smem:$0x3FBB] =	sst s10  }
0x35: {  	s10 =	sld [smem:$0x3FBA];
	_ =	sdelay $0x3  }
0x36: {  	p1 =	seq.s32 s10, $0x1;
	s10 =	sld [smem:$0x3FBB];
	_ =	sdelay $0x3  }
0x37: {  	[smem:$0x3FBB] =	sst s10  }
0x38: {  	s10 =	sld [smem:$0x3FBC]  }
0x39: {  	_ = 	snop;
	(pc) =	sbr.ind lr, $3  }
0x3a: {  	_ = 	snop  }
0x3b: {  	_ = 	snop  }
0x3c: {  	p2 =	seq.s32 s10, $0x1;
	s10 =	sld [smem:$0x3FBB]  }
0x3d: {  	_ =	shalt  }
0x3e: {  	_ =	shalt  }
0x3f: {  	_ =	shalt  }
0x40: {  	_ =	shalt  }
0x41: {  	_ =	shalt  }
0x42: {  	_ =	shalt  }
0x43: {  	_ =	shalt  }
0x44: {  	_ =	shalt  }
0x45: {  	_ =	shalt  }
0x46: {  	_ =	shalt  }
0x47: {  	_ =	shalt  }
0x48: {  	_ =	shalt  }
0x49: {  	_ =	shalt  }
0x4a: {  	_ =	shalt  }
0x4b: {  	_ =	shalt  }
0x4c: {  	_ =	shalt  }
0x4d: {  	_ =	shalt  }
0x4e: {  	_ =	shalt  }
0x4f: {  	_ =	shalt  }
0x50: {  	_ =	shalt  }
0x51: {  	_ =	shalt  }
0x52: {  	_ =	shalt  }
0x53: {  	_ =	shalt  }
0x54: {  	_ =	shalt  }
0x55: {  	_ =	shalt  }
0x56: {  	_ =	shalt  }
0x57: {  	_ =	shalt  }
0x58: {  	_ =	shalt  }
0x59: {  	_ =	shalt  }
0x5a: {  	_ =	shalt  }
0x5b: {  	_ =	shalt  }
0x5c: {  	_ =	shalt  }
0x5d: {  	_ =	shalt  }
0x5e: {  	_ =	shalt  }
0x5f: {  	_ =	shalt  }
0x60: {  	_ =	shalt  }
0x61: {  	_ =	shalt  }
0x62: {  	_ =	shalt  }
0x63: {  	_ =	shalt  }
0x64: {  	_ =	shalt  }
0x65: {  	_ =	shalt  }
0x66: {  	_ =	shalt  }
0x67: {  	_ =	shalt  }
0x68: {  	_ =	shalt  }
0x69: {  	_ =	shalt  }
0x6a: {  	_ =	shalt  }
0x6b: {  	_ =	shalt  }
0x6c: {  	_ =	shalt  }
0x6d: {  	_ =	shalt  }
0x6e: {  	_ =	shalt  }
0x6f: {  	_ =	shalt  }
0x70: {  	_ =	shalt  }
0x71: {  	_ =	shalt  }
0x72: {  	_ =	shalt  }
0x73: {  	_ =	shalt  }
0x74: {  	_ =	shalt  }
0x75: {  	_ =	shalt  }
0x76: {  	_ =	shalt  }
0x77: {  	_ =	shalt  }
0x78: {  	_ =	shalt  }
0x79: {  	_ =	shalt  }
0x7a: {  	_ =	shalt  }
0x7b: {  	_ =	shalt  }
0x7c: {  	_ =	shalt  }
0x7d: {  	_ =	shalt  }
0x7e: {  	_ =	shalt  }
0x7f: {  	_ =	shalt  }
0x80: {  	_ =	shalt  }
0x81: {  	_ =	shalt  }
0x82: {  	_ =	shalt  }
0x83: {  	_ =	shalt  }
0x84: {  	_ =	shalt  }
0x85: {  	_ =	shalt  }
0x86: {  	_ =	shalt  }
0x87: {  	_ =	shalt  }
.Lfunc_end0:
.L_simem_size_0:
called_computation_lowered:
.L_overlay_start_0:
0x88: {  	s2 =	sld [smem:$0x3FD9]  }
0x89: {  	s3 =	sld [smem:$0x3FFE];
	_ =	sdelay $0x1  }
0x8a: {  	s1 =	srdreg.scid  }
0x8b: {  	s0 =	sand.u32 $0x1, s1  }
0x8c: {  	s17 =	sshll.u32 s0, $0xA;
	s2 =	sadd.s32 s3, s2  }
0x8d: {  	s2 =	sadd.s32 s2, s17  }
0x8e: {  	[smem:$0x3FC7] =	sst s2  }
0x8f: {  	_ = 	snop  }
0x90: {  	s2 =	sld [smem:$0x3FC9];
	(tm) =	ssettm $0x1  }
0x91: {  	s18 =	sld [smem:$0x3FFB];
	_ =	sdelay $0x3  }
0x92: {  	_ =	strace s18  }
0x93: {  	s3 =	sld [smem:$0x3FFC];
	_ =	sdelay $0x3  }
0x94: {  	_ =	strace s3  }
0x95: {  	s3 =	sld [smem:$0x3FFD];
	_ =	sdelay $0x3  }
0x96: {  	_ =	strace s3  }
0x97: {  	_ =	strace $0x8FFFFFFF  }
0x98: {  	s19 =	sld [smem:$0x3FDB];
	_ =	sdelay $0x1  }
0x99: {  	s4 =	simm.s32 $_scs_section_size  }
0x9a: {  	s5 =	simm.s32 $_size__tile_overlayer_lowered;
	s6 =	simm.s32 $_tile_overlayer_lowered  }
0x9b: {  	s22 =	simm.s32 $0x1BFF;
	s21 =	sshll.u32 s6, $0x1;
	s3 =	sadd.s32 s4, s19  }
0x9c: {  	s7 =	simm.s32 $0x0;
	s20 =	sshll.u32 s5, $0x1;
	s5 =	sadd.s32 s21, s3  }
0x9d: {  	[timem:s7], [sflag:s22] =	dma.local [hbm:s5], s20  }
0x9e: {  	_ =	swait.ge [sflag:s22], s20  }
0x9f: {  	s4 =	ssub.s32 $0x0, s20;
	[sflag:s22] =	ssyncset.done $0x0  }
0xa0: {  	[sflag:s22] =	ssyncadd.s32 s4;
	_ =	sdelay $0x1  }
0xa1: {  	s23 =	simm.s32 $0x1B8B  }
0xa2: {  	_ =	swait.ge [sflag:s23], $0x1  }
0xa3: {  	[sflag:s23] =	ssyncset.done $0x0  }
0xa4: {  	s25 =	simm.s32 $0x1B8E;
	s24 =	sld [smem:$0x3FFE];
	[sflag:s23] =	ssyncadd.s32 $0xFFFFFFFF  }
0xa5: {  	s26 =	simm.s32 $execute0_lowered;
	[smem:$0x3FD2] =	sst s25  }
0xa6: {  	s5 =	sshll.u32 s26, $0x1;
	_ =	strace $0x80000046;
	[dreg:$0x1] =	wrdreg $0xFFFFFFFF  }
0xa7: {  	s28 =	simm.s32 $_size_execute0_lowered;
	s3 =	sadd.s32 s3, s5;
	[dreg:$0x0] =	wrdreg $0x0  }
0xa8: {  	s5 =	sshll.u32 s28, $0x1;
	[dreg:$0x2] =	wrdreg s3  }
0xa9: {  	[dreg:$0x3] =	wrdreg s5  }
0xaa: {  	[dreg:$0x4] =	wrdreg $0xC0  }
0xab: {  	_ =	task [dreg:s7], $0x5FFFF  }
0xac: {  	[dreg:$0x1] =	wrdreg $0xFFFFFFFF  }
0xad: {  	[dreg:$0x0] =	wrdreg $0x60  }
0xae: {  	[dreg:$0x2] =	wrdreg s2  }
0xaf: {  	[dreg:$0x3] =	wrdreg s24  }
0xb0: {  	[dreg:$0x4] =	wrdreg $0x9  }
0xb1: {  	_ =	task.clear_ibuf [dreg:s7], $0x5FFFF;
	_ =	strace $0x90000046  }
0xb2: {  	s29 =	simm.s32 $0x9;
	_ =	strace $0x80000048  }
0xb3: {  	_ =	swait.ge [sflag:s29], $0x1  }
0xb4: {  	[sflag:s29] =	ssyncadd.s32 $0xFFFFFFFF  }
0xb5: {  	_ =	strace $0x90000048  }
0xb6: {  	_ =	sfence  }
0xb7: {  	s30 =	sld [smem:$0x0];
	_ =	sdelay $0x2  }
0xb8: {  	s31 =	sshll.u32 s1, $0xD;
	s1 =	sshrl.u32 s1, $0x2  }
0xb9: {  	s3 =	sand.u32 $0x4000, s31;
	s1 =	sadd.s32 s1, s30  }
0xba: {  	s0 =	sor.u32 s3, s0;
	s1 =	sshll.u32 s1, $0x11  }
0xbb: {  	s0 =	sor.u32 s1, s0  }
0xbc: {  	s0 =	sadd.s32 $0x8F2B, s0  }
0xbd: {  	[sflag:s0] =	ssyncadd.remote.s32 $0x1  }
0xbe: {  	_ =	sfence.sel $0xFFFF  }
0xbf: {  	[dreg:$0x0] =	wrdreg $0xFFFFFFFF;
	(pc) =	sbr.abs _section_cstart, $3  }
0xc0: {  	[dreg:$0x1] =	wrdreg $0xFFFFFFFF  }
0xc1: {  	_ =	task.clear_ibuf [dreg:s7], $0x2FFFF;
	_ =	strace $0x9FFFFFFF  }
0xc2: {  	(tm) =	ssettm $0x7FFFFFFF  }
0xc3: {  	_ =	shalt  }
tec
execute0_lowered:
.L_overlay_start_1:
0x0: {  	(tag) =	ssettag $0x1  }
0x1: {  	s0 =	srdreg.scid;
	s1 =	rddreg [dreg:$0x0]  }
0x2: {  	s8 =	stileid.u32;
	s5 =	rddreg [dreg:$0x1]  }
0x3: {  	s2 =	simm.s32 $0x0;
	s12 =	simm.s32 $0x80;
	s13 =	simm.s32 $0x400  }
0x4: {  	v0 =	vimm.s32 $0xFEDCBA98;
	s17 =	simm.s32 $0x8000;
	s18 =	simm.s32 $0x3;
	s19 =	simm.s32 $0x4  }
0x5: {  	v1 =	vimm.s32 $0x76543210;
	v3 =	vimm.s32 $0x32107654;
	s20 =	simm.s32 $0x5;
	s21 =	simm.s32 $0x6;
	s22 =	simm.s32 $0x10800  }
0x6: {  	v4 =	vimm.s32 $0xDCFE98BA;
	v5 =	vimm.s32 $0x54761032;
	s23 =	simm.s32 $0x2;
	s24 =	simm.s32 $0x11000;
	s25 =	simm.s32 $0x7  }
0x7: {  	v6 =	vimm.s32 $0xEFCDAB89;
	v7 =	vimm.s32 $0x67452301;
	s26 =	simm.s32 $0x11200;
	s28 =	simm.s32 $0x1;
	s29 =	simm.s32 $0x0  }
0x8: {  	v9 =	vimm.s32 $0x0;
	vm0 =	vcmask $0x30C;
	s0 =	sand.u32 $0x1, s0;
	s4 =	sshll.u32 s8, $0x12;
	[smem:$0x7FF] =	sst s2;
	v0 =	vunpack.c.l.s4.s8 v0  }
0x9: {  	s6 =	sshll.u32 s8, $0xA;
	v1 =	vunpack.c.l.s4.s8 v1;
	s8 =	sshll.u32 s8, $0xF;
	v3 =	vunpack.c.l.s4.s8 v3;
	v4 =	vunpack.c.l.s4.s8 v4;
	s3 =	sshll.u32 s0, $0x9  }
0xa: {  	v5 =	vunpack.c.l.s4.s8 v5;
	_ =	strace $0x80000047;
	s7 =	ssub.s32 $0x2, s0;
	s0 =	sshll.u32 s0, $0x6;
	v2 =	vunpack.c.0.s8.s32 v0;
	v0 =	vimm.s32 $0xBA98FEDC  }
0xb: {  	v6 =	vunpack.c.l.s4.s8 v6;
	v7 =	vunpack.c.l.s4.s8 v7;
	s4 =	sor.u32 s3, s4;
	s6 =	sor.u32 s3, s6;
	s30 =	sshrl.u32 s7, $0x1;
	v0 =	vunpack.c.l.s4.s8 v0  }
0xc: {  	s9 =	sadd.s32 s0, s1;
	v3 =	vunpack.c.0.s8.s32 v3;
	v4 =	vunpack.c.0.s8.s32 v4;
	v5 =	vunpack.c.0.s8.s32 v5;
	s4 =	sshrl.u32 s4, $0x3;
	s6 =	sshrl.u32 s6, $0x3  }
.Ltmp0:
0xd: {  	v6 =	vunpack.c.0.s8.s32 v6;
	v7 =	vunpack.c.0.s8.s32 v7;
	s11 =	ssub.s32 s7, s30;
	s31 =	sadd.s32 s8, s9;
	v0 =	vunpack.c.0.s8.s32 v0;
	(pc) =	sbr.rel .LBB2_1-.Ltmp0, $4  }
0xe: {  	v8 =	vunpack.c.0.s8.s32 v1;
	s3 =	sadd.s32 s1, s4;
	s10 =	sadd.s32 s6, s5;
	s1 =	sadd.s32 s1, s8;
	v1 =	vcombine.low v5, v4;
	v5 =	vlaneseq.u32  }
0xf: {  	s7 =	sadd.s32 $0x10, s31;
	s11 =	smax.u32 s11, $0x1;
	s4 =	sadd.s32 $0x2000, s3;
	v0 =	vcombine.low v3, v0;
	v3 =	vand.u32 $0xF, v2;
	v2 =	vcombine.low v7, v6  }
0x10: {  	vm1 =	vcmask $0x70C;
	s5 =	sadd.s32 $0x4000, s3;
	s6 =	sadd.s32 $0x6000, s3;
	s0 =	sadd.s32 s0, s1;
	v3 =	vcombine.low v3, v8;
	v8 =	vmul.u32 $0x80, v5  }
0x11: {  	s9 =	sadd.s32 $0x800, s10;
	s10 =	sadd.s32 $0x1000, s10;
	s8 =	sadd.s32 $0x20, s0;
	v6 =	vand.u32 $0xF, v1;
	v4 =	vand.u32 $0xF, v0;
	v7 =	vand.u32 $0xF, v2  }
.LBB2_26:
0x12: {  	[hbm4b:s9+s2] =	stream.linear.scatter [tilespmem:s24], [sflag:$0x7], $0x200, $0x38;
	[tilespmem:$0x11400] =	vst v63  }
0x13: {  	s29 =	sadd.s32 $0x1, s29;
	_ =	swait.ge [sflag:s25], $0x200  }
0x14: {  	p0 =	sne.s32 s29, s11;
	[sflag:s25] =	ssyncset.done $0x0  }
.Ltmp1:
0x15: {  	[sflag:s25] =	ssyncadd.s32 $0xFFFFFE00;
	(pc) =	sbr.rel @!p0 .LBB2_27-.Ltmp1, $4  }
0x16: {  	[hbm4b:s10+s2] =	stream.linear.scatter [tilespmem:s26], [sflag:$0x7], $0x200, $0x38;
	[tilespmem:$0x11400] =	vst v63  }
0x17: {  	_ =	swait.ge [sflag:s25], $0x200  }
0x18: {  	[sflag:s25] =	ssyncset.done $0x0  }
0x19: {  	[sflag:s25] =	ssyncadd.s32 $0xFFFFFE00  }
.LBB2_1:
0x1a: {  	[tilespmem:s2], [sflag:$0x3] =	stream.strided.gather [hbm4b:s3+s12], $0x2000, s13, s12, $0x38;
	[tilespmem:$0x11400] =	vst v63  }
0x1b: {  	s0 =	simm.s32 $0x2000  }
0x1c: {  	[tilespmem:s0], [sflag:$0x4] =	stream.strided.gather [hbm4b:s4+s12], $0x2000, s13, s12, $0x38;
	[tilespmem:$0x11400] =	vst v63  }
.Ltmp2:
0x1d: {  	_ = 	snop;
	(pc) =	sbr.rel .LBB2_2-.Ltmp2, $4  }
0x1e: {  	s16 =	simm.s32 $0x4000  }
0x1f: {  	[tilespmem:s16], [sflag:$0x5] =	stream.strided.gather [hbm4b:s5+s12], $0x2000, s13, s12, $0x38;
	[tilespmem:$0x11400] =	vst v63  }
0x20: {  	s31 =	simm.s32 $0x6000;
	p1 =	por $0x1, $0x1;
	s30 =	simm.s32 $0x0  }
0x21: {  	[tilespmem:s31], [sflag:$0x6] =	stream.strided.gather [hbm4b:s6+s12], $0x2000, s13, s12, $0x38;
	[tilespmem:$0x11400] =	vst v63  }
.LBB2_25:
0x22: {  	v10 =	vperm.xlane v17, v3;
	v11 =	vperm.xlane v16, v3;
	_ =	sdelay $0x1  }
0x23: {  	vm3 =	veq.f32 v10, v17;
	vm4 =	vlt.s32 v11, v16  }
0x24: {  	vm5 =	vgt.f32 v10, v17;
	vm3 =	vmand vm3, vm4  }
0x25: {  	vm3 =	vmor vm5, vm3  }
0x26: {  	v10 =	vsel vm3, v10, v17;
	v11 =	vsel vm3, v11, v16  }
0x27: {  	v18 =	vperm.xlane v10, v4;
	v19 =	vperm.xlane v11, v4;
	_ =	sdelay $0x1  }
0x28: {  	vm3 =	veq.f32 v18, v10;
	vm11 =	vlt.s32 v19, v11  }
0x29: {  	vm12 =	vgt.f32 v18, v10;
	vm3 =	vmand vm3, vm11  }
0x2a: {  	vm3 =	vmor vm12, vm3  }
0x2b: {  	v10 =	vsel vm3, v18, v10;
	v11 =	vsel vm3, v19, v11  }
0x2c: {  	v18 =	vperm.xlane v10, v6;
	v19 =	vperm.xlane v11, v6;
	_ =	sdelay $0x1  }
0x2d: {  	vm3 =	veq.f32 v18, v10;
	vm13 =	vlt.s32 v19, v11  }
0x2e: {  	vm14 =	vgt.f32 v18, v10;
	vm3 =	vmand vm3, vm13  }
0x2f: {  	vm3 =	vmor vm14, vm3  }
0x30: {  	v10 =	vsel vm3, v18, v10;
	v11 =	vsel vm3, v19, v11  }
0x31: {  	v18 =	vperm.xlane v10, v7;
	v19 =	vperm.xlane v11, v7;
	_ =	sdelay $0x1  }
0x32: {  	vm3 =	veq.f32 v18, v10;
	vm15 =	vlt.s32 v19, v11  }
0x33: {  	vm8 =	vgt.f32 v18, v10;
	vm3 =	vmand vm3, vm15  }
0x34: {  	vm3 =	vmor vm8, vm3  }
0x35: {  	v10 =	vsel vm3, v18, v10;
	v11 =	vsel vm3, v19, v11  }
0x36: {  	vm3 =	veq.f32 v17, v10;
	vm9 =	veq.s32 v16, v11  }
0x37: {  	vm3 =	vmand vm3, vm9  }
0x38: {  	v57 =	vsel vm3, v15, v17;
	v58 =	vsel vm3, v12, v16  }
0x39: {  	v59 =	vperm.xlane v57, v3;
	v60 =	vperm.xlane v58, v3;
	_ =	sdelay $0x1  }
0x3a: {  	vm10 =	veq.f32 v59, v57;
	vm11 =	vlt.s32 v60, v58  }
0x3b: {  	vm12 =	vgt.f32 v59, v57;
	vm4 =	vmand vm10, vm11  }
0x3c: {  	vm4 =	vmor vm12, vm4  }
0x3d: {  	v18 =	vsel vm4, v59, v57;
	v19 =	vsel vm4, v60, v58  }
0x3e: {  	v20 =	vperm.xlane v18, v4;
	v21 =	vperm.xlane v19, v4;
	_ =	sdelay $0x1  }
0x3f: {  	vm13 =	veq.f32 v20, v18;
	vm14 =	vlt.s32 v21, v19  }
0x40: {  	vm15 =	vgt.f32 v20, v18;
	vm4 =	vmand vm13, vm14  }
0x41: {  	vm4 =	vmor vm15, vm4  }
0x42: {  	v18 =	vsel vm4, v20, v18;
	v19 =	vsel vm4, v21, v19  }
0x43: {  	v20 =	vperm.xlane v18, v6;
	v21 =	vperm.xlane v19, v6;
	_ =	sdelay $0x1  }
0x44: {  	vm8 =	veq.f32 v20, v18;
	vm9 =	vlt.s32 v21, v19  }
0x45: {  	vm10 =	vgt.f32 v20, v18;
	vm4 =	vmand vm8, vm9  }
0x46: {  	vm4 =	vmor vm10, vm4  }
0x47: {  	v18 =	vsel vm4, v20, v18;
	v19 =	vsel vm4, v21, v19  }
0x48: {  	v20 =	vperm.xlane v18, v7;
	v21 =	vperm.xlane v19, v7;
	_ =	sdelay $0x1  }
0x49: {  	vm11 =	veq.f32 v20, v18;
	vm12 =	vlt.s32 v21, v19  }
0x4a: {  	vm13 =	vgt.f32 v20, v18;
	vm4 =	vmand vm11, vm12  }
0x4b: {  	vm4 =	vmor vm13, vm4  }
0x4c: {  	v18 =	vsel vm4, v20, v18;
	v19 =	vsel vm4, v21, v19  }
0x4d: {  	vm14 =	veq.f32 v57, v18;
	vm15 =	veq.s32 v58, v19  }
0x4e: {  	v13 =	vsel vm3, v13, v15;
	v61 =	vsel vm3, v14, v12;
	vm3 =	vmand vm14, vm15  }
0x4f: {  	v13 =	vsel vm3, v13, v57;
	v12 =	vsel vm3, v61, v58  }
0x50: {  	v62 =	vperm.xlane v13, v3;
	v63 =	vperm.xlane v12, v3;
	_ =	sdelay $0x1  }
0x51: {  	vm3 =	veq.f32 v62, v13;
	vm8 =	vlt.s32 v63, v12  }
0x52: {  	vm9 =	vgt.f32 v62, v13;
	vm3 =	vmand vm3, vm8  }
0x53: {  	vm3 =	vmor vm9, vm3  }
0x54: {  	v13 =	vsel vm3, v62, v13;
	v12 =	vsel vm3, v63, v12  }
0x55: {  	v14 =	vperm.xlane v13, v4;
	v15 =	vperm.xlane v12, v4;
	_ =	sdelay $0x1  }
0x56: {  	vm3 =	veq.f32 v14, v13;
	vm10 =	vlt.s32 v15, v12  }
0x57: {  	vm11 =	vgt.f32 v14, v13;
	vm3 =	vmand vm3, vm10  }
0x58: {  	vm3 =	vmor vm11, vm3  }
0x59: {  	v13 =	vsel vm3, v14, v13;
	v12 =	vsel vm3, v15, v12  }
0x5a: {  	v14 =	vperm.xlane v13, v6;
	v15 =	vperm.xlane v12, v6;
	_ =	sdelay $0x1  }
0x5b: {  	vm3 =	veq.f32 v14, v13;
	vm12 =	vlt.s32 v15, v12  }
0x5c: {  	vm13 =	vgt.f32 v14, v13;
	vm3 =	vmand vm3, vm12  }
0x5d: {  	vm3 =	vmor vm13, vm3  }
0x5e: {  	v13 =	vsel vm3, v14, v13;
	v12 =	vsel vm3, v15, v12  }
0x5f: {  	v14 =	vperm.xlane v13, v7;
	v15 =	vperm.xlane v12, v7;
	_ =	sdelay $0x1  }
0x60: {  	vm3 =	veq.f32 v14, v13;
	vm14 =	vlt.s32 v15, v12  }
0x61: {  	vm15 =	vgt.f32 v14, v13;
	vm3 =	vmand vm3, vm14  }
.Ltmp3:
0x62: {  	v10 =	vnsel vm2, $0x0, v10;
	vm3 =	vmor vm15, vm3;
	(pc) =	sbr.rel @!p0 .LBB2_26-.Ltmp3, $4  }
0x63: {  	v11 =	vnsel vm2, $0x0, v11;
	v10 =	vsel vm0, v10, v18;
	v13 =	vsel vm3, v14, v13  }
0x64: {  	v11 =	vsel vm0, v11, v19;
	v12 =	vsel vm3, v15, v12;
	v10 =	vsel vm1, v10, v13  }
0x65: {  	v11 =	vsel vm1, v11, v12;
	[tilespmem:s30+$0x11080] =	vst v10  }
0x66: {  	p1 =	por $0x0, $0x0;
	[tilespmem:s30+$0x11280] =	vst v11;
	s30 =	simm.s32 $0x1  }
.LBB2_2:
.Ltmp4:
0x67: {  	(pc) =	sbr.rel @!p1 .LBB2_12-.Ltmp4, $4  }
0x68: {  	_ = 	snop  }
0x69: {  	s0 =	sshll.u32 s30, $0x5  }
0x6a: {  	p0 =	por p1, p1;
	s0 =	sadd.s32 s0, s7  }
0x6b: {  	[tilespmem:s17], [sflag:$0x2] =	stream.strided.gather [hbm4b:s0+s12], $0x8000, s13, s12, $0x38;
	[tilespmem:$0x11400] =	vst v63  }
0x6c: {  	_ =	swait.ge [sflag:s18], $0x2000  }
0x6d: {  	[sflag:s18] =	ssyncset.done $0x0  }
0x6e: {  	s1 =	simm.s32 $0x100;
	[sflag:s18] =	ssyncadd.s32 $0xFFFFE000  }
0x6f: {  	v10 =	vld [tilespmem:s1+$0x70]  }
0x70: {  	v11 =	vld [tilespmem:s1+$0xF0]  }
0x71: {  	v12 =	vld [tilespmem:s1+$0xE0]  }
0x72: {  	v13 =	vld [tilespmem:s1+$0xD0]  }
0x73: {  	v14 =	vld [tilespmem:s1+$0xC0]  }
0x74: {  	v20 =	vld [tilespmem:s1+$0x0]  }
0x75: {  	v19 =	vld [tilespmem:s1+$0xFFFFFF10]  }
0x76: {  	v21 =	vld [tilespmem:s1+$0xFFFFFF20]  }
0x77: {  	v22 =	vld [tilespmem:s1+$0xFFFFFF30]  }
0x78: {  	v15 =	vld [tilespmem:s1+$0xFFFFFF40]  }
0x79: {  	v17 =	vld [tilespmem:s1+$0xFFFFFF50]  }
0x7a: {  	v16 =	vld [tilespmem:s1+$0xFFFFFF60]  }
0x7b: {  	v18 =	vld [tilespmem:s1+$0xFFFFFF70]  }
0x7c: {  	v23 =	vld [tilespmem:s1+$0xFFFFFF80]  }
0x7d: {  	v24 =	vld [tilespmem:s1+$0xFFFFFF90]  }
0x7e: {  	v25 =	vld [tilespmem:s1+$0xB0]  }
0x7f: {  	v26 =	vld [tilespmem:s1+$0x40]  }
0x80: {  	v27 =	vld [tilespmem:s1+$0xA0]  }
0x81: {  	v28 =	vld [tilespmem:s1+$0x50]  }
0x82: {  	v29 =	vld [tilespmem:s1+$0x60]  }
0x83: {  	v30 =	vld [tilespmem:s1+$0xFFFFFFC0]  }
0x84: {  	v31 =	vld [tilespmem:s1+$0xFFFFFFD0]  }
0x85: {  	v32 =	vld [tilespmem:s1+$0xFFFFFFE0]  }
0x86: {  	v33 =	vld [tilespmem:s1+$0xFFFFFFF0]  }
0x87: {  	v34 =	vld [tilespmem:s1+$0xFFFFFF00]  }
0x88: {  	v35 =	vld [tilespmem:s1+$0x10];
	v11 =	vmax.f32 v12, v11  }
0x89: {  	v12 =	vmax.f32 v14, v13;
	v14 =	vmax.f32 v23, v24;
	v23 =	vmax.f32 v16, v18;
	v16 =	vld [tilespmem:s1+$0x20]  }
0x8a: {  	v13 =	vmax.f32 v27, v25;
	v24 =	vmax.f32 v26, v28;
	v15 =	vmax.f32 v15, v17;
	v18 =	vld [tilespmem:s1+$0x30]  }
0x8b: {  	v25 =	vmax.f32 v29, v10;
	v10 =	vimm.f32 $-Inf;
	v17 =	vld [tilespmem:s1+$0x90];
	v22 =	vmax.f32 v21, v22  }
0x8c: {  	v21 =	vld [tilespmem:s1+$0xFFFFFFA0];
	v19 =	vmax.f32 v34, v19;
	v26 =	vmax.f32 v15, v23;
	v15 =	vmax.f32 v24, v25  }
0x8d: {  	s31 =	simm.s32 $0x10010;
	v24 =	vmax.f32 v30, v31;
	v25 =	vmax.f32 v32, v33;
	v23 =	vld [tilespmem:s1+$0xFFFFFFB0];
	v27 =	vmax.f32 v19, v22  }
0x8e: {  	s0 =	simm.s32 $0x0;
	s14 =	simm.s32 $0x300;
	v22 =	vmax.f32 v20, v35;
	v19 =	vmax.f32 v24, v25;
	v20 =	vmax.f32 v27, v26;
	v24 =	vld [tilespmem:s1+$0x80];
	s1 =	simm.s32 $0x10010  }
.LBB2_4:
0x8f: {  	v25 =	vld [tilespmem:s14+$0x70];
	s0 =	sadd.s32 $0x2, s0;
	s31 =	sadd.s32 $0x20, s31  }
0x90: {  	v26 =	vld [tilespmem:s14+$0xF0];
	p1 =	slt.u32 s0, $0x1E  }
0x91: {  	v27 =	vld [tilespmem:s14+$0xE0]  }
0x92: {  	v16 =	vmax.f32 v16, v18;
	v11 =	vmax.f32 v12, v11;
	v28 =	vld [tilespmem:s14+$0xD0];
	v21 =	vmax.f32 v21, v23  }
0x93: {  	v16 =	vmax.f32 v22, v16;
	v12 =	vld [tilespmem:s14+$0xC0];
	v14 =	vmax.f32 v14, v21;
	v17 =	vmax.f32 v24, v17  }
0x94: {  	v15 =	vmax.f32 v16, v15;
	v22 =	vld [tilespmem:s14+$0x0];
	v14 =	vmax.f32 v14, v19;
	v13 =	vmax.f32 v17, v13  }
0x95: {  	v19 =	vld [tilespmem:s14+$0xFFFFFF10];
	v14 =	vmax.f32 v20, v14;
	v13 =	vmax.f32 v13, v11  }
0x96: {  	v16 =	vld [tilespmem:s14+$0xFFFFFF20];
	v11 =	vmax.f32 v27, v26;
	[tilespmem:s1+$0xFFFFFFF0] =	vst v14;
	v10 =	vmax.f32 v10, v14;
	v13 =	vmax.f32 v15, v13  }
0x97: {  	v17 =	vld [tilespmem:s14+$0xFFFFFF30];
	[tilespmem:s1+$0x0] =	vst v13;
	v10 =	vmax.f32 v10, v13;
	s1 =	smov.u32 s31  }
0x98: {  	v15 =	vld [tilespmem:s14+$0xFFFFFF40];
	v12 =	vmax.f32 v12, v28  }
0x99: {  	v18 =	vld [tilespmem:s14+$0xFFFFFF50]  }
0x9a: {  	v13 =	vld [tilespmem:s14+$0xFFFFFF60]  }
0x9b: {  	v20 =	vld [tilespmem:s14+$0xFFFFFF70]  }
0x9c: {  	v14 =	vld [tilespmem:s14+$0xFFFFFF80]  }
0x9d: {  	v21 =	vld [tilespmem:s14+$0xFFFFFF90]  }
0x9e: {  	v23 =	vld [tilespmem:s14+$0xB0]  }
0x9f: {  	v24 =	vld [tilespmem:s14+$0x40]  }
0xa0: {  	v26 =	vld [tilespmem:s14+$0xA0]  }
0xa1: {  	v27 =	vld [tilespmem:s14+$0x50]  }
0xa2: {  	v28 =	vld [tilespmem:s14+$0x60]  }
0xa3: {  	v14 =	vmax.f32 v14, v21;
	v29 =	vld [tilespmem:s14+$0xFFFFFFC0]  }
0xa4: {  	v21 =	vld [tilespmem:s14+$0xFFFFFFD0]  }
0xa5: {  	v20 =	vmax.f32 v13, v20;
	v30 =	vld [tilespmem:s14+$0xFFFFFFE0];
	v13 =	vmax.f32 v26, v23  }
0xa6: {  	v23 =	vld [tilespmem:s14+$0xFFFFFFF0];
	v24 =	vmax.f32 v24, v27  }
0xa7: {  	v15 =	vmax.f32 v15, v18;
	v26 =	vld [tilespmem:s14+$0xFFFFFF00];
	v18 =	vmax.f32 v28, v25  }
0xa8: {  	v20 =	vmax.f32 v15, v20;
	v25 =	vld [tilespmem:s14+$0x10];
	v15 =	vmax.f32 v24, v18  }
0xa9: {  	v24 =	vmax.f32 v16, v17;
	v27 =	vmax.f32 v29, v21;
	v16 =	vld [tilespmem:s14+$0x20]  }
.Ltmp5:
0xaa: {  	v18 =	vld [tilespmem:s14+$0x30];
	(pc) =	sbr.rel @p1 .LBB2_4-.Ltmp5, $4  }
0xab: {  	v23 =	vmax.f32 v30, v23;
	v17 =	vld [tilespmem:s14+$0x90]  }
0xac: {  	v21 =	vld [tilespmem:s14+$0xFFFFFFA0];
	v26 =	vmax.f32 v26, v19;
	v19 =	vmax.f32 v27, v23  }
0xad: {  	v23 =	vld [tilespmem:s14+$0xFFFFFFB0];
	v24 =	vmax.f32 v26, v24;
	v22 =	vmax.f32 v22, v25  }
0xae: {  	v20 =	vmax.f32 v24, v20;
	v24 =	vld [tilespmem:s14+$0x80];
	s14 =	sadd.s32 $0x200, s14  }
0xaf: {  	_ =	sdelay $0x2  }
0xb0: {  	v16 =	vmax.f32 v16, v18;
	v21 =	vmax.f32 v21, v23  }
0xb1: {  	v11 =	vmax.f32 v12, v11;
	v12 =	vmax.f32 v14, v21;
	v14 =	vmax.f32 v24, v17  }
0xb2: {  	v16 =	vmax.f32 v22, v16;
	v12 =	vmax.f32 v12, v19;
	v13 =	vmax.f32 v14, v13  }
0xb3: {  	v14 =	vmax.f32 v16, v15;
	v12 =	vmax.f32 v20, v12;
	v11 =	vmax.f32 v13, v11  }
0xb4: {  	[tilespmem:s1+$0xFFFFFFF0] =	vst v12;
	v11 =	vmax.f32 v14, v11  }
0xb5: {  	[tilespmem:s1+$0x0] =	vst v11  }
0xb6: {  	_ =	swait.ge [sflag:s19], $0x2000  }
0xb7: {  	[sflag:s19] =	ssyncset.done $0x0  }
0xb8: {  	s16 =	simm.s32 $0x21F0;
	[sflag:s19] =	ssyncadd.s32 $0xFFFFE000  }
0xb9: {  	v15 =	vld [tilespmem:s16+$0xFFFFFF80]  }
0xba: {  	v13 =	vld [tilespmem:s16+$0x0]  }
0xbb: {  	v14 =	vld [tilespmem:s16+$0xFFFFFFF0]  }
0xbc: {  	v16 =	vld [tilespmem:s16+$0xFFFFFFE0]  }
0xbd: {  	v17 =	vld [tilespmem:s16+$0xFFFFFFD0]  }
0xbe: {  	v20 =	vld [tilespmem:s16+$0xFFFFFF10]  }
0xbf: {  	v19 =	vld [tilespmem:s16+$0xFFFFFE20]  }
0xc0: {  	v21 =	vld [tilespmem:s16+$0xFFFFFE30]  }
0xc1: {  	v22 =	vld [tilespmem:s16+$0xFFFFFE40]  }
0xc2: {  	v18 =	vld [tilespmem:s16+$0xFFFFFE50]  }
0xc3: {  	v23 =	vld [tilespmem:s16+$0xFFFFFE60]  }
0xc4: {  	v24 =	vld [tilespmem:s16+$0xFFFFFE70]  }
0xc5: {  	v25 =	vld [tilespmem:s16+$0xFFFFFE80]  }
0xc6: {  	v26 =	vld [tilespmem:s16+$0xFFFFFE90]  }
0xc7: {  	v27 =	vld [tilespmem:s16+$0xFFFFFEA0]  }
0xc8: {  	v28 =	vld [tilespmem:s16+$0xFFFFFFC0]  }
0xc9: {  	v29 =	vld [tilespmem:s16+$0xFFFFFF50]  }
0xca: {  	v30 =	vld [tilespmem:s16+$0xFFFFFFB0]  }
0xcb: {  	v31 =	vld [tilespmem:s16+$0xFFFFFF60]  }
0xcc: {  	v32 =	vld [tilespmem:s16+$0xFFFFFF70]  }
0xcd: {  	v33 =	vld [tilespmem:s16+$0xFFFFFED0]  }
0xce: {  	v34 =	vld [tilespmem:s16+$0xFFFFFEE0]  }
0xcf: {  	v35 =	vld [tilespmem:s16+$0xFFFFFEF0]  }
0xd0: {  	v36 =	vld [tilespmem:s16+$0xFFFFFF00]  }
0xd1: {  	v10 =	vmax.f32 v10, v12;
	v37 =	vld [tilespmem:s16+$0xFFFFFE10]  }
0xd2: {  	v10 =	vmax.f32 v10, v11;
	v38 =	vld [tilespmem:s16+$0xFFFFFF20]  }
0xd3: {  	v11 =	vmax.f32 v14, v13;
	v12 =	vmax.f32 v17, v16;
	v14 =	vmax.f32 v26, v27;
	v16 =	vld [tilespmem:s16+$0xFFFFFF30]  }
0xd4: {  	v17 =	vmax.f32 v24, v25;
	v13 =	vmax.f32 v30, v28;
	v23 =	vmax.f32 v18, v23;
	v18 =	vld [tilespmem:s16+$0xFFFFFF40]  }
0xd5: {  	v24 =	vmax.f32 v29, v31;
	v15 =	vmax.f32 v32, v15;
	v22 =	vmax.f32 v21, v22;
	v21 =	vld [tilespmem:s16+$0xFFFFFEB0]  }
0xd6: {  	v19 =	vmax.f32 v37, v19;
	v26 =	vmax.f32 v35, v36;
	v25 =	vmax.f32 v23, v17;
	v17 =	vld [tilespmem:s16+$0xFFFFFFA0]  }
0xd7: {  	s31 =	simm.s32 $0x10210;
	v15 =	vmax.f32 v24, v15;
	v24 =	vmax.f32 v33, v34;
	v23 =	vld [tilespmem:s16+$0xFFFFFEC0];
	v27 =	vmax.f32 v19, v22  }
0xd8: {  	s0 =	simm.s32 $0x20;
	s14 =	simm.s32 $0x23F0;
	s1 =	simm.s32 $0x10210;
	v22 =	vmax.f32 v20, v38;
	v19 =	vmax.f32 v24, v26;
	v20 =	vmax.f32 v27, v25;
	v24 =	vld [tilespmem:s16+$0xFFFFFF90]  }
.LBB2_6:
0xd9: {  	v25 =	vld [tilespmem:s14+$0xFFFFFF80];
	s0 =	sadd.s32 $0x2, s0;
	s31 =	sadd.s32 $0x20, s31  }
0xda: {  	v26 =	vld [tilespmem:s14+$0x0];
	p1 =	slt.u32 s0, $0x3E  }
0xdb: {  	v27 =	vld [tilespmem:s14+$0xFFFFFFF0]  }
0xdc: {  	v16 =	vmax.f32 v16, v18;
	v11 =	vmax.f32 v12, v11;
	v28 =	vld [tilespmem:s14+$0xFFFFFFE0];
	v21 =	vmax.f32 v21, v23  }
0xdd: {  	v16 =	vmax.f32 v22, v16;
	v12 =	vld [tilespmem:s14+$0xFFFFFFD0];
	v14 =	vmax.f32 v14, v21;
	v17 =	vmax.f32 v24, v17  }
0xde: {  	v15 =	vmax.f32 v16, v15;
	v22 =	vld [tilespmem:s14+$0xFFFFFF10];
	v14 =	vmax.f32 v14, v19;
	v13 =	vmax.f32 v17, v13  }
0xdf: {  	v19 =	vld [tilespmem:s14+$0xFFFFFE20];
	v14 =	vmax.f32 v20, v14;
	v13 =	vmax.f32 v13, v11  }
0xe0: {  	v16 =	vld [tilespmem:s14+$0xFFFFFE30];
	v11 =	vmax.f32 v27, v26;
	[tilespmem:s1+$0xFFFFFFF0] =	vst v14;
	v10 =	vmax.f32 v10, v14;
	v13 =	vmax.f32 v15, v13  }
0xe1: {  	v17 =	vld [tilespmem:s14+$0xFFFFFE40];
	[tilespmem:s1+$0x0] =	vst v13;
	v10 =	vmax.f32 v10, v13;
	s1 =	smov.u32 s31  }
0xe2: {  	v15 =	vld [tilespmem:s14+$0xFFFFFE50];
	v12 =	vmax.f32 v12, v28  }
0xe3: {  	v18 =	vld [tilespmem:s14+$0xFFFFFE60]  }
0xe4: {  	v13 =	vld [tilespmem:s14+$0xFFFFFE70]  }
0xe5: {  	v20 =	vld [tilespmem:s14+$0xFFFFFE80]  }
0xe6: {  	v14 =	vld [tilespmem:s14+$0xFFFFFE90]  }
0xe7: {  	v21 =	vld [tilespmem:s14+$0xFFFFFEA0]  }
0xe8: {  	v23 =	vld [tilespmem:s14+$0xFFFFFFC0]  }
0xe9: {  	v24 =	vld [tilespmem:s14+$0xFFFFFF50]  }
0xea: {  	v26 =	vld [tilespmem:s14+$0xFFFFFFB0]  }
0xeb: {  	v27 =	vld [tilespmem:s14+$0xFFFFFF60]  }
0xec: {  	v28 =	vld [tilespmem:s14+$0xFFFFFF70]  }
0xed: {  	v14 =	vmax.f32 v14, v21;
	v29 =	vld [tilespmem:s14+$0xFFFFFED0]  }
0xee: {  	v21 =	vld [tilespmem:s14+$0xFFFFFEE0]  }
0xef: {  	v20 =	vmax.f32 v13, v20;
	v30 =	vld [tilespmem:s14+$0xFFFFFEF0];
	v13 =	vmax.f32 v26, v23  }
0xf0: {  	v23 =	vld [tilespmem:s14+$0xFFFFFF00];
	v24 =	vmax.f32 v24, v27  }
0xf1: {  	v15 =	vmax.f32 v15, v18;
	v26 =	vld [tilespmem:s14+$0xFFFFFE10];
	v18 =	vmax.f32 v28, v25  }
0xf2: {  	v20 =	vmax.f32 v15, v20;
	v25 =	vld [tilespmem:s14+$0xFFFFFF20];
	v15 =	vmax.f32 v24, v18  }
0xf3: {  	v24 =	vmax.f32 v16, v17;
	v27 =	vmax.f32 v29, v21;
	v16 =	vld [tilespmem:s14+$0xFFFFFF30]  }
.Ltmp6:
0xf4: {  	v18 =	vld [tilespmem:s14+$0xFFFFFF40];
	(pc) =	sbr.rel @p1 .LBB2_6-.Ltmp6, $4  }
0xf5: {  	v23 =	vmax.f32 v30, v23;
	v17 =	vld [tilespmem:s14+$0xFFFFFFA0]  }
0xf6: {  	v21 =	vld [tilespmem:s14+$0xFFFFFEB0];
	v26 =	vmax.f32 v26, v19;
	v19 =	vmax.f32 v27, v23  }
0xf7: {  	v23 =	vld [tilespmem:s14+$0xFFFFFEC0];
	v24 =	vmax.f32 v26, v24;
	v22 =	vmax.f32 v22, v25  }
0xf8: {  	v20 =	vmax.f32 v24, v20;
	v24 =	vld [tilespmem:s14+$0xFFFFFF90];
	s14 =	sadd.s32 $0x200, s14  }
0xf9: {  	_ =	sdelay $0x2  }
0xfa: {  	v16 =	vmax.f32 v16, v18;
	v21 =	vmax.f32 v21, v23  }
0xfb: {  	v11 =	vmax.f32 v12, v11;
	v12 =	vmax.f32 v14, v21;
	v14 =	vmax.f32 v24, v17  }
0xfc: {  	v16 =	vmax.f32 v22, v16;
	v12 =	vmax.f32 v12, v19;
	v13 =	vmax.f32 v14, v13  }
0xfd: {  	v14 =	vmax.f32 v16, v15;
	v12 =	vmax.f32 v20, v12;
	v11 =	vmax.f32 v13, v11  }
0xfe: {  	[tilespmem:s1+$0xFFFFFFF0] =	vst v12;
	v11 =	vmax.f32 v14, v11  }
0xff: {  	[tilespmem:s1+$0x0] =	vst v11  }
0x100: {  	_ =	swait.ge [sflag:s20], $0x2000  }
0x101: {  	[sflag:s20] =	ssyncset.done $0x0  }
0x102: {  	s16 =	simm.s32 $0x41F0;
	[sflag:s20] =	ssyncadd.s32 $0xFFFFE000  }
0x103: {  	v15 =	vld [tilespmem:s16+$0xFFFFFF80]  }
0x104: {  	v13 =	vld [tilespmem:s16+$0x0]  }
0x105: {  	v14 =	vld [tilespmem:s16+$0xFFFFFFF0]  }
0x106: {  	v16 =	vld [tilespmem:s16+$0xFFFFFFE0]  }
0x107: {  	v17 =	vld [tilespmem:s16+$0xFFFFFFD0]  }
0x108: {  	v20 =	vld [tilespmem:s16+$0xFFFFFF10]  }
0x109: {  	v19 =	vld [tilespmem:s16+$0xFFFFFE20]  }
0x10a: {  	v21 =	vld [tilespmem:s16+$0xFFFFFE30]  }
0x10b: {  	v22 =	vld [tilespmem:s16+$0xFFFFFE40]  }
0x10c: {  	v18 =	vld [tilespmem:s16+$0xFFFFFE50]  }
0x10d: {  	v23 =	vld [tilespmem:s16+$0xFFFFFE60]  }
0x10e: {  	v24 =	vld [tilespmem:s16+$0xFFFFFE70]  }
0x10f: {  	v25 =	vld [tilespmem:s16+$0xFFFFFE80]  }
0x110: {  	v26 =	vld [tilespmem:s16+$0xFFFFFE90]  }
0x111: {  	v27 =	vld [tilespmem:s16+$0xFFFFFEA0]  }
0x112: {  	v28 =	vld [tilespmem:s16+$0xFFFFFFC0]  }
0x113: {  	v29 =	vld [tilespmem:s16+$0xFFFFFF50]  }
0x114: {  	v30 =	vld [tilespmem:s16+$0xFFFFFFB0]  }
0x115: {  	v31 =	vld [tilespmem:s16+$0xFFFFFF60]  }
0x116: {  	v32 =	vld [tilespmem:s16+$0xFFFFFF70]  }
0x117: {  	v33 =	vld [tilespmem:s16+$0xFFFFFED0]  }
0x118: {  	v34 =	vld [tilespmem:s16+$0xFFFFFEE0]  }
0x119: {  	v35 =	vld [tilespmem:s16+$0xFFFFFEF0]  }
0x11a: {  	v36 =	vld [tilespmem:s16+$0xFFFFFF00]  }
0x11b: {  	v10 =	vmax.f32 v10, v12;
	v37 =	vld [tilespmem:s16+$0xFFFFFE10]  }
0x11c: {  	v10 =	vmax.f32 v10, v11;
	v38 =	vld [tilespmem:s16+$0xFFFFFF20]  }
0x11d: {  	v11 =	vmax.f32 v14, v13;
	v12 =	vmax.f32 v17, v16;
	v14 =	vmax.f32 v26, v27;
	v16 =	vld [tilespmem:s16+$0xFFFFFF30]  }
0x11e: {  	v17 =	vmax.f32 v24, v25;
	v13 =	vmax.f32 v30, v28;
	v23 =	vmax.f32 v18, v23;
	v18 =	vld [tilespmem:s16+$0xFFFFFF40]  }
0x11f: {  	v24 =	vmax.f32 v29, v31;
	v15 =	vmax.f32 v32, v15;
	v22 =	vmax.f32 v21, v22;
	v21 =	vld [tilespmem:s16+$0xFFFFFEB0]  }
0x120: {  	v19 =	vmax.f32 v37, v19;
	v26 =	vmax.f32 v35, v36;
	v25 =	vmax.f32 v23, v17;
	v17 =	vld [tilespmem:s16+$0xFFFFFFA0]  }
0x121: {  	s31 =	simm.s32 $0x10410;
	v15 =	vmax.f32 v24, v15;
	v24 =	vmax.f32 v33, v34;
	v23 =	vld [tilespmem:s16+$0xFFFFFEC0];
	v27 =	vmax.f32 v19, v22  }
0x122: {  	s0 =	simm.s32 $0x40;
	s14 =	simm.s32 $0x43F0;
	s1 =	simm.s32 $0x10410;
	v22 =	vmax.f32 v20, v38;
	v19 =	vmax.f32 v24, v26;
	v20 =	vmax.f32 v27, v25;
	v24 =	vld [tilespmem:s16+$0xFFFFFF90]  }
.LBB2_8:
0x123: {  	v25 =	vld [tilespmem:s14+$0xFFFFFF80];
	s0 =	sadd.s32 $0x2, s0;
	s31 =	sadd.s32 $0x20, s31  }
0x124: {  	v26 =	vld [tilespmem:s14+$0x0];
	p1 =	slt.u32 s0, $0x5E  }
0x125: {  	v27 =	vld [tilespmem:s14+$0xFFFFFFF0]  }
0x126: {  	v16 =	vmax.f32 v16, v18;
	v11 =	vmax.f32 v12, v11;
	v28 =	vld [tilespmem:s14+$0xFFFFFFE0];
	v21 =	vmax.f32 v21, v23  }
0x127: {  	v16 =	vmax.f32 v22, v16;
	v12 =	vld [tilespmem:s14+$0xFFFFFFD0];
	v14 =	vmax.f32 v14, v21;
	v17 =	vmax.f32 v24, v17  }
0x128: {  	v15 =	vmax.f32 v16, v15;
	v22 =	vld [tilespmem:s14+$0xFFFFFF10];
	v14 =	vmax.f32 v14, v19;
	v13 =	vmax.f32 v17, v13  }
0x129: {  	v19 =	vld [tilespmem:s14+$0xFFFFFE20];
	v14 =	vmax.f32 v20, v14;
	v13 =	vmax.f32 v13, v11  }
0x12a: {  	v16 =	vld [tilespmem:s14+$0xFFFFFE30];
	v11 =	vmax.f32 v27, v26;
	[tilespmem:s1+$0xFFFFFFF0] =	vst v14;
	v10 =	vmax.f32 v10, v14;
	v13 =	vmax.f32 v15, v13  }
0x12b: {  	v17 =	vld [tilespmem:s14+$0xFFFFFE40];
	[tilespmem:s1+$0x0] =	vst v13;
	v10 =	vmax.f32 v10, v13;
	s1 =	smov.u32 s31  }
0x12c: {  	v15 =	vld [tilespmem:s14+$0xFFFFFE50];
	v12 =	vmax.f32 v12, v28  }
0x12d: {  	v18 =	vld [tilespmem:s14+$0xFFFFFE60]  }
0x12e: {  	v13 =	vld [tilespmem:s14+$0xFFFFFE70]  }
0x12f: {  	v20 =	vld [tilespmem:s14+$0xFFFFFE80]  }
0x130: {  	v14 =	vld [tilespmem:s14+$0xFFFFFE90]  }
0x131: {  	v21 =	vld [tilespmem:s14+$0xFFFFFEA0]  }
0x132: {  	v23 =	vld [tilespmem:s14+$0xFFFFFFC0]  }
0x133: {  	v24 =	vld [tilespmem:s14+$0xFFFFFF50]  }
0x134: {  	v26 =	vld [tilespmem:s14+$0xFFFFFFB0]  }
0x135: {  	v27 =	vld [tilespmem:s14+$0xFFFFFF60]  }
0x136: {  	v28 =	vld [tilespmem:s14+$0xFFFFFF70]  }
0x137: {  	v14 =	vmax.f32 v14, v21;
	v29 =	vld [tilespmem:s14+$0xFFFFFED0]  }
0x138: {  	v21 =	vld [tilespmem:s14+$0xFFFFFEE0]  }
0x139: {  	v20 =	vmax.f32 v13, v20;
	v30 =	vld [tilespmem:s14+$0xFFFFFEF0];
	v13 =	vmax.f32 v26, v23  }
0x13a: {  	v23 =	vld [tilespmem:s14+$0xFFFFFF00];
	v24 =	vmax.f32 v24, v27  }
0x13b: {  	v15 =	vmax.f32 v15, v18;
	v26 =	vld [tilespmem:s14+$0xFFFFFE10];
	v18 =	vmax.f32 v28, v25  }
0x13c: {  	v20 =	vmax.f32 v15, v20;
	v25 =	vld [tilespmem:s14+$0xFFFFFF20];
	v15 =	vmax.f32 v24, v18  }
0x13d: {  	v24 =	vmax.f32 v16, v17;
	v27 =	vmax.f32 v29, v21;
	v16 =	vld [tilespmem:s14+$0xFFFFFF30]  }
.Ltmp7:
0x13e: {  	v18 =	vld [tilespmem:s14+$0xFFFFFF40];
	(pc) =	sbr.rel @p1 .LBB2_8-.Ltmp7, $4  }
0x13f: {  	v23 =	vmax.f32 v30, v23;
	v17 =	vld [tilespmem:s14+$0xFFFFFFA0]  }
0x140: {  	v21 =	vld [tilespmem:s14+$0xFFFFFEB0];
	v26 =	vmax.f32 v26, v19;
	v19 =	vmax.f32 v27, v23  }
0x141: {  	v23 =	vld [tilespmem:s14+$0xFFFFFEC0];
	v24 =	vmax.f32 v26, v24;
	v22 =	vmax.f32 v22, v25  }
0x142: {  	v20 =	vmax.f32 v24, v20;
	v24 =	vld [tilespmem:s14+$0xFFFFFF90];
	s14 =	sadd.s32 $0x200, s14  }
0x143: {  	_ =	sdelay $0x2  }
0x144: {  	v16 =	vmax.f32 v16, v18;
	v21 =	vmax.f32 v21, v23  }
0x145: {  	v11 =	vmax.f32 v12, v11;
	v12 =	vmax.f32 v14, v21;
	v14 =	vmax.f32 v24, v17  }
0x146: {  	v16 =	vmax.f32 v22, v16;
	v12 =	vmax.f32 v12, v19;
	v13 =	vmax.f32 v14, v13  }
0x147: {  	v14 =	vmax.f32 v16, v15;
	v12 =	vmax.f32 v20, v12;
	v11 =	vmax.f32 v13, v11  }
0x148: {  	[tilespmem:s1+$0xFFFFFFF0] =	vst v12;
	v11 =	vmax.f32 v14, v11  }
0x149: {  	[tilespmem:s1+$0x0] =	vst v11  }
0x14a: {  	_ =	swait.ge [sflag:s21], $0x2000  }
0x14b: {  	[sflag:s21] =	ssyncset.done $0x0  }
0x14c: {  	s16 =	simm.s32 $0x61F0;
	[sflag:s21] =	ssyncadd.s32 $0xFFFFE000  }
0x14d: {  	v15 =	vld [tilespmem:s16+$0xFFFFFF80]  }
0x14e: {  	v13 =	vld [tilespmem:s16+$0x0]  }
0x14f: {  	v14 =	vld [tilespmem:s16+$0xFFFFFFF0]  }
0x150: {  	v16 =	vld [tilespmem:s16+$0xFFFFFFE0]  }
0x151: {  	v17 =	vld [tilespmem:s16+$0xFFFFFFD0]  }
0x152: {  	v20 =	vld [tilespmem:s16+$0xFFFFFF10]  }
0x153: {  	v19 =	vld [tilespmem:s16+$0xFFFFFE20]  }
0x154: {  	v21 =	vld [tilespmem:s16+$0xFFFFFE30]  }
0x155: {  	v22 =	vld [tilespmem:s16+$0xFFFFFE40]  }
0x156: {  	v18 =	vld [tilespmem:s16+$0xFFFFFE50]  }
0x157: {  	v23 =	vld [tilespmem:s16+$0xFFFFFE60]  }
0x158: {  	v24 =	vld [tilespmem:s16+$0xFFFFFE70]  }
0x159: {  	v25 =	vld [tilespmem:s16+$0xFFFFFE80]  }
0x15a: {  	v26 =	vld [tilespmem:s16+$0xFFFFFE90]  }
0x15b: {  	v27 =	vld [tilespmem:s16+$0xFFFFFEA0]  }
0x15c: {  	v28 =	vld [tilespmem:s16+$0xFFFFFFC0]  }
0x15d: {  	v29 =	vld [tilespmem:s16+$0xFFFFFF50]  }
0x15e: {  	v30 =	vld [tilespmem:s16+$0xFFFFFFB0]  }
0x15f: {  	v31 =	vld [tilespmem:s16+$0xFFFFFF60]  }
0x160: {  	v32 =	vld [tilespmem:s16+$0xFFFFFF70]  }
0x161: {  	v33 =	vld [tilespmem:s16+$0xFFFFFED0]  }
0x162: {  	v34 =	vld [tilespmem:s16+$0xFFFFFEE0]  }
0x163: {  	v35 =	vld [tilespmem:s16+$0xFFFFFEF0]  }
0x164: {  	v36 =	vld [tilespmem:s16+$0xFFFFFF00]  }
0x165: {  	v10 =	vmax.f32 v10, v12;
	v37 =	vld [tilespmem:s16+$0xFFFFFE10]  }
0x166: {  	v10 =	vmax.f32 v10, v11;
	v38 =	vld [tilespmem:s16+$0xFFFFFF20]  }
0x167: {  	v11 =	vmax.f32 v14, v13;
	v12 =	vmax.f32 v17, v16;
	v14 =	vmax.f32 v26, v27;
	v16 =	vld [tilespmem:s16+$0xFFFFFF30]  }
0x168: {  	v17 =	vmax.f32 v24, v25;
	v13 =	vmax.f32 v30, v28;
	v23 =	vmax.f32 v18, v23;
	v18 =	vld [tilespmem:s16+$0xFFFFFF40]  }
0x169: {  	v24 =	vmax.f32 v29, v31;
	v15 =	vmax.f32 v32, v15;
	v22 =	vmax.f32 v21, v22;
	v21 =	vld [tilespmem:s16+$0xFFFFFEB0]  }
0x16a: {  	v19 =	vmax.f32 v37, v19;
	v26 =	vmax.f32 v35, v36;
	v25 =	vmax.f32 v23, v17;
	v17 =	vld [tilespmem:s16+$0xFFFFFFA0]  }
0x16b: {  	s31 =	simm.s32 $0x10610;
	v15 =	vmax.f32 v24, v15;
	v24 =	vmax.f32 v33, v34;
	v23 =	vld [tilespmem:s16+$0xFFFFFEC0];
	v27 =	vmax.f32 v19, v22  }
0x16c: {  	s0 =	simm.s32 $0x60;
	s14 =	simm.s32 $0x63F0;
	s1 =	simm.s32 $0x10610;
	v22 =	vmax.f32 v20, v38;
	v19 =	vmax.f32 v24, v26;
	v20 =	vmax.f32 v27, v25;
	v24 =	vld [tilespmem:s16+$0xFFFFFF90]  }
.LBB2_10:
0x16d: {  	v25 =	vld [tilespmem:s14+$0xFFFFFF80];
	s0 =	sadd.s32 $0x2, s0;
	s31 =	sadd.s32 $0x20, s31  }
0x16e: {  	v26 =	vld [tilespmem:s14+$0x0];
	p1 =	slt.u32 s0, $0x7E  }
0x16f: {  	v27 =	vld [tilespmem:s14+$0xFFFFFFF0]  }
0x170: {  	v16 =	vmax.f32 v16, v18;
	v11 =	vmax.f32 v12, v11;
	v28 =	vld [tilespmem:s14+$0xFFFFFFE0];
	v21 =	vmax.f32 v21, v23  }
0x171: {  	v16 =	vmax.f32 v22, v16;
	v12 =	vld [tilespmem:s14+$0xFFFFFFD0];
	v14 =	vmax.f32 v14, v21;
	v17 =	vmax.f32 v24, v17  }
0x172: {  	v15 =	vmax.f32 v16, v15;
	v22 =	vld [tilespmem:s14+$0xFFFFFF10];
	v14 =	vmax.f32 v14, v19;
	v13 =	vmax.f32 v17, v13  }
0x173: {  	v19 =	vld [tilespmem:s14+$0xFFFFFE20];
	v14 =	vmax.f32 v20, v14;
	v13 =	vmax.f32 v13, v11  }
0x174: {  	v16 =	vld [tilespmem:s14+$0xFFFFFE30];
	v11 =	vmax.f32 v27, v26;
	[tilespmem:s1+$0xFFFFFFF0] =	vst v14;
	v10 =	vmax.f32 v10, v14;
	v13 =	vmax.f32 v15, v13  }
0x175: {  	v17 =	vld [tilespmem:s14+$0xFFFFFE40];
	[tilespmem:s1+$0x0] =	vst v13;
	v10 =	vmax.f32 v10, v13;
	s1 =	smov.u32 s31  }
0x176: {  	v15 =	vld [tilespmem:s14+$0xFFFFFE50];
	v12 =	vmax.f32 v12, v28  }
0x177: {  	v18 =	vld [tilespmem:s14+$0xFFFFFE60]  }
0x178: {  	v13 =	vld [tilespmem:s14+$0xFFFFFE70]  }
0x179: {  	v20 =	vld [tilespmem:s14+$0xFFFFFE80]  }
0x17a: {  	v14 =	vld [tilespmem:s14+$0xFFFFFE90]  }
0x17b: {  	v21 =	vld [tilespmem:s14+$0xFFFFFEA0]  }
0x17c: {  	v23 =	vld [tilespmem:s14+$0xFFFFFFC0]  }
0x17d: {  	v24 =	vld [tilespmem:s14+$0xFFFFFF50]  }
0x17e: {  	v26 =	vld [tilespmem:s14+$0xFFFFFFB0]  }
0x17f: {  	v27 =	vld [tilespmem:s14+$0xFFFFFF60]  }
0x180: {  	v28 =	vld [tilespmem:s14+$0xFFFFFF70]  }
0x181: {  	v14 =	vmax.f32 v14, v21;
	v29 =	vld [tilespmem:s14+$0xFFFFFED0]  }
0x182: {  	v21 =	vld [tilespmem:s14+$0xFFFFFEE0]  }
0x183: {  	v20 =	vmax.f32 v13, v20;
	v30 =	vld [tilespmem:s14+$0xFFFFFEF0];
	v13 =	vmax.f32 v26, v23  }
0x184: {  	v23 =	vld [tilespmem:s14+$0xFFFFFF00];
	v24 =	vmax.f32 v24, v27  }
0x185: {  	v15 =	vmax.f32 v15, v18;
	v26 =	vld [tilespmem:s14+$0xFFFFFE10];
	v18 =	vmax.f32 v28, v25  }
0x186: {  	v20 =	vmax.f32 v15, v20;
	v25 =	vld [tilespmem:s14+$0xFFFFFF20];
	v15 =	vmax.f32 v24, v18  }
0x187: {  	v24 =	vmax.f32 v16, v17;
	v27 =	vmax.f32 v29, v21;
	v16 =	vld [tilespmem:s14+$0xFFFFFF30]  }
.Ltmp8:
0x188: {  	v18 =	vld [tilespmem:s14+$0xFFFFFF40];
	(pc) =	sbr.rel @p1 .LBB2_10-.Ltmp8, $4  }
0x189: {  	v23 =	vmax.f32 v30, v23;
	v17 =	vld [tilespmem:s14+$0xFFFFFFA0]  }
0x18a: {  	v21 =	vld [tilespmem:s14+$0xFFFFFEB0];
	v26 =	vmax.f32 v26, v19;
	v19 =	vmax.f32 v27, v23  }
0x18b: {  	v23 =	vld [tilespmem:s14+$0xFFFFFEC0];
	v24 =	vmax.f32 v26, v24;
	v22 =	vmax.f32 v22, v25  }
0x18c: {  	v20 =	vmax.f32 v24, v20;
	v24 =	vld [tilespmem:s14+$0xFFFFFF90];
	s14 =	sadd.s32 $0x200, s14  }
0x18d: {  	_ =	sdelay $0x2  }
0x18e: {  	v16 =	vmax.f32 v16, v18;
	v21 =	vmax.f32 v21, v23  }
.Ltmp9:
0x18f: {  	v11 =	vmax.f32 v12, v11;
	v61 =	vmax.f32 v14, v21;
	v62 =	vmax.f32 v24, v17;
	(pc) =	sbr.rel .LBB2_15-.Ltmp9, $4  }
0x190: {  	v16 =	vmax.f32 v22, v16;
	v12 =	vmax.f32 v61, v19;
	v13 =	vmax.f32 v62, v13  }
0x191: {  	v63 =	vmax.f32 v16, v15;
	v12 =	vmax.f32 v20, v12;
	v11 =	vmax.f32 v13, v11  }
0x192: {  	[tilespmem:s1+$0xFFFFFFF0] =	vst v12;
	v10 =	vmax.f32 v10, v12;
	v11 =	vmax.f32 v63, v11  }
0x193: {  	[tilespmem:s1+$0x0] =	vst v11;
	v10 =	vmax.f32 v10, v11  }
.LBB2_12:
0x194: {  	_ =	swait.ge [sflag:s28], $0x8000  }
0x195: {  	[sflag:s28] =	ssyncset.done $0x0  }
0x196: {  	s1 =	simm.s32 $0x100;
	[sflag:s28] =	ssyncadd.s32 $0xFFFF8000  }
0x197: {  	v10 =	vld [tilespmem:s1+$0x70]  }
0x198: {  	v11 =	vld [tilespmem:s1+$0xF0]  }
0x199: {  	v12 =	vld [tilespmem:s1+$0xE0]  }
0x19a: {  	v13 =	vld [tilespmem:s1+$0xD0]  }
0x19b: {  	v14 =	vld [tilespmem:s1+$0xC0]  }
0x19c: {  	v20 =	vld [tilespmem:s1+$0x0]  }
0x19d: {  	v19 =	vld [tilespmem:s1+$0xFFFFFF10]  }
0x19e: {  	v21 =	vld [tilespmem:s1+$0xFFFFFF20]  }
0x19f: {  	v22 =	vld [tilespmem:s1+$0xFFFFFF30]  }
0x1a0: {  	v15 =	vld [tilespmem:s1+$0xFFFFFF40]  }
0x1a1: {  	v17 =	vld [tilespmem:s1+$0xFFFFFF50]  }
0x1a2: {  	v16 =	vld [tilespmem:s1+$0xFFFFFF60]  }
0x1a3: {  	v18 =	vld [tilespmem:s1+$0xFFFFFF70]  }
0x1a4: {  	v23 =	vld [tilespmem:s1+$0xFFFFFF80]  }
0x1a5: {  	v24 =	vld [tilespmem:s1+$0xFFFFFF90]  }
0x1a6: {  	v25 =	vld [tilespmem:s1+$0xB0]  }
0x1a7: {  	v26 =	vld [tilespmem:s1+$0x40]  }
0x1a8: {  	v27 =	vld [tilespmem:s1+$0xA0]  }
0x1a9: {  	v28 =	vld [tilespmem:s1+$0x50]  }
0x1aa: {  	v29 =	vld [tilespmem:s1+$0x60]  }
0x1ab: {  	v30 =	vld [tilespmem:s1+$0xFFFFFFC0]  }
0x1ac: {  	v31 =	vld [tilespmem:s1+$0xFFFFFFD0]  }
0x1ad: {  	v32 =	vld [tilespmem:s1+$0xFFFFFFE0]  }
0x1ae: {  	v33 =	vld [tilespmem:s1+$0xFFFFFFF0]  }
0x1af: {  	v34 =	vld [tilespmem:s1+$0xFFFFFF00]  }
0x1b0: {  	v35 =	vld [tilespmem:s1+$0x10];
	v11 =	vmax.f32 v12, v11  }
0x1b1: {  	v12 =	vmax.f32 v14, v13;
	v14 =	vmax.f32 v23, v24;
	v23 =	vmax.f32 v16, v18;
	v16 =	vld [tilespmem:s1+$0x20]  }
0x1b2: {  	v13 =	vmax.f32 v27, v25;
	v24 =	vmax.f32 v26, v28;
	v15 =	vmax.f32 v15, v17;
	v18 =	vld [tilespmem:s1+$0x30]  }
0x1b3: {  	v25 =	vmax.f32 v29, v10;
	v10 =	vimm.f32 $-Inf;
	v17 =	vld [tilespmem:s1+$0x90];
	v22 =	vmax.f32 v21, v22  }
0x1b4: {  	v21 =	vld [tilespmem:s1+$0xFFFFFFA0];
	v19 =	vmax.f32 v34, v19;
	v26 =	vmax.f32 v15, v23;
	v15 =	vmax.f32 v24, v25  }
0x1b5: {  	s31 =	simm.s32 $0x10010;
	v24 =	vmax.f32 v30, v31;
	v25 =	vmax.f32 v32, v33;
	v23 =	vld [tilespmem:s1+$0xFFFFFFB0];
	v27 =	vmax.f32 v19, v22  }
0x1b6: {  	s0 =	simm.s32 $0x0;
	s14 =	simm.s32 $0x300;
	v22 =	vmax.f32 v20, v35;
	v19 =	vmax.f32 v24, v25;
	v20 =	vmax.f32 v27, v26;
	v24 =	vld [tilespmem:s1+$0x80];
	s1 =	simm.s32 $0x10010  }
.LBB2_13:
0x1b7: {  	v25 =	vld [tilespmem:s14+$0x70];
	s0 =	sadd.s32 $0x2, s0;
	s31 =	sadd.s32 $0x20, s31  }
0x1b8: {  	v26 =	vld [tilespmem:s14+$0xF0];
	p1 =	slt.u32 s0, $0x7E  }
0x1b9: {  	v27 =	vld [tilespmem:s14+$0xE0]  }
0x1ba: {  	v16 =	vmax.f32 v16, v18;
	v11 =	vmax.f32 v12, v11;
	v28 =	vld [tilespmem:s14+$0xD0];
	v21 =	vmax.f32 v21, v23  }
0x1bb: {  	v16 =	vmax.f32 v22, v16;
	v12 =	vld [tilespmem:s14+$0xC0];
	v14 =	vmax.f32 v14, v21;
	v17 =	vmax.f32 v24, v17  }
0x1bc: {  	v15 =	vmax.f32 v16, v15;
	v22 =	vld [tilespmem:s14+$0x0];
	v14 =	vmax.f32 v14, v19;
	v13 =	vmax.f32 v17, v13  }
0x1bd: {  	v19 =	vld [tilespmem:s14+$0xFFFFFF10];
	v14 =	vmax.f32 v20, v14;
	v13 =	vmax.f32 v13, v11  }
0x1be: {  	v16 =	vld [tilespmem:s14+$0xFFFFFF20];
	v11 =	vmax.f32 v27, v26;
	[tilespmem:s1+$0xFFFFFFF0] =	vst v14;
	v10 =	vmax.f32 v10, v14;
	v13 =	vmax.f32 v15, v13  }
0x1bf: {  	v17 =	vld [tilespmem:s14+$0xFFFFFF30];
	[tilespmem:s1+$0x0] =	vst v13;
	v10 =	vmax.f32 v10, v13;
	s1 =	smov.u32 s31  }
0x1c0: {  	v15 =	vld [tilespmem:s14+$0xFFFFFF40];
	v12 =	vmax.f32 v12, v28  }
0x1c1: {  	v18 =	vld [tilespmem:s14+$0xFFFFFF50]  }
0x1c2: {  	v13 =	vld [tilespmem:s14+$0xFFFFFF60]  }
0x1c3: {  	v20 =	vld [tilespmem:s14+$0xFFFFFF70]  }
0x1c4: {  	v14 =	vld [tilespmem:s14+$0xFFFFFF80]  }
0x1c5: {  	v21 =	vld [tilespmem:s14+$0xFFFFFF90]  }
0x1c6: {  	v23 =	vld [tilespmem:s14+$0xB0]  }
0x1c7: {  	v24 =	vld [tilespmem:s14+$0x40]  }
0x1c8: {  	v26 =	vld [tilespmem:s14+$0xA0]  }
0x1c9: {  	v27 =	vld [tilespmem:s14+$0x50]  }
0x1ca: {  	v28 =	vld [tilespmem:s14+$0x60]  }
0x1cb: {  	v14 =	vmax.f32 v14, v21;
	v29 =	vld [tilespmem:s14+$0xFFFFFFC0]  }
0x1cc: {  	v21 =	vld [tilespmem:s14+$0xFFFFFFD0]  }
0x1cd: {  	v20 =	vmax.f32 v13, v20;
	v30 =	vld [tilespmem:s14+$0xFFFFFFE0];
	v13 =	vmax.f32 v26, v23  }
0x1ce: {  	v23 =	vld [tilespmem:s14+$0xFFFFFFF0];
	v24 =	vmax.f32 v24, v27  }
0x1cf: {  	v15 =	vmax.f32 v15, v18;
	v26 =	vld [tilespmem:s14+$0xFFFFFF00];
	v18 =	vmax.f32 v28, v25  }
0x1d0: {  	v20 =	vmax.f32 v15, v20;
	v25 =	vld [tilespmem:s14+$0x10];
	v15 =	vmax.f32 v24, v18  }
0x1d1: {  	v24 =	vmax.f32 v16, v17;
	v27 =	vmax.f32 v29, v21;
	v16 =	vld [tilespmem:s14+$0x20]  }
.Ltmp10:
0x1d2: {  	v18 =	vld [tilespmem:s14+$0x30];
	(pc) =	sbr.rel @p1 .LBB2_13-.Ltmp10, $4  }
0x1d3: {  	v23 =	vmax.f32 v30, v23;
	v17 =	vld [tilespmem:s14+$0x90]  }
0x1d4: {  	v21 =	vld [tilespmem:s14+$0xFFFFFFA0];
	v26 =	vmax.f32 v26, v19;
	v19 =	vmax.f32 v27, v23  }
0x1d5: {  	v23 =	vld [tilespmem:s14+$0xFFFFFFB0];
	v24 =	vmax.f32 v26, v24;
	v22 =	vmax.f32 v22, v25  }
0x1d6: {  	v20 =	vmax.f32 v24, v20;
	v24 =	vld [tilespmem:s14+$0x80];
	s14 =	sadd.s32 $0x200, s14  }
0x1d7: {  	_ =	sdelay $0x2  }
0x1d8: {  	v16 =	vmax.f32 v16, v18;
	v21 =	vmax.f32 v21, v23  }
0x1d9: {  	v11 =	vmax.f32 v12, v11;
	v61 =	vmax.f32 v14, v21;
	v62 =	vmax.f32 v24, v17  }
0x1da: {  	v16 =	vmax.f32 v22, v16;
	v12 =	vmax.f32 v61, v19;
	v13 =	vmax.f32 v62, v13  }
0x1db: {  	v63 =	vmax.f32 v16, v15;
	v12 =	vmax.f32 v20, v12;
	v11 =	vmax.f32 v13, v11  }
0x1dc: {  	[tilespmem:s1+$0xFFFFFFF0] =	vst v12;
	v10 =	vmax.f32 v10, v12;
	v11 =	vmax.f32 v63, v11  }
0x1dd: {  	[tilespmem:s1+$0x0] =	vst v11;
	v10 =	vmax.f32 v10, v11  }
.LBB2_15:
0x1de: {  	v11 =	vperm.xlane v10, v3;
	_ =	sdelay $0x1  }
0x1df: {  	v11 =	vmax.f32 v10, v11  }
0x1e0: {  	v12 =	vperm.xlane v11, v4;
	_ =	sdelay $0x1  }
0x1e1: {  	v11 =	vmax.f32 v11, v12  }
0x1e2: {  	v12 =	vperm.xlane v11, v6;
	_ =	sdelay $0x1  }
0x1e3: {  	v11 =	vmax.f32 v11, v12  }
0x1e4: {  	v12 =	vperm.xlane v11, v7;
	_ =	sdelay $0x1  }
0x1e5: {  	v11 =	vmax.f32 v11, v12  }
0x1e6: {  	vm2 =	veq.f32 v10, v11  }
0x1e7: {  	v10 =	vsel vm2, $0xFF800000, v10  }
0x1e8: {  	v11 =	vperm.xlane v10, v3;
	_ =	sdelay $0x1  }
0x1e9: {  	v11 =	vmax.f32 v10, v11  }
0x1ea: {  	v12 =	vperm.xlane v11, v4;
	_ =	sdelay $0x1  }
0x1eb: {  	v11 =	vmax.f32 v11, v12  }
0x1ec: {  	v12 =	vperm.xlane v11, v6;
	_ =	sdelay $0x1  }
0x1ed: {  	v11 =	vmax.f32 v11, v12  }
0x1ee: {  	v12 =	vperm.xlane v11, v7;
	_ =	sdelay $0x1  }
0x1ef: {  	v11 =	vmax.f32 v11, v12  }
0x1f0: {  	vm2 =	veq.f32 v10, v11  }
0x1f1: {  	v10 =	vsel vm2, $0xFF800000, v10  }
0x1f2: {  	v11 =	vperm.xlane v10, v3;
	_ =	sdelay $0x1  }
0x1f3: {  	v10 =	vmax.f32 v10, v11  }
0x1f4: {  	v11 =	vperm.xlane v10, v4;
	_ =	sdelay $0x1  }
0x1f5: {  	v10 =	vmax.f32 v10, v11  }
0x1f6: {  	s0 =	simm.s32 $0x10020;
	v11 =	vperm.xlane v10, v6  }
0x1f7: {  	v12 =	vld [tilespmem:s0+$0xFFFFFFE0]  }
0x1f8: {  	v10 =	vmax.f32 v10, v11;
	v11 =	vld [tilespmem:s0+$0xFFFFFFF0]  }
0x1f9: {  	v14 =	vld [tilespmem:s0+$0x0];
	v13 =	vperm.xlane v10, v7;
	_ =	sdelay $0x1  }
0x1fa: {  	s1 =	simm.s32 $0x0;
	s14 =	simm.s32 $0x10060;
	v15 =	vld [tilespmem:s0+$0x10];
	v10 =	vmax.f32 v10, v13  }
0x1fb: {  	v16 =	vor.u32 s1, v5;
	v18 =	vld [tilespmem:s14+$0xFFFFFFF0];
	v13 =	vimm.s32 $0x0;
	vm4 =	vge.f32 v12, v10  }
0x1fc: {  	v19 =	vld [tilespmem:s14+$0x0];
	v17 =	vadd.s32 v8, v13;
	v12 =	vsel vm4, $0x1, v9;
	vm2 =	vge.f32 v11, v10  }
0x1fd: {  	s16 =	simm.s32 $0x30;
	vm8 =	vge.f32 v14, v10;
	v11 =	vld [tilespmem:s14+$0xFFFFFFE0];
	v12 =	vadd.s32 v12, v13;
	v13 =	vsel vm2, $0x1, v9  }
0x1fe: {  	v25 =	vor.u32 s16, v5;
	v14 =	vsel vm8, $0x1, v9;
	v13 =	vadd.s32 v13, v12  }
0x1ff: {  	s15 =	simm.s32 $0x10;
	vm7 =	vge.f32 v15, v10;
	v20 =	vadd.s32 v8, v13;
	v13 =	vadd.s32 v14, v13  }
0x200: {  	v21 =	vld [tilespmem:s14+$0x10];
	v15 =	vor.u32 s15, v5;
	vm6 =	vge.f32 v18, v10;
	v22 =	vadd.s32 v8, v13  }
0x201: {  	vm5 =	vge.f32 v19, v10;
	vm2 =	vmmov vm2;
	v14 =	vsel vm7, $0x1, v9  }
0x202: {  	s14 =	simm.s32 $0x20;
	v23 =	vadd.s32 v14, v13;
	v14 =	vadd.s32 v8, v12;
	vm3 =	vge.f32 v11, v10  }
0x203: {  	v18 =	vsel vm6, $0x1, v9;
	v24 =	vor.u32 s14, v5;
	s14 =	simm.s32 $0x100A0;
	[tilespmem:v17+s22+$0x0] =	vst.idx.msk vm4, v16;
	v16 =	vsel vm3, $0x1, v9  }
0x204: {  	s1 =	simm.s32 $0x40;
	v19 =	vsel vm5, $0x1, v9;
	v13 =	vadd.s32 v8, v23;
	v11 =	vld [tilespmem:s14+$0xFFFFFFE0];
	v16 =	vadd.s32 v16, v23;
	[tilespmem:v20+s22+$0x0] =	vst.idx.msk vm8, v24  }
0x205: {  	s31 =	simm.s32 $0x8;
	s0 =	simm.s32 $0x40;
	v12 =	vor.u32 s1, v5;
	v17 =	vld [tilespmem:s14+$0xFFFFFFF0];
	vm4 =	vge.f32 v21, v10;
	v18 =	vadd.s32 v18, v16;
	[tilespmem:v22+s22+$0x0] =	vst.idx.msk vm7, v25  }
.LBB2_16:
0x206: {  	v21 =	vadd.s32 v8, v18  }
0x207: {  	s31 =	sadd.s32 $0x4, s31;
	v20 =	vld [tilespmem:s14+$0x0];
	v18 =	vadd.s32 v19, v18;
	v19 =	vsel vm4, $0x1, v9;
	[tilespmem:v14+s22+$0x0] =	vst.idx.msk vm2, v15;
	vm2 =	vmmov vm6  }
0x208: {  	v14 =	vadd.s32 v8, v16;
	s1 =	sadd.s32 $0x40, s1;
	p1 =	slt.u32 s31, $0x7C;
	v22 =	vld [tilespmem:s14+$0x10];
	v23 =	vadd.s32 v8, v18;
	v16 =	vadd.s32 v19, v18  }
.Ltmp11:
0x209: {  	s15 =	sadd.s32 $0x10, s0;
	s16 =	sadd.s32 $0x20, s0;
	[tilespmem:v13+s22+$0x0] =	vst.idx.msk vm3, v12;
	v13 =	vadd.s32 v8, v16;
	v12 =	vor.u32 s1, v5;
	(pc) =	sbr.rel @p1 .LBB2_16-.Ltmp11, $4  }
0x20a: {  	v15 =	vor.u32 s15, v5;
	v18 =	vor.u32 s16, v5;
	s15 =	sadd.s32 $0x30, s0;
	s0 =	smov.u32 s1;
	vm3 =	vge.f32 v11, v10  }
0x20b: {  	s14 =	sadd.s32 $0x40, s14;
	v24 =	vor.u32 s15, v5;
	v19 =	vsel vm3, $0x1, v9;
	vm6 =	vge.f32 v17, v10  }
0x20c: {  	v11 =	vld [tilespmem:s14+$0xFFFFFFE0];
	v16 =	vadd.s32 v19, v16;
	v19 =	vsel vm6, $0x1, v9;
	[tilespmem:v21+s22+$0x0] =	vst.idx.msk vm5, v18;
	vm5 =	vge.f32 v20, v10  }
0x20d: {  	v17 =	vld [tilespmem:s14+$0xFFFFFFF0];
	v18 =	vadd.s32 v19, v16;
	v19 =	vsel vm5, $0x1, v9;
	[tilespmem:v23+s22+$0x0] =	vst.idx.msk vm4, v24;
	vm4 =	vge.f32 v22, v10  }
0x20e: {  	v20 =	vld [tilespmem:s14+$0x0]  }
0x20f: {  	v21 =	vld [tilespmem:s14+$0x10];
	_ =	sdelay $0x1  }
0x210: {  	v19 =	vadd.s32 v19, v18;
	v22 =	vsel vm4, $0x1, v9;
	vm7 =	vge.f32 v11, v10  }
0x211: {  	v22 =	vadd.s32 v22, v19;
	v11 =	vsel vm7, $0x1, v9;
	vm10 =	vge.f32 v17, v10  }
0x212: {  	v17 =	vadd.s32 v11, v22;
	v11 =	vsel vm10, $0x1, v9;
	vm8 =	vge.f32 v20, v10  }
0x213: {  	vm9 =	vge.f32 v21, v10;
	v20 =	vadd.s32 v11, v17;
	v11 =	vsel vm8, $0x1, v9  }
0x214: {  	v10 =	vadd.s32 v11, v20;
	v11 =	vsel vm9, $0x1, v9  }
0x215: {  	v11 =	vadd.s32 v11, v10  }
0x216: {  	v21 =	vperm.xlane v11, v3;
	_ =	sdelay $0x1  }
0x217: {  	vm11 =	vgt.s32 v11, v21  }
0x218: {  	v21 =	vsel vm11, v11, v21  }
0x219: {  	v23 =	vperm.xlane v21, v0;
	_ =	sdelay $0x1  }
0x21a: {  	vm11 =	vgt.s32 v21, v23  }
0x21b: {  	v21 =	vsel vm11, v21, v23  }
0x21c: {  	v23 =	vperm.xlane v21, v1;
	_ =	sdelay $0x1  }
0x21d: {  	vm11 =	vgt.s32 v21, v23  }
0x21e: {  	v21 =	vsel vm11, v21, v23  }
0x21f: {  	v23 =	vperm.xlane v21, v2;
	_ =	sdelay $0x1  }
0x220: {  	vm11 =	vgt.s32 v21, v23  }
0x221: {  	v21 =	vsel vm11, v21, v23  }
0x222: {  	(v2sf) =	vpush v21, $0x0;
	_ =	sdelay $0x7  }
0x223: {  	v18 =	vadd.s32 v8, v18  }
0x224: {  	v19 =	vadd.s32 v8, v19;
	_ =	sdelay $0x1  }
0x225: {  	vm6 =	vmmov vm6;
	[tilespmem:v14+s22+$0x0] =	vst.idx.msk vm2, v15;
	s16 =	sadd.s32 $0x20, s0  }
0x226: {  	v16 =	vadd.s32 v8, v16;
	[tilespmem:v13+s22+$0x0] =	vst.idx.msk vm3, v12;
	s15 =	sadd.s32 $0x30, s0;
	v12 =	vor.u32 s16, v5  }
0x227: {  	s1 =	sadd.s32 $0x40, s1;
	v14 =	vadd.s32 v8, v22;
	[tilespmem:v18+s22+$0x0] =	vst.idx.msk vm5, v12;
	v12 =	vor.u32 s15, v5  }
0x228: {  	s16 =	sadd.s32 $0x10, s0;
	s14 =	sadd.s32 $0x20, s1;
	[tilespmem:v19+s22+$0x0] =	vst.idx.msk vm4, v12;
	v12 =	vadd.s32 v8, v17;
	v17 =	vor.u32 s1, v5  }
0x229: {  	s15 =	sadd.s32 $0x10, s1;
	v13 =	vadd.s32 v8, v20;
	v15 =	vadd.s32 v8, v10;
	v10 =	vor.u32 s16, v5;
	s16 =	sadd.s32 $0x30, s1;
	s1 =	spop (v2sf)  }
0x22a: {  	p1 =	slt.s32 s1, $0x1  }
.Ltmp12:
0x22b: {  	[tilespmem:v16+s22+$0x0] =	vst.idx.msk vm6, v10;
	(pc) =	sbr.rel @p1 .LBB2_19-.Ltmp12, $4  }
0x22c: {  	vm2 =	vmmov vm10;
	[tilespmem:v14+s22+$0x0] =	vst.idx.msk vm7, v17;
	v14 =	vor.u32 s15, v5  }
0x22d: {  	v18 =	vimm.f32 $-Inf;
	v19 =	vimm.s32 $0x0;
	v10 =	vor.u32 s14, v5;
	[tilespmem:v12+s22+$0x0] =	vst.idx.msk vm10, v14  }
0x22e: {  	v20 =	vimm.f32 $-Inf;
	v16 =	vor.u32 s16, v5;
	v17 =	vimm.f32 $-Inf;
	[tilespmem:v13+s22+$0x0] =	vst.idx.msk vm8, v10  }
0x22f: {  	s31 =	simm.s32 $0x0;
	v10 =	vimm.f32 $-Inf;
	[tilespmem:v15+s22+$0x0] =	vst.idx.msk vm9, v16;
	v16 =	vimm.s32 $0x0;
	v15 =	vimm.s32 $0x0  }
.LBB2_18:
0x230: {  	v12 =	vmov s31  }
0x231: {  	vm2 =	vlt.s32 v12, v11;
	v12 =	vadd.s32 s31, v8  }
0x232: {  	v12 =	vsel vm2, v12, v8;
	_ =	sdelay $0x4  }
0x233: {  	v12 =	vld.idx.msk [tilespmem:v12+s22+$0x0], $0xffff;
	_ =	sdelay $0x4  }
0x234: {  	v12 =	vnsel vm2, $0x0, v12  }
0x235: {  	v13 =	vshll.u32 v12, $0x4  }
0x236: {  	v14 =	vand.u32 $0xF, v12;
	v12 =	vand.u32 $0xFFFFFF00, v13  }
0x237: {  	v12 =	vor.u32 v14, v12;
	_ =	sdelay $0x4  }
0x238: {  	v21 =	vld.idx.msk [tilespmem:v12+s2+$0x0], $0xffff;
	_ =	sdelay $0x1  }
0x239: {  	v13 =	vor.u32 v13, v14  }
0x23a: {  	v13 =	vor.u32 $0xF0, v13;
	v22 =	vor.u32 $0x10, v12;
	vm5 =	vlt.s32 v12, v19  }
0x23b: {  	vm6 =	vlt.s32 v12, v15;
	vm7 =	vlt.s32 v12, v16;
	v45 =	vor.u32 $0x20, v12  }
0x23c: {  	v48 =	vor.u32 $0x40, v12;
	v51 =	vor.u32 $0x60, v12;
	v21 =	vnsel vm2, $0xFF800000, v21  }
0x23d: {  	v54 =	vor.u32 $0x80, v12;
	vm3 =	vgt.f32 v21, v20;
	vm4 =	veq.f32 v21, v20  }
0x23e: {  	vm13 =	veq.f32 v21, v17;
	vm14 =	veq.f32 v21, v18;
	vm8 =	vgt.f32 v21, v17  }
0x23f: {  	v23 =	vld.idx.msk [tilespmem:v22+s2+$0x0], $0xffff;
	vm15 =	vgt.f32 v21, v18;
	vm4 =	vmand vm4, vm5;
	vm5 =	vmand vm13, vm6  }
0x240: {  	vm6 =	vmand vm14, vm7;
	vm3 =	vmor vm3, vm4;
	vm8 =	vmor vm8, vm5  }
0x241: {  	vm9 =	vmor vm15, vm6;
	v24 =	vsel vm3, v21, v20;
	v25 =	vsel vm8, v21, v17  }
0x242: {  	v18 =	vsel vm9, v21, v18;
	v21 =	vsel vm8, v12, v15;
	v16 =	vsel vm9, v12, v16  }
0x243: {  	v20 =	vsel vm3, v20, v25;
	v17 =	vsel vm8, v17, v18;
	v18 =	vsel vm3, v12, v19  }
0x244: {  	v19 =	vsel vm3, v19, v21;
	v15 =	vsel vm8, v15, v16;
	v16 =	vnsel vm2, $0xFF800000, v23  }
0x245: {  	vm3 =	vgt.f32 v16, v24;
	vm10 =	veq.f32 v16, v24;
	vm11 =	vlt.s32 v22, v18  }
0x246: {  	vm12 =	veq.f32 v16, v20;
	vm13 =	vlt.s32 v22, v19;
	vm14 =	veq.f32 v16, v17  }
0x247: {  	vm15 =	vlt.s32 v22, v15;
	vm4 =	vmand vm10, vm11;
	vm5 =	vmand vm12, vm13  }
0x248: {  	v21 =	vld.idx.msk [tilespmem:v45+s2+$0x0], $0xffff;
	vm12 =	vgt.f32 v16, v20;
	vm6 =	vmand vm14, vm15;
	vm13 =	vgt.f32 v16, v17  }
0x249: {  	vm3 =	vmor vm3, vm4;
	vm14 =	vmor vm12, vm5;
	vm15 =	vmor vm13, vm6  }
0x24a: {  	v23 =	vsel vm3, v16, v24;
	v17 =	vsel vm15, v16, v17;
	v16 =	vsel vm14, v16, v20  }
0x24b: {  	v46 =	vsel vm14, v22, v19;
	v15 =	vsel vm15, v22, v15;
	v16 =	vsel vm3, v24, v16  }
0x24c: {  	v17 =	vsel vm14, v20, v17;
	v20 =	vsel vm3, v22, v18;
	v22 =	vor.u32 $0x30, v12  }
0x24d: {  	v18 =	vsel vm3, v18, v46;
	v15 =	vsel vm14, v19, v15;
	v19 =	vnsel vm2, $0xFF800000, v21  }
0x24e: {  	vm3 =	vgt.f32 v19, v23;
	vm8 =	veq.f32 v19, v23;
	vm9 =	vlt.s32 v45, v20  }
0x24f: {  	vm10 =	veq.f32 v19, v16;
	vm11 =	vlt.s32 v45, v18;
	vm12 =	veq.f32 v19, v17  }
0x250: {  	vm13 =	vlt.s32 v45, v15;
	vm14 =	vgt.f32 v19, v16;
	vm15 =	vgt.f32 v19, v17  }
0x251: {  	vm4 =	vmand vm8, vm9;
	vm5 =	vmand vm10, vm11;
	vm6 =	vmand vm12, vm13  }
0x252: {  	vm3 =	vmor vm3, vm4;
	vm8 =	vmor vm14, vm5;
	vm9 =	vmor vm15, vm6;
	v21 =	vld.idx.msk [tilespmem:v22+s2+$0x0], $0xffff  }
0x253: {  	v47 =	vsel vm3, v19, v23;
	v17 =	vsel vm9, v19, v17;
	v19 =	vsel vm8, v19, v16  }
0x254: {  	v57 =	vor.u32 $0xA0, v12;
	v15 =	vsel vm9, v45, v15;
	v19 =	vsel vm3, v23, v19  }
0x255: {  	v16 =	vsel vm8, v16, v17;
	v17 =	vsel vm3, v45, v20;
	v23 =	vsel vm8, v45, v18  }
0x256: {  	v15 =	vsel vm8, v18, v15;
	v20 =	vsel vm3, v20, v23;
	vm11 =	vlt.s32 v22, v17  }
0x257: {  	vm15 =	vlt.s32 v22, v15;
	vm13 =	vlt.s32 v22, v20;
	v18 =	vnsel vm2, $0xFF800000, v21  }
0x258: {  	vm3 =	vgt.f32 v18, v47;
	vm10 =	veq.f32 v18, v47;
	vm12 =	veq.f32 v18, v19  }
0x259: {  	vm14 =	veq.f32 v18, v16;
	vm4 =	vmand vm10, vm11;
	vm5 =	vmand vm12, vm13  }
0x25a: {  	v21 =	vld.idx.msk [tilespmem:v48+s2+$0x0], $0xffff;
	vm12 =	vgt.f32 v18, v19;
	vm6 =	vmand vm14, vm15;
	vm13 =	vgt.f32 v18, v16  }
0x25b: {  	vm3 =	vmor vm3, vm4;
	vm14 =	vmor vm12, vm5;
	vm15 =	vmor vm13, vm6  }
0x25c: {  	v23 =	vsel vm3, v18, v47;
	v16 =	vsel vm15, v18, v16;
	v18 =	vsel vm14, v18, v19  }
0x25d: {  	v49 =	vsel vm14, v22, v20;
	v15 =	vsel vm15, v22, v15;
	v18 =	vsel vm3, v47, v18  }
0x25e: {  	v16 =	vsel vm14, v19, v16;
	v19 =	vsel vm3, v22, v17;
	v22 =	vor.u32 $0x50, v12  }
0x25f: {  	v17 =	vsel vm3, v17, v49;
	v15 =	vsel vm14, v20, v15;
	v20 =	vnsel vm2, $0xFF800000, v21  }
0x260: {  	vm3 =	vgt.f32 v20, v23;
	vm8 =	veq.f32 v20, v23;
	vm9 =	vlt.s32 v48, v19  }
0x261: {  	vm10 =	veq.f32 v20, v18;
	vm11 =	vlt.s32 v48, v17;
	vm12 =	veq.f32 v20, v16  }
0x262: {  	vm13 =	vlt.s32 v48, v15;
	vm14 =	vgt.f32 v20, v18;
	vm15 =	vgt.f32 v20, v16  }
0x263: {  	vm4 =	vmand vm8, vm9;
	vm5 =	vmand vm10, vm11;
	vm6 =	vmand vm12, vm13  }
0x264: {  	vm3 =	vmor vm3, vm4;
	vm8 =	vmor vm14, vm5;
	vm9 =	vmor vm15, vm6;
	v21 =	vld.idx.msk [tilespmem:v22+s2+$0x0], $0xffff  }
0x265: {  	v50 =	vsel vm3, v20, v23;
	v16 =	vsel vm9, v20, v16;
	v20 =	vsel vm8, v20, v18  }
0x266: {  	v60 =	vor.u32 $0xC0, v12;
	v15 =	vsel vm9, v48, v15;
	v20 =	vsel vm3, v23, v20  }
0x267: {  	v16 =	vsel vm8, v18, v16;
	v18 =	vsel vm3, v48, v19;
	v23 =	vsel vm8, v48, v17  }
0x268: {  	v15 =	vsel vm8, v17, v15;
	v19 =	vsel vm3, v19, v23;
	vm11 =	vlt.s32 v22, v18  }
0x269: {  	vm15 =	vlt.s32 v22, v15;
	vm13 =	vlt.s32 v22, v19;
	v17 =	vnsel vm2, $0xFF800000, v21  }
0x26a: {  	vm3 =	vgt.f32 v17, v50;
	vm10 =	veq.f32 v17, v50;
	vm12 =	veq.f32 v17, v20  }
0x26b: {  	vm14 =	veq.f32 v17, v16;
	vm4 =	vmand vm10, vm11;
	vm5 =	vmand vm12, vm13  }
0x26c: {  	v21 =	vld.idx.msk [tilespmem:v51+s2+$0x0], $0xffff;
	vm12 =	vgt.f32 v17, v20;
	vm6 =	vmand vm14, vm15;
	vm13 =	vgt.f32 v17, v16  }
0x26d: {  	vm3 =	vmor vm3, vm4;
	vm14 =	vmor vm12, vm5;
	vm15 =	vmor vm13, vm6  }
0x26e: {  	v23 =	vsel vm3, v17, v50;
	v16 =	vsel vm15, v17, v16;
	v17 =	vsel vm14, v17, v20  }
0x26f: {  	v52 =	vsel vm14, v22, v19;
	v15 =	vsel vm15, v22, v15;
	v17 =	vsel vm3, v50, v17  }
0x270: {  	v16 =	vsel vm14, v20, v16;
	v20 =	vsel vm3, v22, v18;
	v22 =	vor.u32 $0x70, v12  }
0x271: {  	v18 =	vsel vm3, v18, v52;
	v15 =	vsel vm14, v19, v15;
	v19 =	vnsel vm2, $0xFF800000, v21  }
0x272: {  	vm3 =	vgt.f32 v19, v23;
	vm8 =	veq.f32 v19, v23;
	vm9 =	vlt.s32 v51, v20  }
0x273: {  	vm10 =	veq.f32 v19, v17;
	vm11 =	vlt.s32 v51, v18;
	vm12 =	veq.f32 v19, v16  }
0x274: {  	vm13 =	vlt.s32 v51, v15;
	vm14 =	vgt.f32 v19, v17;
	vm15 =	vgt.f32 v19, v16  }
0x275: {  	vm4 =	vmand vm8, vm9;
	vm5 =	vmand vm10, vm11;
	vm6 =	vmand vm12, vm13  }
0x276: {  	vm3 =	vmor vm3, vm4;
	vm8 =	vmor vm14, vm5;
	vm9 =	vmor vm15, vm6;
	v21 =	vld.idx.msk [tilespmem:v22+s2+$0x0], $0xffff  }
0x277: {  	v53 =	vsel vm3, v19, v23;
	v16 =	vsel vm9, v19, v16;
	v19 =	vsel vm8, v19, v17  }
0x278: {  	v63 =	vor.u32 $0xE0, v12;
	v15 =	vsel vm9, v51, v15;
	v19 =	vsel vm3, v23, v19  }
0x279: {  	v16 =	vsel vm8, v17, v16;
	v17 =	vsel vm3, v51, v20;
	v23 =	vsel vm8, v51, v18  }
0x27a: {  	v15 =	vsel vm8, v18, v15;
	v20 =	vsel vm3, v20, v23;
	vm11 =	vlt.s32 v22, v17  }
0x27b: {  	vm15 =	vlt.s32 v22, v15;
	vm13 =	vlt.s32 v22, v20;
	v18 =	vnsel vm2, $0xFF800000, v21  }
0x27c: {  	vm3 =	vgt.f32 v18, v53;
	vm10 =	veq.f32 v18, v53;
	vm12 =	veq.f32 v18, v19  }
0x27d: {  	vm14 =	veq.f32 v18, v16;
	vm4 =	vmand vm10, vm11;
	vm5 =	vmand vm12, vm13  }
0x27e: {  	v21 =	vld.idx.msk [tilespmem:v54+s2+$0x0], $0xffff;
	vm12 =	vgt.f32 v18, v19;
	vm6 =	vmand vm14, vm15;
	vm13 =	vgt.f32 v18, v16  }
0x27f: {  	vm3 =	vmor vm3, vm4;
	vm14 =	vmor vm12, vm5;
	vm15 =	vmor vm13, vm6  }
0x280: {  	v23 =	vsel vm3, v18, v53;
	v16 =	vsel vm15, v18, v16;
	v18 =	vsel vm14, v18, v19  }
0x281: {  	v55 =	vsel vm14, v22, v20;
	v15 =	vsel vm15, v22, v15;
	v18 =	vsel vm3, v53, v18  }
0x282: {  	v16 =	vsel vm14, v19, v16;
	v19 =	vsel vm3, v22, v17;
	v22 =	vor.u32 $0x90, v12  }
0x283: {  	v17 =	vsel vm3, v17, v55;
	v15 =	vsel vm14, v20, v15;
	v20 =	vnsel vm2, $0xFF800000, v21  }
0x284: {  	vm3 =	vgt.f32 v20, v23;
	vm8 =	veq.f32 v20, v23;
	vm9 =	vlt.s32 v54, v19  }
0x285: {  	v13 =	vld.idx.msk [tilespmem:v13+s2+$0x0], $0xffff;
	vm10 =	veq.f32 v20, v18;
	vm11 =	vlt.s32 v54, v17;
	vm12 =	veq.f32 v20, v16  }
0x286: {  	vm13 =	vlt.s32 v54, v15;
	vm14 =	vgt.f32 v20, v18;
	vm15 =	vgt.f32 v20, v16  }
0x287: {  	vm4 =	vmand vm8, vm9;
	vm5 =	vmand vm10, vm11;
	vm6 =	vmand vm12, vm13  }
0x288: {  	vm3 =	vmor vm3, vm4;
	vm8 =	vmor vm14, vm5;
	vm9 =	vmor vm15, vm6;
	v21 =	vld.idx.msk [tilespmem:v22+s2+$0x0], $0xffff  }
0x289: {  	v56 =	vsel vm3, v20, v23;
	v16 =	vsel vm9, v20, v16;
	v20 =	vsel vm8, v20, v18  }
0x28a: {  	v13 =	vnsel vm2, $0xFF800000, v13;
	v15 =	vsel vm9, v54, v15;
	v20 =	vsel vm3, v23, v20  }
0x28b: {  	v16 =	vsel vm8, v18, v16;
	v18 =	vsel vm3, v54, v19;
	v23 =	vsel vm8, v54, v17  }
0x28c: {  	v15 =	vsel vm8, v17, v15;
	v19 =	vsel vm3, v19, v23;
	vm11 =	vlt.s32 v22, v18  }
0x28d: {  	vm15 =	vlt.s32 v22, v15;
	vm13 =	vlt.s32 v22, v19;
	v17 =	vnsel vm2, $0xFF800000, v21  }
0x28e: {  	vm3 =	vgt.f32 v17, v56;
	vm10 =	veq.f32 v17, v56;
	vm12 =	veq.f32 v17, v20  }
0x28f: {  	vm14 =	veq.f32 v17, v16;
	vm4 =	vmand vm10, vm11;
	vm5 =	vmand vm12, vm13  }
0x290: {  	v21 =	vld.idx.msk [tilespmem:v57+s2+$0x0], $0xffff;
	vm12 =	vgt.f32 v17, v20;
	vm6 =	vmand vm14, vm15;
	vm13 =	vgt.f32 v17, v16  }
0x291: {  	vm3 =	vmor vm3, vm4;
	vm14 =	vmor vm12, vm5;
	vm15 =	vmor vm13, vm6  }
0x292: {  	v23 =	vsel vm3, v17, v56;
	v16 =	vsel vm15, v17, v16;
	v17 =	vsel vm14, v17, v20  }
0x293: {  	v58 =	vsel vm14, v22, v19;
	v15 =	vsel vm15, v22, v15;
	v17 =	vsel vm3, v56, v17  }
0x294: {  	v16 =	vsel vm14, v20, v16;
	v20 =	vsel vm3, v22, v18;
	v22 =	vor.u32 $0xB0, v12  }
0x295: {  	v18 =	vsel vm3, v18, v58;
	v15 =	vsel vm14, v19, v15;
	v19 =	vnsel vm2, $0xFF800000, v21  }
0x296: {  	vm3 =	vgt.f32 v19, v23;
	vm8 =	veq.f32 v19, v23;
	vm9 =	vlt.s32 v57, v20  }
0x297: {  	vm10 =	veq.f32 v19, v17;
	vm11 =	vlt.s32 v57, v18;
	vm12 =	veq.f32 v19, v16  }
0x298: {  	vm13 =	vlt.s32 v57, v15;
	vm14 =	vgt.f32 v19, v17;
	vm15 =	vgt.f32 v19, v16  }
0x299: {  	vm4 =	vmand vm8, vm9;
	vm5 =	vmand vm10, vm11;
	vm6 =	vmand vm12, vm13;
	v21 =	vld.idx.msk [tilespmem:v22+s2+$0x0], $0xffff  }
0x29a: {  	vm3 =	vmor vm3, vm4;
	vm9 =	vmor vm14, vm5;
	vm10 =	vmor vm15, vm6  }
0x29b: {  	v59 =	vsel vm3, v19, v23;
	v16 =	vsel vm10, v19, v16;
	v19 =	vsel vm9, v19, v17  }
0x29c: {  	v15 =	vsel vm10, v57, v15;
	v19 =	vsel vm3, v23, v19;
	v16 =	vsel vm9, v17, v16  }
0x29d: {  	v17 =	vsel vm3, v57, v20;
	v23 =	vsel vm9, v57, v18;
	v15 =	vsel vm9, v18, v15  }
0x29e: {  	v20 =	vsel vm3, v20, v23;
	vm12 =	vlt.s32 v22, v17;
	v18 =	vnsel vm2, $0xFF800000, v21  }
0x29f: {  	vm14 =	vlt.s32 v22, v20;
	vm3 =	vgt.f32 v18, v59;
	vm11 =	veq.f32 v18, v59  }
0x2a0: {  	vm13 =	veq.f32 v18, v19;
	vm15 =	veq.f32 v18, v16;
	vm4 =	vmand vm11, vm12  }
0x2a1: {  	v21 =	vld.idx.msk [tilespmem:v60+s2+$0x0], $0xffff;
	vm5 =	vmand vm13, vm14;
	vm12 =	vlt.s32 v22, v15;
	vm13 =	vgt.f32 v18, v19  }
0x2a2: {  	vm14 =	vgt.f32 v18, v16;
	vm6 =	vmand vm15, vm12;
	vm3 =	vmor vm3, vm4  }
0x2a3: {  	vm15 =	vmor vm13, vm5;
	vm8 =	vmor vm14, vm6;
	v23 =	vsel vm3, v18, v59  }
0x2a4: {  	v61 =	vsel vm15, v22, v20;
	v16 =	vsel vm8, v18, v16;
	v18 =	vsel vm15, v18, v19  }
0x2a5: {  	v15 =	vsel vm8, v22, v15;
	v16 =	vsel vm15, v19, v16;
	v19 =	vsel vm3, v22, v17  }
0x2a6: {  	v22 =	vor.u32 $0xD0, v12;
	v15 =	vsel vm15, v20, v15;
	v20 =	vnsel vm2, $0xFF800000, v21  }
0x2a7: {  	v18 =	vsel vm3, v59, v18;
	v17 =	vsel vm3, v17, v61;
	vm3 =	vgt.f32 v20, v23  }
0x2a8: {  	vm9 =	veq.f32 v20, v23;
	vm10 =	vlt.s32 v60, v19;
	vm11 =	veq.f32 v20, v18  }
0x2a9: {  	vm12 =	vlt.s32 v60, v17;
	vm13 =	veq.f32 v20, v16;
	vm14 =	vlt.s32 v60, v15  }
0x2aa: {  	vm15 =	vgt.f32 v20, v18;
	vm4 =	vmand vm9, vm10;
	vm5 =	vmand vm11, vm12  }
0x2ab: {  	vm6 =	vmand vm13, vm14;
	vm12 =	vgt.f32 v20, v16;
	vm3 =	vmor vm3, vm4;
	v21 =	vld.idx.msk [tilespmem:v22+s2+$0x0], $0xffff  }
0x2ac: {  	vm13 =	vmor vm15, vm5;
	vm14 =	vmor vm12, vm6;
	v62 =	vsel vm3, v20, v23  }
0x2ad: {  	v16 =	vsel vm14, v20, v16;
	v20 =	vsel vm13, v20, v18;
	v15 =	vsel vm14, v60, v15  }
0x2ae: {  	v20 =	vsel vm3, v23, v20;
	v16 =	vsel vm13, v18, v16;
	v23 =	vsel vm13, v60, v17  }
0x2af: {  	v18 =	vsel vm3, v60, v19;
	v15 =	vsel vm13, v17, v15;
	v19 =	vsel vm3, v19, v23  }
0x2b0: {  	vm8 =	vlt.s32 v22, v18;
	vm13 =	vlt.s32 v22, v15;
	v17 =	vnsel vm2, $0xFF800000, v21  }
0x2b1: {  	vm10 =	vlt.s32 v22, v19;
	vm3 =	vgt.f32 v17, v62;
	vm15 =	veq.f32 v17, v62  }
0x2b2: {  	vm9 =	veq.f32 v17, v20;
	vm11 =	vgt.f32 v17, v20;
	vm12 =	veq.f32 v17, v16  }
0x2b3: {  	v21 =	vld.idx.msk [tilespmem:v63+s2+$0x0], $0xffff;
	vm14 =	vgt.f32 v17, v16;
	vm4 =	vmand vm15, vm8;
	vm5 =	vmand vm9, vm10  }
0x2b4: {  	vm3 =	vmor vm3, vm4;
	vm4 =	vmor vm11, vm5;
	vm5 =	vmand vm12, vm13  }
0x2b5: {  	v12 =	vor.u32 $0xF0, v12;
	v23 =	vsel vm4, v17, v20;
	vm5 =	vmor vm14, vm5  }
0x2b6: {  	v24 =	vsel vm3, v17, v62;
	v23 =	vsel vm3, v62, v23;
	v16 =	vsel vm5, v17, v16  }
0x2b7: {  	v17 =	vsel vm4, v22, v19;
	v15 =	vsel vm5, v22, v15;
	v14 =	vsel vm4, v20, v16  }
0x2b8: {  	v16 =	vsel vm3, v22, v18;
	v20 =	vnsel vm2, $0xFF800000, v21;
	v17 =	vsel vm3, v18, v17  }
0x2b9: {  	v15 =	vsel vm4, v19, v15;
	vm3 =	veq.f32 v20, v24;
	vm15 =	vlt.s32 v63, v16  }
0x2ba: {  	vm9 =	veq.f32 v20, v23;
	vm10 =	vlt.s32 v63, v17;
	vm11 =	vgt.f32 v20, v23  }
0x2bb: {  	vm12 =	veq.f32 v20, v14;
	vm13 =	vlt.s32 v63, v15;
	vm14 =	vgt.f32 v20, v24  }
0x2bc: {  	vm3 =	vmand vm3, vm15;
	vm5 =	vmand vm9, vm10;
	vm15 =	vgt.f32 v20, v14  }
0x2bd: {  	vm4 =	vmor vm11, vm5;
	vm5 =	vmand vm12, vm13;
	vm3 =	vmor vm14, vm3  }
0x2be: {  	vm5 =	vmor vm15, vm5;
	v18 =	vsel vm4, v20, v23;
	v19 =	vsel vm3, v20, v24  }
0x2bf: {  	v21 =	vsel vm3, v63, v16;
	v18 =	vsel vm3, v24, v18;
	v14 =	vsel vm5, v20, v14  }
0x2c0: {  	v20 =	vsel vm4, v63, v17;
	v15 =	vsel vm5, v63, v15;
	vm2 =	veq.f32 v13, v19  }
0x2c1: {  	vm9 =	vgt.f32 v13, v19;
	v14 =	vsel vm4, v23, v14;
	v16 =	vsel vm3, v16, v20  }
0x2c2: {  	vm3 =	vlt.s32 v12, v21;
	v15 =	vsel vm4, v17, v15;
	vm10 =	veq.f32 v13, v18  }
0x2c3: {  	s31 =	sadd.s32 $0x1, s31;
	vm2 =	vmand vm2, vm3;
	vm3 =	vgt.f32 v13, v18;
	vm11 =	vlt.s32 v12, v16  }
0x2c4: {  	p1 =	sne.s32 s1, s31;
	vm12 =	veq.f32 v13, v14;
	vm13 =	vlt.s32 v12, v15;
	vm14 =	vgt.f32 v13, v14  }
.Ltmp13:
0x2c5: {  	vm5 =	vmand vm10, vm11;
	vm6 =	vmand vm12, vm13;
	vm2 =	vmor vm9, vm2;
	(pc) =	sbr.rel @p1 .LBB2_18-.Ltmp13, $4  }
0x2c6: {  	vm3 =	vmor vm3, vm5;
	vm15 =	vmor vm14, vm6;
	v20 =	vsel vm2, v13, v19  }
0x2c7: {  	v17 =	vsel vm3, v13, v18;
	v13 =	vsel vm15, v13, v14;
	v14 =	vsel vm15, v12, v15  }
0x2c8: {  	v17 =	vsel vm2, v19, v17;
	v18 =	vsel vm3, v18, v13;
	v13 =	vsel vm3, v12, v16  }
0x2c9: {  	v19 =	vsel vm2, v12, v21;
	v16 =	vsel vm3, v16, v14;
	v15 =	vsel vm2, v21, v13  }
.LBB2_19:
0x2ca: {  	v11 =	vperm.xlane v20, v3;
	v12 =	vperm.xlane v19, v3;
	_ =	sdelay $0x1  }
0x2cb: {  	vm2 =	veq.f32 v11, v20;
	vm3 =	vlt.s32 v12, v19  }
0x2cc: {  	vm4 =	vgt.f32 v11, v20;
	vm2 =	vmand vm2, vm3  }
0x2cd: {  	vm2 =	vmor vm4, vm2  }
0x2ce: {  	v11 =	vsel vm2, v11, v20;
	v12 =	vsel vm2, v12, v19  }
0x2cf: {  	v13 =	vperm.xlane v11, v4;
	v14 =	vperm.xlane v12, v4;
	_ =	sdelay $0x1  }
0x2d0: {  	vm2 =	veq.f32 v13, v11;
	vm3 =	vlt.s32 v14, v12  }
0x2d1: {  	vm8 =	vgt.f32 v13, v11;
	vm2 =	vmand vm2, vm3  }
0x2d2: {  	vm2 =	vmor vm8, vm2  }
0x2d3: {  	v11 =	vsel vm2, v13, v11;
	v12 =	vsel vm2, v14, v12  }
0x2d4: {  	v13 =	vperm.xlane v11, v6;
	v14 =	vperm.xlane v12, v6;
	_ =	sdelay $0x1  }
0x2d5: {  	vm2 =	veq.f32 v13, v11;
	vm3 =	vlt.s32 v14, v12  }
0x2d6: {  	vm9 =	vgt.f32 v13, v11;
	vm2 =	vmand vm2, vm3  }
0x2d7: {  	vm2 =	vmor vm9, vm2  }
0x2d8: {  	v11 =	vsel vm2, v13, v11;
	v12 =	vsel vm2, v14, v12  }
0x2d9: {  	v13 =	vperm.xlane v11, v7;
	v14 =	vperm.xlane v12, v7;
	_ =	sdelay $0x1  }
0x2da: {  	vm2 =	veq.f32 v13, v11;
	vm3 =	vlt.s32 v14, v12  }
0x2db: {  	vm10 =	vgt.f32 v13, v11;
	vm2 =	vmand vm2, vm3  }
0x2dc: {  	vm2 =	vmor vm10, vm2  }
0x2dd: {  	v11 =	vsel vm2, v13, v11;
	v12 =	vsel vm2, v14, v12  }
0x2de: {  	vm2 =	veq.f32 v20, v11;
	vm3 =	veq.s32 v19, v12  }
0x2df: {  	vm2 =	vmand vm2, vm3  }
0x2e0: {  	v13 =	vsel vm2, v17, v20;
	v14 =	vsel vm2, v15, v19  }
0x2e1: {  	v19 =	vperm.xlane v13, v3;
	v20 =	vperm.xlane v14, v3;
	_ =	sdelay $0x1  }
0x2e2: {  	vm3 =	veq.f32 v19, v13;
	vm11 =	vlt.s32 v20, v14  }
0x2e3: {  	vm5 =	vgt.f32 v19, v13;
	vm3 =	vmand vm3, vm11  }
0x2e4: {  	vm3 =	vmor vm5, vm3  }
0x2e5: {  	v19 =	vsel vm3, v19, v13;
	v20 =	vsel vm3, v20, v14  }
0x2e6: {  	v21 =	vperm.xlane v19, v4;
	v22 =	vperm.xlane v20, v4;
	_ =	sdelay $0x1  }
0x2e7: {  	vm3 =	veq.f32 v21, v19;
	vm12 =	vlt.s32 v22, v20  }
0x2e8: {  	vm13 =	vgt.f32 v21, v19;
	vm3 =	vmand vm3, vm12  }
0x2e9: {  	vm3 =	vmor vm13, vm3  }
0x2ea: {  	v19 =	vsel vm3, v21, v19;
	v20 =	vsel vm3, v22, v20  }
0x2eb: {  	v21 =	vperm.xlane v19, v6;
	v22 =	vperm.xlane v20, v6;
	_ =	sdelay $0x1  }
0x2ec: {  	vm3 =	veq.f32 v21, v19;
	vm14 =	vlt.s32 v22, v20  }
0x2ed: {  	vm15 =	vgt.f32 v21, v19;
	vm3 =	vmand vm3, vm14  }
0x2ee: {  	vm3 =	vmor vm15, vm3  }
0x2ef: {  	v19 =	vsel vm3, v21, v19;
	v20 =	vsel vm3, v22, v20  }
0x2f0: {  	v21 =	vperm.xlane v19, v7;
	v22 =	vperm.xlane v20, v7;
	_ =	sdelay $0x1  }
0x2f1: {  	vm3 =	veq.f32 v21, v19;
	vm8 =	vlt.s32 v22, v20  }
0x2f2: {  	vm9 =	vgt.f32 v21, v19;
	vm3 =	vmand vm3, vm8  }
0x2f3: {  	vm3 =	vmor vm9, vm3  }
0x2f4: {  	v19 =	vsel vm3, v21, v19;
	v20 =	vsel vm3, v22, v20  }
0x2f5: {  	vm3 =	veq.f32 v13, v19;
	vm10 =	veq.s32 v14, v20  }
0x2f6: {  	v17 =	vsel vm2, v18, v17;
	v15 =	vsel vm2, v16, v15;
	vm2 =	vmand vm3, vm10  }
0x2f7: {  	v13 =	vsel vm2, v17, v13;
	v14 =	vsel vm2, v15, v14  }
0x2f8: {  	v15 =	vperm.xlane v13, v3;
	v16 =	vperm.xlane v14, v3;
	_ =	sdelay $0x1  }
0x2f9: {  	vm2 =	veq.f32 v15, v13;
	vm3 =	vlt.s32 v16, v14  }
0x2fa: {  	vm11 =	vgt.f32 v15, v13;
	vm2 =	vmand vm2, vm3  }
0x2fb: {  	vm2 =	vmor vm11, vm2  }
0x2fc: {  	v13 =	vsel vm2, v15, v13;
	v14 =	vsel vm2, v16, v14  }
0x2fd: {  	v15 =	vperm.xlane v13, v4;
	v16 =	vperm.xlane v14, v4;
	_ =	sdelay $0x1  }
0x2fe: {  	vm2 =	veq.f32 v15, v13;
	vm3 =	vlt.s32 v16, v14  }
0x2ff: {  	vm12 =	vgt.f32 v15, v13;
	vm2 =	vmand vm2, vm3  }
0x300: {  	vm2 =	vmor vm12, vm2  }
0x301: {  	v13 =	vsel vm2, v15, v13;
	v14 =	vsel vm2, v16, v14  }
0x302: {  	v15 =	vperm.xlane v13, v6;
	v16 =	vperm.xlane v14, v6;
	_ =	sdelay $0x1  }
0x303: {  	vm2 =	veq.f32 v15, v13;
	vm3 =	vlt.s32 v16, v14  }
0x304: {  	vm13 =	vgt.f32 v15, v13;
	vm2 =	vmand vm2, vm3  }
0x305: {  	vm2 =	vmor vm13, vm2  }
0x306: {  	v13 =	vsel vm2, v15, v13;
	v14 =	vsel vm2, v16, v14  }
0x307: {  	v15 =	vperm.xlane v13, v7;
	v16 =	vperm.xlane v14, v7;
	_ =	sdelay $0x1  }
0x308: {  	vm3 =	veq.f32 v15, v13;
	vm14 =	vlt.s32 v16, v14  }
0x309: {  	vm2 =	vmmov $0x1;
	vm15 =	vgt.f32 v15, v13;
	vm3 =	vmand vm3, vm14  }
0x30a: {  	v11 =	vnsel vm2, $0x0, v11;
	vm3 =	vmor vm15, vm3  }
0x30b: {  	v12 =	vnsel vm2, $0x0, v12;
	v11 =	vsel vm0, v11, v19;
	v13 =	vsel vm3, v15, v13  }
0x30c: {  	s30 =	sshll.u32 s30, $0x8;
	v12 =	vsel vm0, v12, v20;
	v14 =	vsel vm3, v16, v14;
	v11 =	vsel vm1, v11, v13  }
0x30d: {  	v12 =	vsel vm1, v12, v14;
	[tilespmem:s30+$0x11000] =	vst v11  }
0x30e: {  	s0 =	simm.s32 @p0 $0x80;
	s1 =	simm.s32 @p0 $0x400;
	s14 =	simm.s32 @p0 $0x0;
	[tilespmem:s30+$0x11200] =	vst v12  }
0x30f: {  	[tilespmem:s14], [sflag:$0x1] =	stream.strided.gather @p0 [hbm4b:s8+s0], $0x8000, s1, s0, $0x38;
	[tilespmem:$0x11400] =	vst v63  }
0x310: {  	_ =	swait.ge [sflag:s23], $0x8000  }
0x311: {  	[sflag:s23] =	ssyncset.done $0x0  }
0x312: {  	s16 =	simm.s32 $0x81F0;
	[sflag:s23] =	ssyncadd.s32 $0xFFFF8000  }
0x313: {  	v15 =	vld [tilespmem:s16+$0xFFFFFF80]  }
0x314: {  	v11 =	vld [tilespmem:s16+$0x0]  }
0x315: {  	v12 =	vld [tilespmem:s16+$0xFFFFFFF0]  }
0x316: {  	v13 =	vld [tilespmem:s16+$0xFFFFFFE0]  }
0x317: {  	v14 =	vld [tilespmem:s16+$0xFFFFFFD0]  }
0x318: {  	v20 =	vld [tilespmem:s16+$0xFFFFFF10]  }
0x319: {  	v19 =	vld [tilespmem:s16+$0xFFFFFE20]  }
0x31a: {  	v21 =	vld [tilespmem:s16+$0xFFFFFE30]  }
0x31b: {  	v22 =	vld [tilespmem:s16+$0xFFFFFE40]  }
0x31c: {  	v17 =	vld [tilespmem:s16+$0xFFFFFE50]  }
0x31d: {  	v18 =	vld [tilespmem:s16+$0xFFFFFE60]  }
0x31e: {  	v23 =	vld [tilespmem:s16+$0xFFFFFE70]  }
0x31f: {  	v24 =	vld [tilespmem:s16+$0xFFFFFE80]  }
0x320: {  	v16 =	vld [tilespmem:s16+$0xFFFFFE90]  }
0x321: {  	v25 =	vld [tilespmem:s16+$0xFFFFFEA0]  }
0x322: {  	v26 =	vld [tilespmem:s16+$0xFFFFFFC0]  }
0x323: {  	v27 =	vld [tilespmem:s16+$0xFFFFFF50]  }
0x324: {  	v28 =	vld [tilespmem:s16+$0xFFFFFFB0]  }
0x325: {  	v29 =	vld [tilespmem:s16+$0xFFFFFF60]  }
0x326: {  	v30 =	vld [tilespmem:s16+$0xFFFFFF70]  }
0x327: {  	v31 =	vld [tilespmem:s16+$0xFFFFFED0]  }
0x328: {  	v32 =	vld [tilespmem:s16+$0xFFFFFEE0]  }
0x329: {  	v33 =	vld [tilespmem:s16+$0xFFFFFEF0]  }
0x32a: {  	v34 =	vld [tilespmem:s16+$0xFFFFFF00]  }
0x32b: {  	v35 =	vld [tilespmem:s16+$0xFFFFFE10]  }
0x32c: {  	v36 =	vld [tilespmem:s16+$0xFFFFFF20]  }
0x32d: {  	v11 =	vmax.f32 v12, v11;
	v12 =	vmax.f32 v14, v13;
	v14 =	vmax.f32 v16, v25;
	v16 =	vld [tilespmem:s16+$0xFFFFFF30]  }
0x32e: {  	v23 =	vmax.f32 v23, v24;
	v13 =	vmax.f32 v28, v26;
	v17 =	vmax.f32 v17, v18;
	v18 =	vld [tilespmem:s16+$0xFFFFFF40]  }
0x32f: {  	v24 =	vmax.f32 v27, v29;
	v15 =	vmax.f32 v30, v15;
	v22 =	vmax.f32 v21, v22;
	v21 =	vld [tilespmem:s16+$0xFFFFFEB0]  }
0x330: {  	v19 =	vmax.f32 v35, v19;
	v26 =	vmax.f32 v33, v34;
	v25 =	vmax.f32 v17, v23;
	v17 =	vld [tilespmem:s16+$0xFFFFFFA0]  }
0x331: {  	s31 =	simm.s32 $0x10010;
	v15 =	vmax.f32 v24, v15;
	v24 =	vmax.f32 v31, v32;
	v23 =	vld [tilespmem:s16+$0xFFFFFEC0];
	v27 =	vmax.f32 v19, v22  }
0x332: {  	s0 =	simm.s32 $0x0;
	s14 =	simm.s32 $0x83F0;
	s1 =	simm.s32 $0x10010;
	v22 =	vmax.f32 v20, v36;
	v19 =	vmax.f32 v24, v26;
	v20 =	vmax.f32 v27, v25;
	v24 =	vld [tilespmem:s16+$0xFFFFFF90]  }
.LBB2_20:
0x333: {  	v25 =	vld [tilespmem:s14+$0xFFFFFF80];
	s0 =	sadd.s32 $0x2, s0;
	s31 =	sadd.s32 $0x20, s31  }
0x334: {  	v26 =	vld [tilespmem:s14+$0x0];
	p1 =	slt.u32 s0, $0x7E  }
0x335: {  	v27 =	vld [tilespmem:s14+$0xFFFFFFF0]  }
0x336: {  	v16 =	vmax.f32 v16, v18;
	v11 =	vmax.f32 v12, v11;
	v28 =	vld [tilespmem:s14+$0xFFFFFFE0];
	v21 =	vmax.f32 v21, v23  }
0x337: {  	v16 =	vmax.f32 v22, v16;
	v12 =	vld [tilespmem:s14+$0xFFFFFFD0];
	v14 =	vmax.f32 v14, v21;
	v17 =	vmax.f32 v24, v17  }
0x338: {  	v15 =	vmax.f32 v16, v15;
	v22 =	vld [tilespmem:s14+$0xFFFFFF10];
	v14 =	vmax.f32 v14, v19;
	v13 =	vmax.f32 v17, v13  }
0x339: {  	v19 =	vld [tilespmem:s14+$0xFFFFFE20];
	v14 =	vmax.f32 v20, v14;
	v13 =	vmax.f32 v13, v11  }
0x33a: {  	v16 =	vld [tilespmem:s14+$0xFFFFFE30];
	v11 =	vmax.f32 v27, v26;
	[tilespmem:s1+$0xFFFFFFF0] =	vst v14;
	v10 =	vmax.f32 v10, v14;
	v13 =	vmax.f32 v15, v13  }
0x33b: {  	v17 =	vld [tilespmem:s14+$0xFFFFFE40];
	[tilespmem:s1+$0x0] =	vst v13;
	v10 =	vmax.f32 v10, v13;
	s1 =	smov.u32 s31  }
0x33c: {  	v15 =	vld [tilespmem:s14+$0xFFFFFE50];
	v12 =	vmax.f32 v12, v28  }
0x33d: {  	v18 =	vld [tilespmem:s14+$0xFFFFFE60]  }
0x33e: {  	v13 =	vld [tilespmem:s14+$0xFFFFFE70]  }
0x33f: {  	v20 =	vld [tilespmem:s14+$0xFFFFFE80]  }
0x340: {  	v14 =	vld [tilespmem:s14+$0xFFFFFE90]  }
0x341: {  	v21 =	vld [tilespmem:s14+$0xFFFFFEA0]  }
0x342: {  	v23 =	vld [tilespmem:s14+$0xFFFFFFC0]  }
0x343: {  	v24 =	vld [tilespmem:s14+$0xFFFFFF50]  }
0x344: {  	v26 =	vld [tilespmem:s14+$0xFFFFFFB0]  }
0x345: {  	v27 =	vld [tilespmem:s14+$0xFFFFFF60]  }
0x346: {  	v28 =	vld [tilespmem:s14+$0xFFFFFF70]  }
0x347: {  	v14 =	vmax.f32 v14, v21;
	v29 =	vld [tilespmem:s14+$0xFFFFFED0]  }
0x348: {  	v21 =	vld [tilespmem:s14+$0xFFFFFEE0]  }
0x349: {  	v20 =	vmax.f32 v13, v20;
	v30 =	vld [tilespmem:s14+$0xFFFFFEF0];
	v13 =	vmax.f32 v26, v23  }
0x34a: {  	v23 =	vld [tilespmem:s14+$0xFFFFFF00];
	v24 =	vmax.f32 v24, v27  }
0x34b: {  	v15 =	vmax.f32 v15, v18;
	v26 =	vld [tilespmem:s14+$0xFFFFFE10];
	v18 =	vmax.f32 v28, v25  }
0x34c: {  	v20 =	vmax.f32 v15, v20;
	v25 =	vld [tilespmem:s14+$0xFFFFFF20];
	v15 =	vmax.f32 v24, v18  }
0x34d: {  	v24 =	vmax.f32 v16, v17;
	v27 =	vmax.f32 v29, v21;
	v16 =	vld [tilespmem:s14+$0xFFFFFF30]  }
.Ltmp14:
0x34e: {  	v18 =	vld [tilespmem:s14+$0xFFFFFF40];
	(pc) =	sbr.rel @p1 .LBB2_20-.Ltmp14, $4  }
0x34f: {  	v23 =	vmax.f32 v30, v23;
	v17 =	vld [tilespmem:s14+$0xFFFFFFA0]  }
0x350: {  	v21 =	vld [tilespmem:s14+$0xFFFFFEB0];
	v26 =	vmax.f32 v26, v19;
	v19 =	vmax.f32 v27, v23  }
0x351: {  	v23 =	vld [tilespmem:s14+$0xFFFFFEC0];
	v24 =	vmax.f32 v26, v24;
	v22 =	vmax.f32 v22, v25  }
0x352: {  	v20 =	vmax.f32 v24, v20;
	v24 =	vld [tilespmem:s14+$0xFFFFFF90];
	s14 =	sadd.s32 $0x200, s14  }
0x353: {  	_ =	sdelay $0x2  }
0x354: {  	v16 =	vmax.f32 v16, v18;
	v21 =	vmax.f32 v21, v23  }
0x355: {  	v11 =	vmax.f32 v12, v11;
	v12 =	vmax.f32 v14, v21;
	v14 =	vmax.f32 v24, v17  }
0x356: {  	v16 =	vmax.f32 v22, v16;
	v12 =	vmax.f32 v12, v19;
	v13 =	vmax.f32 v14, v13  }
0x357: {  	v14 =	vmax.f32 v16, v15;
	v12 =	vmax.f32 v20, v12;
	v11 =	vmax.f32 v13, v11  }
0x358: {  	v10 =	vmax.f32 v10, v12;
	v11 =	vmax.f32 v14, v11  }
0x359: {  	v10 =	vmax.f32 v10, v11  }
0x35a: {  	v13 =	vperm.xlane v10, v3;
	_ =	sdelay $0x1  }
0x35b: {  	v13 =	vmax.f32 v10, v13  }
0x35c: {  	v14 =	vperm.xlane v13, v4;
	_ =	sdelay $0x1  }
0x35d: {  	v13 =	vmax.f32 v13, v14  }
0x35e: {  	v14 =	vperm.xlane v13, v6;
	_ =	sdelay $0x1  }
0x35f: {  	v13 =	vmax.f32 v13, v14  }
0x360: {  	v14 =	vperm.xlane v13, v7;
	_ =	sdelay $0x1  }
0x361: {  	v13 =	vmax.f32 v13, v14  }
0x362: {  	vm3 =	veq.f32 v10, v13  }
0x363: {  	v10 =	vsel vm3, $0xFF800000, v10  }
0x364: {  	v13 =	vperm.xlane v10, v3;
	_ =	sdelay $0x1  }
0x365: {  	v13 =	vmax.f32 v10, v13  }
0x366: {  	v14 =	vperm.xlane v13, v4;
	_ =	sdelay $0x1  }
0x367: {  	v13 =	vmax.f32 v13, v14  }
0x368: {  	v14 =	vperm.xlane v13, v6;
	_ =	sdelay $0x1  }
0x369: {  	v13 =	vmax.f32 v13, v14  }
0x36a: {  	v14 =	vperm.xlane v13, v7;
	_ =	sdelay $0x1  }
0x36b: {  	v13 =	vmax.f32 v13, v14  }
0x36c: {  	vm3 =	veq.f32 v10, v13  }
0x36d: {  	v10 =	vsel vm3, $0xFF800000, v10  }
0x36e: {  	v13 =	vperm.xlane v10, v3;
	_ =	sdelay $0x1  }
0x36f: {  	v10 =	vmax.f32 v10, v13  }
0x370: {  	v13 =	vperm.xlane v10, v4;
	_ =	sdelay $0x1  }
0x371: {  	[tilespmem:s1+$0xFFFFFFF0] =	vst v12;
	v10 =	vmax.f32 v10, v13  }
0x372: {  	s0 =	simm.s32 $0x10020;
	[tilespmem:s1+$0x0] =	vst v11;
	v11 =	vperm.xlane v10, v6  }
0x373: {  	v12 =	vld [tilespmem:s0+$0xFFFFFFE0]  }
0x374: {  	v10 =	vmax.f32 v10, v11;
	v11 =	vld [tilespmem:s0+$0xFFFFFFF0]  }
0x375: {  	v14 =	vld [tilespmem:s0+$0x0];
	v13 =	vperm.xlane v10, v7;
	_ =	sdelay $0x1  }
0x376: {  	s14 =	simm.s32 $0x10060;
	s16 =	simm.s32 $0x30;
	s1 =	simm.s32 $0x0;
	v15 =	vld [tilespmem:s0+$0x10];
	v10 =	vmax.f32 v10, v13  }
0x377: {  	v63 =	vor.u32 s16, v5;
	v16 =	vor.u32 s1, v5;
	v18 =	vld [tilespmem:s14+$0xFFFFFFE0];
	vm5 =	vge.f32 v12, v10  }
0x378: {  	v13 =	vimm.s32 $0x0;
	v12 =	vsel vm5, $0x1, v9;
	vm3 =	vge.f32 v11, v10  }
0x379: {  	v19 =	vld [tilespmem:s14+$0xFFFFFFF0];
	vm9 =	vge.f32 v14, v10;
	v11 =	vadd.s32 v12, v13;
	v12 =	vsel vm3, $0x1, v9  }
0x37a: {  	v20 =	vld [tilespmem:s14+$0x0];
	v17 =	vadd.s32 v8, v13;
	v13 =	vsel vm9, $0x1, v9;
	v12 =	vadd.s32 v12, v11  }
0x37b: {  	s15 =	simm.s32 $0x10;
	vm8 =	vge.f32 v15, v10;
	v60 =	vadd.s32 v8, v12;
	v12 =	vadd.s32 v13, v12  }
0x37c: {  	v61 =	vld [tilespmem:s14+$0x10];
	s14 =	simm.s32 $0x20;
	vm4 =	vge.f32 v18, v10;
	v14 =	vor.u32 s15, v5;
	v62 =	vadd.s32 v8, v12  }
0x37d: {  	v18 =	vor.u32 s14, v5;
	vm3 =	vmmov vm3;
	v13 =	vsel vm8, $0x1, v9  }
0x37e: {  	vm7 =	vge.f32 v19, v10;
	v15 =	vadd.s32 v13, v12;
	v13 =	vadd.s32 v8, v11  }
0x37f: {  	s1 =	simm.s32 $0x40;
	s14 =	simm.s32 $0x100A0;
	vm6 =	vge.f32 v20, v10;
	v19 =	vsel vm7, $0x1, v9;
	[tilespmem:v17+s22+$0x0] =	vst.idx.msk vm5, v16;
	v17 =	vsel vm4, $0x1, v9  }
0x380: {  	v11 =	vor.u32 s1, v5;
	v12 =	vadd.s32 v8, v15;
	v16 =	vld [tilespmem:s14+$0xFFFFFFE0];
	v15 =	vadd.s32 v17, v15;
	[tilespmem:v60+s22+$0x0] =	vst.idx.msk vm9, v18  }
0x381: {  	s31 =	simm.s32 $0x8;
	s0 =	simm.s32 $0x40;
	vm5 =	vge.f32 v61, v10;
	v17 =	vld [tilespmem:s14+$0xFFFFFFF0];
	v18 =	vadd.s32 v19, v15;
	v19 =	vsel vm6, $0x1, v9;
	[tilespmem:v62+s22+$0x0] =	vst.idx.msk vm8, v63  }
.LBB2_22:
0x382: {  	v21 =	vadd.s32 v8, v18  }
0x383: {  	s31 =	sadd.s32 $0x4, s31;
	v20 =	vld [tilespmem:s14+$0x0];
	v18 =	vadd.s32 v19, v18;
	v19 =	vsel vm5, $0x1, v9;
	[tilespmem:v13+s22+$0x0] =	vst.idx.msk vm3, v14;
	vm3 =	vmmov vm7  }
0x384: {  	v13 =	vadd.s32 v8, v15;
	s1 =	sadd.s32 $0x40, s1;
	p1 =	slt.u32 s31, $0x7C;
	v22 =	vld [tilespmem:s14+$0x10];
	v23 =	vadd.s32 v8, v18;
	v15 =	vadd.s32 v19, v18  }
.Ltmp15:
0x385: {  	s15 =	sadd.s32 $0x10, s0;
	s16 =	sadd.s32 $0x20, s0;
	[tilespmem:v12+s22+$0x0] =	vst.idx.msk vm4, v11;
	v12 =	vadd.s32 v8, v15;
	v11 =	vor.u32 s1, v5;
	(pc) =	sbr.rel @p1 .LBB2_22-.Ltmp15, $4  }
0x386: {  	v14 =	vor.u32 s15, v5;
	v18 =	vor.u32 s16, v5;
	s15 =	sadd.s32 $0x30, s0;
	s0 =	smov.u32 s1;
	vm4 =	vge.f32 v16, v10  }
0x387: {  	s14 =	sadd.s32 $0x40, s14;
	v24 =	vor.u32 s15, v5;
	v19 =	vsel vm4, $0x1, v9;
	vm7 =	vge.f32 v17, v10  }
0x388: {  	v16 =	vld [tilespmem:s14+$0xFFFFFFE0];
	v15 =	vadd.s32 v19, v15;
	v19 =	vsel vm7, $0x1, v9;
	[tilespmem:v21+s22+$0x0] =	vst.idx.msk vm6, v18;
	vm6 =	vge.f32 v20, v10  }
0x389: {  	v17 =	vld [tilespmem:s14+$0xFFFFFFF0];
	v18 =	vadd.s32 v19, v15;
	v19 =	vsel vm6, $0x1, v9;
	[tilespmem:v23+s22+$0x0] =	vst.idx.msk vm5, v24;
	vm5 =	vge.f32 v22, v10  }
0x38a: {  	v20 =	vld [tilespmem:s14+$0x0]  }
0x38b: {  	v21 =	vld [tilespmem:s14+$0x10];
	_ =	sdelay $0x1  }
0x38c: {  	v19 =	vadd.s32 v19, v18;
	v22 =	vsel vm5, $0x1, v9;
	vm8 =	vge.f32 v16, v10  }
0x38d: {  	v16 =	vadd.s32 v22, v19;
	v58 =	vsel vm8, $0x1, v9;
	vm11 =	vge.f32 v17, v10  }
0x38e: {  	v17 =	vadd.s32 v58, v16;
	v59 =	vsel vm11, $0x1, v9;
	vm9 =	vge.f32 v20, v10  }
0x38f: {  	vm10 =	vge.f32 v21, v10;
	v60 =	vadd.s32 v59, v17;
	v61 =	vsel vm9, $0x1, v9  }
0x390: {  	v10 =	vsel vm10, $0x1, v9;
	v62 =	vadd.s32 v61, v60  }
0x391: {  	v10 =	vadd.s32 v10, v62  }
0x392: {  	v63 =	vperm.xlane v10, v3;
	_ =	sdelay $0x1  }
0x393: {  	vm12 =	vgt.s32 v10, v63  }
0x394: {  	v22 =	vsel vm12, v10, v63  }
0x395: {  	v23 =	vperm.xlane v22, v0;
	_ =	sdelay $0x1  }
0x396: {  	vm12 =	vgt.s32 v22, v23  }
0x397: {  	v22 =	vsel vm12, v22, v23  }
0x398: {  	v23 =	vperm.xlane v22, v1;
	_ =	sdelay $0x1  }
0x399: {  	vm12 =	vgt.s32 v22, v23  }
0x39a: {  	v22 =	vsel vm12, v22, v23  }
0x39b: {  	v23 =	vperm.xlane v22, v2;
	_ =	sdelay $0x1  }
0x39c: {  	vm12 =	vgt.s32 v22, v23  }
0x39d: {  	v22 =	vsel vm12, v22, v23  }
0x39e: {  	(v2sf) =	vpush v22, $0x0;
	_ =	sdelay $0x9  }
0x39f: {  	v18 =	vadd.s32 v8, v18  }
0x3a0: {  	vm7 =	vmmov vm7;
	v19 =	vadd.s32 v8, v19  }
0x3a1: {  	v15 =	vadd.s32 v8, v15  }
0x3a2: {  	[tilespmem:v13+s22+$0x0] =	vst.idx.msk vm3, v14;
	s16 =	sadd.s32 $0x20, s0;
	v13 =	vadd.s32 v8, v16  }
0x3a3: {  	[tilespmem:v12+s22+$0x0] =	vst.idx.msk vm4, v11;
	s15 =	sadd.s32 $0x30, s0;
	v11 =	vor.u32 s16, v5;
	v12 =	vadd.s32 v8, v60  }
0x3a4: {  	s16 =	sadd.s32 $0x10, s0;
	[tilespmem:v18+s22+$0x0] =	vst.idx.msk vm6, v11;
	v11 =	vor.u32 s15, v5;
	v14 =	vadd.s32 v8, v62;
	s31 =	spop (v2sf)  }
0x3a5: {  	s1 =	sadd.s32 $0x40, s1;
	v16 =	vor.u32 s16, v5;
	[tilespmem:v19+s22+$0x0] =	vst.idx.msk vm5, v11;
	v11 =	vadd.s32 v8, v17;
	p1 =	slt.s32 s31, $0x1  }
.Ltmp16:
0x3a6: {  	s14 =	sadd.s32 $0x20, s1;
	[tilespmem:v15+s22+$0x0] =	vst.idx.msk vm7, v16;
	v17 =	vor.u32 s1, v5;
	(pc) =	sbr.rel @p1 .LBB2_25-.Ltmp16, $4  }
0x3a7: {  	s15 =	sadd.s32 $0x10, s1;
	s16 =	sadd.s32 $0x30, s1;
	[tilespmem:v13+s22+$0x0] =	vst.idx.msk vm8, v17;
	v13 =	vor.u32 s14, v5  }
0x3a8: {  	vm3 =	vmmov vm11;
	v15 =	vor.u32 s15, v5;
	v16 =	vor.u32 s16, v5;
	[tilespmem:v12+s22+$0x0] =	vst.idx.msk vm9, v13  }
0x3a9: {  	v17 =	vimm.f32 $-Inf;
	v13 =	vimm.f32 $-Inf;
	v12 =	vimm.s32 $0x0;
	[tilespmem:v14+s22+$0x0] =	vst.idx.msk vm10, v16  }
0x3aa: {  	s1 =	simm.s32 $0x0;
	v14 =	vimm.s32 $0x0;
	[tilespmem:v11+s22+$0x0] =	vst.idx.msk vm11, v15;
	v16 =	vimm.s32 $0x0;
	v15 =	vimm.f32 $-Inf  }
.LBB2_24:
0x3ab: {  	v11 =	vmov s1  }
0x3ac: {  	vm3 =	vlt.s32 v11, v10;
	v11 =	vadd.s32 s1, v8  }
0x3ad: {  	v11 =	vsel vm3, v11, v8;
	_ =	sdelay $0x4  }
0x3ae: {  	v11 =	vld.idx.msk [tilespmem:v11+s22+$0x0], $0xffff;
	_ =	sdelay $0x4  }
0x3af: {  	v11 =	vnsel vm3, $0x0, v11  }
0x3b0: {  	v18 =	vshll.u32 v11, $0x4  }
0x3b1: {  	v11 =	vand.u32 $0xF, v11;
	v18 =	vand.u32 $0xFFFFFF00, v18  }
0x3b2: {  	v11 =	vor.u32 v11, v18  }
0x3b3: {  	v18 =	vadd.s32 $0x8000, v11;
	_ =	sdelay $0x4  }
0x3b4: {  	v19 =	vadd.s32 $0x8010, v11;
	v18 =	vld.idx.msk [tilespmem:v18+s2+$0x0], $0xffff;
	_ =	sdelay $0x4  }
0x3b5: {  	vm5 =	vlt.s32 v11, v16;
	v19 =	vld.idx.msk [tilespmem:v19+s2+$0x0], $0xffff;
	v18 =	vnsel vm3, $0xFF800000, v18  }
0x3b6: {  	vm7 =	vlt.s32 v11, v12;
	vm12 =	vlt.s32 v11, v14;
	vm4 =	veq.f32 v18, v17  }
0x3b7: {  	vm6 =	veq.f32 v18, v15;
	vm14 =	vgt.f32 v18, v15;
	vm15 =	veq.f32 v18, v13  }
0x3b8: {  	vm8 =	vgt.f32 v18, v17;
	vm13 =	vgt.f32 v18, v13;
	vm6 =	vmand vm6, vm7  }
0x3b9: {  	vm4 =	vmand vm4, vm5;
	vm5 =	vmor vm14, vm6;
	vm6 =	vmand vm15, vm12  }
0x3ba: {  	v19 =	vnsel vm3, $0xFF800000, v19;
	vm4 =	vmor vm8, vm4;
	vm6 =	vmor vm13, vm6  }
0x3bb: {  	v20 =	vsel vm5, v18, v15;
	v21 =	vsel vm4, v18, v17;
	v13 =	vsel vm6, v18, v13  }
0x3bc: {  	v17 =	vsel vm4, v17, v20;
	v18 =	vsel vm5, v11, v12;
	v13 =	vsel vm5, v15, v13  }
0x3bd: {  	v15 =	vsel vm4, v11, v16;
	v16 =	vsel vm4, v16, v18;
	v18 =	vadd.s32 $0x8020, v11  }
0x3be: {  	v14 =	vsel vm6, v11, v14;
	vm14 =	vgt.f32 v19, v21;
	vm15 =	veq.f32 v19, v21  }
0x3bf: {  	v12 =	vsel vm5, v12, v14;
	v14 =	vor.u32 $0x10, v11;
	vm10 =	veq.f32 v19, v17  }
0x3c0: {  	vm12 =	vgt.f32 v19, v17;
	vm9 =	vlt.s32 v14, v15;
	vm11 =	vlt.s32 v14, v16  }
0x3c1: {  	vm13 =	veq.f32 v19, v13;
	vm5 =	vmand vm15, vm9;
	vm6 =	vmand vm10, vm11  }
0x3c2: {  	vm4 =	vmor vm14, vm5;
	vm5 =	vmor vm12, vm6;
	vm14 =	vlt.s32 v14, v12;
	v18 =	vld.idx.msk [tilespmem:v18+s2+$0x0], $0xffff  }
0x3c3: {  	vm15 =	vgt.f32 v19, v13;
	vm6 =	vmand vm13, vm14;
	v20 =	vsel vm5, v19, v17  }
0x3c4: {  	vm6 =	vmor vm15, vm6;
	v20 =	vsel vm4, v21, v20;
	v21 =	vsel vm4, v19, v21  }
0x3c5: {  	v13 =	vsel vm6, v19, v13;
	v19 =	vsel vm5, v14, v16;
	v12 =	vsel vm6, v14, v12  }
0x3c6: {  	v13 =	vsel vm5, v17, v13;
	v17 =	vsel vm4, v14, v15;
	v12 =	vsel vm5, v16, v12  }
0x3c7: {  	v16 =	vor.u32 $0x20, v11;
	v14 =	vnsel vm3, $0xFF800000, v18;
	v18 =	vadd.s32 $0x8030, v11  }
0x3c8: {  	v15 =	vsel vm4, v15, v19;
	vm10 =	vlt.s32 v16, v17  }
0x3c9: {  	vm12 =	vlt.s32 v16, v15;
	vm15 =	vlt.s32 v16, v12;
	vm9 =	veq.f32 v14, v21  }
0x3ca: {  	vm11 =	veq.f32 v14, v20;
	vm13 =	vgt.f32 v14, v20;
	vm14 =	veq.f32 v14, v13  }
0x3cb: {  	vm4 =	vmand vm9, vm10;
	vm6 =	vmand vm11, vm12;
	vm12 =	vgt.f32 v14, v21  }
0x3cc: {  	vm5 =	vmor vm13, vm6;
	vm6 =	vmand vm14, vm15;
	vm13 =	vgt.f32 v14, v13;
	v18 =	vld.idx.msk [tilespmem:v18+s2+$0x0], $0xffff  }
0x3cd: {  	vm4 =	vmor vm12, vm4;
	vm6 =	vmor vm13, vm6;
	v19 =	vsel vm5, v14, v20  }
0x3ce: {  	v51 =	vsel vm5, v16, v15;
	v19 =	vsel vm4, v21, v19;
	v21 =	vsel vm4, v14, v21  }
0x3cf: {  	v13 =	vsel vm6, v14, v13;
	v14 =	vsel vm4, v16, v17;
	v17 =	vsel vm4, v17, v51  }
0x3d0: {  	v12 =	vsel vm6, v16, v12;
	v16 =	vadd.s32 $0x8040, v11;
	v13 =	vsel vm5, v20, v13  }
0x3d1: {  	v12 =	vsel vm5, v15, v12;
	v15 =	vor.u32 $0x30, v11;
	v18 =	vnsel vm3, $0xFF800000, v18  }
0x3d2: {  	vm9 =	vlt.s32 v15, v14;
	vm11 =	vlt.s32 v15, v17;
	vm14 =	vgt.f32 v18, v21  }
0x3d3: {  	vm15 =	veq.f32 v18, v21;
	vm10 =	veq.f32 v18, v19;
	vm12 =	vgt.f32 v18, v19  }
0x3d4: {  	vm13 =	veq.f32 v18, v13;
	vm5 =	vmand vm15, vm9;
	vm6 =	vmand vm10, vm11  }
0x3d5: {  	v16 =	vld.idx.msk [tilespmem:v16+s2+$0x0], $0xffff;
	vm4 =	vmor vm14, vm5;
	vm5 =	vmor vm12, vm6;
	vm14 =	vlt.s32 v15, v12  }
0x3d6: {  	vm15 =	vgt.f32 v18, v13;
	vm6 =	vmand vm13, vm14;
	v52 =	vsel vm5, v18, v19  }
0x3d7: {  	vm6 =	vmor vm15, vm6;
	v20 =	vsel vm4, v21, v52  }
0x3d8: {  	v21 =	vsel vm4, v18, v21;
	v13 =	vsel vm6, v18, v13;
	v18 =	vsel vm5, v15, v17  }
0x3d9: {  	v12 =	vsel vm6, v15, v12;
	v13 =	vsel vm5, v19, v13;
	v19 =	vsel vm4, v15, v14  }
0x3da: {  	v14 =	vsel vm4, v14, v18;
	v15 =	vnsel vm3, $0xFF800000, v16;
	v16 =	vadd.s32 $0x8050, v11  }
0x3db: {  	v12 =	vsel vm5, v17, v12;
	v17 =	vor.u32 $0x40, v11;
	vm9 =	veq.f32 v15, v21  }
0x3dc: {  	vm10 =	vlt.s32 v17, v19;
	vm11 =	veq.f32 v15, v20;
	vm12 =	vlt.s32 v17, v14  }
0x3dd: {  	vm13 =	vgt.f32 v15, v20;
	vm14 =	veq.f32 v15, v13;
	vm15 =	vlt.s32 v17, v12  }
0x3de: {  	vm4 =	vmand vm9, vm10;
	vm6 =	vmand vm11, vm12;
	vm12 =	vgt.f32 v15, v21  }
0x3df: {  	vm5 =	vmor vm13, vm6;
	vm6 =	vmand vm14, vm15;
	vm13 =	vgt.f32 v15, v13;
	v16 =	vld.idx.msk [tilespmem:v16+s2+$0x0], $0xffff  }
0x3e0: {  	vm4 =	vmor vm12, vm4;
	vm6 =	vmor vm13, vm6;
	v18 =	vsel vm5, v15, v20  }
0x3e1: {  	v53 =	vsel vm5, v17, v14;
	v18 =	vsel vm4, v21, v18;
	v21 =	vsel vm4, v15, v21  }
0x3e2: {  	v13 =	vsel vm6, v15, v13;
	v15 =	vsel vm4, v17, v19;
	v19 =	vsel vm4, v19, v53  }
0x3e3: {  	v12 =	vsel vm6, v17, v12;
	v17 =	vadd.s32 $0x8060, v11;
	v13 =	vsel vm5, v20, v13  }
0x3e4: {  	v12 =	vsel vm5, v14, v12;
	v14 =	vor.u32 $0x50, v11;
	v16 =	vnsel vm3, $0xFF800000, v16  }
0x3e5: {  	vm9 =	vlt.s32 v14, v15;
	vm11 =	vlt.s32 v14, v19;
	vm14 =	vgt.f32 v16, v21  }
0x3e6: {  	vm15 =	veq.f32 v16, v21;
	vm10 =	veq.f32 v16, v18;
	vm12 =	vgt.f32 v16, v18  }
0x3e7: {  	vm13 =	veq.f32 v16, v13;
	vm5 =	vmand vm15, vm9;
	vm6 =	vmand vm10, vm11  }
0x3e8: {  	v17 =	vld.idx.msk [tilespmem:v17+s2+$0x0], $0xffff;
	vm4 =	vmor vm14, vm5;
	vm5 =	vmor vm12, vm6;
	vm14 =	vlt.s32 v14, v12  }
0x3e9: {  	vm15 =	vgt.f32 v16, v13;
	vm6 =	vmand vm13, vm14;
	v54 =	vsel vm5, v16, v18  }
0x3ea: {  	vm6 =	vmor vm15, vm6;
	v20 =	vsel vm4, v21, v54  }
0x3eb: {  	v21 =	vsel vm4, v16, v21;
	v13 =	vsel vm6, v16, v13;
	v16 =	vsel vm5, v14, v19  }
0x3ec: {  	v12 =	vsel vm6, v14, v12;
	v13 =	vsel vm5, v18, v13;
	v18 =	vsel vm4, v14, v15  }
0x3ed: {  	v15 =	vsel vm4, v15, v16;
	v14 =	vnsel vm3, $0xFF800000, v17;
	v16 =	vadd.s32 $0x8070, v11  }
0x3ee: {  	v12 =	vsel vm5, v19, v12;
	v17 =	vor.u32 $0x60, v11;
	vm9 =	veq.f32 v14, v21  }
0x3ef: {  	vm10 =	vlt.s32 v17, v18;
	vm11 =	veq.f32 v14, v20;
	vm12 =	vlt.s32 v17, v15  }
0x3f0: {  	vm13 =	vgt.f32 v14, v20;
	vm14 =	veq.f32 v14, v13;
	vm15 =	vlt.s32 v17, v12  }
0x3f1: {  	vm4 =	vmand vm9, vm10;
	vm6 =	vmand vm11, vm12;
	vm12 =	vgt.f32 v14, v21  }
0x3f2: {  	vm5 =	vmor vm13, vm6;
	vm6 =	vmand vm14, vm15;
	vm13 =	vgt.f32 v14, v13;
	v16 =	vld.idx.msk [tilespmem:v16+s2+$0x0], $0xffff  }
0x3f3: {  	vm4 =	vmor vm12, vm4;
	vm6 =	vmor vm13, vm6;
	v19 =	vsel vm5, v14, v20  }
0x3f4: {  	v55 =	vsel vm5, v17, v15;
	v19 =	vsel vm4, v21, v19;
	v21 =	vsel vm4, v14, v21  }
0x3f5: {  	v13 =	vsel vm6, v14, v13;
	v14 =	vsel vm4, v17, v18;
	v18 =	vsel vm4, v18, v55  }
0x3f6: {  	v12 =	vsel vm6, v17, v12;
	v17 =	vadd.s32 $0x8080, v11;
	v13 =	vsel vm5, v20, v13  }
0x3f7: {  	v12 =	vsel vm5, v15, v12;
	v15 =	vor.u32 $0x70, v11;
	v16 =	vnsel vm3, $0xFF800000, v16  }
0x3f8: {  	vm9 =	vlt.s32 v15, v14;
	vm11 =	vlt.s32 v15, v18;
	vm14 =	vgt.f32 v16, v21  }
0x3f9: {  	vm15 =	veq.f32 v16, v21;
	vm10 =	veq.f32 v16, v19;
	vm12 =	vgt.f32 v16, v19  }
0x3fa: {  	vm13 =	veq.f32 v16, v13;
	vm5 =	vmand vm15, vm9;
	vm6 =	vmand vm10, vm11  }
0x3fb: {  	v17 =	vld.idx.msk [tilespmem:v17+s2+$0x0], $0xffff;
	vm4 =	vmor vm14, vm5;
	vm5 =	vmor vm12, vm6;
	vm14 =	vlt.s32 v15, v12  }
0x3fc: {  	vm15 =	vgt.f32 v16, v13;
	vm6 =	vmand vm13, vm14;
	v56 =	vsel vm5, v16, v19  }
0x3fd: {  	vm6 =	vmor vm15, vm6;
	v20 =	vsel vm4, v21, v56  }
0x3fe: {  	v21 =	vsel vm4, v16, v21;
	v13 =	vsel vm6, v16, v13;
	v16 =	vsel vm5, v15, v18  }
0x3ff: {  	v12 =	vsel vm6, v15, v12;
	v13 =	vsel vm5, v19, v13;
	v19 =	vsel vm4, v15, v14  }
0x400: {  	v14 =	vsel vm4, v14, v16;
	v15 =	vnsel vm3, $0xFF800000, v17;
	v16 =	vadd.s32 $0x8090, v11  }
0x401: {  	v12 =	vsel vm5, v18, v12;
	v17 =	vor.u32 $0x80, v11;
	vm9 =	veq.f32 v15, v21  }
0x402: {  	vm10 =	vlt.s32 v17, v19;
	vm11 =	veq.f32 v15, v20;
	vm12 =	vlt.s32 v17, v14  }
0x403: {  	vm13 =	vgt.f32 v15, v20;
	vm14 =	veq.f32 v15, v13;
	vm15 =	vlt.s32 v17, v12  }
0x404: {  	vm4 =	vmand vm9, vm10;
	vm6 =	vmand vm11, vm12;
	vm12 =	vgt.f32 v15, v21  }
0x405: {  	vm5 =	vmor vm13, vm6;
	vm6 =	vmand vm14, vm15;
	vm13 =	vgt.f32 v15, v13;
	v16 =	vld.idx.msk [tilespmem:v16+s2+$0x0], $0xffff  }
0x406: {  	vm4 =	vmor vm12, vm4;
	vm6 =	vmor vm13, vm6;
	v18 =	vsel vm5, v15, v20  }
0x407: {  	v57 =	vsel vm5, v17, v14;
	v18 =	vsel vm4, v21, v18;
	v21 =	vsel vm4, v15, v21  }
0x408: {  	v13 =	vsel vm6, v15, v13;
	v15 =	vsel vm4, v17, v19;
	v19 =	vsel vm4, v19, v57  }
0x409: {  	v12 =	vsel vm6, v17, v12;
	v17 =	vadd.s32 $0x80A0, v11;
	v13 =	vsel vm5, v20, v13  }
0x40a: {  	v12 =	vsel vm5, v14, v12;
	v14 =	vor.u32 $0x90, v11;
	v16 =	vnsel vm3, $0xFF800000, v16  }
0x40b: {  	vm9 =	vlt.s32 v14, v15;
	vm11 =	vlt.s32 v14, v19;
	vm14 =	vgt.f32 v16, v21  }
0x40c: {  	vm15 =	veq.f32 v16, v21;
	vm10 =	veq.f32 v16, v18;
	vm12 =	vgt.f32 v16, v18  }
0x40d: {  	vm13 =	veq.f32 v16, v13;
	vm5 =	vmand vm15, vm9;
	vm6 =	vmand vm10, vm11  }
0x40e: {  	v17 =	vld.idx.msk [tilespmem:v17+s2+$0x0], $0xffff;
	vm4 =	vmor vm14, vm5;
	vm5 =	vmor vm12, vm6;
	vm14 =	vlt.s32 v14, v12  }
0x40f: {  	vm15 =	vgt.f32 v16, v13;
	vm6 =	vmand vm13, vm14;
	v58 =	vsel vm5, v16, v18  }
0x410: {  	vm6 =	vmor vm15, vm6;
	v20 =	vsel vm4, v21, v58  }
0x411: {  	v21 =	vsel vm4, v16, v21;
	v13 =	vsel vm6, v16, v13;
	v16 =	vsel vm5, v14, v19  }
0x412: {  	v12 =	vsel vm6, v14, v12;
	v13 =	vsel vm5, v18, v13;
	v18 =	vsel vm4, v14, v15  }
0x413: {  	v15 =	vsel vm4, v15, v16;
	v14 =	vnsel vm3, $0xFF800000, v17;
	v16 =	vadd.s32 $0x80B0, v11  }
0x414: {  	v12 =	vsel vm5, v19, v12;
	v17 =	vor.u32 $0xA0, v11;
	vm9 =	veq.f32 v14, v21  }
0x415: {  	vm10 =	vlt.s32 v17, v18;
	vm11 =	veq.f32 v14, v20;
	vm12 =	vlt.s32 v17, v15  }
0x416: {  	vm13 =	vgt.f32 v14, v20;
	vm14 =	veq.f32 v14, v13;
	vm15 =	vlt.s32 v17, v12  }
0x417: {  	vm4 =	vmand vm9, vm10;
	vm6 =	vmand vm11, vm12;
	vm12 =	vgt.f32 v14, v21  }
0x418: {  	vm5 =	vmor vm13, vm6;
	vm6 =	vmand vm14, vm15;
	vm13 =	vgt.f32 v14, v13;
	v16 =	vld.idx.msk [tilespmem:v16+s2+$0x0], $0xffff  }
0x419: {  	vm4 =	vmor vm12, vm4;
	vm6 =	vmor vm13, vm6;
	v19 =	vsel vm5, v14, v20  }
0x41a: {  	v59 =	vsel vm5, v17, v15;
	v19 =	vsel vm4, v21, v19;
	v21 =	vsel vm4, v14, v21  }
0x41b: {  	v13 =	vsel vm6, v14, v13;
	v14 =	vsel vm4, v17, v18;
	v18 =	vsel vm4, v18, v59  }
0x41c: {  	v12 =	vsel vm6, v17, v12;
	v17 =	vadd.s32 $0x80C0, v11;
	v13 =	vsel vm5, v20, v13  }
0x41d: {  	v12 =	vsel vm5, v15, v12;
	v15 =	vor.u32 $0xB0, v11;
	v16 =	vnsel vm3, $0xFF800000, v16  }
0x41e: {  	vm9 =	vlt.s32 v15, v14;
	vm11 =	vlt.s32 v15, v18;
	vm14 =	vgt.f32 v16, v21  }
0x41f: {  	vm15 =	veq.f32 v16, v21;
	vm10 =	veq.f32 v16, v19;
	vm12 =	vgt.f32 v16, v19  }
0x420: {  	vm13 =	veq.f32 v16, v13;
	vm5 =	vmand vm15, vm9;
	vm6 =	vmand vm10, vm11  }
0x421: {  	v17 =	vld.idx.msk [tilespmem:v17+s2+$0x0], $0xffff;
	vm4 =	vmor vm14, vm5;
	vm5 =	vmor vm12, vm6;
	vm14 =	vlt.s32 v15, v12  }
0x422: {  	vm15 =	vgt.f32 v16, v13;
	vm6 =	vmand vm13, vm14;
	v60 =	vsel vm5, v16, v19  }
0x423: {  	vm6 =	vmor vm15, vm6;
	v20 =	vsel vm4, v21, v60  }
0x424: {  	v21 =	vsel vm4, v16, v21;
	v13 =	vsel vm6, v16, v13;
	v16 =	vsel vm5, v15, v18  }
0x425: {  	v12 =	vsel vm6, v15, v12;
	v13 =	vsel vm5, v19, v13;
	v19 =	vsel vm4, v15, v14  }
0x426: {  	v14 =	vsel vm4, v14, v16;
	v15 =	vnsel vm3, $0xFF800000, v17;
	v16 =	vadd.s32 $0x80D0, v11  }
0x427: {  	v12 =	vsel vm5, v18, v12;
	v17 =	vor.u32 $0xC0, v11;
	vm9 =	veq.f32 v15, v21  }
0x428: {  	vm10 =	vlt.s32 v17, v19;
	vm11 =	veq.f32 v15, v20;
	vm12 =	vlt.s32 v17, v14  }
0x429: {  	vm13 =	vgt.f32 v15, v20;
	vm14 =	veq.f32 v15, v13;
	vm15 =	vlt.s32 v17, v12  }
0x42a: {  	vm4 =	vmand vm9, vm10;
	vm6 =	vmand vm11, vm12;
	vm12 =	vgt.f32 v15, v21  }
0x42b: {  	vm5 =	vmor vm13, vm6;
	vm6 =	vmand vm14, vm15;
	vm13 =	vgt.f32 v15, v13;
	v16 =	vld.idx.msk [tilespmem:v16+s2+$0x0], $0xffff  }
0x42c: {  	vm4 =	vmor vm12, vm4;
	vm6 =	vmor vm13, vm6;
	v18 =	vsel vm5, v15, v20  }
0x42d: {  	v61 =	vsel vm5, v17, v14;
	v18 =	vsel vm4, v21, v18;
	v21 =	vsel vm4, v15, v21  }
0x42e: {  	v13 =	vsel vm6, v15, v13;
	v15 =	vsel vm4, v17, v19;
	v19 =	vsel vm4, v19, v61  }
0x42f: {  	v12 =	vsel vm6, v17, v12;
	v17 =	vadd.s32 $0x80E0, v11;
	v13 =	vsel vm5, v20, v13  }
0x430: {  	v12 =	vsel vm5, v14, v12;
	v14 =	vor.u32 $0xD0, v11;
	v16 =	vnsel vm3, $0xFF800000, v16  }
0x431: {  	vm9 =	vlt.s32 v14, v15;
	vm11 =	vlt.s32 v14, v19;
	vm14 =	vgt.f32 v16, v21  }
0x432: {  	vm15 =	veq.f32 v16, v21;
	vm10 =	veq.f32 v16, v18;
	vm12 =	vgt.f32 v16, v18  }
0x433: {  	vm13 =	veq.f32 v16, v13;
	vm5 =	vmand vm15, vm9;
	vm6 =	vmand vm10, vm11  }
0x434: {  	v17 =	vld.idx.msk [tilespmem:v17+s2+$0x0], $0xffff;
	vm4 =	vmor vm14, vm5;
	vm5 =	vmor vm12, vm6;
	vm14 =	vlt.s32 v14, v12  }
0x435: {  	vm15 =	vgt.f32 v16, v13;
	vm6 =	vmand vm13, vm14;
	v62 =	vsel vm5, v16, v18  }
0x436: {  	vm6 =	vmor vm15, vm6;
	v20 =	vsel vm4, v21, v62  }
0x437: {  	v21 =	vsel vm4, v16, v21;
	v13 =	vsel vm6, v16, v13;
	v16 =	vsel vm5, v14, v19  }
0x438: {  	v12 =	vsel vm6, v14, v12;
	v13 =	vsel vm5, v18, v13;
	v16 =	vsel vm4, v15, v16  }
0x439: {  	v18 =	vadd.s32 $0x80F0, v11;
	v15 =	vsel vm4, v14, v15;
	v14 =	vnsel vm3, $0xFF800000, v17  }
0x43a: {  	v12 =	vsel vm5, v19, v12;
	v17 =	vor.u32 $0xE0, v11;
	v11 =	vor.u32 $0xF0, v11  }
0x43b: {  	vm9 =	veq.f32 v14, v21;
	vm10 =	vlt.s32 v17, v15;
	vm11 =	veq.f32 v14, v20  }
0x43c: {  	vm12 =	vlt.s32 v17, v16;
	vm13 =	vgt.f32 v14, v20;
	vm14 =	veq.f32 v14, v13  }
0x43d: {  	vm15 =	vlt.s32 v17, v12;
	vm4 =	vmand vm9, vm10;
	vm6 =	vmand vm11, vm12  }
0x43e: {  	vm12 =	vgt.f32 v14, v21;
	vm5 =	vmor vm13, vm6;
	vm6 =	vmand vm14, vm15;
	v18 =	vld.idx.msk [tilespmem:v18+s2+$0x0], $0xffff  }
0x43f: {  	vm13 =	vgt.f32 v14, v13;
	vm4 =	vmor vm12, vm4;
	v19 =	vsel vm5, v14, v20  }
0x440: {  	vm6 =	vmor vm13, vm6;
	v63 =	vsel vm5, v17, v16;
	v19 =	vsel vm4, v21, v19  }
0x441: {  	v21 =	vsel vm4, v14, v21;
	v13 =	vsel vm6, v14, v13;
	v14 =	vsel vm4, v17, v15  }
0x442: {  	v12 =	vsel vm6, v17, v12;
	v13 =	vsel vm5, v20, v13;
	v20 =	vsel vm4, v15, v63  }
0x443: {  	vm14 =	vlt.s32 v11, v14;
	v12 =	vsel vm5, v16, v12;
	v18 =	vnsel vm3, $0xFF800000, v18  }
0x444: {  	vm11 =	vlt.s32 v11, v20;
	vm13 =	vlt.s32 v11, v12;
	vm3 =	veq.f32 v18, v21  }
0x445: {  	s1 =	sadd.s32 $0x1, s1;
	vm5 =	vgt.f32 v18, v21;
	vm15 =	vgt.f32 v18, v19;
	vm10 =	veq.f32 v18, v19  }
0x446: {  	p1 =	sne.s32 s31, s1;
	vm12 =	veq.f32 v18, v13;
	vm3 =	vmand vm3, vm14;
	vm6 =	vmand vm10, vm11  }
.Ltmp17:
0x447: {  	vm14 =	vgt.f32 v18, v13;
	vm7 =	vmand vm12, vm13;
	vm4 =	vmor vm15, vm6;
	(pc) =	sbr.rel @p1 .LBB2_24-.Ltmp17, $4  }
0x448: {  	vm3 =	vmor vm5, vm3;
	vm15 =	vmor vm14, vm7;
	v15 =	vsel vm4, v18, v19  }
0x449: {  	v17 =	vsel vm3, v18, v21;
	v13 =	vsel vm15, v18, v13;
	v18 =	vsel vm4, v11, v20  }
0x44a: {  	v16 =	vsel vm3, v11, v14;
	v13 =	vsel vm4, v19, v13;
	v19 =	vsel vm15, v11, v12  }
0x44b: {  	v15 =	vsel vm3, v21, v15;
	v12 =	vsel vm3, v14, v18;
	v14 =	vsel vm4, v20, v19  }
.Ltmp18:
0x44c: {  	_ = 	snop;
	(pc) =	sbr.rel .LBB2_25-.Ltmp18, $1  }
0x44d: {  	_ =	sdelay $0x3  }
.LBB2_27:
0x44e: {  	_ =	sfence.sel $0x180000  }
0x44f: {  	[bflag:$0x0] =	sbarrier.arrive $0xFFFF  }
0x450: {  	_ =	strace $0x90000047  }
0x451: {  	s0 =	stileid.u32;
	[bflag:$0x2] =	sbarrier.arrive $0xFFFF  }
0x452: {  	p0 =	sne.s32 s0, $0x0;
	s0 =	rddreg [dreg:$0x2]  }
0x453: {  	s0 =	sadd.s32 @!p0 $0x100000, s0  }
0x454: {  	[sflag:s0] =	ssyncadd.tile.s32 @!p0 $0x1;
	_ =	shalt  }
.Lfunc_end2:
_tile_overlayer_lowered:
.L_overlay_start_2:
0x455: {  	(tag) =	ssettag $0x2  }
0x456: {  	s0 =	rddreg [dreg:$0x0];
	s2 =	stileid.u32  }
0x457: {  	s1 =	rddreg [dreg:$0x1];
	p0 =	sne.s32 s2, $0x0  }
0x458: {  	s3 =	rddreg [dreg:$0x2];
	[bflag:$0x3] =	sbarrier.arrive $0xFFFF;
	s2 =	simm.s32 @!p0 $0x1C07  }
0x459: {  	[timem:s3], [sflag:s2] =	dma.local @!p0 [hbm:s0], s1  }
0x45a: {  	s0 =	simm.s32 @!p0 $0x7  }
0x45b: {  	_ =	swait.ge @!p0 [sflag:s0], s1  }
0x45c: {  	s1 =	ssub.s32 @!p0 $0x0, s1;
	[sflag:s0] =	ssyncset.done @!p0 $0x0  }
0x45d: {  	[sflag:s0] =	ssyncadd.s32 @!p0 s1  }
0x45e: {  	[bflag:$0x3] =	sbarrier.arrive $0xFFFF  }
0x45f: {  	_ =	shalt  }

</sc_bundles>
